<compile_context>
chip_gen: v7x
topology: tpu7x:2x2x1
jax: 0.10.2.dev20260603
libtpu: 0.0.44.dev20260713+nightly
codegen_flags: <defaults>
</compile_context>

<pallas_src>
import functools

import jax
import jax.numpy as jnp
from jax import lax
from jax.experimental import pallas as pl
from jax.experimental.pallas import tpu as pltpu
from jax.experimental.pallas import tpu_sc as plsc

_LANES = 16
_TW = 128
_GRP = 8
_NCHUNK = 2


@functools.lru_cache(maxsize=None)
def _make_sc_gather(nz, nx, batch):
    info = plsc.get_sparse_core_info()
    nc, ns = info.num_cores, info.num_subcores
    nw = nc * ns
    assert batch % (8 * nw) == 0
    b_per_w = batch // nw
    n_groups = b_per_w // _GRP
    assert n_groups % 2 == 0
    mesh = plsc.VectorSubcoreMesh(core_axis_name="c", subcore_axis_name="s")

    @functools.partial(
        pl.kernel,
        mesh=mesh,
        out_type=jax.ShapeDtypeStruct((batch, nz), jnp.float32),
        scratch_types=[
            pltpu.VMEM((b_per_w + _LANES,), jnp.int32),
            pltpu.VMEM((b_per_w + _LANES,), jnp.int32),
            pltpu.VMEM((_GRP, nz, _TW), jnp.float32),
            pltpu.VMEM((_GRP, nz, _TW), jnp.float32),
            pltpu.VMEM((b_per_w, nz), jnp.float32),
            pltpu.SemaphoreType.DMA,
            pltpu.SemaphoreType.DMA,
        ],
        compiler_params=pltpu.CompilerParams(needs_layout_passes=False),
    )
    def sc_gather(x_hbm, t_hbm, ft2_hbm, out_hbm, xv, tv, bufa, bufb, rows,
                  sema, semb):
        wid = lax.axis_index("s") * nc + lax.axis_index("c")
        base = wid * b_per_w
        cx = pltpu.async_copy(x_hbm.at[pl.ds(base, b_per_w)],
                              xv.at[pl.ds(0, b_per_w)], sema)
        ct = pltpu.async_copy(t_hbm.at[pl.ds(base, b_per_w)],
                              tv.at[pl.ds(0, b_per_w)], semb)
        cx.wait()
        ct.wait()

        iota = lax.iota(jnp.int32, _LANES)

        def issue(gbase, buf, sem):
            xvec = xv[pl.ds(gbase, _LANES)] & ~(_TW - 1)
            tvec = tv[pl.ds(gbase, _LANES)] * nz
            for s in range(_GRP):
                src = ft2_hbm.at[pl.ds(pl.multiple_of(tvec[s], 8), nz),
                                 pl.ds(pl.multiple_of(xvec[s], _TW), _TW)]
                pltpu.async_copy(src, buf.at[s], sem)

        def drain(buf, sem):
            for s in range(_GRP):
                pltpu.make_async_copy(
                    ft2_hbm.at[pl.ds(0, nz), pl.ds(0, _TW)],
                    buf.at[s], sem).wait()

        def extract(gbase, buf):
            xvec = xv[pl.ds(gbase, _LANES)] & (_TW - 1)
            for s in range(_GRP):
                lane = jnp.full((_LANES,), xvec[s], jnp.int32)
                for h in range(nz // _LANES):
                    r = plsc.load_gather(buf.at[s], [iota + h * _LANES, lane])
                    rows[gbase + s, pl.ds(h * _LANES, _LANES)] = r

        issue(0, bufa, sema)

        def pair(p, _):
            ga = p * (2 * _GRP)
            issue(ga + _GRP, bufb, semb)
            drain(bufa, sema)
            extract(ga, bufa)
            nxt = jnp.minimum(ga + 2 * _GRP, b_per_w - _GRP)
            issue(nxt, bufa, sema)
            drain(bufb, semb)
            extract(ga + _GRP, bufb)
            return 0

        lax.fori_loop(0, n_groups // 2, pair, 0)
        drain(bufa, sema)

        pltpu.sync_copy(rows, out_hbm.at[pl.ds(base, b_per_w)])

    return sc_gather


def _decode_body(z_ref, w_ref, o_ref):
    z = jnp.maximum(z_ref[...], 0.0)
    o_ref[...] = lax.dot_general(
        z, w_ref[...], (((1,), (1,)), ((), ())),
        preferred_element_type=jnp.float32,
    )


def _decode_acc_body(z_ref, w_ref, acc_ref, o_ref):
    del acc_ref
    _decode_body(z_ref, w_ref, o_ref)


_BLK = 2048


def _decode_into(acc, z, W_dec, off, batch, nz, nd):
    nblk = z.shape[0] // _BLK
    ob = off // _BLK
    specs = [
        pl.BlockSpec((_BLK, nz), lambda i: (i, 0)),
        pl.BlockSpec((nd, nz), lambda i: (0, 0)),
    ]
    args = [z, W_dec]
    aliases = {}
    body = _decode_body
    if acc is not None:
        specs.append(pl.BlockSpec(memory_space=pl.ANY))
        args.append(acc)
        aliases = {2: 0}
        body = _decode_acc_body
    return pl.pallas_call(
        body,
        grid=(nblk,),
        in_specs=specs,
        out_specs=pl.BlockSpec((_BLK, nd), lambda i: (i + ob, 0)),
        out_shape=jax.ShapeDtypeStruct((batch, nd), jnp.float32),
        input_output_aliases=aliases,
    )(*args)


def kernel(x_idx, t_idx, factors, W_dec):
    nx, nt, nz = factors.shape
    nd = W_dec.shape[0]
    batch = x_idx.shape[0]
    ft2 = jnp.transpose(factors, (1, 2, 0)).reshape(nt * nz, nx)
    xi = x_idx.astype(jnp.int32)
    ti = t_idx.astype(jnp.int32)

    chunks = (batch - batch // 8, batch // 8)
    out = None
    off = 0
    for ch in chunks:
        z = _make_sc_gather(nz, nx, ch)(
            lax.dynamic_slice_in_dim(xi, off, ch),
            lax.dynamic_slice_in_dim(ti, off, ch), ft2)
        out = _decode_into(out, z, W_dec, off, batch, nz, nd)
        off += ch
    return out

# --- scband reference (transcript-rebuilt; emitter-appended) ---
"""Pipeline reference for scband-stnn-48292612276384 (READ-ONLY COPY).

The authoritative reference and input builder live on the scoring server;
editing this copy changes nothing except your own understanding.
"""

import jax, jax.numpy as jnp
import numpy as np

NX, NT, ND, NZ = 100000, 20, 128, 32
B = 16384

def setup_inputs(seed: int = 0) -> dict:
    key = jax.random.key(seed)
    k1, k2, k3, k4 = jax.random.split(key, 4)
    x_idx = jax.random.randint(k1, (B,), 0, NX, dtype=jnp.int64) if jax.config.jax_enable_x64 else jax.random.randint(k1, (B,), 0, NX, dtype=jnp.int32)
    t_idx = jax.random.randint(k2, (B,), 0, NT, dtype=jnp.int64) if jax.config.jax_enable_x64 else jax.random.randint(k2, (B,), 0, NT, dtype=jnp.int32)
    # learned parameters
    factors = jax.random.uniform(k3, (NX, NT, NZ), dtype=jnp.float32, minval=-2.0, maxval=2.0)
    W_dec = jax.random.normal(k4, (ND, NZ), dtype=jnp.float32) * (1.0 / np.sqrt(NZ))
    return {"x_idx": x_idx, "t_idx": t_idx, "factors": factors, "W_dec": W_dec}

def reference(x_idx, t_idx, factors, W_dec):
    # dec_closure: gather latent factor, dropout (identity in eval), relu, linear decode (no bias)
    z_inf = factors[x_idx, t_idx]              # gather -> [B, NZ]
    z_inf = jax.nn.relu(z_inf)
    x_rec = z_inf @ W_dec.T                    # Linear(nz, nd, bias=False)
    return x_rec

if __name__ == "__main__":
    import jax
    _d = setup_inputs()
    print(jax.jit(kernel)(*tuple(_d.values())))

</pallas_src>

<mosaic_0001>
#map = affine_map<(d0, d1) -> (0)>
#map1 = affine_map<(d0, d1) -> (0, 0)>
module attributes {stable_mosaic.version = 14 : i64} {
  func.func @sc_gather(%arg0: i32, %arg1: i32, %arg2: memref<14336xi32, #tpu.memory_space<hbm>>, %arg3: memref<14336xi32, #tpu.memory_space<hbm>>, %arg4: memref<640x100000xf32, #tpu.memory_space<hbm>>, %arg5: memref<14336x32xf32, #tpu.memory_space<hbm>>, %arg6: memref<464xi32, #tpu.memory_space<vmem>>, %arg7: memref<464xi32, #tpu.memory_space<vmem>>, %arg8: memref<8x32x128xf32, #tpu.memory_space<vmem>>, %arg9: memref<8x32x128xf32, #tpu.memory_space<vmem>>, %arg10: memref<448x32xf32, #tpu.memory_space<vmem>>, %arg11: memref<!tpu.dma_semaphore, #tpu.memory_space<semaphore_mem>>, %arg12: memref<!tpu.dma_semaphore, #tpu.memory_space<semaphore_mem>>) attributes {dimension_semantics = [#tpu.dimension_semantics<core_parallel>, #tpu.dimension_semantics<subcore_parallel>], iteration_bounds = array<i64: 2, 16>, scalar_prefetch = 0 : i64, scratch_operands = 7 : i64, tpu.core_type = #tpu.core_type<sc_vector_subcore>, window_params = [{transform_indices = #map}, {transform_indices = #map}, {transform_indices = #map1}, {transform_indices = #map1}]} {
    %mul3A = arith.constant 2 : i32
    %mul3A_0 = arith.muli %arg1, %mul3A : i32
    %add3A = arith.addi %mul3A_0, %arg0 : i32
    %mul3A_1 = arith.constant 448 : i32
    %mul3A_2 = arith.muli %add3A, %mul3A_1 : i32
    %dma_start3A = arith.constant 0 : i32
    %dma_start3A_3 = tpu.memref_slice %arg6[%dma_start3A] : memref<464xi32, #tpu.memory_space<vmem>> -> memref<448xi32, #tpu.memory_space<vmem>>
    %dma_start3A_4 = tpu.memref_slice %arg2[%mul3A_2] : memref<14336xi32, #tpu.memory_space<hbm>> -> memref<448xi32, #tpu.memory_space<hbm>>
    %dma_start3A_5 = arith.constant 0 : i32
    %dma_start3A_6 = tpu.memref_slice %arg6[%dma_start3A_5] : memref<464xi32, #tpu.memory_space<vmem>> -> memref<448xi32, #tpu.memory_space<vmem>>
    %dma_start3A_7 = tpu.memref_slice %arg2[%mul3A_2] : memref<14336xi32, #tpu.memory_space<hbm>> -> memref<448xi32, #tpu.memory_space<hbm>>
    tpu.enqueue_dma source(%dma_start3A_7 : memref<448xi32, #tpu.memory_space<hbm>>) target(%dma_start3A_6 : memref<448xi32, #tpu.memory_space<vmem>>) target_semaphore(%arg11 : memref<!tpu.dma_semaphore, #tpu.memory_space<semaphore_mem>>)
    %dma_start3A_8 = arith.constant 0 : i32
    %dma_start3A_9 = tpu.memref_slice %arg7[%dma_start3A_8] : memref<464xi32, #tpu.memory_space<vmem>> -> memref<448xi32, #tpu.memory_space<vmem>>
    %dma_start3A_10 = tpu.memref_slice %arg3[%mul3A_2] : memref<14336xi32, #tpu.memory_space<hbm>> -> memref<448xi32, #tpu.memory_space<hbm>>
    %dma_start3A_11 = arith.constant 0 : i32
    %dma_start3A_12 = tpu.memref_slice %arg7[%dma_start3A_11] : memref<464xi32, #tpu.memory_space<vmem>> -> memref<448xi32, #tpu.memory_space<vmem>>
    %dma_start3A_13 = tpu.memref_slice %arg3[%mul3A_2] : memref<14336xi32, #tpu.memory_space<hbm>> -> memref<448xi32, #tpu.memory_space<hbm>>
    tpu.enqueue_dma source(%dma_start3A_13 : memref<448xi32, #tpu.memory_space<hbm>>) target(%dma_start3A_12 : memref<448xi32, #tpu.memory_space<vmem>>) target_semaphore(%arg12 : memref<!tpu.dma_semaphore, #tpu.memory_space<semaphore_mem>>)
    %dma_wait3A = arith.constant 0 : i32
    %dma_wait3A_14 = tpu.memref_slice %arg6[%dma_wait3A] : memref<464xi32, #tpu.memory_space<vmem>> -> memref<448xi32, #tpu.memory_space<vmem>>
    %dma_wait3A_15 = tpu.memref_slice %arg2[%mul3A_2] : memref<14336xi32, #tpu.memory_space<hbm>> -> memref<448xi32, #tpu.memory_space<hbm>>
    %dma_wait3A_16 = arith.constant 0 : i32
    %dma_wait3A_17 = tpu.memref_slice %arg6[%dma_wait3A_16] : memref<464xi32, #tpu.memory_space<vmem>> -> memref<448xi32, #tpu.memory_space<vmem>>
    %dma_wait3A_18 = tpu.memref_slice %arg2[%mul3A_2] : memref<14336xi32, #tpu.memory_space<hbm>> -> memref<448xi32, #tpu.memory_space<hbm>>
    tpu.wait_dma2 semaphore(%arg11 : memref<!tpu.dma_semaphore, #tpu.memory_space<semaphore_mem>>) src(%dma_wait3A_18 : memref<448xi32, #tpu.memory_space<hbm>>) dst(%dma_wait3A_17 : memref<448xi32, #tpu.memory_space<vmem>>)
    %dma_wait3A_19 = arith.constant 0 : i32
    %dma_wait3A_20 = tpu.memref_slice %arg7[%dma_wait3A_19] : memref<464xi32, #tpu.memory_space<vmem>> -> memref<448xi32, #tpu.memory_space<vmem>>
    %dma_wait3A_21 = tpu.memref_slice %arg3[%mul3A_2] : memref<14336xi32, #tpu.memory_space<hbm>> -> memref<448xi32, #tpu.memory_space<hbm>>
    %dma_wait3A_22 = arith.constant 0 : i32
    %dma_wait3A_23 = tpu.memref_slice %arg7[%dma_wait3A_22] : memref<464xi32, #tpu.memory_space<vmem>> -> memref<448xi32, #tpu.memory_space<vmem>>
    %dma_wait3A_24 = tpu.memref_slice %arg3[%mul3A_2] : memref<14336xi32, #tpu.memory_space<hbm>> -> memref<448xi32, #tpu.memory_space<hbm>>
    tpu.wait_dma2 semaphore(%arg12 : memref<!tpu.dma_semaphore, #tpu.memory_space<semaphore_mem>>) src(%dma_wait3A_24 : memref<448xi32, #tpu.memory_space<hbm>>) dst(%dma_wait3A_23 : memref<448xi32, #tpu.memory_space<vmem>>)
    %iota3A = tpu.iota {dimensions = array<i32: 0>} : vector<16xi32>
    %get3A = arith.constant 0 : index
    %get3A_25 = tpu.vector_load %arg6[%get3A] {strides = array<i32>} : memref<464xi32, #tpu.memory_space<vmem>>, vector<16xi32>,
    %and3A = arith.constant -128 : i32
    %and3A_26 = vector.broadcast %and3A : i32 to vector<16xi32>
    %and3A_27 = arith.andi %get3A_25, %and3A_26 : vector<16xi32>
    %get3A_28 = arith.constant 0 : index
    %get3A_29 = tpu.vector_load %arg7[%get3A_28] {strides = array<i32>} : memref<464xi32, #tpu.memory_space<vmem>>, vector<16xi32>,
    %mul3A_30 = arith.constant 32 : i32
    %mul3A_31 = vector.broadcast %mul3A_30 : i32 to vector<16xi32>
    %mul3A_32 = arith.muli %get3A_29, %mul3A_31 : vector<16xi32>
    %slice3A = vector.extract_strided_slice %mul3A_32 {offsets = [0], sizes = [1], strides = [1]} : vector<16xi32> to vector<1xi32>
    %squeeze3A = vector.extract %slice3A[0] : i32 from vector<1xi32>
    %multiple_of3A = tpu.assume_multiple %squeeze3A, 8 : i32
    %slice3A_33 = vector.extract_strided_slice %and3A_27 {offsets = [0], sizes = [1], strides = [1]} : vector<16xi32> to vector<1xi32>
    %squeeze3A_34 = vector.extract %slice3A_33[0] : i32 from vector<1xi32>
    %multiple_of3A_35 = tpu.assume_multiple %squeeze3A_34, 128 : i32
    %dma_start3A_36 = arith.constant 0 : i32
    %dma_start3A_37 = arith.constant 0 : i32
    %dma_start3A_38 = arith.constant 0 : i32
    %dma_start3A_39 = tpu.memref_slice %arg8[%dma_start3A_36, %dma_start3A_37, %dma_start3A_38] : memref<8x32x128xf32, #tpu.memory_space<vmem>> -> memref<1x32x128xf32, #tpu.memory_space<vmem>>
    %dma_start3A_40 = tpu.memref_squeeze %dma_start3A_39 : memref<1x32x128xf32, #tpu.memory_space<vmem>> -> memref<32x128xf32, #tpu.memory_space<vmem>>
    %dma_start3A_41 = tpu.memref_slice %arg4[%multiple_of3A, %multiple_of3A_35] : memref<640x100000xf32, #tpu.memory_space<hbm>> -> memref<32x128xf32, #tpu.memory_space<hbm>>
    %dma_start3A_42 = arith.constant 0 : i32
    %dma_start3A_43 = arith.constant 0 : i32
    %dma_start3A_44 = tpu.memref_slice %arg8[%dma_start3A_36, %dma_start3A_42, %dma_start3A_43] : memref<8x32x128xf32, #tpu.memory_space<vmem>> -> memref<1x32x128xf32, #tpu.memory_space<vmem>>
    %dma_start3A_45 = tpu.memref_squeeze %dma_start3A_44 : memref<1x32x128xf32, #tpu.memory_space<vmem>> -> memref<32x128xf32, #tpu.memory_space<vmem>>
    %dma_start3A_46 = tpu.memref_slice %arg4[%multiple_of3A, %multiple_of3A_35] : memref<640x100000xf32, #tpu.memory_space<hbm>> -> memref<32x128xf32, #tpu.memory_space<hbm>>
    tpu.enqueue_dma source(%dma_start3A_46 : memref<32x128xf32, #tpu.memory_space<hbm>>) target(%dma_start3A_45 : memref<32x128xf32, #tpu.memory_space<vmem>>) target_semaphore(%arg11 : memref<!tpu.dma_semaphore, #tpu.memory_space<semaphore_mem>>)
    %slice3A_47 = vector.extract_strided_slice %mul3A_32 {offsets = [1], sizes = [1], strides = [1]} : vector<16xi32> to vector<1xi32>
    %squeeze3A_48 = vector.extract %slice3A_47[0] : i32 from vector<1xi32>
    %multiple_of3A_49 = tpu.assume_multiple %squeeze3A_48, 8 : i32
    %slice3A_50 = vector.extract_strided_slice %and3A_27 {offsets = [1], sizes = [1], strides = [1]} : vector<16xi32> to vector<1xi32>
    %squeeze3A_51 = vector.extract %slice3A_50[0] : i32 from vector<1xi32>
    %multiple_of3A_52 = tpu.assume_multiple %squeeze3A_51, 128 : i32
    %dma_start3A_53 = arith.constant 1 : i32
    %dma_start3A_54 = arith.constant 0 : i32
    %dma_start3A_55 = arith.constant 0 : i32
    %dma_start3A_56 = tpu.memref_slice %arg8[%dma_start3A_53, %dma_start3A_54, %dma_start3A_55] : memref<8x32x128xf32, #tpu.memory_space<vmem>> -> memref<1x32x128xf32, #tpu.memory_space<vmem>>
    %dma_start3A_57 = tpu.memref_squeeze %dma_start3A_56 : memref<1x32x128xf32, #tpu.memory_space<vmem>> -> memref<32x128xf32, #tpu.memory_space<vmem>>
    %dma_start3A_58 = tpu.memref_slice %arg4[%multiple_of3A_49, %multiple_of3A_52] : memref<640x100000xf32, #tpu.memory_space<hbm>> -> memref<32x128xf32, #tpu.memory_space<hbm>>
    %dma_start3A_59 = arith.constant 0 : i32
    %dma_start3A_60 = arith.constant 0 : i32
    %dma_start3A_61 = tpu.memref_slice %arg8[%dma_start3A_53, %dma_start3A_59, %dma_start3A_60] : memref<8x32x128xf32, #tpu.memory_space<vmem>> -> memref<1x32x128xf32, #tpu.memory_space<vmem>>
    %dma_start3A_62 = tpu.memref_squeeze %dma_start3A_61 : memref<1x32x128xf32, #tpu.memory_space<vmem>> -> memref<32x128xf32, #tpu.memory_space<vmem>>
    %dma_start3A_63 = tpu.memref_slice %arg4[%multiple_of3A_49, %multiple_of3A_52] : memref<640x100000xf32, #tpu.memory_space<hbm>> -> memref<32x128xf32, #tpu.memory_space<hbm>>
    tpu.enqueue_dma source(%dma_start3A_63 : memref<32x128xf32, #tpu.memory_space<hbm>>) target(%dma_start3A_62 : memref<32x128xf32, #tpu.memory_space<vmem>>) target_semaphore(%arg11 : memref<!tpu.dma_semaphore, #tpu.memory_space<semaphore_mem>>)
    %slice3A_64 = vector.extract_strided_slice %mul3A_32 {offsets = [2], sizes = [1], strides = [1]} : vector<16xi32> to vector<1xi32>
    %squeeze3A_65 = vector.extract %slice3A_64[0] : i32 from vector<1xi32>
    %multiple_of3A_66 = tpu.assume_multiple %squeeze3A_65, 8 : i32
    %slice3A_67 = vector.extract_strided_slice %and3A_27 {offsets = [2], sizes = [1], strides = [1]} : vector<16xi32> to vector<1xi32>
    %squeeze3A_68 = vector.extract %slice3A_67[0] : i32 from vector<1xi32>
    %multiple_of3A_69 = tpu.assume_multiple %squeeze3A_68, 128 : i32
    %dma_start3A_70 = arith.constant 2 : i32
    %dma_start3A_71 = arith.constant 0 : i32
    %dma_start3A_72 = arith.constant 0 : i32
    %dma_start3A_73 = tpu.memref_slice %arg8[%dma_start3A_70, %dma_start3A_71, %dma_start3A_72] : memref<8x32x128xf32, #tpu.memory_space<vmem>> -> memref<1x32x128xf32, #tpu.memory_space<vmem>>
    %dma_start3A_74 = tpu.memref_squeeze %dma_start3A_73 : memref<1x32x128xf32, #tpu.memory_space<vmem>> -> memref<32x128xf32, #tpu.memory_space<vmem>>
    %dma_start3A_75 = tpu.memref_slice %arg4[%multiple_of3A_66, %multiple_of3A_69] : memref<640x100000xf32, #tpu.memory_space<hbm>> -> memref<32x128xf32, #tpu.memory_space<hbm>>
    %dma_start3A_76 = arith.constant 0 : i32
    %dma_start3A_77 = arith.constant 0 : i32
    %dma_start3A_78 = tpu.memref_slice %arg8[%dma_start3A_70, %dma_start3A_76, %dma_start3A_77] : memref<8x32x128xf32, #tpu.memory_space<vmem>> -> memref<1x32x128xf32, #tpu.memory_space<vmem>>
    %dma_start3A_79 = tpu.memref_squeeze %dma_start3A_78 : memref<1x32x128xf32, #tpu.memory_space<vmem>> -> memref<32x128xf32, #tpu.memory_space<vmem>>
    %dma_start3A_80 = tpu.memref_slice %arg4[%multiple_of3A_66, %multiple_of3A_69] : memref<640x100000xf32, #tpu.memory_space<hbm>> -> memref<32x128xf32, #tpu.memory_space<hbm>>
    tpu.enqueue_dma source(%dma_start3A_80 : memref<32x128xf32, #tpu.memory_space<hbm>>) target(%dma_start3A_79 : memref<32x128xf32, #tpu.memory_space<vmem>>) target_semaphore(%arg11 : memref<!tpu.dma_semaphore, #tpu.memory_space<semaphore_mem>>)
    %slice3A_81 = vector.extract_strided_slice %mul3A_32 {offsets = [3], sizes = [1], strides = [1]} : vector<16xi32> to vector<1xi32>
    %squeeze3A_82 = vector.extract %slice3A_81[0] : i32 from vector<1xi32>
    %multiple_of3A_83 = tpu.assume_multiple %squeeze3A_82, 8 : i32
    %slice3A_84 = vector.extract_strided_slice %and3A_27 {offsets = [3], sizes = [1], strides = [1]} : vector<16xi32> to vector<1xi32>
    %squeeze3A_85 = vector.extract %slice3A_84[0] : i32 from vector<1xi32>
    %multiple_of3A_86 = tpu.assume_multiple %squeeze3A_85, 128 : i32
    %dma_start3A_87 = arith.constant 3 : i32
    %dma_start3A_88 = arith.constant 0 : i32
    %dma_start3A_89 = arith.constant 0 : i32
    %dma_start3A_90 = tpu.memref_slice %arg8[%dma_start3A_87, %dma_start3A_88, %dma_start3A_89] : memref<8x32x128xf32, #tpu.memory_space<vmem>> -> memref<1x32x128xf32, #tpu.memory_space<vmem>>
    %dma_start3A_91 = tpu.memref_squeeze %dma_start3A_90 : memref<1x32x128xf32, #tpu.memory_space<vmem>> -> memref<32x128xf32, #tpu.memory_space<vmem>>
    %dma_start3A_92 = tpu.memref_slice %arg4[%multiple_of3A_83, %multiple_of3A_86] : memref<640x100000xf32, #tpu.memory_space<hbm>> -> memref<32x128xf32, #tpu.memory_space<hbm>>
    %dma_start3A_93 = arith.constant 0 : i32
    %dma_start3A_94 = arith.constant 0 : i32
    %dma_start3A_95 = tpu.memref_slice %arg8[%dma_start3A_87, %dma_start3A_93, %dma_start3A_94] : memref<8x32x128xf32, #tpu.memory_space<vmem>> -> memref<1x32x128xf32, #tpu.memory_space<vmem>>
    %dma_start3A_96 = tpu.memref_squeeze %dma_start3A_95 : memref<1x32x128xf32, #tpu.memory_space<vmem>> -> memref<32x128xf32, #tpu.memory_space<vmem>>
    %dma_start3A_97 = tpu.memref_slice %arg4[%multiple_of3A_83, %multiple_of3A_86] : memref<640x100000xf32, #tpu.memory_space<hbm>> -> memref<32x128xf32, #tpu.memory_space<hbm>>
    tpu.enqueue_dma source(%dma_start3A_97 : memref<32x128xf32, #tpu.memory_space<hbm>>) target(%dma_start3A_96 : memref<32x128xf32, #tpu.memory_space<vmem>>) target_semaphore(%arg11 : memref<!tpu.dma_semaphore, #tpu.memory_space<semaphore_mem>>)
    %slice3A_98 = vector.extract_strided_slice %mul3A_32 {offsets = [4], sizes = [1], strides = [1]} : vector<16xi32> to vector<1xi32>
    %squeeze3A_99 = vector.extract %slice3A_98[0] : i32 from vector<1xi32>
    %multiple_of3A_100 = tpu.assume_multiple %squeeze3A_99, 8 : i32
    %slice3A_101 = vector.extract_strided_slice %and3A_27 {offsets = [4], sizes = [1], strides = [1]} : vector<16xi32> to vector<1xi32>
    %squeeze3A_102 = vector.extract %slice3A_101[0] : i32 from vector<1xi32>
    %multiple_of3A_103 = tpu.assume_multiple %squeeze3A_102, 128 : i32
    %dma_start3A_104 = arith.constant 4 : i32
    %dma_start3A_105 = arith.constant 0 : i32
    %dma_start3A_106 = arith.constant 0 : i32
    %dma_start3A_107 = tpu.memref_slice %arg8[%dma_start3A_104, %dma_start3A_105, %dma_start3A_106] : memref<8x32x128xf32, #tpu.memory_space<vmem>> -> memref<1x32x128xf32, #tpu.memory_space<vmem>>
    %dma_start3A_108 = tpu.memref_squeeze %dma_start3A_107 : memref<1x32x128xf32, #tpu.memory_space<vmem>> -> memref<32x128xf32, #tpu.memory_space<vmem>>
    %dma_start3A_109 = tpu.memref_slice %arg4[%multiple_of3A_100, %multiple_of3A_103] : memref<640x100000xf32, #tpu.memory_space<hbm>> -> memref<32x128xf32, #tpu.memory_space<hbm>>
    %dma_start3A_110 = arith.constant 0 : i32
    %dma_start3A_111 = arith.constant 0 : i32
    %dma_start3A_112 = tpu.memref_slice %arg8[%dma_start3A_104, %dma_start3A_110, %dma_start3A_111] : memref<8x32x128xf32, #tpu.memory_space<vmem>> -> memref<1x32x128xf32, #tpu.memory_space<vmem>>
    %dma_start3A_113 = tpu.memref_squeeze %dma_start3A_112 : memref<1x32x128xf32, #tpu.memory_space<vmem>> -> memref<32x128xf32, #tpu.memory_space<vmem>>
    %dma_start3A_114 = tpu.memref_slice %arg4[%multiple_of3A_100, %multiple_of3A_103] : memref<640x100000xf32, #tpu.memory_space<hbm>> -> memref<32x128xf32, #tpu.memory_space<hbm>>
    tpu.enqueue_dma source(%dma_start3A_114 : memref<32x128xf32, #tpu.memory_space<hbm>>) target(%dma_start3A_113 : memref<32x128xf32, #tpu.memory_space<vmem>>) target_semaphore(%arg11 : memref<!tpu.dma_semaphore, #tpu.memory_space<semaphore_mem>>)
    %slice3A_115 = vector.extract_strided_slice %mul3A_32 {offsets = [5], sizes = [1], strides = [1]} : vector<16xi32> to vector<1xi32>
    %squeeze3A_116 = vector.extract %slice3A_115[0] : i32 from vector<1xi32>
    %multiple_of3A_117 = tpu.assume_multiple %squeeze3A_116, 8 : i32
    %slice3A_118 = vector.extract_strided_slice %and3A_27 {offsets = [5], sizes = [1], strides = [1]} : vector<16xi32> to vector<1xi32>
    %squeeze3A_119 = vector.extract %slice3A_118[0] : i32 from vector<1xi32>
    %multiple_of3A_120 = tpu.assume_multiple %squeeze3A_119, 128 : i32
    %dma_start3A_121 = arith.constant 5 : i32
    %dma_start3A_122 = arith.constant 0 : i32
    %dma_start3A_123 = arith.constant 0 : i32
    %dma_start3A_124 = tpu.memref_slice %arg8[%dma_start3A_121, %dma_start3A_122, %dma_start3A_123] : memref<8x32x128xf32, #tpu.memory_space<vmem>> -> memref<1x32x128xf32, #tpu.memory_space<vmem>>
    %dma_start3A_125 = tpu.memref_squeeze %dma_start3A_124 : memref<1x32x128xf32, #tpu.memory_space<vmem>> -> memref<32x128xf32, #tpu.memory_space<vmem>>
    %dma_start3A_126 = tpu.memref_slice %arg4[%multiple_of3A_117, %multiple_of3A_120] : memref<640x100000xf32, #tpu.memory_space<hbm>> -> memref<32x128xf32, #tpu.memory_space<hbm>>
    %dma_start3A_127 = arith.constant 0 : i32
    %dma_start3A_128 = arith.constant 0 : i32
    %dma_start3A_129 = tpu.memref_slice %arg8[%dma_start3A_121, %dma_start3A_127, %dma_start3A_128] : memref<8x32x128xf32, #tpu.memory_space<vmem>> -> memref<1x32x128xf32, #tpu.memory_space<vmem>>
    %dma_start3A_130 = tpu.memref_squeeze %dma_start3A_129 : memref<1x32x128xf32, #tpu.memory_space<vmem>> -> memref<32x128xf32, #tpu.memory_space<vmem>>
    %dma_start3A_131 = tpu.memref_slice %arg4[%multiple_of3A_117, %multiple_of3A_120] : memref<640x100000xf32, #tpu.memory_space<hbm>> -> memref<32x128xf32, #tpu.memory_space<hbm>>
    tpu.enqueue_dma source(%dma_start3A_131 : memref<32x128xf32, #tpu.memory_space<hbm>>) target(%dma_start3A_130 : memref<32x128xf32, #tpu.memory_space<vmem>>) target_semaphore(%arg11 : memref<!tpu.dma_semaphore, #tpu.memory_space<semaphore_mem>>)
    %slice3A_132 = vector.extract_strided_slice %mul3A_32 {offsets = [6], sizes = [1], strides = [1]} : vector<16xi32> to vector<1xi32>
    %squeeze3A_133 = vector.extract %slice3A_132[0] : i32 from vector<1xi32>
    %multiple_of3A_134 = tpu.assume_multiple %squeeze3A_133, 8 : i32
    %slice3A_135 = vector.extract_strided_slice %and3A_27 {offsets = [6], sizes = [1], strides = [1]} : vector<16xi32> to vector<1xi32>
    %squeeze3A_136 = vector.extract %slice3A_135[0] : i32 from vector<1xi32>
    %multiple_of3A_137 = tpu.assume_multiple %squeeze3A_136, 128 : i32
    %dma_start3A_138 = arith.constant 6 : i32
    %dma_start3A_139 = arith.constant 0 : i32
    %dma_start3A_140 = arith.constant 0 : i32
    %dma_start3A_141 = tpu.memref_slice %arg8[%dma_start3A_138, %dma_start3A_139, %dma_start3A_140] : memref<8x32x128xf32, #tpu.memory_space<vmem>> -> memref<1x32x128xf32, #tpu.memory_space<vmem>>
    %dma_start3A_142 = tpu.memref_squeeze %dma_start3A_141 : memref<1x32x128xf32, #tpu.memory_space<vmem>> -> memref<32x128xf32, #tpu.memory_space<vmem>>
    %dma_start3A_143 = tpu.memref_slice %arg4[%multiple_of3A_134, %multiple_of3A_137] : memref<640x100000xf32, #tpu.memory_space<hbm>> -> memref<32x128xf32, #tpu.memory_space<hbm>>
    %dma_start3A_144 = arith.constant 0 : i32
    %dma_start3A_145 = arith.constant 0 : i32
    %dma_start3A_146 = tpu.memref_slice %arg8[%dma_start3A_138, %dma_start3A_144, %dma_start3A_145] : memref<8x32x128xf32, #tpu.memory_space<vmem>> -> memref<1x32x128xf32, #tpu.memory_space<vmem>>
    %dma_start3A_147 = tpu.memref_squeeze %dma_start3A_146 : memref<1x32x128xf32, #tpu.memory_space<vmem>> -> memref<32x128xf32, #tpu.memory_space<vmem>>
    %dma_start3A_148 = tpu.memref_slice %arg4[%multiple_of3A_134, %multiple_of3A_137] : memref<640x100000xf32, #tpu.memory_space<hbm>> -> memref<32x128xf32, #tpu.memory_space<hbm>>
    tpu.enqueue_dma source(%dma_start3A_148 : memref<32x128xf32, #tpu.memory_space<hbm>>) target(%dma_start3A_147 : memref<32x128xf32, #tpu.memory_space<vmem>>) target_semaphore(%arg11 : memref<!tpu.dma_semaphore, #tpu.memory_space<semaphore_mem>>)
    %slice3A_149 = vector.extract_strided_slice %mul3A_32 {offsets = [7], sizes = [1], strides = [1]} : vector<16xi32> to vector<1xi32>
    %squeeze3A_150 = vector.extract %slice3A_149[0] : i32 from vector<1xi32>
    %multiple_of3A_151 = tpu.assume_multiple %squeeze3A_150, 8 : i32
    %slice3A_152 = vector.extract_strided_slice %and3A_27 {offsets = [7], sizes = [1], strides = [1]} : vector<16xi32> to vector<1xi32>
    %squeeze3A_153 = vector.extract %slice3A_152[0] : i32 from vector<1xi32>
    %multiple_of3A_154 = tpu.assume_multiple %squeeze3A_153, 128 : i32
    %dma_start3A_155 = arith.constant 7 : i32
    %dma_start3A_156 = arith.constant 0 : i32
    %dma_start3A_157 = arith.constant 0 : i32
    %dma_start3A_158 = tpu.memref_slice %arg8[%dma_start3A_155, %dma_start3A_156, %dma_start3A_157] : memref<8x32x128xf32, #tpu.memory_space<vmem>> -> memref<1x32x128xf32, #tpu.memory_space<vmem>>
    %dma_start3A_159 = tpu.memref_squeeze %dma_start3A_158 : memref<1x32x128xf32, #tpu.memory_space<vmem>> -> memref<32x128xf32, #tpu.memory_space<vmem>>
    %dma_start3A_160 = tpu.memref_slice %arg4[%multiple_of3A_151, %multiple_of3A_154] : memref<640x100000xf32, #tpu.memory_space<hbm>> -> memref<32x128xf32, #tpu.memory_space<hbm>>
    %dma_start3A_161 = arith.constant 0 : i32
    %dma_start3A_162 = arith.constant 0 : i32
    %dma_start3A_163 = tpu.memref_slice %arg8[%dma_start3A_155, %dma_start3A_161, %dma_start3A_162] : memref<8x32x128xf32, #tpu.memory_space<vmem>> -> memref<1x32x128xf32, #tpu.memory_space<vmem>>
    %dma_start3A_164 = tpu.memref_squeeze %dma_start3A_163 : memref<1x32x128xf32, #tpu.memory_space<vmem>> -> memref<32x128xf32, #tpu.memory_space<vmem>>
    %dma_start3A_165 = tpu.memref_slice %arg4[%multiple_of3A_151, %multiple_of3A_154] : memref<640x100000xf32, #tpu.memory_space<hbm>> -> memref<32x128xf32, #tpu.memory_space<hbm>>
    tpu.enqueue_dma source(%dma_start3A_165 : memref<32x128xf32, #tpu.memory_space<hbm>>) target(%dma_start3A_164 : memref<32x128xf32, #tpu.memory_space<vmem>>) target_semaphore(%arg11 : memref<!tpu.dma_semaphore, #tpu.memory_space<semaphore_mem>>)
    %scan3A = arith.constant 0 : i32
    %scan3A_166 = arith.constant 0 : i32
    %scan3A_167 = arith.constant 28 : i32
    %scan3A_168 = arith.addi %scan3A_166, %scan3A_167 : i32
    %scan3A_169 = arith.constant 1 : i32
    %scan3A_170 = scf.for %scan3A_292 = %scan3A_166 to %scan3A_168 step %scan3A_169 iter_args(%scan3A_293 = %scan3A) -> (i32)  : i32 {
      %mul3A_294 = arith.constant 16 : i32
      %mul3A_295 = arith.muli %scan3A_292, %mul3A_294 : i32
      %add3A_296 = arith.constant 8 : i32
      %add3A_297 = arith.addi %mul3A_295, %add3A_296 : i32
      %get3A_298 = arith.index_cast %add3A_297 : i32 to index
      %get3A_299 = tpu.vector_load %arg6[%get3A_298] {strides = array<i32>} : memref<464xi32, #tpu.memory_space<vmem>>, vector<16xi32>,
      %and3A_300 = arith.constant -128 : i32
      %and3A_301 = vector.broadcast %and3A_300 : i32 to vector<16xi32>
      %and3A_302 = arith.andi %get3A_299, %and3A_301 : vector<16xi32>
      %get3A_303 = arith.index_cast %add3A_297 : i32 to index
      %get3A_304 = tpu.vector_load %arg7[%get3A_303] {strides = array<i32>} : memref<464xi32, #tpu.memory_space<vmem>>, vector<16xi32>,
      %mul3A_305 = arith.constant 32 : i32
      %mul3A_306 = vector.broadcast %mul3A_305 : i32 to vector<16xi32>
      %mul3A_307 = arith.muli %get3A_304, %mul3A_306 : vector<16xi32>
      %slice3A_308 = vector.extract_strided_slice %mul3A_307 {offsets = [0], sizes = [1], strides = [1]} : vector<16xi32> to vector<1xi32>
      %squeeze3A_309 = vector.extract %slice3A_308[0] : i32 from vector<1xi32>
      %multiple_of3A_310 = tpu.assume_multiple %squeeze3A_309, 8 : i32
      %slice3A_311 = vector.extract_strided_slice %and3A_302 {offsets = [0], sizes = [1], strides = [1]} : vector<16xi32> to vector<1xi32>
      %squeeze3A_312 = vector.extract %slice3A_311[0] : i32 from vector<1xi32>
      %multiple_of3A_313 = tpu.assume_multiple %squeeze3A_312, 128 : i32
      %dma_start3A_314 = arith.constant 0 : i32
      %dma_start3A_315 = arith.constant 0 : i32
      %dma_start3A_316 = arith.constant 0 : i32
      %dma_start3A_317 = tpu.memref_slice %arg9[%dma_start3A_314, %dma_start3A_315, %dma_start3A_316] : memref<8x32x128xf32, #tpu.memory_space<vmem>> -> memref<1x32x128xf32, #tpu.memory_space<vmem>>
      %dma_start3A_318 = tpu.memref_squeeze %dma_start3A_317 : memref<1x32x128xf32, #tpu.memory_space<vmem>> -> memref<32x128xf32, #tpu.memory_space<vmem>>
      %dma_start3A_319 = tpu.memref_slice %arg4[%multiple_of3A_310, %multiple_of3A_313] : memref<640x100000xf32, #tpu.memory_space<hbm>> -> memref<32x128xf32, #tpu.memory_space<hbm>>
      %dma_start3A_320 = arith.constant 0 : i32
      %dma_start3A_321 = arith.constant 0 : i32
      %dma_start3A_322 = tpu.memref_slice %arg9[%dma_start3A_314, %dma_start3A_320, %dma_start3A_321] : memref<8x32x128xf32, #tpu.memory_space<vmem>> -> memref<1x32x128xf32, #tpu.memory_space<vmem>>
      %dma_start3A_323 = tpu.memref_squeeze %dma_start3A_322 : memref<1x32x128xf32, #tpu.memory_space<vmem>> -> memref<32x128xf32, #tpu.memory_space<vmem>>
      %dma_start3A_324 = tpu.memref_slice %arg4[%multiple_of3A_310, %multiple_of3A_313] : memref<640x100000xf32, #tpu.memory_space<hbm>> -> memref<32x128xf32, #tpu.memory_space<hbm>>
      tpu.enqueue_dma source(%dma_start3A_324 : memref<32x128xf32, #tpu.memory_space<hbm>>) target(%dma_start3A_323 : memref<32x128xf32, #tpu.memory_space<vmem>>) target_semaphore(%arg12 : memref<!tpu.dma_semaphore, #tpu.memory_space<semaphore_mem>>)
      %slice3A_325 = vector.extract_strided_slice %mul3A_307 {offsets = [1], sizes = [1], strides = [1]} : vector<16xi32> to vector<1xi32>
      %squeeze3A_326 = vector.extract %slice3A_325[0] : i32 from vector<1xi32>
      %multiple_of3A_327 = tpu.assume_multiple %squeeze3A_326, 8 : i32
      %slice3A_328 = vector.extract_strided_slice %and3A_302 {offsets = [1], sizes = [1], strides = [1]} : vector<16xi32> to vector<1xi32>
      %squeeze3A_329 = vector.extract %slice3A_328[0] : i32 from vector<1xi32>
      %multiple_of3A_330 = tpu.assume_multiple %squeeze3A_329, 128 : i32
      %dma_start3A_331 = arith.constant 1 : i32
      %dma_start3A_332 = arith.constant 0 : i32
      %dma_start3A_333 = arith.constant 0 : i32
      %dma_start3A_334 = tpu.memref_slice %arg9[%dma_start3A_331, %dma_start3A_332, %dma_start3A_333] : memref<8x32x128xf32, #tpu.memory_space<vmem>> -> memref<1x32x128xf32, #tpu.memory_space<vmem>>
      %dma_start3A_335 = tpu.memref_squeeze %dma_start3A_334 : memref<1x32x128xf32, #tpu.memory_space<vmem>> -> memref<32x128xf32, #tpu.memory_space<vmem>>
      %dma_start3A_336 = tpu.memref_slice %arg4[%multiple_of3A_327, %multiple_of3A_330] : memref<640x100000xf32, #tpu.memory_space<hbm>> -> memref<32x128xf32, #tpu.memory_space<hbm>>
      %dma_start3A_337 = arith.constant 0 : i32
      %dma_start3A_338 = arith.constant 0 : i32
      %dma_start3A_339 = tpu.memref_slice %arg9[%dma_start3A_331, %dma_start3A_337, %dma_start3A_338] : memref<8x32x128xf32, #tpu.memory_space<vmem>> -> memref<1x32x128xf32, #tpu.memory_space<vmem>>
      %dma_start3A_340 = tpu.memref_squeeze %dma_start3A_339 : memref<1x32x128xf32, #tpu.memory_space<vmem>> -> memref<32x128xf32, #tpu.memory_space<vmem>>
      %dma_start3A_341 = tpu.memref_slice %arg4[%multiple_of3A_327, %multiple_of3A_330] : memref<640x100000xf32, #tpu.memory_space<hbm>> -> memref<32x128xf32, #tpu.memory_space<hbm>>
      tpu.enqueue_dma source(%dma_start3A_341 : memref<32x128xf32, #tpu.memory_space<hbm>>) target(%dma_start3A_340 : memref<32x128xf32, #tpu.memory_space<vmem>>) target_semaphore(%arg12 : memref<!tpu.dma_semaphore, #tpu.memory_space<semaphore_mem>>)
      %slice3A_342 = vector.extract_strided_slice %mul3A_307 {offsets = [2], sizes = [1], strides = [1]} : vector<16xi32> to vector<1xi32>
      %squeeze3A_343 = vector.extract %slice3A_342[0] : i32 from vector<1xi32>
      %multiple_of3A_344 = tpu.assume_multiple %squeeze3A_343, 8 : i32
      %slice3A_345 = vector.extract_strided_slice %and3A_302 {offsets = [2], sizes = [1], strides = [1]} : vector<16xi32> to vector<1xi32>
      %squeeze3A_346 = vector.extract %slice3A_345[0] : i32 from vector<1xi32>
      %multiple_of3A_347 = tpu.assume_multiple %squeeze3A_346, 128 : i32
      %dma_start3A_348 = arith.constant 2 : i32
      %dma_start3A_349 = arith.constant 0 : i32
      %dma_start3A_350 = arith.constant 0 : i32
      %dma_start3A_351 = tpu.memref_slice %arg9[%dma_start3A_348, %dma_start3A_349, %dma_start3A_350] : memref<8x32x128xf32, #tpu.memory_space<vmem>> -> memref<1x32x128xf32, #tpu.memory_space<vmem>>
      %dma_start3A_352 = tpu.memref_squeeze %dma_start3A_351 : memref<1x32x128xf32, #tpu.memory_space<vmem>> -> memref<32x128xf32, #tpu.memory_space<vmem>>
      %dma_start3A_353 = tpu.memref_slice %arg4[%multiple_of3A_344, %multiple_of3A_347] : memref<640x100000xf32, #tpu.memory_space<hbm>> -> memref<32x128xf32, #tpu.memory_space<hbm>>
      %dma_start3A_354 = arith.constant 0 : i32
      %dma_start3A_355 = arith.constant 0 : i32
      %dma_start3A_356 = tpu.memref_slice %arg9[%dma_start3A_348, %dma_start3A_354, %dma_start3A_355] : memref<8x32x128xf32, #tpu.memory_space<vmem>> -> memref<1x32x128xf32, #tpu.memory_space<vmem>>
      %dma_start3A_357 = tpu.memref_squeeze %dma_start3A_356 : memref<1x32x128xf32, #tpu.memory_space<vmem>> -> memref<32x128xf32, #tpu.memory_space<vmem>>
      %dma_start3A_358 = tpu.memref_slice %arg4[%multiple_of3A_344, %multiple_of3A_347] : memref<640x100000xf32, #tpu.memory_space<hbm>> -> memref<32x128xf32, #tpu.memory_space<hbm>>
      tpu.enqueue_dma source(%dma_start3A_358 : memref<32x128xf32, #tpu.memory_space<hbm>>) target(%dma_start3A_357 : memref<32x128xf32, #tpu.memory_space<vmem>>) target_semaphore(%arg12 : memref<!tpu.dma_semaphore, #tpu.memory_space<semaphore_mem>>)
      %slice3A_359 = vector.extract_strided_slice %mul3A_307 {offsets = [3], sizes = [1], strides = [1]} : vector<16xi32> to vector<1xi32>
      %squeeze3A_360 = vector.extract %slice3A_359[0] : i32 from vector<1xi32>
      %multiple_of3A_361 = tpu.assume_multiple %squeeze3A_360, 8 : i32
      %slice3A_362 = vector.extract_strided_slice %and3A_302 {offsets = [3], sizes = [1], strides = [1]} : vector<16xi32> to vector<1xi32>
      %squeeze3A_363 = vector.extract %slice3A_362[0] : i32 from vector<1xi32>
      %multiple_of3A_364 = tpu.assume_multiple %squeeze3A_363, 128 : i32
      %dma_start3A_365 = arith.constant 3 : i32
      %dma_start3A_366 = arith.constant 0 : i32
      %dma_start3A_367 = arith.constant 0 : i32
      %dma_start3A_368 = tpu.memref_slice %arg9[%dma_start3A_365, %dma_start3A_366, %dma_start3A_367] : memref<8x32x128xf32, #tpu.memory_space<vmem>> -> memref<1x32x128xf32, #tpu.memory_space<vmem>>
      %dma_start3A_369 = tpu.memref_squeeze %dma_start3A_368 : memref<1x32x128xf32, #tpu.memory_space<vmem>> -> memref<32x128xf32, #tpu.memory_space<vmem>>
      %dma_start3A_370 = tpu.memref_slice %arg4[%multiple_of3A_361, %multiple_of3A_364] : memref<640x100000xf32, #tpu.memory_space<hbm>> -> memref<32x128xf32, #tpu.memory_space<hbm>>
      %dma_start3A_371 = arith.constant 0 : i32
      %dma_start3A_372 = arith.constant 0 : i32
      %dma_start3A_373 = tpu.memref_slice %arg9[%dma_start3A_365, %dma_start3A_371, %dma_start3A_372] : memref<8x32x128xf32, #tpu.memory_space<vmem>> -> memref<1x32x128xf32, #tpu.memory_space<vmem>>
      %dma_start3A_374 = tpu.memref_squeeze %dma_start3A_373 : memref<1x32x128xf32, #tpu.memory_space<vmem>> -> memref<32x128xf32, #tpu.memory_space<vmem>>
      %dma_start3A_375 = tpu.memref_slice %arg4[%multiple_of3A_361, %multiple_of3A_364] : memref<640x100000xf32, #tpu.memory_space<hbm>> -> memref<32x128xf32, #tpu.memory_space<hbm>>
      tpu.enqueue_dma source(%dma_start3A_375 : memref<32x128xf32, #tpu.memory_space<hbm>>) target(%dma_start3A_374 : memref<32x128xf32, #tpu.memory_space<vmem>>) target_semaphore(%arg12 : memref<!tpu.dma_semaphore, #tpu.memory_space<semaphore_mem>>)
      %slice3A_376 = vector.extract_strided_slice %mul3A_307 {offsets = [4], sizes = [1], strides = [1]} : vector<16xi32> to vector<1xi32>
      %squeeze3A_377 = vector.extract %slice3A_376[0] : i32 from vector<1xi32>
      %multiple_of3A_378 = tpu.assume_multiple %squeeze3A_377, 8 : i32
      %slice3A_379 = vector.extract_strided_slice %and3A_302 {offsets = [4], sizes = [1], strides = [1]} : vector<16xi32> to vector<1xi32>
      %squeeze3A_380 = vector.extract %slice3A_379[0] : i32 from vector<1xi32>
      %multiple_of3A_381 = tpu.assume_multiple %squeeze3A_380, 128 : i32
      %dma_start3A_382 = arith.constant 4 : i32
      %dma_start3A_383 = arith.constant 0 : i32
      %dma_start3A_384 = arith.constant 0 : i32
      %dma_start3A_385 = tpu.memref_slice %arg9[%dma_start3A_382, %dma_start3A_383, %dma_start3A_384] : memref<8x32x128xf32, #tpu.memory_space<vmem>> -> memref<1x32x128xf32, #tpu.memory_space<vmem>>
      %dma_start3A_386 = tpu.memref_squeeze %dma_start3A_385 : memref<1x32x128xf32, #tpu.memory_space<vmem>> -> memref<32x128xf32, #tpu.memory_space<vmem>>
      %dma_start3A_387 = tpu.memref_slice %arg4[%multiple_of3A_378, %multiple_of3A_381] : memref<640x100000xf32, #tpu.memory_space<hbm>> -> memref<32x128xf32, #tpu.memory_space<hbm>>
      %dma_start3A_388 = arith.constant 0 : i32
      %dma_start3A_389 = arith.constant 0 : i32
      %dma_start3A_390 = tpu.memref_slice %arg9[%dma_start3A_382, %dma_start3A_388, %dma_start3A_389] : memref<8x32x128xf32, #tpu.memory_space<vmem>> -> memref<1x32x128xf32, #tpu.memory_space<vmem>>
      %dma_start3A_391 = tpu.memref_squeeze %dma_start3A_390 : memref<1x32x128xf32, #tpu.memory_space<vmem>> -> memref<32x128xf32, #tpu.memory_space<vmem>>
      %dma_start3A_392 = tpu.memref_slice %arg4[%multiple_of3A_378, %multiple_of3A_381] : memref<640x100000xf32, #tpu.memory_space<hbm>> -> memref<32x128xf32, #tpu.memory_space<hbm>>
      tpu.enqueue_dma source(%dma_start3A_392 : memref<32x128xf32, #tpu.memory_space<hbm>>) target(%dma_start3A_391 : memref<32x128xf32, #tpu.memory_space<vmem>>) target_semaphore(%arg12 : memref<!tpu.dma_semaphore, #tpu.memory_space<semaphore_mem>>)
      %slice3A_393 = vector.extract_strided_slice %mul3A_307 {offsets = [5], sizes = [1], strides = [1]} : vector<16xi32> to vector<1xi32>
      %squeeze3A_394 = vector.extract %slice3A_393[0] : i32 from vector<1xi32>
      %multiple_of3A_395 = tpu.assume_multiple %squeeze3A_394, 8 : i32
      %slice3A_396 = vector.extract_strided_slice %and3A_302 {offsets = [5], sizes = [1], strides = [1]} : vector<16xi32> to vector<1xi32>
      %squeeze3A_397 = vector.extract %slice3A_396[0] : i32 from vector<1xi32>
      %multiple_of3A_398 = tpu.assume_multiple %squeeze3A_397, 128 : i32
      %dma_start3A_399 = arith.constant 5 : i32
      %dma_start3A_400 = arith.constant 0 : i32
      %dma_start3A_401 = arith.constant 0 : i32
      %dma_start3A_402 = tpu.memref_slice %arg9[%dma_start3A_399, %dma_start3A_400, %dma_start3A_401] : memref<8x32x128xf32, #tpu.memory_space<vmem>> -> memref<1x32x128xf32, #tpu.memory_space<vmem>>
      %dma_start3A_403 = tpu.memref_squeeze %dma_start3A_402 : memref<1x32x128xf32, #tpu.memory_space<vmem>> -> memref<32x128xf32, #tpu.memory_space<vmem>>
      %dma_start3A_404 = tpu.memref_slice %arg4[%multiple_of3A_395, %multiple_of3A_398] : memref<640x100000xf32, #tpu.memory_space<hbm>> -> memref<32x128xf32, #tpu.memory_space<hbm>>
      %dma_start3A_405 = arith.constant 0 : i32
      %dma_start3A_406 = arith.constant 0 : i32
      %dma_start3A_407 = tpu.memref_slice %arg9[%dma_start3A_399, %dma_start3A_405, %dma_start3A_406] : memref<8x32x128xf32, #tpu.memory_space<vmem>> -> memref<1x32x128xf32, #tpu.memory_space<vmem>>
      %dma_start3A_408 = tpu.memref_squeeze %dma_start3A_407 : memref<1x32x128xf32, #tpu.memory_space<vmem>> -> memref<32x128xf32, #tpu.memory_space<vmem>>
      %dma_start3A_409 = tpu.memref_slice %arg4[%multiple_of3A_395, %multiple_of3A_398] : memref<640x100000xf32, #tpu.memory_space<hbm>> -> memref<32x128xf32, #tpu.memory_space<hbm>>
      tpu.enqueue_dma source(%dma_start3A_409 : memref<32x128xf32, #tpu.memory_space<hbm>>) target(%dma_start3A_408 : memref<32x128xf32, #tpu.memory_space<vmem>>) target_semaphore(%arg12 : memref<!tpu.dma_semaphore, #tpu.memory_space<semaphore_mem>>)
      %slice3A_410 = vector.extract_strided_slice %mul3A_307 {offsets = [6], sizes = [1], strides = [1]} : vector<16xi32> to vector<1xi32>
      %squeeze3A_411 = vector.extract %slice3A_410[0] : i32 from vector<1xi32>
      %multiple_of3A_412 = tpu.assume_multiple %squeeze3A_411, 8 : i32
      %slice3A_413 = vector.extract_strided_slice %and3A_302 {offsets = [6], sizes = [1], strides = [1]} : vector<16xi32> to vector<1xi32>
      %squeeze3A_414 = vector.extract %slice3A_413[0] : i32 from vector<1xi32>
      %multiple_of3A_415 = tpu.assume_multiple %squeeze3A_414, 128 : i32
      %dma_start3A_416 = arith.constant 6 : i32
      %dma_start3A_417 = arith.constant 0 : i32
      %dma_start3A_418 = arith.constant 0 : i32
      %dma_start3A_419 = tpu.memref_slice %arg9[%dma_start3A_416, %dma_start3A_417, %dma_start3A_418] : memref<8x32x128xf32, #tpu.memory_space<vmem>> -> memref<1x32x128xf32, #tpu.memory_space<vmem>>
      %dma_start3A_420 = tpu.memref_squeeze %dma_start3A_419 : memref<1x32x128xf32, #tpu.memory_space<vmem>> -> memref<32x128xf32, #tpu.memory_space<vmem>>
      %dma_start3A_421 = tpu.memref_slice %arg4[%multiple_of3A_412, %multiple_of3A_415] : memref<640x100000xf32, #tpu.memory_space<hbm>> -> memref<32x128xf32, #tpu.memory_space<hbm>>
      %dma_start3A_422 = arith.constant 0 : i32
      %dma_start3A_423 = arith.constant 0 : i32
      %dma_start3A_424 = tpu.memref_slice %arg9[%dma_start3A_416, %dma_start3A_422, %dma_start3A_423] : memref<8x32x128xf32, #tpu.memory_space<vmem>> -> memref<1x32x128xf32, #tpu.memory_space<vmem>>
      %dma_start3A_425 = tpu.memref_squeeze %dma_start3A_424 : memref<1x32x128xf32, #tpu.memory_space<vmem>> -> memref<32x128xf32, #tpu.memory_space<vmem>>
      %dma_start3A_426 = tpu.memref_slice %arg4[%multiple_of3A_412, %multiple_of3A_415] : memref<640x100000xf32, #tpu.memory_space<hbm>> -> memref<32x128xf32, #tpu.memory_space<hbm>>
      tpu.enqueue_dma source(%dma_start3A_426 : memref<32x128xf32, #tpu.memory_space<hbm>>) target(%dma_start3A_425 : memref<32x128xf32, #tpu.memory_space<vmem>>) target_semaphore(%arg12 : memref<!tpu.dma_semaphore, #tpu.memory_space<semaphore_mem>>)
      %slice3A_427 = vector.extract_strided_slice %mul3A_307 {offsets = [7], sizes = [1], strides = [1]} : vector<16xi32> to vector<1xi32>
      %squeeze3A_428 = vector.extract %slice3A_427[0] : i32 from vector<1xi32>
      %multiple_of3A_429 = tpu.assume_multiple %squeeze3A_428, 8 : i32
      %slice3A_430 = vector.extract_strided_slice %and3A_302 {offsets = [7], sizes = [1], strides = [1]} : vector<16xi32> to vector<1xi32>
      %squeeze3A_431 = vector.extract %slice3A_430[0] : i32 from vector<1xi32>
      %multiple_of3A_432 = tpu.assume_multiple %squeeze3A_431, 128 : i32
      %dma_start3A_433 = arith.constant 7 : i32
      %dma_start3A_434 = arith.constant 0 : i32
      %dma_start3A_435 = arith.constant 0 : i32
      %dma_start3A_436 = tpu.memref_slice %arg9[%dma_start3A_433, %dma_start3A_434, %dma_start3A_435] : memref<8x32x128xf32, #tpu.memory_space<vmem>> -> memref<1x32x128xf32, #tpu.memory_space<vmem>>
      %dma_start3A_437 = tpu.memref_squeeze %dma_start3A_436 : memref<1x32x128xf32, #tpu.memory_space<vmem>> -> memref<32x128xf32, #tpu.memory_space<vmem>>
      %dma_start3A_438 = tpu.memref_slice %arg4[%multiple_of3A_429, %multiple_of3A_432] : memref<640x100000xf32, #tpu.memory_space<hbm>> -> memref<32x128xf32, #tpu.memory_space<hbm>>
      %dma_start3A_439 = arith.constant 0 : i32
      %dma_start3A_440 = arith.constant 0 : i32
      %dma_start3A_441 = tpu.memref_slice %arg9[%dma_start3A_433, %dma_start3A_439, %dma_start3A_440] : memref<8x32x128xf32, #tpu.memory_space<vmem>> -> memref<1x32x128xf32, #tpu.memory_space<vmem>>
      %dma_start3A_442 = tpu.memref_squeeze %dma_start3A_441 : memref<1x32x128xf32, #tpu.memory_space<vmem>> -> memref<32x128xf32, #tpu.memory_space<vmem>>
      %dma_start3A_443 = tpu.memref_slice %arg4[%multiple_of3A_429, %multiple_of3A_432] : memref<640x100000xf32, #tpu.memory_space<hbm>> -> memref<32x128xf32, #tpu.memory_space<hbm>>
      tpu.enqueue_dma source(%dma_start3A_443 : memref<32x128xf32, #tpu.memory_space<hbm>>) target(%dma_start3A_442 : memref<32x128xf32, #tpu.memory_space<vmem>>) target_semaphore(%arg12 : memref<!tpu.dma_semaphore, #tpu.memory_space<semaphore_mem>>)
      %dma_wait3A_444 = arith.constant 0 : i32
      %dma_wait3A_445 = arith.constant 0 : i32
      %dma_wait3A_446 = arith.constant 0 : i32
      %dma_wait3A_447 = tpu.memref_slice %arg8[%dma_wait3A_444, %dma_wait3A_445, %dma_wait3A_446] : memref<8x32x128xf32, #tpu.memory_space<vmem>> -> memref<1x32x128xf32, #tpu.memory_space<vmem>>
      %dma_wait3A_448 = tpu.memref_squeeze %dma_wait3A_447 : memref<1x32x128xf32, #tpu.memory_space<vmem>> -> memref<32x128xf32, #tpu.memory_space<vmem>>
      %dma_wait3A_449 = arith.constant 0 : i32
      %dma_wait3A_450 = arith.constant 0 : i32
      %dma_wait3A_451 = tpu.memref_slice %arg4[%dma_wait3A_449, %dma_wait3A_450] : memref<640x100000xf32, #tpu.memory_space<hbm>> -> memref<32x128xf32, #tpu.memory_space<hbm>>
      %dma_wait3A_452 = arith.constant 0 : i32
      %dma_wait3A_453 = arith.constant 0 : i32
      %dma_wait3A_454 = tpu.memref_slice %arg8[%dma_wait3A_444, %dma_wait3A_452, %dma_wait3A_453] : memref<8x32x128xf32, #tpu.memory_space<vmem>> -> memref<1x32x128xf32, #tpu.memory_space<vmem>>
      %dma_wait3A_455 = tpu.memref_squeeze %dma_wait3A_454 : memref<1x32x128xf32, #tpu.memory_space<vmem>> -> memref<32x128xf32, #tpu.memory_space<vmem>>
      %dma_wait3A_456 = arith.constant 0 : i32
      %dma_wait3A_457 = arith.constant 0 : i32
      %dma_wait3A_458 = tpu.memref_slice %arg4[%dma_wait3A_456, %dma_wait3A_457] : memref<640x100000xf32, #tpu.memory_space<hbm>> -> memref<32x128xf32, #tpu.memory_space<hbm>>
      tpu.wait_dma2 semaphore(%arg11 : memref<!tpu.dma_semaphore, #tpu.memory_space<semaphore_mem>>) src(%dma_wait3A_458 : memref<32x128xf32, #tpu.memory_space<hbm>>) dst(%dma_wait3A_455 : memref<32x128xf32, #tpu.memory_space<vmem>>)
      %dma_wait3A_459 = arith.constant 1 : i32
      %dma_wait3A_460 = arith.constant 0 : i32
      %dma_wait3A_461 = arith.constant 0 : i32
      %dma_wait3A_462 = tpu.memref_slice %arg8[%dma_wait3A_459, %dma_wait3A_460, %dma_wait3A_461] : memref<8x32x128xf32, #tpu.memory_space<vmem>> -> memref<1x32x128xf32, #tpu.memory_space<vmem>>
      %dma_wait3A_463 = tpu.memref_squeeze %dma_wait3A_462 : memref<1x32x128xf32, #tpu.memory_space<vmem>> -> memref<32x128xf32, #tpu.memory_space<vmem>>
      %dma_wait3A_464 = arith.constant 0 : i32
      %dma_wait3A_465 = arith.constant 0 : i32
      %dma_wait3A_466 = tpu.memref_slice %arg4[%dma_wait3A_464, %dma_wait3A_465] : memref<640x100000xf32, #tpu.memory_space<hbm>> -> memref<32x128xf32, #tpu.memory_space<hbm>>
      %dma_wait3A_467 = arith.constant 0 : i32
      %dma_wait3A_468 = arith.constant 0 : i32
      %dma_wait3A_469 = tpu.memref_slice %arg8[%dma_wait3A_459, %dma_wait3A_467, %dma_wait3A_468] : memref<8x32x128xf32, #tpu.memory_space<vmem>> -> memref<1x32x128xf32, #tpu.memory_space<vmem>>
      %dma_wait3A_470 = tpu.memref_squeeze %dma_wait3A_469 : memref<1x32x128xf32, #tpu.memory_space<vmem>> -> memref<32x128xf32, #tpu.memory_space<vmem>>
      %dma_wait3A_471 = arith.constant 0 : i32
      %dma_wait3A_472 = arith.constant 0 : i32
      %dma_wait3A_473 = tpu.memref_slice %arg4[%dma_wait3A_471, %dma_wait3A_472] : memref<640x100000xf32, #tpu.memory_space<hbm>> -> memref<32x128xf32, #tpu.memory_space<hbm>>
      tpu.wait_dma2 semaphore(%arg11 : memref<!tpu.dma_semaphore, #tpu.memory_space<semaphore_mem>>) src(%dma_wait3A_473 : memref<32x128xf32, #tpu.memory_space<hbm>>) dst(%dma_wait3A_470 : memref<32x128xf32, #tpu.memory_space<vmem>>)
      %dma_wait3A_474 = arith.constant 2 : i32
      %dma_wait3A_475 = arith.constant 0 : i32
      %dma_wait3A_476 = arith.constant 0 : i32
      %dma_wait3A_477 = tpu.memref_slice %arg8[%dma_wait3A_474, %dma_wait3A_475, %dma_wait3A_476] : memref<8x32x128xf32, #tpu.memory_space<vmem>> -> memref<1x32x128xf32, #tpu.memory_space<vmem>>
      %dma_wait3A_478 = tpu.memref_squeeze %dma_wait3A_477 : memref<1x32x128xf32, #tpu.memory_space<vmem>> -> memref<32x128xf32, #tpu.memory_space<vmem>>
      %dma_wait3A_479 = arith.constant 0 : i32
      %dma_wait3A_480 = arith.constant 0 : i32
      %dma_wait3A_481 = tpu.memref_slice %arg4[%dma_wait3A_479, %dma_wait3A_480] : memref<640x100000xf32, #tpu.memory_space<hbm>> -> memref<32x128xf32, #tpu.memory_space<hbm>>
      %dma_wait3A_482 = arith.constant 0 : i32
      %dma_wait3A_483 = arith.constant 0 : i32
      %dma_wait3A_484 = tpu.memref_slice %arg8[%dma_wait3A_474, %dma_wait3A_482, %dma_wait3A_483] : memref<8x32x128xf32, #tpu.memory_space<vmem>> -> memref<1x32x128xf32, #tpu.memory_space<vmem>>
      %dma_wait3A_485 = tpu.memref_squeeze %dma_wait3A_484 : memref<1x32x128xf32, #tpu.memory_space<vmem>> -> memref<32x128xf32, #tpu.memory_space<vmem>>
      %dma_wait3A_486 = arith.constant 0 : i32
      %dma_wait3A_487 = arith.constant 0 : i32
      %dma_wait3A_488 = tpu.memref_slice %arg4[%dma_wait3A_486, %dma_wait3A_487] : memref<640x100000xf32, #tpu.memory_space<hbm>> -> memref<32x128xf32, #tpu.memory_space<hbm>>
      tpu.wait_dma2 semaphore(%arg11 : memref<!tpu.dma_semaphore, #tpu.memory_space<semaphore_mem>>) src(%dma_wait3A_488 : memref<32x128xf32, #tpu.memory_space<hbm>>) dst(%dma_wait3A_485 : memref<32x128xf32, #tpu.memory_space<vmem>>)
      %dma_wait3A_489 = arith.constant 3 : i32
      %dma_wait3A_490 = arith.constant 0 : i32
      %dma_wait3A_491 = arith.constant 0 : i32
      %dma_wait3A_492 = tpu.memref_slice %arg8[%dma_wait3A_489, %dma_wait3A_490, %dma_wait3A_491] : memref<8x32x128xf32, #tpu.memory_space<vmem>> -> memref<1x32x128xf32, #tpu.memory_space<vmem>>
      %dma_wait3A_493 = tpu.memref_squeeze %dma_wait3A_492 : memref<1x32x128xf32, #tpu.memory_space<vmem>> -> memref<32x128xf32, #tpu.memory_space<vmem>>
      %dma_wait3A_494 = arith.constant 0 : i32
      %dma_wait3A_495 = arith.constant 0 : i32
      %dma_wait3A_496 = tpu.memref_slice %arg4[%dma_wait3A_494, %dma_wait3A_495] : memref<640x100000xf32, #tpu.memory_space<hbm>> -> memref<32x128xf32, #tpu.memory_space<hbm>>
      %dma_wait3A_497 = arith.constant 0 : i32
      %dma_wait3A_498 = arith.constant 0 : i32
      %dma_wait3A_499 = tpu.memref_slice %arg8[%dma_wait3A_489, %dma_wait3A_497, %dma_wait3A_498] : memref<8x32x128xf32, #tpu.memory_space<vmem>> -> memref<1x32x128xf32, #tpu.memory_space<vmem>>
      %dma_wait3A_500 = tpu.memref_squeeze %dma_wait3A_499 : memref<1x32x128xf32, #tpu.memory_space<vmem>> -> memref<32x128xf32, #tpu.memory_space<vmem>>
      %dma_wait3A_501 = arith.constant 0 : i32
      %dma_wait3A_502 = arith.constant 0 : i32
      %dma_wait3A_503 = tpu.memref_slice %arg4[%dma_wait3A_501, %dma_wait3A_502] : memref<640x100000xf32, #tpu.memory_space<hbm>> -> memref<32x128xf32, #tpu.memory_space<hbm>>
      tpu.wait_dma2 semaphore(%arg11 : memref<!tpu.dma_semaphore, #tpu.memory_space<semaphore_mem>>) src(%dma_wait3A_503 : memref<32x128xf32, #tpu.memory_space<hbm>>) dst(%dma_wait3A_500 : memref<32x128xf32, #tpu.memory_space<vmem>>)
      %dma_wait3A_504 = arith.constant 4 : i32
      %dma_wait3A_505 = arith.constant 0 : i32
      %dma_wait3A_506 = arith.constant 0 : i32
      %dma_wait3A_507 = tpu.memref_slice %arg8[%dma_wait3A_504, %dma_wait3A_505, %dma_wait3A_506] : memref<8x32x128xf32, #tpu.memory_space<vmem>> -> memref<1x32x128xf32, #tpu.memory_space<vmem>>
      %dma_wait3A_508 = tpu.memref_squeeze %dma_wait3A_507 : memref<1x32x128xf32, #tpu.memory_space<vmem>> -> memref<32x128xf32, #tpu.memory_space<vmem>>
      %dma_wait3A_509 = arith.constant 0 : i32
      %dma_wait3A_510 = arith.constant 0 : i32
      %dma_wait3A_511 = tpu.memref_slice %arg4[%dma_wait3A_509, %dma_wait3A_510] : memref<640x100000xf32, #tpu.memory_space<hbm>> -> memref<32x128xf32, #tpu.memory_space<hbm>>
      %dma_wait3A_512 = arith.constant 0 : i32
      %dma_wait3A_513 = arith.constant 0 : i32
      %dma_wait3A_514 = tpu.memref_slice %arg8[%dma_wait3A_504, %dma_wait3A_512, %dma_wait3A_513] : memref<8x32x128xf32, #tpu.memory_space<vmem>> -> memref<1x32x128xf32, #tpu.memory_space<vmem>>
      %dma_wait3A_515 = tpu.memref_squeeze %dma_wait3A_514 : memref<1x32x128xf32, #tpu.memory_space<vmem>> -> memref<32x128xf32, #tpu.memory_space<vmem>>
      %dma_wait3A_516 = arith.constant 0 : i32
      %dma_wait3A_517 = arith.constant 0 : i32
      %dma_wait3A_518 = tpu.memref_slice %arg4[%dma_wait3A_516, %dma_wait3A_517] : memref<640x100000xf32, #tpu.memory_space<hbm>> -> memref<32x128xf32, #tpu.memory_space<hbm>>
      tpu.wait_dma2 semaphore(%arg11 : memref<!tpu.dma_semaphore, #tpu.memory_space<semaphore_mem>>) src(%dma_wait3A_518 : memref<32x128xf32, #tpu.memory_space<hbm>>) dst(%dma_wait3A_515 : memref<32x128xf32, #tpu.memory_space<vmem>>)
      %dma_wait3A_519 = arith.constant 5 : i32
      %dma_wait3A_520 = arith.constant 0 : i32
      %dma_wait3A_521 = arith.constant 0 : i32
      %dma_wait3A_522 = tpu.memref_slice %arg8[%dma_wait3A_519, %dma_wait3A_520, %dma_wait3A_521] : memref<8x32x128xf32, #tpu.memory_space<vmem>> -> memref<1x32x128xf32, #tpu.memory_space<vmem>>
      %dma_wait3A_523 = tpu.memref_squeeze %dma_wait3A_522 : memref<1x32x128xf32, #tpu.memory_space<vmem>> -> memref<32x128xf32, #tpu.memory_space<vmem>>
      %dma_wait3A_524 = arith.constant 0 : i32
      %dma_wait3A_525 = arith.constant 0 : i32
      %dma_wait3A_526 = tpu.memref_slice %arg4[%dma_wait3A_524, %dma_wait3A_525] : memref<640x100000xf32, #tpu.memory_space<hbm>> -> memref<32x128xf32, #tpu.memory_space<hbm>>
      %dma_wait3A_527 = arith.constant 0 : i32
      %dma_wait3A_528 = arith.constant 0 : i32
      %dma_wait3A_529 = tpu.memref_slice %arg8[%dma_wait3A_519, %dma_wait3A_527, %dma_wait3A_528] : memref<8x32x128xf32, #tpu.memory_space<vmem>> -> memref<1x32x128xf32, #tpu.memory_space<vmem>>
      %dma_wait3A_530 = tpu.memref_squeeze %dma_wait3A_529 : memref<1x32x128xf32, #tpu.memory_space<vmem>> -> memref<32x128xf32, #tpu.memory_space<vmem>>
      %dma_wait3A_531 = arith.constant 0 : i32
      %dma_wait3A_532 = arith.constant 0 : i32
      %dma_wait3A_533 = tpu.memref_slice %arg4[%dma_wait3A_531, %dma_wait3A_532] : memref<640x100000xf32, #tpu.memory_space<hbm>> -> memref<32x128xf32, #tpu.memory_space<hbm>>
      tpu.wait_dma2 semaphore(%arg11 : memref<!tpu.dma_semaphore, #tpu.memory_space<semaphore_mem>>) src(%dma_wait3A_533 : memref<32x128xf32, #tpu.memory_space<hbm>>) dst(%dma_wait3A_530 : memref<32x128xf32, #tpu.memory_space<vmem>>)
      %dma_wait3A_534 = arith.constant 6 : i32
      %dma_wait3A_535 = arith.constant 0 : i32
      %dma_wait3A_536 = arith.constant 0 : i32
      %dma_wait3A_537 = tpu.memref_slice %arg8[%dma_wait3A_534, %dma_wait3A_535, %dma_wait3A_536] : memref<8x32x128xf32, #tpu.memory_space<vmem>> -> memref<1x32x128xf32, #tpu.memory_space<vmem>>
      %dma_wait3A_538 = tpu.memref_squeeze %dma_wait3A_537 : memref<1x32x128xf32, #tpu.memory_space<vmem>> -> memref<32x128xf32, #tpu.memory_space<vmem>>
      %dma_wait3A_539 = arith.constant 0 : i32
      %dma_wait3A_540 = arith.constant 0 : i32
      %dma_wait3A_541 = tpu.memref_slice %arg4[%dma_wait3A_539, %dma_wait3A_540] : memref<640x100000xf32, #tpu.memory_space<hbm>> -> memref<32x128xf32, #tpu.memory_space<hbm>>
      %dma_wait3A_542 = arith.constant 0 : i32
      %dma_wait3A_543 = arith.constant 0 : i32
      %dma_wait3A_544 = tpu.memref_slice %arg8[%dma_wait3A_534, %dma_wait3A_542, %dma_wait3A_543] : memref<8x32x128xf32, #tpu.memory_space<vmem>> -> memref<1x32x128xf32, #tpu.memory_space<vmem>>
      %dma_wait3A_545 = tpu.memref_squeeze %dma_wait3A_544 : memref<1x32x128xf32, #tpu.memory_space<vmem>> -> memref<32x128xf32, #tpu.memory_space<vmem>>
      %dma_wait3A_546 = arith.constant 0 : i32
      %dma_wait3A_547 = arith.constant 0 : i32
      %dma_wait3A_548 = tpu.memref_slice %arg4[%dma_wait3A_546, %dma_wait3A_547] : memref<640x100000xf32, #tpu.memory_space<hbm>> -> memref<32x128xf32, #tpu.memory_space<hbm>>
      tpu.wait_dma2 semaphore(%arg11 : memref<!tpu.dma_semaphore, #tpu.memory_space<semaphore_mem>>) src(%dma_wait3A_548 : memref<32x128xf32, #tpu.memory_space<hbm>>) dst(%dma_wait3A_545 : memref<32x128xf32, #tpu.memory_space<vmem>>)
      %dma_wait3A_549 = arith.constant 7 : i32
      %dma_wait3A_550 = arith.constant 0 : i32
      %dma_wait3A_551 = arith.constant 0 : i32
      %dma_wait3A_552 = tpu.memref_slice %arg8[%dma_wait3A_549, %dma_wait3A_550, %dma_wait3A_551] : memref<8x32x128xf32, #tpu.memory_space<vmem>> -> memref<1x32x128xf32, #tpu.memory_space<vmem>>
      %dma_wait3A_553 = tpu.memref_squeeze %dma_wait3A_552 : memref<1x32x128xf32, #tpu.memory_space<vmem>> -> memref<32x128xf32, #tpu.memory_space<vmem>>
      %dma_wait3A_554 = arith.constant 0 : i32
      %dma_wait3A_555 = arith.constant 0 : i32
      %dma_wait3A_556 = tpu.memref_slice %arg4[%dma_wait3A_554, %dma_wait3A_555] : memref<640x100000xf32, #tpu.memory_space<hbm>> -> memref<32x128xf32, #tpu.memory_space<hbm>>
      %dma_wait3A_557 = arith.constant 0 : i32
      %dma_wait3A_558 = arith.constant 0 : i32
      %dma_wait3A_559 = tpu.memref_slice %arg8[%dma_wait3A_549, %dma_wait3A_557, %dma_wait3A_558] : memref<8x32x128xf32, #tpu.memory_space<vmem>> -> memref<1x32x128xf32, #tpu.memory_space<vmem>>
      %dma_wait3A_560 = tpu.memref_squeeze %dma_wait3A_559 : memref<1x32x128xf32, #tpu.memory_space<vmem>> -> memref<32x128xf32, #tpu.memory_space<vmem>>
      %dma_wait3A_561 = arith.constant 0 : i32
      %dma_wait3A_562 = arith.constant 0 : i32
      %dma_wait3A_563 = tpu.memref_slice %arg4[%dma_wait3A_561, %dma_wait3A_562] : memref<640x100000xf32, #tpu.memory_space<hbm>> -> memref<32x128xf32, #tpu.memory_space<hbm>>
      tpu.wait_dma2 semaphore(%arg11 : memref<!tpu.dma_semaphore, #tpu.memory_space<semaphore_mem>>) src(%dma_wait3A_563 : memref<32x128xf32, #tpu.memory_space<hbm>>) dst(%dma_wait3A_560 : memref<32x128xf32, #tpu.memory_space<vmem>>)
      %get3A_564 = arith.index_cast %mul3A_295 : i32 to index
      %get3A_565 = tpu.vector_load %arg6[%get3A_564] {strides = array<i32>} : memref<464xi32, #tpu.memory_space<vmem>>, vector<16xi32>,
      %and3A_566 = arith.constant 127 : i32
      %and3A_567 = vector.broadcast %and3A_566 : i32 to vector<16xi32>
      %and3A_568 = arith.andi %get3A_565, %and3A_567 : vector<16xi32>
      %slice3A_569 = vector.extract_strided_slice %and3A_568 {offsets = [0], sizes = [1], strides = [1]} : vector<16xi32> to vector<1xi32>
      %squeeze3A_570 = vector.extract %slice3A_569[0] : i32 from vector<1xi32>
      %broadcast_in_dim3A = vector.broadcast %squeeze3A_570 : i32 to vector<16xi32>
      %add3A_571 = arith.constant 0 : i32
      %add3A_572 = vector.broadcast %add3A_571 : i32 to vector<16xi32>
      %add3A_573 = arith.addi %iota3A, %add3A_572 : vector<16xi32>
      %gather3A = arith.constant 0 : i32
      %gather3A_574 = arith.constant 0 : i32
      %gather3A_575 = arith.constant 0 : i32
      %gather3A_576 = tpu.memref_slice %arg8[%gather3A, %gather3A_574, %gather3A_575] : memref<8x32x128xf32, #tpu.memory_space<vmem>> -> memref<1x32x128xf32, #tpu.memory_space<vmem>>
      %gather3A_577 = tpu.memref_squeeze %gather3A_576 : memref<1x32x128xf32, #tpu.memory_space<vmem>> -> memref<32x128xf32, #tpu.memory_space<vmem>>
      %gather3A_578 = tpu.vector_load_idx %gather3A_577[%add3A_573, %broadcast_in_dim3A] : memref<32x128xf32, #tpu.memory_space<vmem>>[vector<16xi32>, vector<16xi32>], vector<16xf32>,
      %add3A_579 = arith.constant 0 : i32
      %add3A_580 = arith.addi %mul3A_295, %add3A_579 : i32
      %swap3A = arith.index_cast %add3A_580 : i32 to index
      %swap3A_581 = arith.constant 0 : index
      %swap3A_582 = tpu.vector_load %arg10[%swap3A, %swap3A_581] {strides = array<i32>} : memref<448x32xf32, #tpu.memory_space<vmem>>, vector<16xf32>,
      tpu.vector_store %arg10[%swap3A, %swap3A_581], %gather3A_578 {strides = array<i32>} : memref<448x32xf32, #tpu.memory_space<vmem>>, vector<16xf32>,
      %add3A_583 = arith.constant 16 : i32
      %add3A_584 = vector.broadcast %add3A_583 : i32 to vector<16xi32>
      %add3A_585 = arith.addi %iota3A, %add3A_584 : vector<16xi32>
      %gather3A_586 = arith.constant 0 : i32
      %gather3A_587 = arith.constant 0 : i32
      %gather3A_588 = arith.constant 0 : i32
      %gather3A_589 = tpu.memref_slice %arg8[%gather3A_586, %gather3A_587, %gather3A_588] : memref<8x32x128xf32, #tpu.memory_space<vmem>> -> memref<1x32x128xf32, #tpu.memory_space<vmem>>
      %gather3A_590 = tpu.memref_squeeze %gather3A_589 : memref<1x32x128xf32, #tpu.memory_space<vmem>> -> memref<32x128xf32, #tpu.memory_space<vmem>>
      %gather3A_591 = tpu.vector_load_idx %gather3A_590[%add3A_585, %broadcast_in_dim3A] : memref<32x128xf32, #tpu.memory_space<vmem>>[vector<16xi32>, vector<16xi32>], vector<16xf32>,
      %add3A_592 = arith.constant 0 : i32
      %add3A_593 = arith.addi %mul3A_295, %add3A_592 : i32
      %swap3A_594 = arith.index_cast %add3A_593 : i32 to index
      %swap3A_595 = arith.constant 16 : index
      %swap3A_596 = tpu.vector_load %arg10[%swap3A_594, %swap3A_595] {strides = array<i32>} : memref<448x32xf32, #tpu.memory_space<vmem>>, vector<16xf32>,
      tpu.vector_store %arg10[%swap3A_594, %swap3A_595], %gather3A_591 {strides = array<i32>} : memref<448x32xf32, #tpu.memory_space<vmem>>, vector<16xf32>,
      %slice3A_597 = vector.extract_strided_slice %and3A_568 {offsets = [1], sizes = [1], strides = [1]} : vector<16xi32> to vector<1xi32>
      %squeeze3A_598 = vector.extract %slice3A_597[0] : i32 from vector<1xi32>
      %broadcast_in_dim3A_599 = vector.broadcast %squeeze3A_598 : i32 to vector<16xi32>
      %add3A_600 = arith.constant 0 : i32
      %add3A_601 = vector.broadcast %add3A_600 : i32 to vector<16xi32>
      %add3A_602 = arith.addi %iota3A, %add3A_601 : vector<16xi32>
      %gather3A_603 = arith.constant 1 : i32
      %gather3A_604 = arith.constant 0 : i32
      %gather3A_605 = arith.constant 0 : i32
      %gather3A_606 = tpu.memref_slice %arg8[%gather3A_603, %gather3A_604, %gather3A_605] : memref<8x32x128xf32, #tpu.memory_space<vmem>> -> memref<1x32x128xf32, #tpu.memory_space<vmem>>
      %gather3A_607 = tpu.memref_squeeze %gather3A_606 : memref<1x32x128xf32, #tpu.memory_space<vmem>> -> memref<32x128xf32, #tpu.memory_space<vmem>>
      %gather3A_608 = tpu.vector_load_idx %gather3A_607[%add3A_602, %broadcast_in_dim3A_599] : memref<32x128xf32, #tpu.memory_space<vmem>>[vector<16xi32>, vector<16xi32>], vector<16xf32>,
      %add3A_609 = arith.constant 1 : i32
      %add3A_610 = arith.addi %mul3A_295, %add3A_609 : i32
      %swap3A_611 = arith.index_cast %add3A_610 : i32 to index
      %swap3A_612 = arith.constant 0 : index
      %swap3A_613 = tpu.vector_load %arg10[%swap3A_611, %swap3A_612] {strides = array<i32>} : memref<448x32xf32, #tpu.memory_space<vmem>>, vector<16xf32>,
      tpu.vector_store %arg10[%swap3A_611, %swap3A_612], %gather3A_608 {strides = array<i32>} : memref<448x32xf32, #tpu.memory_space<vmem>>, vector<16xf32>,
      %add3A_614 = arith.constant 16 : i32
      %add3A_615 = vector.broadcast %add3A_614 : i32 to vector<16xi32>
      %add3A_616 = arith.addi %iota3A, %add3A_615 : vector<16xi32>
      %gather3A_617 = arith.constant 1 : i32
      %gather3A_618 = arith.constant 0 : i32
      %gather3A_619 = arith.constant 0 : i32
      %gather3A_620 = tpu.memref_slice %arg8[%gather3A_617, %gather3A_618, %gather3A_619] : memref<8x32x128xf32, #tpu.memory_space<vmem>> -> memref<1x32x128xf32, #tpu.memory_space<vmem>>
      %gather3A_621 = tpu.memref_squeeze %gather3A_620 : memref<1x32x128xf32, #tpu.memory_space<vmem>> -> memref<32x128xf32, #tpu.memory_space<vmem>>
      %gather3A_622 = tpu.vector_load_idx %gather3A_621[%add3A_616, %broadcast_in_dim3A_599] : memref<32x128xf32, #tpu.memory_space<vmem>>[vector<16xi32>, vector<16xi32>], vector<16xf32>,
      %add3A_623 = arith.constant 1 : i32
      %add3A_624 = arith.addi %mul3A_295, %add3A_623 : i32
      %swap3A_625 = arith.index_cast %add3A_624 : i32 to index
      %swap3A_626 = arith.constant 16 : index
      %swap3A_627 = tpu.vector_load %arg10[%swap3A_625, %swap3A_626] {strides = array<i32>} : memref<448x32xf32, #tpu.memory_space<vmem>>, vector<16xf32>,
      tpu.vector_store %arg10[%swap3A_625, %swap3A_626], %gather3A_622 {strides = array<i32>} : memref<448x32xf32, #tpu.memory_space<vmem>>, vector<16xf32>,
      %slice3A_628 = vector.extract_strided_slice %and3A_568 {offsets = [2], sizes = [1], strides = [1]} : vector<16xi32> to vector<1xi32>
      %squeeze3A_629 = vector.extract %slice3A_628[0] : i32 from vector<1xi32>
      %broadcast_in_dim3A_630 = vector.broadcast %squeeze3A_629 : i32 to vector<16xi32>
      %add3A_631 = arith.constant 0 : i32
      %add3A_632 = vector.broadcast %add3A_631 : i32 to vector<16xi32>
      %add3A_633 = arith.addi %iota3A, %add3A_632 : vector<16xi32>
      %gather3A_634 = arith.constant 2 : i32
      %gather3A_635 = arith.constant 0 : i32
      %gather3A_636 = arith.constant 0 : i32
      %gather3A_637 = tpu.memref_slice %arg8[%gather3A_634, %gather3A_635, %gather3A_636] : memref<8x32x128xf32, #tpu.memory_space<vmem>> -> memref<1x32x128xf32, #tpu.memory_space<vmem>>
      %gather3A_638 = tpu.memref_squeeze %gather3A_637 : memref<1x32x128xf32, #tpu.memory_space<vmem>> -> memref<32x128xf32, #tpu.memory_space<vmem>>
      %gather3A_639 = tpu.vector_load_idx %gather3A_638[%add3A_633, %broadcast_in_dim3A_630] : memref<32x128xf32, #tpu.memory_space<vmem>>[vector<16xi32>, vector<16xi32>], vector<16xf32>,
      %add3A_640 = arith.constant 2 : i32
      %add3A_641 = arith.addi %mul3A_295, %add3A_640 : i32
      %swap3A_642 = arith.index_cast %add3A_641 : i32 to index
      %swap3A_643 = arith.constant 0 : index
      %swap3A_644 = tpu.vector_load %arg10[%swap3A_642, %swap3A_643] {strides = array<i32>} : memref<448x32xf32, #tpu.memory_space<vmem>>, vector<16xf32>,
      tpu.vector_store %arg10[%swap3A_642, %swap3A_643], %gather3A_639 {strides = array<i32>} : memref<448x32xf32, #tpu.memory_space<vmem>>, vector<16xf32>,
      %add3A_645 = arith.constant 16 : i32
      %add3A_646 = vector.broadcast %add3A_645 : i32 to vector<16xi32>
      %add3A_647 = arith.addi %iota3A, %add3A_646 : vector<16xi32>
      %gather3A_648 = arith.constant 2 : i32
      %gather3A_649 = arith.constant 0 : i32
      %gather3A_650 = arith.constant 0 : i32
      %gather3A_651 = tpu.memref_slice %arg8[%gather3A_648, %gather3A_649, %gather3A_650] : memref<8x32x128xf32, #tpu.memory_space<vmem>> -> memref<1x32x128xf32, #tpu.memory_space<vmem>>
      %gather3A_652 = tpu.memref_squeeze %gather3A_651 : memref<1x32x128xf32, #tpu.memory_space<vmem>> -> memref<32x128xf32, #tpu.memory_space<vmem>>
      %gather3A_653 = tpu.vector_load_idx %gather3A_652[%add3A_647, %broadcast_in_dim3A_630] : memref<32x128xf32, #tpu.memory_space<vmem>>[vector<16xi32>, vector<16xi32>], vector<16xf32>,
      %add3A_654 = arith.constant 2 : i32
      %add3A_655 = arith.addi %mul3A_295, %add3A_654 : i32
      %swap3A_656 = arith.index_cast %add3A_655 : i32 to index
      %swap3A_657 = arith.constant 16 : index
      %swap3A_658 = tpu.vector_load %arg10[%swap3A_656, %swap3A_657] {strides = array<i32>} : memref<448x32xf32, #tpu.memory_space<vmem>>, vector<16xf32>,
      tpu.vector_store %arg10[%swap3A_656, %swap3A_657], %gather3A_653 {strides = array<i32>} : memref<448x32xf32, #tpu.memory_space<vmem>>, vector<16xf32>,
      %slice3A_659 = vector.extract_strided_slice %and3A_568 {offsets = [3], sizes = [1], strides = [1]} : vector<16xi32> to vector<1xi32>
      %squeeze3A_660 = vector.extract %slice3A_659[0] : i32 from vector<1xi32>
      %broadcast_in_dim3A_661 = vector.broadcast %squeeze3A_660 : i32 to vector<16xi32>
      %add3A_662 = arith.constant 0 : i32
      %add3A_663 = vector.broadcast %add3A_662 : i32 to vector<16xi32>
      %add3A_664 = arith.addi %iota3A, %add3A_663 : vector<16xi32>
      %gather3A_665 = arith.constant 3 : i32
      %gather3A_666 = arith.constant 0 : i32
      %gather3A_667 = arith.constant 0 : i32
      %gather3A_668 = tpu.memref_slice %arg8[%gather3A_665, %gather3A_666, %gather3A_667] : memref<8x32x128xf32, #tpu.memory_space<vmem>> -> memref<1x32x128xf32, #tpu.memory_space<vmem>>
      %gather3A_669 = tpu.memref_squeeze %gather3A_668 : memref<1x32x128xf32, #tpu.memory_space<vmem>> -> memref<32x128xf32, #tpu.memory_space<vmem>>
      %gather3A_670 = tpu.vector_load_idx %gather3A_669[%add3A_664, %broadcast_in_dim3A_661] : memref<32x128xf32, #tpu.memory_space<vmem>>[vector<16xi32>, vector<16xi32>], vector<16xf32>,
      %add3A_671 = arith.constant 3 : i32
      %add3A_672 = arith.addi %mul3A_295, %add3A_671 : i32
      %swap3A_673 = arith.index_cast %add3A_672 : i32 to index
      %swap3A_674 = arith.constant 0 : index
      %swap3A_675 = tpu.vector_load %arg10[%swap3A_673, %swap3A_674] {strides = array<i32>} : memref<448x32xf32, #tpu.memory_space<vmem>>, vector<16xf32>,
      tpu.vector_store %arg10[%swap3A_673, %swap3A_674], %gather3A_670 {strides = array<i32>} : memref<448x32xf32, #tpu.memory_space<vmem>>, vector<16xf32>,
      %add3A_676 = arith.constant 16 : i32
      %add3A_677 = vector.broadcast %add3A_676 : i32 to vector<16xi32>
      %add3A_678 = arith.addi %iota3A, %add3A_677 : vector<16xi32>
      %gather3A_679 = arith.constant 3 : i32
      %gather3A_680 = arith.constant 0 : i32
      %gather3A_681 = arith.constant 0 : i32
      %gather3A_682 = tpu.memref_slice %arg8[%gather3A_679, %gather3A_680, %gather3A_681] : memref<8x32x128xf32, #tpu.memory_space<vmem>> -> memref<1x32x128xf32, #tpu.memory_space<vmem>>
      %gather3A_683 = tpu.memref_squeeze %gather3A_682 : memref<1x32x128xf32, #tpu.memory_space<vmem>> -> memref<32x128xf32, #tpu.memory_space<vmem>>
      %gather3A_684 = tpu.vector_load_idx %gather3A_683[%add3A_678, %broadcast_in_dim3A_661] : memref<32x128xf32, #tpu.memory_space<vmem>>[vector<16xi32>, vector<16xi32>], vector<16xf32>,
      %add3A_685 = arith.constant 3 : i32
      %add3A_686 = arith.addi %mul3A_295, %add3A_685 : i32
      %swap3A_687 = arith.index_cast %add3A_686 : i32 to index
      %swap3A_688 = arith.constant 16 : index
      %swap3A_689 = tpu.vector_load %arg10[%swap3A_687, %swap3A_688] {strides = array<i32>} : memref<448x32xf32, #tpu.memory_space<vmem>>, vector<16xf32>,
      tpu.vector_store %arg10[%swap3A_687, %swap3A_688], %gather3A_684 {strides = array<i32>} : memref<448x32xf32, #tpu.memory_space<vmem>>, vector<16xf32>,
      %slice3A_690 = vector.extract_strided_slice %and3A_568 {offsets = [4], sizes = [1], strides = [1]} : vector<16xi32> to vector<1xi32>
      %squeeze3A_691 = vector.extract %slice3A_690[0] : i32 from vector<1xi32>
      %broadcast_in_dim3A_692 = vector.broadcast %squeeze3A_691 : i32 to vector<16xi32>
      %add3A_693 = arith.constant 0 : i32
      %add3A_694 = vector.broadcast %add3A_693 : i32 to vector<16xi32>
      %add3A_695 = arith.addi %iota3A, %add3A_694 : vector<16xi32>
      %gather3A_696 = arith.constant 4 : i32
      %gather3A_697 = arith.constant 0 : i32
      %gather3A_698 = arith.constant 0 : i32
      %gather3A_699 = tpu.memref_slice %arg8[%gather3A_696, %gather3A_697, %gather3A_698] : memref<8x32x128xf32, #tpu.memory_space<vmem>> -> memref<1x32x128xf32, #tpu.memory_space<vmem>>
      %gather3A_700 = tpu.memref_squeeze %gather3A_699 : memref<1x32x128xf32, #tpu.memory_space<vmem>> -> memref<32x128xf32, #tpu.memory_space<vmem>>
      %gather3A_701 = tpu.vector_load_idx %gather3A_700[%add3A_695, %broadcast_in_dim3A_692] : memref<32x128xf32, #tpu.memory_space<vmem>>[vector<16xi32>, vector<16xi32>], vector<16xf32>,
      %add3A_702 = arith.constant 4 : i32
      %add3A_703 = arith.addi %mul3A_295, %add3A_702 : i32
      %swap3A_704 = arith.index_cast %add3A_703 : i32 to index
      %swap3A_705 = arith.constant 0 : index
      %swap3A_706 = tpu.vector_load %arg10[%swap3A_704, %swap3A_705] {strides = array<i32>} : memref<448x32xf32, #tpu.memory_space<vmem>>, vector<16xf32>,
      tpu.vector_store %arg10[%swap3A_704, %swap3A_705], %gather3A_701 {strides = array<i32>} : memref<448x32xf32, #tpu.memory_space<vmem>>, vector<16xf32>,
      %add3A_707 = arith.constant 16 : i32
      %add3A_708 = vector.broadcast %add3A_707 : i32 to vector<16xi32>
      %add3A_709 = arith.addi %iota3A, %add3A_708 : vector<16xi32>
      %gather3A_710 = arith.constant 4 : i32
      %gather3A_711 = arith.constant 0 : i32
      %gather3A_712 = arith.constant 0 : i32
      %gather3A_713 = tpu.memref_slice %arg8[%gather3A_710, %gather3A_711, %gather3A_712] : memref<8x32x128xf32, #tpu.memory_space<vmem>> -> memref<1x32x128xf32, #tpu.memory_space<vmem>>
      %gather3A_714 = tpu.memref_squeeze %gather3A_713 : memref<1x32x128xf32, #tpu.memory_space<vmem>> -> memref<32x128xf32, #tpu.memory_space<vmem>>
      %gather3A_715 = tpu.vector_load_idx %gather3A_714[%add3A_709, %broadcast_in_dim3A_692] : memref<32x128xf32, #tpu.memory_space<vmem>>[vector<16xi32>, vector<16xi32>], vector<16xf32>,
      %add3A_716 = arith.constant 4 : i32
      %add3A_717 = arith.addi %mul3A_295, %add3A_716 : i32
      %swap3A_718 = arith.index_cast %add3A_717 : i32 to index
      %swap3A_719 = arith.constant 16 : index
      %swap3A_720 = tpu.vector_load %arg10[%swap3A_718, %swap3A_719] {strides = array<i32>} : memref<448x32xf32, #tpu.memory_space<vmem>>, vector<16xf32>,
      tpu.vector_store %arg10[%swap3A_718, %swap3A_719], %gather3A_715 {strides = array<i32>} : memref<448x32xf32, #tpu.memory_space<vmem>>, vector<16xf32>,
      %slice3A_721 = vector.extract_strided_slice %and3A_568 {offsets = [5], sizes = [1], strides = [1]} : vector<16xi32> to vector<1xi32>
      %squeeze3A_722 = vector.extract %slice3A_721[0] : i32 from vector<1xi32>
      %broadcast_in_dim3A_723 = vector.broadcast %squeeze3A_722 : i32 to vector<16xi32>
      %add3A_724 = arith.constant 0 : i32
      %add3A_725 = vector.broadcast %add3A_724 : i32 to vector<16xi32>
      %add3A_726 = arith.addi %iota3A, %add3A_725 : vector<16xi32>
      %gather3A_727 = arith.constant 5 : i32
      %gather3A_728 = arith.constant 0 : i32
      %gather3A_729 = arith.constant 0 : i32
      %gather3A_730 = tpu.memref_slice %arg8[%gather3A_727, %gather3A_728, %gather3A_729] : memref<8x32x128xf32, #tpu.memory_space<vmem>> -> memref<1x32x128xf32, #tpu.memory_space<vmem>>
      %gather3A_731 = tpu.memref_squeeze %gather3A_730 : memref<1x32x128xf32, #tpu.memory_space<vmem>> -> memref<32x128xf32, #tpu.memory_space<vmem>>
      %gather3A_732 = tpu.vector_load_idx %gather3A_731[%add3A_726, %broadcast_in_dim3A_723] : memref<32x128xf32, #tpu.memory_space<vmem>>[vector<16xi32>, vector<16xi32>], vector<16xf32>,
      %add3A_733 = arith.constant 5 : i32
      %add3A_734 = arith.addi %mul3A_295, %add3A_733 : i32
      %swap3A_735 = arith.index_cast %add3A_734 : i32 to index
      %swap3A_736 = arith.constant 0 : index
      %swap3A_737 = tpu.vector_load %arg10[%swap3A_735, %swap3A_736] {strides = array<i32>} : memref<448x32xf32, #tpu.memory_space<vmem>>, vector<16xf32>,
      tpu.vector_store %arg10[%swap3A_735, %swap3A_736], %gather3A_732 {strides = array<i32>} : memref<448x32xf32, #tpu.memory_space<vmem>>, vector<16xf32>,
      %add3A_738 = arith.constant 16 : i32
      %add3A_739 = vector.broadcast %add3A_738 : i32 to vector<16xi32>
      %add3A_740 = arith.addi %iota3A, %add3A_739 : vector<16xi32>
      %gather3A_741 = arith.constant 5 : i32
      %gather3A_742 = arith.constant 0 : i32
      %gather3A_743 = arith.constant 0 : i32
      %gather3A_744 = tpu.memref_slice %arg8[%gather3A_741, %gather3A_742, %gather3A_743] : memref<8x32x128xf32, #tpu.memory_space<vmem>> -> memref<1x32x128xf32, #tpu.memory_space<vmem>>
      %gather3A_745 = tpu.memref_squeeze %gather3A_744 : memref<1x32x128xf32, #tpu.memory_space<vmem>> -> memref<32x128xf32, #tpu.memory_space<vmem>>
      %gather3A_746 = tpu.vector_load_idx %gather3A_745[%add3A_740, %broadcast_in_dim3A_723] : memref<32x128xf32, #tpu.memory_space<vmem>>[vector<16xi32>, vector<16xi32>], vector<16xf32>,
      %add3A_747 = arith.constant 5 : i32
      %add3A_748 = arith.addi %mul3A_295, %add3A_747 : i32
      %swap3A_749 = arith.index_cast %add3A_748 : i32 to index
      %swap3A_750 = arith.constant 16 : index
      %swap3A_751 = tpu.vector_load %arg10[%swap3A_749, %swap3A_750] {strides = array<i32>} : memref<448x32xf32, #tpu.memory_space<vmem>>, vector<16xf32>,
      tpu.vector_store %arg10[%swap3A_749, %swap3A_750], %gather3A_746 {strides = array<i32>} : memref<448x32xf32, #tpu.memory_space<vmem>>, vector<16xf32>,
      %slice3A_752 = vector.extract_strided_slice %and3A_568 {offsets = [6], sizes = [1], strides = [1]} : vector<16xi32> to vector<1xi32>
      %squeeze3A_753 = vector.extract %slice3A_752[0] : i32 from vector<1xi32>
      %broadcast_in_dim3A_754 = vector.broadcast %squeeze3A_753 : i32 to vector<16xi32>
      %add3A_755 = arith.constant 0 : i32
      %add3A_756 = vector.broadcast %add3A_755 : i32 to vector<16xi32>
      %add3A_757 = arith.addi %iota3A, %add3A_756 : vector<16xi32>
      %gather3A_758 = arith.constant 6 : i32
      %gather3A_759 = arith.constant 0 : i32
      %gather3A_760 = arith.constant 0 : i32
      %gather3A_761 = tpu.memref_slice %arg8[%gather3A_758, %gather3A_759, %gather3A_760] : memref<8x32x128xf32, #tpu.memory_space<vmem>> -> memref<1x32x128xf32, #tpu.memory_space<vmem>>
      %gather3A_762 = tpu.memref_squeeze %gather3A_761 : memref<1x32x128xf32, #tpu.memory_space<vmem>> -> memref<32x128xf32, #tpu.memory_space<vmem>>
      %gather3A_763 = tpu.vector_load_idx %gather3A_762[%add3A_757, %broadcast_in_dim3A_754] : memref<32x128xf32, #tpu.memory_space<vmem>>[vector<16xi32>, vector<16xi32>], vector<16xf32>,
      %add3A_764 = arith.constant 6 : i32
      %add3A_765 = arith.addi %mul3A_295, %add3A_764 : i32
      %swap3A_766 = arith.index_cast %add3A_765 : i32 to index
      %swap3A_767 = arith.constant 0 : index
      %swap3A_768 = tpu.vector_load %arg10[%swap3A_766, %swap3A_767] {strides = array<i32>} : memref<448x32xf32, #tpu.memory_space<vmem>>, vector<16xf32>,
      tpu.vector_store %arg10[%swap3A_766, %swap3A_767], %gather3A_763 {strides = array<i32>} : memref<448x32xf32, #tpu.memory_space<vmem>>, vector<16xf32>,
      %add3A_769 = arith.constant 16 : i32
      %add3A_770 = vector.broadcast %add3A_769 : i32 to vector<16xi32>
      %add3A_771 = arith.addi %iota3A, %add3A_770 : vector<16xi32>
      %gather3A_772 = arith.constant 6 : i32
      %gather3A_773 = arith.constant 0 : i32
      %gather3A_774 = arith.constant 0 : i32
      %gather3A_775 = tpu.memref_slice %arg8[%gather3A_772, %gather3A_773, %gather3A_774] : memref<8x32x128xf32, #tpu.memory_space<vmem>> -> memref<1x32x128xf32, #tpu.memory_space<vmem>>
      %gather3A_776 = tpu.memref_squeeze %gather3A_775 : memref<1x32x128xf32, #tpu.memory_space<vmem>> -> memref<32x128xf32, #tpu.memory_space<vmem>>
      %gather3A_777 = tpu.vector_load_idx %gather3A_776[%add3A_771, %broadcast_in_dim3A_754] : memref<32x128xf32, #tpu.memory_space<vmem>>[vector<16xi32>, vector<16xi32>], vector<16xf32>,
      %add3A_778 = arith.constant 6 : i32
      %add3A_779 = arith.addi %mul3A_295, %add3A_778 : i32
      %swap3A_780 = arith.index_cast %add3A_779 : i32 to index
      %swap3A_781 = arith.constant 16 : index
      %swap3A_782 = tpu.vector_load %arg10[%swap3A_780, %swap3A_781] {strides = array<i32>} : memref<448x32xf32, #tpu.memory_space<vmem>>, vector<16xf32>,
      tpu.vector_store %arg10[%swap3A_780, %swap3A_781], %gather3A_777 {strides = array<i32>} : memref<448x32xf32, #tpu.memory_space<vmem>>, vector<16xf32>,
      %slice3A_783 = vector.extract_strided_slice %and3A_568 {offsets = [7], sizes = [1], strides = [1]} : vector<16xi32> to vector<1xi32>
      %squeeze3A_784 = vector.extract %slice3A_783[0] : i32 from vector<1xi32>
      %broadcast_in_dim3A_785 = vector.broadcast %squeeze3A_784 : i32 to vector<16xi32>
      %add3A_786 = arith.constant 0 : i32
      %add3A_787 = vector.broadcast %add3A_786 : i32 to vector<16xi32>
      %add3A_788 = arith.addi %iota3A, %add3A_787 : vector<16xi32>
      %gather3A_789 = arith.constant 7 : i32
      %gather3A_790 = arith.constant 0 : i32
      %gather3A_791 = arith.constant 0 : i32
      %gather3A_792 = tpu.memref_slice %arg8[%gather3A_789, %gather3A_790, %gather3A_791] : memref<8x32x128xf32, #tpu.memory_space<vmem>> -> memref<1x32x128xf32, #tpu.memory_space<vmem>>
      %gather3A_793 = tpu.memref_squeeze %gather3A_792 : memref<1x32x128xf32, #tpu.memory_space<vmem>> -> memref<32x128xf32, #tpu.memory_space<vmem>>
      %gather3A_794 = tpu.vector_load_idx %gather3A_793[%add3A_788, %broadcast_in_dim3A_785] : memref<32x128xf32, #tpu.memory_space<vmem>>[vector<16xi32>, vector<16xi32>], vector<16xf32>,
      %add3A_795 = arith.constant 7 : i32
      %add3A_796 = arith.addi %mul3A_295, %add3A_795 : i32
      %swap3A_797 = arith.index_cast %add3A_796 : i32 to index
      %swap3A_798 = arith.constant 0 : index
      %swap3A_799 = tpu.vector_load %arg10[%swap3A_797, %swap3A_798] {strides = array<i32>} : memref<448x32xf32, #tpu.memory_space<vmem>>, vector<16xf32>,
      tpu.vector_store %arg10[%swap3A_797, %swap3A_798], %gather3A_794 {strides = array<i32>} : memref<448x32xf32, #tpu.memory_space<vmem>>, vector<16xf32>,
      %add3A_800 = arith.constant 16 : i32
      %add3A_801 = vector.broadcast %add3A_800 : i32 to vector<16xi32>
      %add3A_802 = arith.addi %iota3A, %add3A_801 : vector<16xi32>
      %gather3A_803 = arith.constant 7 : i32
      %gather3A_804 = arith.constant 0 : i32
      %gather3A_805 = arith.constant 0 : i32
      %gather3A_806 = tpu.memref_slice %arg8[%gather3A_803, %gather3A_804, %gather3A_805] : memref<8x32x128xf32, #tpu.memory_space<vmem>> -> memref<1x32x128xf32, #tpu.memory_space<vmem>>
      %gather3A_807 = tpu.memref_squeeze %gather3A_806 : memref<1x32x128xf32, #tpu.memory_space<vmem>> -> memref<32x128xf32, #tpu.memory_space<vmem>>
      %gather3A_808 = tpu.vector_load_idx %gather3A_807[%add3A_802, %broadcast_in_dim3A_785] : memref<32x128xf32, #tpu.memory_space<vmem>>[vector<16xi32>, vector<16xi32>], vector<16xf32>,
      %add3A_809 = arith.constant 7 : i32
      %add3A_810 = arith.addi %mul3A_295, %add3A_809 : i32
      %swap3A_811 = arith.index_cast %add3A_810 : i32 to index
      %swap3A_812 = arith.constant 16 : index
      %swap3A_813 = tpu.vector_load %arg10[%swap3A_811, %swap3A_812] {strides = array<i32>} : memref<448x32xf32, #tpu.memory_space<vmem>>, vector<16xf32>,
      tpu.vector_store %arg10[%swap3A_811, %swap3A_812], %gather3A_808 {strides = array<i32>} : memref<448x32xf32, #tpu.memory_space<vmem>>, vector<16xf32>,
      %add3A_814 = arith.constant 16 : i32
      %add3A_815 = arith.addi %mul3A_295, %add3A_814 : i32
      %min3A = arith.constant 440 : i32
      %min3A_816 = arith.minsi %add3A_815, %min3A : i32
      %get3A_817 = arith.index_cast %min3A_816 : i32 to index
      %get3A_818 = tpu.vector_load %arg6[%get3A_817] {strides = array<i32>} : memref<464xi32, #tpu.memory_space<vmem>>, vector<16xi32>,
      %and3A_819 = arith.constant -128 : i32
      %and3A_820 = vector.broadcast %and3A_819 : i32 to vector<16xi32>
      %and3A_821 = arith.andi %get3A_818, %and3A_820 : vector<16xi32>
      %get3A_822 = arith.index_cast %min3A_816 : i32 to index
      %get3A_823 = tpu.vector_load %arg7[%get3A_822] {strides = array<i32>} : memref<464xi32, #tpu.memory_space<vmem>>, vector<16xi32>,
      %mul3A_824 = arith.constant 32 : i32
      %mul3A_825 = vector.broadcast %mul3A_824 : i32 to vector<16xi32>
      %mul3A_826 = arith.muli %get3A_823, %mul3A_825 : vector<16xi32>
      %slice3A_827 = vector.extract_strided_slice %mul3A_826 {offsets = [0], sizes = [1], strides = [1]} : vector<16xi32> to vector<1xi32>
      %squeeze3A_828 = vector.extract %slice3A_827[0] : i32 from vector<1xi32>
      %multiple_of3A_829 = tpu.assume_multiple %squeeze3A_828, 8 : i32
      %slice3A_830 = vector.extract_strided_slice %and3A_821 {offsets = [0], sizes = [1], strides = [1]} : vector<16xi32> to vector<1xi32>
      %squeeze3A_831 = vector.extract %slice3A_830[0] : i32 from vector<1xi32>
      %multiple_of3A_832 = tpu.assume_multiple %squeeze3A_831, 128 : i32
      %dma_start3A_833 = arith.constant 0 : i32
      %dma_start3A_834 = arith.constant 0 : i32
      %dma_start3A_835 = arith.constant 0 : i32
      %dma_start3A_836 = tpu.memref_slice %arg8[%dma_start3A_833, %dma_start3A_834, %dma_start3A_835] : memref<8x32x128xf32, #tpu.memory_space<vmem>> -> memref<1x32x128xf32, #tpu.memory_space<vmem>>
      %dma_start3A_837 = tpu.memref_squeeze %dma_start3A_836 : memref<1x32x128xf32, #tpu.memory_space<vmem>> -> memref<32x128xf32, #tpu.memory_space<vmem>>
      %dma_start3A_838 = tpu.memref_slice %arg4[%multiple_of3A_829, %multiple_of3A_832] : memref<640x100000xf32, #tpu.memory_space<hbm>> -> memref<32x128xf32, #tpu.memory_space<hbm>>
      %dma_start3A_839 = arith.constant 0 : i32
      %dma_start3A_840 = arith.constant 0 : i32
      %dma_start3A_841 = tpu.memref_slice %arg8[%dma_start3A_833, %dma_start3A_839, %dma_start3A_840] : memref<8x32x128xf32, #tpu.memory_space<vmem>> -> memref<1x32x128xf32, #tpu.memory_space<vmem>>
      %dma_start3A_842 = tpu.memref_squeeze %dma_start3A_841 : memref<1x32x128xf32, #tpu.memory_space<vmem>> -> memref<32x128xf32, #tpu.memory_space<vmem>>
      %dma_start3A_843 = tpu.memref_slice %arg4[%multiple_of3A_829, %multiple_of3A_832] : memref<640x100000xf32, #tpu.memory_space<hbm>> -> memref<32x128xf32, #tpu.memory_space<hbm>>
      tpu.enqueue_dma source(%dma_start3A_843 : memref<32x128xf32, #tpu.memory_space<hbm>>) target(%dma_start3A_842 : memref<32x128xf32, #tpu.memory_space<vmem>>) target_semaphore(%arg11 : memref<!tpu.dma_semaphore, #tpu.memory_space<semaphore_mem>>)
      %slice3A_844 = vector.extract_strided_slice %mul3A_826 {offsets = [1], sizes = [1], strides = [1]} : vector<16xi32> to vector<1xi32>
      %squeeze3A_845 = vector.extract %slice3A_844[0] : i32 from vector<1xi32>
      %multiple_of3A_846 = tpu.assume_multiple %squeeze3A_845, 8 : i32
      %slice3A_847 = vector.extract_strided_slice %and3A_821 {offsets = [1], sizes = [1], strides = [1]} : vector<16xi32> to vector<1xi32>
      %squeeze3A_848 = vector.extract %slice3A_847[0] : i32 from vector<1xi32>
      %multiple_of3A_849 = tpu.assume_multiple %squeeze3A_848, 128 : i32
      %dma_start3A_850 = arith.constant 1 : i32
      %dma_start3A_851 = arith.constant 0 : i32
      %dma_start3A_852 = arith.constant 0 : i32
      %dma_start3A_853 = tpu.memref_slice %arg8[%dma_start3A_850, %dma_start3A_851, %dma_start3A_852] : memref<8x32x128xf32, #tpu.memory_space<vmem>> -> memref<1x32x128xf32, #tpu.memory_space<vmem>>
      %dma_start3A_854 = tpu.memref_squeeze %dma_start3A_853 : memref<1x32x128xf32, #tpu.memory_space<vmem>> -> memref<32x128xf32, #tpu.memory_space<vmem>>
      %dma_start3A_855 = tpu.memref_slice %arg4[%multiple_of3A_846, %multiple_of3A_849] : memref<640x100000xf32, #tpu.memory_space<hbm>> -> memref<32x128xf32, #tpu.memory_space<hbm>>
      %dma_start3A_856 = arith.constant 0 : i32
      %dma_start3A_857 = arith.constant 0 : i32
      %dma_start3A_858 = tpu.memref_slice %arg8[%dma_start3A_850, %dma_start3A_856, %dma_start3A_857] : memref<8x32x128xf32, #tpu.memory_space<vmem>> -> memref<1x32x128xf32, #tpu.memory_space<vmem>>
      %dma_start3A_859 = tpu.memref_squeeze %dma_start3A_858 : memref<1x32x128xf32, #tpu.memory_space<vmem>> -> memref<32x128xf32, #tpu.memory_space<vmem>>
      %dma_start3A_860 = tpu.memref_slice %arg4[%multiple_of3A_846, %multiple_of3A_849] : memref<640x100000xf32, #tpu.memory_space<hbm>> -> memref<32x128xf32, #tpu.memory_space<hbm>>
      tpu.enqueue_dma source(%dma_start3A_860 : memref<32x128xf32, #tpu.memory_space<hbm>>) target(%dma_start3A_859 : memref<32x128xf32, #tpu.memory_space<vmem>>) target_semaphore(%arg11 : memref<!tpu.dma_semaphore, #tpu.memory_space<semaphore_mem>>)
      %slice3A_861 = vector.extract_strided_slice %mul3A_826 {offsets = [2], sizes = [1], strides = [1]} : vector<16xi32> to vector<1xi32>
      %squeeze3A_862 = vector.extract %slice3A_861[0] : i32 from vector<1xi32>
      %multiple_of3A_863 = tpu.assume_multiple %squeeze3A_862, 8 : i32
      %slice3A_864 = vector.extract_strided_slice %and3A_821 {offsets = [2], sizes = [1], strides = [1]} : vector<16xi32> to vector<1xi32>
      %squeeze3A_865 = vector.extract %slice3A_864[0] : i32 from vector<1xi32>
      %multiple_of3A_866 = tpu.assume_multiple %squeeze3A_865, 128 : i32
      %dma_start3A_867 = arith.constant 2 : i32
      %dma_start3A_868 = arith.constant 0 : i32
      %dma_start3A_869 = arith.constant 0 : i32
      %dma_start3A_870 = tpu.memref_slice %arg8[%dma_start3A_867, %dma_start3A_868, %dma_start3A_869] : memref<8x32x128xf32, #tpu.memory_space<vmem>> -> memref<1x32x128xf32, #tpu.memory_space<vmem>>
      %dma_start3A_871 = tpu.memref_squeeze %dma_start3A_870 : memref<1x32x128xf32, #tpu.memory_space<vmem>> -> memref<32x128xf32, #tpu.memory_space<vmem>>
      %dma_start3A_872 = tpu.memref_slice %arg4[%multiple_of3A_863, %multiple_of3A_866] : memref<640x100000xf32, #tpu.memory_space<hbm>> -> memref<32x128xf32, #tpu.memory_space<hbm>>
      %dma_start3A_873 = arith.constant 0 : i32
      %dma_start3A_874 = arith.constant 0 : i32
      %dma_start3A_875 = tpu.memref_slice %arg8[%dma_start3A_867, %dma_start3A_873, %dma_start3A_874] : memref<8x32x128xf32, #tpu.memory_space<vmem>> -> memref<1x32x128xf32, #tpu.memory_space<vmem>>
      %dma_start3A_876 = tpu.memref_squeeze %dma_start3A_875 : memref<1x32x128xf32, #tpu.memory_space<vmem>> -> memref<32x128xf32, #tpu.memory_space<vmem>>
      %dma_start3A_877 = tpu.memref_slice %arg4[%multiple_of3A_863, %multiple_of3A_866] : memref<640x100000xf32, #tpu.memory_space<hbm>> -> memref<32x128xf32, #tpu.memory_space<hbm>>
      tpu.enqueue_dma source(%dma_start3A_877 : memref<32x128xf32, #tpu.memory_space<hbm>>) target(%dma_start3A_876 : memref<32x128xf32, #tpu.memory_space<vmem>>) target_semaphore(%arg11 : memref<!tpu.dma_semaphore, #tpu.memory_space<semaphore_mem>>)
      %slice3A_878 = vector.extract_strided_slice %mul3A_826 {offsets = [3], sizes = [1], strides = [1]} : vector<16xi32> to vector<1xi32>
      %squeeze3A_879 = vector.extract %slice3A_878[0] : i32 from vector<1xi32>
      %multiple_of3A_880 = tpu.assume_multiple %squeeze3A_879, 8 : i32
      %slice3A_881 = vector.extract_strided_slice %and3A_821 {offsets = [3], sizes = [1], strides = [1]} : vector<16xi32> to vector<1xi32>
      %squeeze3A_882 = vector.extract %slice3A_881[0] : i32 from vector<1xi32>
      %multiple_of3A_883 = tpu.assume_multiple %squeeze3A_882, 128 : i32
      %dma_start3A_884 = arith.constant 3 : i32
      %dma_start3A_885 = arith.constant 0 : i32
      %dma_start3A_886 = arith.constant 0 : i32
      %dma_start3A_887 = tpu.memref_slice %arg8[%dma_start3A_884, %dma_start3A_885, %dma_start3A_886] : memref<8x32x128xf32, #tpu.memory_space<vmem>> -> memref<1x32x128xf32, #tpu.memory_space<vmem>>
      %dma_start3A_888 = tpu.memref_squeeze %dma_start3A_887 : memref<1x32x128xf32, #tpu.memory_space<vmem>> -> memref<32x128xf32, #tpu.memory_space<vmem>>
      %dma_start3A_889 = tpu.memref_slice %arg4[%multiple_of3A_880, %multiple_of3A_883] : memref<640x100000xf32, #tpu.memory_space<hbm>> -> memref<32x128xf32, #tpu.memory_space<hbm>>
      %dma_start3A_890 = arith.constant 0 : i32
      %dma_start3A_891 = arith.constant 0 : i32
      %dma_start3A_892 = tpu.memref_slice %arg8[%dma_start3A_884, %dma_start3A_890, %dma_start3A_891] : memref<8x32x128xf32, #tpu.memory_space<vmem>> -> memref<1x32x128xf32, #tpu.memory_space<vmem>>
      %dma_start3A_893 = tpu.memref_squeeze %dma_start3A_892 : memref<1x32x128xf32, #tpu.memory_space<vmem>> -> memref<32x128xf32, #tpu.memory_space<vmem>>
      %dma_start3A_894 = tpu.memref_slice %arg4[%multiple_of3A_880, %multiple_of3A_883] : memref<640x100000xf32, #tpu.memory_space<hbm>> -> memref<32x128xf32, #tpu.memory_space<hbm>>
      tpu.enqueue_dma source(%dma_start3A_894 : memref<32x128xf32, #tpu.memory_space<hbm>>) target(%dma_start3A_893 : memref<32x128xf32, #tpu.memory_space<vmem>>) target_semaphore(%arg11 : memref<!tpu.dma_semaphore, #tpu.memory_space<semaphore_mem>>)
      %slice3A_895 = vector.extract_strided_slice %mul3A_826 {offsets = [4], sizes = [1], strides = [1]} : vector<16xi32> to vector<1xi32>
      %squeeze3A_896 = vector.extract %slice3A_895[0] : i32 from vector<1xi32>
      %multiple_of3A_897 = tpu.assume_multiple %squeeze3A_896, 8 : i32
      %slice3A_898 = vector.extract_strided_slice %and3A_821 {offsets = [4], sizes = [1], strides = [1]} : vector<16xi32> to vector<1xi32>
      %squeeze3A_899 = vector.extract %slice3A_898[0] : i32 from vector<1xi32>
      %multiple_of3A_900 = tpu.assume_multiple %squeeze3A_899, 128 : i32
      %dma_start3A_901 = arith.constant 4 : i32
      %dma_start3A_902 = arith.constant 0 : i32
      %dma_start3A_903 = arith.constant 0 : i32
      %dma_start3A_904 = tpu.memref_slice %arg8[%dma_start3A_901, %dma_start3A_902, %dma_start3A_903] : memref<8x32x128xf32, #tpu.memory_space<vmem>> -> memref<1x32x128xf32, #tpu.memory_space<vmem>>
      %dma_start3A_905 = tpu.memref_squeeze %dma_start3A_904 : memref<1x32x128xf32, #tpu.memory_space<vmem>> -> memref<32x128xf32, #tpu.memory_space<vmem>>
      %dma_start3A_906 = tpu.memref_slice %arg4[%multiple_of3A_897, %multiple_of3A_900] : memref<640x100000xf32, #tpu.memory_space<hbm>> -> memref<32x128xf32, #tpu.memory_space<hbm>>
      %dma_start3A_907 = arith.constant 0 : i32
      %dma_start3A_908 = arith.constant 0 : i32
      %dma_start3A_909 = tpu.memref_slice %arg8[%dma_start3A_901, %dma_start3A_907, %dma_start3A_908] : memref<8x32x128xf32, #tpu.memory_space<vmem>> -> memref<1x32x128xf32, #tpu.memory_space<vmem>>
      %dma_start3A_910 = tpu.memref_squeeze %dma_start3A_909 : memref<1x32x128xf32, #tpu.memory_space<vmem>> -> memref<32x128xf32, #tpu.memory_space<vmem>>
      %dma_start3A_911 = tpu.memref_slice %arg4[%multiple_of3A_897, %multiple_of3A_900] : memref<640x100000xf32, #tpu.memory_space<hbm>> -> memref<32x128xf32, #tpu.memory_space<hbm>>
      tpu.enqueue_dma source(%dma_start3A_911 : memref<32x128xf32, #tpu.memory_space<hbm>>) target(%dma_start3A_910 : memref<32x128xf32, #tpu.memory_space<vmem>>) target_semaphore(%arg11 : memref<!tpu.dma_semaphore, #tpu.memory_space<semaphore_mem>>)
      %slice3A_912 = vector.extract_strided_slice %mul3A_826 {offsets = [5], sizes = [1], strides = [1]} : vector<16xi32> to vector<1xi32>
      %squeeze3A_913 = vector.extract %slice3A_912[0] : i32 from vector<1xi32>
      %multiple_of3A_914 = tpu.assume_multiple %squeeze3A_913, 8 : i32
      %slice3A_915 = vector.extract_strided_slice %and3A_821 {offsets = [5], sizes = [1], strides = [1]} : vector<16xi32> to vector<1xi32>
      %squeeze3A_916 = vector.extract %slice3A_915[0] : i32 from vector<1xi32>
      %multiple_of3A_917 = tpu.assume_multiple %squeeze3A_916, 128 : i32
      %dma_start3A_918 = arith.constant 5 : i32
      %dma_start3A_919 = arith.constant 0 : i32
      %dma_start3A_920 = arith.constant 0 : i32
      %dma_start3A_921 = tpu.memref_slice %arg8[%dma_start3A_918, %dma_start3A_919, %dma_start3A_920] : memref<8x32x128xf32, #tpu.memory_space<vmem>> -> memref<1x32x128xf32, #tpu.memory_space<vmem>>
      %dma_start3A_922 = tpu.memref_squeeze %dma_start3A_921 : memref<1x32x128xf32, #tpu.memory_space<vmem>> -> memref<32x128xf32, #tpu.memory_space<vmem>>
      %dma_start3A_923 = tpu.memref_slice %arg4[%multiple_of3A_914, %multiple_of3A_917] : memref<640x100000xf32, #tpu.memory_space<hbm>> -> memref<32x128xf32, #tpu.memory_space<hbm>>
      %dma_start3A_924 = arith.constant 0 : i32
      %dma_start3A_925 = arith.constant 0 : i32
      %dma_start3A_926 = tpu.memref_slice %arg8[%dma_start3A_918, %dma_start3A_924, %dma_start3A_925] : memref<8x32x128xf32, #tpu.memory_space<vmem>> -> memref<1x32x128xf32, #tpu.memory_space<vmem>>
      %dma_start3A_927 = tpu.memref_squeeze %dma_start3A_926 : memref<1x32x128xf32, #tpu.memory_space<vmem>> -> memref<32x128xf32, #tpu.memory_space<vmem>>
      %dma_start3A_928 = tpu.memref_slice %arg4[%multiple_of3A_914, %multiple_of3A_917] : memref<640x100000xf32, #tpu.memory_space<hbm>> -> memref<32x128xf32, #tpu.memory_space<hbm>>
      tpu.enqueue_dma source(%dma_start3A_928 : memref<32x128xf32, #tpu.memory_space<hbm>>) target(%dma_start3A_927 : memref<32x128xf32, #tpu.memory_space<vmem>>) target_semaphore(%arg11 : memref<!tpu.dma_semaphore, #tpu.memory_space<semaphore_mem>>)
      %slice3A_929 = vector.extract_strided_slice %mul3A_826 {offsets = [6], sizes = [1], strides = [1]} : vector<16xi32> to vector<1xi32>
      %squeeze3A_930 = vector.extract %slice3A_929[0] : i32 from vector<1xi32>
      %multiple_of3A_931 = tpu.assume_multiple %squeeze3A_930, 8 : i32
      %slice3A_932 = vector.extract_strided_slice %and3A_821 {offsets = [6], sizes = [1], strides = [1]} : vector<16xi32> to vector<1xi32>
      %squeeze3A_933 = vector.extract %slice3A_932[0] : i32 from vector<1xi32>
      %multiple_of3A_934 = tpu.assume_multiple %squeeze3A_933, 128 : i32
      %dma_start3A_935 = arith.constant 6 : i32
      %dma_start3A_936 = arith.constant 0 : i32
      %dma_start3A_937 = arith.constant 0 : i32
      %dma_start3A_938 = tpu.memref_slice %arg8[%dma_start3A_935, %dma_start3A_936, %dma_start3A_937] : memref<8x32x128xf32, #tpu.memory_space<vmem>> -> memref<1x32x128xf32, #tpu.memory_space<vmem>>
      %dma_start3A_939 = tpu.memref_squeeze %dma_start3A_938 : memref<1x32x128xf32, #tpu.memory_space<vmem>> -> memref<32x128xf32, #tpu.memory_space<vmem>>
      %dma_start3A_940 = tpu.memref_slice %arg4[%multiple_of3A_931, %multiple_of3A_934] : memref<640x100000xf32, #tpu.memory_space<hbm>> -> memref<32x128xf32, #tpu.memory_space<hbm>>
      %dma_start3A_941 = arith.constant 0 : i32
      %dma_start3A_942 = arith.constant 0 : i32
      %dma_start3A_943 = tpu.memref_slice %arg8[%dma_start3A_935, %dma_start3A_941, %dma_start3A_942] : memref<8x32x128xf32, #tpu.memory_space<vmem>> -> memref<1x32x128xf32, #tpu.memory_space<vmem>>
      %dma_start3A_944 = tpu.memref_squeeze %dma_start3A_943 : memref<1x32x128xf32, #tpu.memory_space<vmem>> -> memref<32x128xf32, #tpu.memory_space<vmem>>
      %dma_start3A_945 = tpu.memref_slice %arg4[%multiple_of3A_931, %multiple_of3A_934] : memref<640x100000xf32, #tpu.memory_space<hbm>> -> memref<32x128xf32, #tpu.memory_space<hbm>>
      tpu.enqueue_dma source(%dma_start3A_945 : memref<32x128xf32, #tpu.memory_space<hbm>>) target(%dma_start3A_944 : memref<32x128xf32, #tpu.memory_space<vmem>>) target_semaphore(%arg11 : memref<!tpu.dma_semaphore, #tpu.memory_space<semaphore_mem>>)
      %slice3A_946 = vector.extract_strided_slice %mul3A_826 {offsets = [7], sizes = [1], strides = [1]} : vector<16xi32> to vector<1xi32>
      %squeeze3A_947 = vector.extract %slice3A_946[0] : i32 from vector<1xi32>
      %multiple_of3A_948 = tpu.assume_multiple %squeeze3A_947, 8 : i32
      %slice3A_949 = vector.extract_strided_slice %and3A_821 {offsets = [7], sizes = [1], strides = [1]} : vector<16xi32> to vector<1xi32>
      %squeeze3A_950 = vector.extract %slice3A_949[0] : i32 from vector<1xi32>
      %multiple_of3A_951 = tpu.assume_multiple %squeeze3A_950, 128 : i32
      %dma_start3A_952 = arith.constant 7 : i32
      %dma_start3A_953 = arith.constant 0 : i32
      %dma_start3A_954 = arith.constant 0 : i32
      %dma_start3A_955 = tpu.memref_slice %arg8[%dma_start3A_952, %dma_start3A_953, %dma_start3A_954] : memref<8x32x128xf32, #tpu.memory_space<vmem>> -> memref<1x32x128xf32, #tpu.memory_space<vmem>>
      %dma_start3A_956 = tpu.memref_squeeze %dma_start3A_955 : memref<1x32x128xf32, #tpu.memory_space<vmem>> -> memref<32x128xf32, #tpu.memory_space<vmem>>
      %dma_start3A_957 = tpu.memref_slice %arg4[%multiple_of3A_948, %multiple_of3A_951] : memref<640x100000xf32, #tpu.memory_space<hbm>> -> memref<32x128xf32, #tpu.memory_space<hbm>>
      %dma_start3A_958 = arith.constant 0 : i32
      %dma_start3A_959 = arith.constant 0 : i32
      %dma_start3A_960 = tpu.memref_slice %arg8[%dma_start3A_952, %dma_start3A_958, %dma_start3A_959] : memref<8x32x128xf32, #tpu.memory_space<vmem>> -> memref<1x32x128xf32, #tpu.memory_space<vmem>>
      %dma_start3A_961 = tpu.memref_squeeze %dma_start3A_960 : memref<1x32x128xf32, #tpu.memory_space<vmem>> -> memref<32x128xf32, #tpu.memory_space<vmem>>
      %dma_start3A_962 = tpu.memref_slice %arg4[%multiple_of3A_948, %multiple_of3A_951] : memref<640x100000xf32, #tpu.memory_space<hbm>> -> memref<32x128xf32, #tpu.memory_space<hbm>>
      tpu.enqueue_dma source(%dma_start3A_962 : memref<32x128xf32, #tpu.memory_space<hbm>>) target(%dma_start3A_961 : memref<32x128xf32, #tpu.memory_space<vmem>>) target_semaphore(%arg11 : memref<!tpu.dma_semaphore, #tpu.memory_space<semaphore_mem>>)
      %dma_wait3A_963 = arith.constant 0 : i32
      %dma_wait3A_964 = arith.constant 0 : i32
      %dma_wait3A_965 = arith.constant 0 : i32
      %dma_wait3A_966 = tpu.memref_slice %arg9[%dma_wait3A_963, %dma_wait3A_964, %dma_wait3A_965] : memref<8x32x128xf32, #tpu.memory_space<vmem>> -> memref<1x32x128xf32, #tpu.memory_space<vmem>>
      %dma_wait3A_967 = tpu.memref_squeeze %dma_wait3A_966 : memref<1x32x128xf32, #tpu.memory_space<vmem>> -> memref<32x128xf32, #tpu.memory_space<vmem>>
      %dma_wait3A_968 = arith.constant 0 : i32
      %dma_wait3A_969 = arith.constant 0 : i32
      %dma_wait3A_970 = tpu.memref_slice %arg4[%dma_wait3A_968, %dma_wait3A_969] : memref<640x100000xf32, #tpu.memory_space<hbm>> -> memref<32x128xf32, #tpu.memory_space<hbm>>
      %dma_wait3A_971 = arith.constant 0 : i32
      %dma_wait3A_972 = arith.constant 0 : i32
      %dma_wait3A_973 = tpu.memref_slice %arg9[%dma_wait3A_963, %dma_wait3A_971, %dma_wait3A_972] : memref<8x32x128xf32, #tpu.memory_space<vmem>> -> memref<1x32x128xf32, #tpu.memory_space<vmem>>
      %dma_wait3A_974 = tpu.memref_squeeze %dma_wait3A_973 : memref<1x32x128xf32, #tpu.memory_space<vmem>> -> memref<32x128xf32, #tpu.memory_space<vmem>>
      %dma_wait3A_975 = arith.constant 0 : i32
      %dma_wait3A_976 = arith.constant 0 : i32
      %dma_wait3A_977 = tpu.memref_slice %arg4[%dma_wait3A_975, %dma_wait3A_976] : memref<640x100000xf32, #tpu.memory_space<hbm>> -> memref<32x128xf32, #tpu.memory_space<hbm>>
      tpu.wait_dma2 semaphore(%arg12 : memref<!tpu.dma_semaphore, #tpu.memory_space<semaphore_mem>>) src(%dma_wait3A_977 : memref<32x128xf32, #tpu.memory_space<hbm>>) dst(%dma_wait3A_974 : memref<32x128xf32, #tpu.memory_space<vmem>>)
      %dma_wait3A_978 = arith.constant 1 : i32
      %dma_wait3A_979 = arith.constant 0 : i32
      %dma_wait3A_980 = arith.constant 0 : i32
      %dma_wait3A_981 = tpu.memref_slice %arg9[%dma_wait3A_978, %dma_wait3A_979, %dma_wait3A_980] : memref<8x32x128xf32, #tpu.memory_space<vmem>> -> memref<1x32x128xf32, #tpu.memory_space<vmem>>
      %dma_wait3A_982 = tpu.memref_squeeze %dma_wait3A_981 : memref<1x32x128xf32, #tpu.memory_space<vmem>> -> memref<32x128xf32, #tpu.memory_space<vmem>>
      %dma_wait3A_983 = arith.constant 0 : i32
      %dma_wait3A_984 = arith.constant 0 : i32
      %dma_wait3A_985 = tpu.memref_slice %arg4[%dma_wait3A_983, %dma_wait3A_984] : memref<640x100000xf32, #tpu.memory_space<hbm>> -> memref<32x128xf32, #tpu.memory_space<hbm>>
      %dma_wait3A_986 = arith.constant 0 : i32
      %dma_wait3A_987 = arith.constant 0 : i32
      %dma_wait3A_988 = tpu.memref_slice %arg9[%dma_wait3A_978, %dma_wait3A_986, %dma_wait3A_987] : memref<8x32x128xf32, #tpu.memory_space<vmem>> -> memref<1x32x128xf32, #tpu.memory_space<vmem>>
      %dma_wait3A_989 = tpu.memref_squeeze %dma_wait3A_988 : memref<1x32x128xf32, #tpu.memory_space<vmem>> -> memref<32x128xf32, #tpu.memory_space<vmem>>
      %dma_wait3A_990 = arith.constant 0 : i32
      %dma_wait3A_991 = arith.constant 0 : i32
      %dma_wait3A_992 = tpu.memref_slice %arg4[%dma_wait3A_990, %dma_wait3A_991] : memref<640x100000xf32, #tpu.memory_space<hbm>> -> memref<32x128xf32, #tpu.memory_space<hbm>>
      tpu.wait_dma2 semaphore(%arg12 : memref<!tpu.dma_semaphore, #tpu.memory_space<semaphore_mem>>) src(%dma_wait3A_992 : memref<32x128xf32, #tpu.memory_space<hbm>>) dst(%dma_wait3A_989 : memref<32x128xf32, #tpu.memory_space<vmem>>)
      %dma_wait3A_993 = arith.constant 2 : i32
      %dma_wait3A_994 = arith.constant 0 : i32
      %dma_wait3A_995 = arith.constant 0 : i32
      %dma_wait3A_996 = tpu.memref_slice %arg9[%dma_wait3A_993, %dma_wait3A_994, %dma_wait3A_995] : memref<8x32x128xf32, #tpu.memory_space<vmem>> -> memref<1x32x128xf32, #tpu.memory_space<vmem>>
      %dma_wait3A_997 = tpu.memref_squeeze %dma_wait3A_996 : memref<1x32x128xf32, #tpu.memory_space<vmem>> -> memref<32x128xf32, #tpu.memory_space<vmem>>
      %dma_wait3A_998 = arith.constant 0 : i32
      %dma_wait3A_999 = arith.constant 0 : i32
      %dma_wait3A_1000 = tpu.memref_slice %arg4[%dma_wait3A_998, %dma_wait3A_999] : memref<640x100000xf32, #tpu.memory_space<hbm>> -> memref<32x128xf32, #tpu.memory_space<hbm>>
      %dma_wait3A_1001 = arith.constant 0 : i32
      %dma_wait3A_1002 = arith.constant 0 : i32
      %dma_wait3A_1003 = tpu.memref_slice %arg9[%dma_wait3A_993, %dma_wait3A_1001, %dma_wait3A_1002] : memref<8x32x128xf32, #tpu.memory_space<vmem>> -> memref<1x32x128xf32, #tpu.memory_space<vmem>>
      %dma_wait3A_1004 = tpu.memref_squeeze %dma_wait3A_1003 : memref<1x32x128xf32, #tpu.memory_space<vmem>> -> memref<32x128xf32, #tpu.memory_space<vmem>>
      %dma_wait3A_1005 = arith.constant 0 : i32
      %dma_wait3A_1006 = arith.constant 0 : i32
      %dma_wait3A_1007 = tpu.memref_slice %arg4[%dma_wait3A_1005, %dma_wait3A_1006] : memref<640x100000xf32, #tpu.memory_space<hbm>> -> memref<32x128xf32, #tpu.memory_space<hbm>>
      tpu.wait_dma2 semaphore(%arg12 : memref<!tpu.dma_semaphore, #tpu.memory_space<semaphore_mem>>) src(%dma_wait3A_1007 : memref<32x128xf32, #tpu.memory_space<hbm>>) dst(%dma_wait3A_1004 : memref<32x128xf32, #tpu.memory_space<vmem>>)
      %dma_wait3A_1008 = arith.constant 3 : i32
      %dma_wait3A_1009 = arith.constant 0 : i32
      %dma_wait3A_1010 = arith.constant 0 : i32
      %dma_wait3A_1011 = tpu.memref_slice %arg9[%dma_wait3A_1008, %dma_wait3A_1009, %dma_wait3A_1010] : memref<8x32x128xf32, #tpu.memory_space<vmem>> -> memref<1x32x128xf32, #tpu.memory_space<vmem>>
      %dma_wait3A_1012 = tpu.memref_squeeze %dma_wait3A_1011 : memref<1x32x128xf32, #tpu.memory_space<vmem>> -> memref<32x128xf32, #tpu.memory_space<vmem>>
      %dma_wait3A_1013 = arith.constant 0 : i32
      %dma_wait3A_1014 = arith.constant 0 : i32
      %dma_wait3A_1015 = tpu.memref_slice %arg4[%dma_wait3A_1013, %dma_wait3A_1014] : memref<640x100000xf32, #tpu.memory_space<hbm>> -> memref<32x128xf32, #tpu.memory_space<hbm>>
      %dma_wait3A_1016 = arith.constant 0 : i32
      %dma_wait3A_1017 = arith.constant 0 : i32
      %dma_wait3A_1018 = tpu.memref_slice %arg9[%dma_wait3A_1008, %dma_wait3A_1016, %dma_wait3A_1017] : memref<8x32x128xf32, #tpu.memory_space<vmem>> -> memref<1x32x128xf32, #tpu.memory_space<vmem>>
      %dma_wait3A_1019 = tpu.memref_squeeze %dma_wait3A_1018 : memref<1x32x128xf32, #tpu.memory_space<vmem>> -> memref<32x128xf32, #tpu.memory_space<vmem>>
      %dma_wait3A_1020 = arith.constant 0 : i32
      %dma_wait3A_1021 = arith.constant 0 : i32
      %dma_wait3A_1022 = tpu.memref_slice %arg4[%dma_wait3A_1020, %dma_wait3A_1021] : memref<640x100000xf32, #tpu.memory_space<hbm>> -> memref<32x128xf32, #tpu.memory_space<hbm>>
      tpu.wait_dma2 semaphore(%arg12 : memref<!tpu.dma_semaphore, #tpu.memory_space<semaphore_mem>>) src(%dma_wait3A_1022 : memref<32x128xf32, #tpu.memory_space<hbm>>) dst(%dma_wait3A_1019 : memref<32x128xf32, #tpu.memory_space<vmem>>)
      %dma_wait3A_1023 = arith.constant 4 : i32
      %dma_wait3A_1024 = arith.constant 0 : i32
      %dma_wait3A_1025 = arith.constant 0 : i32
      %dma_wait3A_1026 = tpu.memref_slice %arg9[%dma_wait3A_1023, %dma_wait3A_1024, %dma_wait3A_1025] : memref<8x32x128xf32, #tpu.memory_space<vmem>> -> memref<1x32x128xf32, #tpu.memory_space<vmem>>
      %dma_wait3A_1027 = tpu.memref_squeeze %dma_wait3A_1026 : memref<1x32x128xf32, #tpu.memory_space<vmem>> -> memref<32x128xf32, #tpu.memory_space<vmem>>
      %dma_wait3A_1028 = arith.constant 0 : i32
      %dma_wait3A_1029 = arith.constant 0 : i32
      %dma_wait3A_1030 = tpu.memref_slice %arg4[%dma_wait3A_1028, %dma_wait3A_1029] : memref<640x100000xf32, #tpu.memory_space<hbm>> -> memref<32x128xf32, #tpu.memory_space<hbm>>
      %dma_wait3A_1031 = arith.constant 0 : i32
      %dma_wait3A_1032 = arith.constant 0 : i32
      %dma_wait3A_1033 = tpu.memref_slice %arg9[%dma_wait3A_1023, %dma_wait3A_1031, %dma_wait3A_1032] : memref<8x32x128xf32, #tpu.memory_space<vmem>> -> memref<1x32x128xf32, #tpu.memory_space<vmem>>
      %dma_wait3A_1034 = tpu.memref_squeeze %dma_wait3A_1033 : memref<1x32x128xf32, #tpu.memory_space<vmem>> -> memref<32x128xf32, #tpu.memory_space<vmem>>
      %dma_wait3A_1035 = arith.constant 0 : i32
      %dma_wait3A_1036 = arith.constant 0 : i32
      %dma_wait3A_1037 = tpu.memref_slice %arg4[%dma_wait3A_1035, %dma_wait3A_1036] : memref<640x100000xf32, #tpu.memory_space<hbm>> -> memref<32x128xf32, #tpu.memory_space<hbm>>
      tpu.wait_dma2 semaphore(%arg12 : memref<!tpu.dma_semaphore, #tpu.memory_space<semaphore_mem>>) src(%dma_wait3A_1037 : memref<32x128xf32, #tpu.memory_space<hbm>>) dst(%dma_wait3A_1034 : memref<32x128xf32, #tpu.memory_space<vmem>>)
      %dma_wait3A_1038 = arith.constant 5 : i32
      %dma_wait3A_1039 = arith.constant 0 : i32
      %dma_wait3A_1040 = arith.constant 0 : i32
      %dma_wait3A_1041 = tpu.memref_slice %arg9[%dma_wait3A_1038, %dma_wait3A_1039, %dma_wait3A_1040] : memref<8x32x128xf32, #tpu.memory_space<vmem>> -> memref<1x32x128xf32, #tpu.memory_space<vmem>>
      %dma_wait3A_1042 = tpu.memref_squeeze %dma_wait3A_1041 : memref<1x32x128xf32, #tpu.memory_space<vmem>> -> memref<32x128xf32, #tpu.memory_space<vmem>>
      %dma_wait3A_1043 = arith.constant 0 : i32
      %dma_wait3A_1044 = arith.constant 0 : i32
      %dma_wait3A_1045 = tpu.memref_slice %arg4[%dma_wait3A_1043, %dma_wait3A_1044] : memref<640x100000xf32, #tpu.memory_space<hbm>> -> memref<32x128xf32, #tpu.memory_space<hbm>>
      %dma_wait3A_1046 = arith.constant 0 : i32
      %dma_wait3A_1047 = arith.constant 0 : i32
      %dma_wait3A_1048 = tpu.memref_slice %arg9[%dma_wait3A_1038, %dma_wait3A_1046, %dma_wait3A_1047] : memref<8x32x128xf32, #tpu.memory_space<vmem>> -> memref<1x32x128xf32, #tpu.memory_space<vmem>>
      %dma_wait3A_1049 = tpu.memref_squeeze %dma_wait3A_1048 : memref<1x32x128xf32, #tpu.memory_space<vmem>> -> memref<32x128xf32, #tpu.memory_space<vmem>>
      %dma_wait3A_1050 = arith.constant 0 : i32
      %dma_wait3A_1051 = arith.constant 0 : i32
      %dma_wait3A_1052 = tpu.memref_slice %arg4[%dma_wait3A_1050, %dma_wait3A_1051] : memref<640x100000xf32, #tpu.memory_space<hbm>> -> memref<32x128xf32, #tpu.memory_space<hbm>>
      tpu.wait_dma2 semaphore(%arg12 : memref<!tpu.dma_semaphore, #tpu.memory_space<semaphore_mem>>) src(%dma_wait3A_1052 : memref<32x128xf32, #tpu.memory_space<hbm>>) dst(%dma_wait3A_1049 : memref<32x128xf32, #tpu.memory_space<vmem>>)
      %dma_wait3A_1053 = arith.constant 6 : i32
      %dma_wait3A_1054 = arith.constant 0 : i32
      %dma_wait3A_1055 = arith.constant 0 : i32
      %dma_wait3A_1056 = tpu.memref_slice %arg9[%dma_wait3A_1053, %dma_wait3A_1054, %dma_wait3A_1055] : memref<8x32x128xf32, #tpu.memory_space<vmem>> -> memref<1x32x128xf32, #tpu.memory_space<vmem>>
      %dma_wait3A_1057 = tpu.memref_squeeze %dma_wait3A_1056 : memref<1x32x128xf32, #tpu.memory_space<vmem>> -> memref<32x128xf32, #tpu.memory_space<vmem>>
      %dma_wait3A_1058 = arith.constant 0 : i32
      %dma_wait3A_1059 = arith.constant 0 : i32
      %dma_wait3A_1060 = tpu.memref_slice %arg4[%dma_wait3A_1058, %dma_wait3A_1059] : memref<640x100000xf32, #tpu.memory_space<hbm>> -> memref<32x128xf32, #tpu.memory_space<hbm>>
      %dma_wait3A_1061 = arith.constant 0 : i32
      %dma_wait3A_1062 = arith.constant 0 : i32
      %dma_wait3A_1063 = tpu.memref_slice %arg9[%dma_wait3A_1053, %dma_wait3A_1061, %dma_wait3A_1062] : memref<8x32x128xf32, #tpu.memory_space<vmem>> -> memref<1x32x128xf32, #tpu.memory_space<vmem>>
      %dma_wait3A_1064 = tpu.memref_squeeze %dma_wait3A_1063 : memref<1x32x128xf32, #tpu.memory_space<vmem>> -> memref<32x128xf32, #tpu.memory_space<vmem>>
      %dma_wait3A_1065 = arith.constant 0 : i32
      %dma_wait3A_1066 = arith.constant 0 : i32
      %dma_wait3A_1067 = tpu.memref_slice %arg4[%dma_wait3A_1065, %dma_wait3A_1066] : memref<640x100000xf32, #tpu.memory_space<hbm>> -> memref<32x128xf32, #tpu.memory_space<hbm>>
      tpu.wait_dma2 semaphore(%arg12 : memref<!tpu.dma_semaphore, #tpu.memory_space<semaphore_mem>>) src(%dma_wait3A_1067 : memref<32x128xf32, #tpu.memory_space<hbm>>) dst(%dma_wait3A_1064 : memref<32x128xf32, #tpu.memory_space<vmem>>)
      %dma_wait3A_1068 = arith.constant 7 : i32
      %dma_wait3A_1069 = arith.constant 0 : i32
      %dma_wait3A_1070 = arith.constant 0 : i32
      %dma_wait3A_1071 = tpu.memref_slice %arg9[%dma_wait3A_1068, %dma_wait3A_1069, %dma_wait3A_1070] : memref<8x32x128xf32, #tpu.memory_space<vmem>> -> memref<1x32x128xf32, #tpu.memory_space<vmem>>
      %dma_wait3A_1072 = tpu.memref_squeeze %dma_wait3A_1071 : memref<1x32x128xf32, #tpu.memory_space<vmem>> -> memref<32x128xf32, #tpu.memory_space<vmem>>
      %dma_wait3A_1073 = arith.constant 0 : i32
      %dma_wait3A_1074 = arith.constant 0 : i32
      %dma_wait3A_1075 = tpu.memref_slice %arg4[%dma_wait3A_1073, %dma_wait3A_1074] : memref<640x100000xf32, #tpu.memory_space<hbm>> -> memref<32x128xf32, #tpu.memory_space<hbm>>
      %dma_wait3A_1076 = arith.constant 0 : i32
      %dma_wait3A_1077 = arith.constant 0 : i32
      %dma_wait3A_1078 = tpu.memref_slice %arg9[%dma_wait3A_1068, %dma_wait3A_1076, %dma_wait3A_1077] : memref<8x32x128xf32, #tpu.memory_space<vmem>> -> memref<1x32x128xf32, #tpu.memory_space<vmem>>
      %dma_wait3A_1079 = tpu.memref_squeeze %dma_wait3A_1078 : memref<1x32x128xf32, #tpu.memory_space<vmem>> -> memref<32x128xf32, #tpu.memory_space<vmem>>
      %dma_wait3A_1080 = arith.constant 0 : i32
      %dma_wait3A_1081 = arith.constant 0 : i32
      %dma_wait3A_1082 = tpu.memref_slice %arg4[%dma_wait3A_1080, %dma_wait3A_1081] : memref<640x100000xf32, #tpu.memory_space<hbm>> -> memref<32x128xf32, #tpu.memory_space<hbm>>
      tpu.wait_dma2 semaphore(%arg12 : memref<!tpu.dma_semaphore, #tpu.memory_space<semaphore_mem>>) src(%dma_wait3A_1082 : memref<32x128xf32, #tpu.memory_space<hbm>>) dst(%dma_wait3A_1079 : memref<32x128xf32, #tpu.memory_space<vmem>>)
      %add3A_1083 = arith.constant 8 : i32
      %add3A_1084 = arith.addi %mul3A_295, %add3A_1083 : i32
      %get3A_1085 = arith.index_cast %add3A_1084 : i32 to index
      %get3A_1086 = tpu.vector_load %arg6[%get3A_1085] {strides = array<i32>} : memref<464xi32, #tpu.memory_space<vmem>>, vector<16xi32>,
      %and3A_1087 = arith.constant 127 : i32
      %and3A_1088 = vector.broadcast %and3A_1087 : i32 to vector<16xi32>
      %and3A_1089 = arith.andi %get3A_1086, %and3A_1088 : vector<16xi32>
      %slice3A_1090 = vector.extract_strided_slice %and3A_1089 {offsets = [0], sizes = [1], strides = [1]} : vector<16xi32> to vector<1xi32>
      %squeeze3A_1091 = vector.extract %slice3A_1090[0] : i32 from vector<1xi32>
      %broadcast_in_dim3A_1092 = vector.broadcast %squeeze3A_1091 : i32 to vector<16xi32>
      %add3A_1093 = arith.constant 0 : i32
      %add3A_1094 = vector.broadcast %add3A_1093 : i32 to vector<16xi32>
      %add3A_1095 = arith.addi %iota3A, %add3A_1094 : vector<16xi32>
      %gather3A_1096 = arith.constant 0 : i32
      %gather3A_1097 = arith.constant 0 : i32
      %gather3A_1098 = arith.constant 0 : i32
      %gather3A_1099 = tpu.memref_slice %arg9[%gather3A_1096, %gather3A_1097, %gather3A_1098] : memref<8x32x128xf32, #tpu.memory_space<vmem>> -> memref<1x32x128xf32, #tpu.memory_space<vmem>>
      %gather3A_1100 = tpu.memref_squeeze %gather3A_1099 : memref<1x32x128xf32, #tpu.memory_space<vmem>> -> memref<32x128xf32, #tpu.memory_space<vmem>>
      %gather3A_1101 = tpu.vector_load_idx %gather3A_1100[%add3A_1095, %broadcast_in_dim3A_1092] : memref<32x128xf32, #tpu.memory_space<vmem>>[vector<16xi32>, vector<16xi32>], vector<16xf32>,
      %add3A_1102 = arith.constant 0 : i32
      %add3A_1103 = arith.addi %add3A_1084, %add3A_1102 : i32
      %swap3A_1104 = arith.index_cast %add3A_1103 : i32 to index
      %swap3A_1105 = arith.constant 0 : index
      %swap3A_1106 = tpu.vector_load %arg10[%swap3A_1104, %swap3A_1105] {strides = array<i32>} : memref<448x32xf32, #tpu.memory_space<vmem>>, vector<16xf32>,
      tpu.vector_store %arg10[%swap3A_1104, %swap3A_1105], %gather3A_1101 {strides = array<i32>} : memref<448x32xf32, #tpu.memory_space<vmem>>, vector<16xf32>,
      %add3A_1107 = arith.constant 16 : i32
      %add3A_1108 = vector.broadcast %add3A_1107 : i32 to vector<16xi32>
      %add3A_1109 = arith.addi %iota3A, %add3A_1108 : vector<16xi32>
      %gather3A_1110 = arith.constant 0 : i32
      %gather3A_1111 = arith.constant 0 : i32
      %gather3A_1112 = arith.constant 0 : i32
      %gather3A_1113 = tpu.memref_slice %arg9[%gather3A_1110, %gather3A_1111, %gather3A_1112] : memref<8x32x128xf32, #tpu.memory_space<vmem>> -> memref<1x32x128xf32, #tpu.memory_space<vmem>>
      %gather3A_1114 = tpu.memref_squeeze %gather3A_1113 : memref<1x32x128xf32, #tpu.memory_space<vmem>> -> memref<32x128xf32, #tpu.memory_space<vmem>>
      %gather3A_1115 = tpu.vector_load_idx %gather3A_1114[%add3A_1109, %broadcast_in_dim3A_1092] : memref<32x128xf32, #tpu.memory_space<vmem>>[vector<16xi32>, vector<16xi32>], vector<16xf32>,
      %add3A_1116 = arith.constant 0 : i32
      %add3A_1117 = arith.addi %add3A_1084, %add3A_1116 : i32
      %swap3A_1118 = arith.index_cast %add3A_1117 : i32 to index
      %swap3A_1119 = arith.constant 16 : index
      %swap3A_1120 = tpu.vector_load %arg10[%swap3A_1118, %swap3A_1119] {strides = array<i32>} : memref<448x32xf32, #tpu.memory_space<vmem>>, vector<16xf32>,
      tpu.vector_store %arg10[%swap3A_1118, %swap3A_1119], %gather3A_1115 {strides = array<i32>} : memref<448x32xf32, #tpu.memory_space<vmem>>, vector<16xf32>,
      %slice3A_1121 = vector.extract_strided_slice %and3A_1089 {offsets = [1], sizes = [1], strides = [1]} : vector<16xi32> to vector<1xi32>
      %squeeze3A_1122 = vector.extract %slice3A_1121[0] : i32 from vector<1xi32>
      %broadcast_in_dim3A_1123 = vector.broadcast %squeeze3A_1122 : i32 to vector<16xi32>
      %add3A_1124 = arith.constant 0 : i32
      %add3A_1125 = vector.broadcast %add3A_1124 : i32 to vector<16xi32>
      %add3A_1126 = arith.addi %iota3A, %add3A_1125 : vector<16xi32>
      %gather3A_1127 = arith.constant 1 : i32
      %gather3A_1128 = arith.constant 0 : i32
      %gather3A_1129 = arith.constant 0 : i32
      %gather3A_1130 = tpu.memref_slice %arg9[%gather3A_1127, %gather3A_1128, %gather3A_1129] : memref<8x32x128xf32, #tpu.memory_space<vmem>> -> memref<1x32x128xf32, #tpu.memory_space<vmem>>
      %gather3A_1131 = tpu.memref_squeeze %gather3A_1130 : memref<1x32x128xf32, #tpu.memory_space<vmem>> -> memref<32x128xf32, #tpu.memory_space<vmem>>
      %gather3A_1132 = tpu.vector_load_idx %gather3A_1131[%add3A_1126, %broadcast_in_dim3A_1123] : memref<32x128xf32, #tpu.memory_space<vmem>>[vector<16xi32>, vector<16xi32>], vector<16xf32>,
      %add3A_1133 = arith.constant 1 : i32
      %add3A_1134 = arith.addi %add3A_1084, %add3A_1133 : i32
      %swap3A_1135 = arith.index_cast %add3A_1134 : i32 to index
      %swap3A_1136 = arith.constant 0 : index
      %swap3A_1137 = tpu.vector_load %arg10[%swap3A_1135, %swap3A_1136] {strides = array<i32>} : memref<448x32xf32, #tpu.memory_space<vmem>>, vector<16xf32>,
      tpu.vector_store %arg10[%swap3A_1135, %swap3A_1136], %gather3A_1132 {strides = array<i32>} : memref<448x32xf32, #tpu.memory_space<vmem>>, vector<16xf32>,
      %add3A_1138 = arith.constant 16 : i32
      %add3A_1139 = vector.broadcast %add3A_1138 : i32 to vector<16xi32>
      %add3A_1140 = arith.addi %iota3A, %add3A_1139 : vector<16xi32>
      %gather3A_1141 = arith.constant 1 : i32
      %gather3A_1142 = arith.constant 0 : i32
      %gather3A_1143 = arith.constant 0 : i32
      %gather3A_1144 = tpu.memref_slice %arg9[%gather3A_1141, %gather3A_1142, %gather3A_1143] : memref<8x32x128xf32, #tpu.memory_space<vmem>> -> memref<1x32x128xf32, #tpu.memory_space<vmem>>
      %gather3A_1145 = tpu.memref_squeeze %gather3A_1144 : memref<1x32x128xf32, #tpu.memory_space<vmem>> -> memref<32x128xf32, #tpu.memory_space<vmem>>
      %gather3A_1146 = tpu.vector_load_idx %gather3A_1145[%add3A_1140, %broadcast_in_dim3A_1123] : memref<32x128xf32, #tpu.memory_space<vmem>>[vector<16xi32>, vector<16xi32>], vector<16xf32>,
      %add3A_1147 = arith.constant 1 : i32
      %add3A_1148 = arith.addi %add3A_1084, %add3A_1147 : i32
      %swap3A_1149 = arith.index_cast %add3A_1148 : i32 to index
      %swap3A_1150 = arith.constant 16 : index
      %swap3A_1151 = tpu.vector_load %arg10[%swap3A_1149, %swap3A_1150] {strides = array<i32>} : memref<448x32xf32, #tpu.memory_space<vmem>>, vector<16xf32>,
      tpu.vector_store %arg10[%swap3A_1149, %swap3A_1150], %gather3A_1146 {strides = array<i32>} : memref<448x32xf32, #tpu.memory_space<vmem>>, vector<16xf32>,
      %slice3A_1152 = vector.extract_strided_slice %and3A_1089 {offsets = [2], sizes = [1], strides = [1]} : vector<16xi32> to vector<1xi32>
      %squeeze3A_1153 = vector.extract %slice3A_1152[0] : i32 from vector<1xi32>
      %broadcast_in_dim3A_1154 = vector.broadcast %squeeze3A_1153 : i32 to vector<16xi32>
      %add3A_1155 = arith.constant 0 : i32
      %add3A_1156 = vector.broadcast %add3A_1155 : i32 to vector<16xi32>
      %add3A_1157 = arith.addi %iota3A, %add3A_1156 : vector<16xi32>
      %gather3A_1158 = arith.constant 2 : i32
      %gather3A_1159 = arith.constant 0 : i32
      %gather3A_1160 = arith.constant 0 : i32
      %gather3A_1161 = tpu.memref_slice %arg9[%gather3A_1158, %gather3A_1159, %gather3A_1160] : memref<8x32x128xf32, #tpu.memory_space<vmem>> -> memref<1x32x128xf32, #tpu.memory_space<vmem>>
      %gather3A_1162 = tpu.memref_squeeze %gather3A_1161 : memref<1x32x128xf32, #tpu.memory_space<vmem>> -> memref<32x128xf32, #tpu.memory_space<vmem>>
      %gather3A_1163 = tpu.vector_load_idx %gather3A_1162[%add3A_1157, %broadcast_in_dim3A_1154] : memref<32x128xf32, #tpu.memory_space<vmem>>[vector<16xi32>, vector<16xi32>], vector<16xf32>,
      %add3A_1164 = arith.constant 2 : i32
      %add3A_1165 = arith.addi %add3A_1084, %add3A_1164 : i32
      %swap3A_1166 = arith.index_cast %add3A_1165 : i32 to index
      %swap3A_1167 = arith.constant 0 : index
      %swap3A_1168 = tpu.vector_load %arg10[%swap3A_1166, %swap3A_1167] {strides = array<i32>} : memref<448x32xf32, #tpu.memory_space<vmem>>, vector<16xf32>,
      tpu.vector_store %arg10[%swap3A_1166, %swap3A_1167], %gather3A_1163 {strides = array<i32>} : memref<448x32xf32, #tpu.memory_space<vmem>>, vector<16xf32>,
      %add3A_1169 = arith.constant 16 : i32
      %add3A_1170 = vector.broadcast %add3A_1169 : i32 to vector<16xi32>
      %add3A_1171 = arith.addi %iota3A, %add3A_1170 : vector<16xi32>
      %gather3A_1172 = arith.constant 2 : i32
      %gather3A_1173 = arith.constant 0 : i32
      %gather3A_1174 = arith.constant 0 : i32
      %gather3A_1175 = tpu.memref_slice %arg9[%gather3A_1172, %gather3A_1173, %gather3A_1174] : memref<8x32x128xf32, #tpu.memory_space<vmem>> -> memref<1x32x128xf32, #tpu.memory_space<vmem>>
      %gather3A_1176 = tpu.memref_squeeze %gather3A_1175 : memref<1x32x128xf32, #tpu.memory_space<vmem>> -> memref<32x128xf32, #tpu.memory_space<vmem>>
      %gather3A_1177 = tpu.vector_load_idx %gather3A_1176[%add3A_1171, %broadcast_in_dim3A_1154] : memref<32x128xf32, #tpu.memory_space<vmem>>[vector<16xi32>, vector<16xi32>], vector<16xf32>,
      %add3A_1178 = arith.constant 2 : i32
      %add3A_1179 = arith.addi %add3A_1084, %add3A_1178 : i32
      %swap3A_1180 = arith.index_cast %add3A_1179 : i32 to index
      %swap3A_1181 = arith.constant 16 : index
      %swap3A_1182 = tpu.vector_load %arg10[%swap3A_1180, %swap3A_1181] {strides = array<i32>} : memref<448x32xf32, #tpu.memory_space<vmem>>, vector<16xf32>,
      tpu.vector_store %arg10[%swap3A_1180, %swap3A_1181], %gather3A_1177 {strides = array<i32>} : memref<448x32xf32, #tpu.memory_space<vmem>>, vector<16xf32>,
      %slice3A_1183 = vector.extract_strided_slice %and3A_1089 {offsets = [3], sizes = [1], strides = [1]} : vector<16xi32> to vector<1xi32>
      %squeeze3A_1184 = vector.extract %slice3A_1183[0] : i32 from vector<1xi32>
      %broadcast_in_dim3A_1185 = vector.broadcast %squeeze3A_1184 : i32 to vector<16xi32>
      %add3A_1186 = arith.constant 0 : i32
      %add3A_1187 = vector.broadcast %add3A_1186 : i32 to vector<16xi32>
      %add3A_1188 = arith.addi %iota3A, %add3A_1187 : vector<16xi32>
      %gather3A_1189 = arith.constant 3 : i32
      %gather3A_1190 = arith.constant 0 : i32
      %gather3A_1191 = arith.constant 0 : i32
      %gather3A_1192 = tpu.memref_slice %arg9[%gather3A_1189, %gather3A_1190, %gather3A_1191] : memref<8x32x128xf32, #tpu.memory_space<vmem>> -> memref<1x32x128xf32, #tpu.memory_space<vmem>>
      %gather3A_1193 = tpu.memref_squeeze %gather3A_1192 : memref<1x32x128xf32, #tpu.memory_space<vmem>> -> memref<32x128xf32, #tpu.memory_space<vmem>>
      %gather3A_1194 = tpu.vector_load_idx %gather3A_1193[%add3A_1188, %broadcast_in_dim3A_1185] : memref<32x128xf32, #tpu.memory_space<vmem>>[vector<16xi32>, vector<16xi32>], vector<16xf32>,
      %add3A_1195 = arith.constant 3 : i32
      %add3A_1196 = arith.addi %add3A_1084, %add3A_1195 : i32
      %swap3A_1197 = arith.index_cast %add3A_1196 : i32 to index
      %swap3A_1198 = arith.constant 0 : index
      %swap3A_1199 = tpu.vector_load %arg10[%swap3A_1197, %swap3A_1198] {strides = array<i32>} : memref<448x32xf32, #tpu.memory_space<vmem>>, vector<16xf32>,
      tpu.vector_store %arg10[%swap3A_1197, %swap3A_1198], %gather3A_1194 {strides = array<i32>} : memref<448x32xf32, #tpu.memory_space<vmem>>, vector<16xf32>,
      %add3A_1200 = arith.constant 16 : i32
      %add3A_1201 = vector.broadcast %add3A_1200 : i32 to vector<16xi32>
      %add3A_1202 = arith.addi %iota3A, %add3A_1201 : vector<16xi32>
      %gather3A_1203 = arith.constant 3 : i32
      %gather3A_1204 = arith.constant 0 : i32
      %gather3A_1205 = arith.constant 0 : i32
      %gather3A_1206 = tpu.memref_slice %arg9[%gather3A_1203, %gather3A_1204, %gather3A_1205] : memref<8x32x128xf32, #tpu.memory_space<vmem>> -> memref<1x32x128xf32, #tpu.memory_space<vmem>>
      %gather3A_1207 = tpu.memref_squeeze %gather3A_1206 : memref<1x32x128xf32, #tpu.memory_space<vmem>> -> memref<32x128xf32, #tpu.memory_space<vmem>>
      %gather3A_1208 = tpu.vector_load_idx %gather3A_1207[%add3A_1202, %broadcast_in_dim3A_1185] : memref<32x128xf32, #tpu.memory_space<vmem>>[vector<16xi32>, vector<16xi32>], vector<16xf32>,
      %add3A_1209 = arith.constant 3 : i32
      %add3A_1210 = arith.addi %add3A_1084, %add3A_1209 : i32
      %swap3A_1211 = arith.index_cast %add3A_1210 : i32 to index
      %swap3A_1212 = arith.constant 16 : index
      %swap3A_1213 = tpu.vector_load %arg10[%swap3A_1211, %swap3A_1212] {strides = array<i32>} : memref<448x32xf32, #tpu.memory_space<vmem>>, vector<16xf32>,
      tpu.vector_store %arg10[%swap3A_1211, %swap3A_1212], %gather3A_1208 {strides = array<i32>} : memref<448x32xf32, #tpu.memory_space<vmem>>, vector<16xf32>,
      %slice3A_1214 = vector.extract_strided_slice %and3A_1089 {offsets = [4], sizes = [1], strides = [1]} : vector<16xi32> to vector<1xi32>
      %squeeze3A_1215 = vector.extract %slice3A_1214[0] : i32 from vector<1xi32>
      %broadcast_in_dim3A_1216 = vector.broadcast %squeeze3A_1215 : i32 to vector<16xi32>
      %add3A_1217 = arith.constant 0 : i32
      %add3A_1218 = vector.broadcast %add3A_1217 : i32 to vector<16xi32>
      %add3A_1219 = arith.addi %iota3A, %add3A_1218 : vector<16xi32>
      %gather3A_1220 = arith.constant 4 : i32
      %gather3A_1221 = arith.constant 0 : i32
      %gather3A_1222 = arith.constant 0 : i32
      %gather3A_1223 = tpu.memref_slice %arg9[%gather3A_1220, %gather3A_1221, %gather3A_1222] : memref<8x32x128xf32, #tpu.memory_space<vmem>> -> memref<1x32x128xf32, #tpu.memory_space<vmem>>
      %gather3A_1224 = tpu.memref_squeeze %gather3A_1223 : memref<1x32x128xf32, #tpu.memory_space<vmem>> -> memref<32x128xf32, #tpu.memory_space<vmem>>
      %gather3A_1225 = tpu.vector_load_idx %gather3A_1224[%add3A_1219, %broadcast_in_dim3A_1216] : memref<32x128xf32, #tpu.memory_space<vmem>>[vector<16xi32>, vector<16xi32>], vector<16xf32>,
      %add3A_1226 = arith.constant 4 : i32
      %add3A_1227 = arith.addi %add3A_1084, %add3A_1226 : i32
      %swap3A_1228 = arith.index_cast %add3A_1227 : i32 to index
      %swap3A_1229 = arith.constant 0 : index
      %swap3A_1230 = tpu.vector_load %arg10[%swap3A_1228, %swap3A_1229] {strides = array<i32>} : memref<448x32xf32, #tpu.memory_space<vmem>>, vector<16xf32>,
      tpu.vector_store %arg10[%swap3A_1228, %swap3A_1229], %gather3A_1225 {strides = array<i32>} : memref<448x32xf32, #tpu.memory_space<vmem>>, vector<16xf32>,
      %add3A_1231 = arith.constant 16 : i32
      %add3A_1232 = vector.broadcast %add3A_1231 : i32 to vector<16xi32>
      %add3A_1233 = arith.addi %iota3A, %add3A_1232 : vector<16xi32>
      %gather3A_1234 = arith.constant 4 : i32
      %gather3A_1235 = arith.constant 0 : i32
      %gather3A_1236 = arith.constant 0 : i32
      %gather3A_1237 = tpu.memref_slice %arg9[%gather3A_1234, %gather3A_1235, %gather3A_1236] : memref<8x32x128xf32, #tpu.memory_space<vmem>> -> memref<1x32x128xf32, #tpu.memory_space<vmem>>
      %gather3A_1238 = tpu.memref_squeeze %gather3A_1237 : memref<1x32x128xf32, #tpu.memory_space<vmem>> -> memref<32x128xf32, #tpu.memory_space<vmem>>
      %gather3A_1239 = tpu.vector_load_idx %gather3A_1238[%add3A_1233, %broadcast_in_dim3A_1216] : memref<32x128xf32, #tpu.memory_space<vmem>>[vector<16xi32>, vector<16xi32>], vector<16xf32>,
      %add3A_1240 = arith.constant 4 : i32
      %add3A_1241 = arith.addi %add3A_1084, %add3A_1240 : i32
      %swap3A_1242 = arith.index_cast %add3A_1241 : i32 to index
      %swap3A_1243 = arith.constant 16 : index
      %swap3A_1244 = tpu.vector_load %arg10[%swap3A_1242, %swap3A_1243] {strides = array<i32>} : memref<448x32xf32, #tpu.memory_space<vmem>>, vector<16xf32>,
      tpu.vector_store %arg10[%swap3A_1242, %swap3A_1243], %gather3A_1239 {strides = array<i32>} : memref<448x32xf32, #tpu.memory_space<vmem>>, vector<16xf32>,
      %slice3A_1245 = vector.extract_strided_slice %and3A_1089 {offsets = [5], sizes = [1], strides = [1]} : vector<16xi32> to vector<1xi32>
      %squeeze3A_1246 = vector.extract %slice3A_1245[0] : i32 from vector<1xi32>
      %broadcast_in_dim3A_1247 = vector.broadcast %squeeze3A_1246 : i32 to vector<16xi32>
      %add3A_1248 = arith.constant 0 : i32
      %add3A_1249 = vector.broadcast %add3A_1248 : i32 to vector<16xi32>
      %add3A_1250 = arith.addi %iota3A, %add3A_1249 : vector<16xi32>
      %gather3A_1251 = arith.constant 5 : i32
      %gather3A_1252 = arith.constant 0 : i32
      %gather3A_1253 = arith.constant 0 : i32
      %gather3A_1254 = tpu.memref_slice %arg9[%gather3A_1251, %gather3A_1252, %gather3A_1253] : memref<8x32x128xf32, #tpu.memory_space<vmem>> -> memref<1x32x128xf32, #tpu.memory_space<vmem>>
      %gather3A_1255 = tpu.memref_squeeze %gather3A_1254 : memref<1x32x128xf32, #tpu.memory_space<vmem>> -> memref<32x128xf32, #tpu.memory_space<vmem>>
      %gather3A_1256 = tpu.vector_load_idx %gather3A_1255[%add3A_1250, %broadcast_in_dim3A_1247] : memref<32x128xf32, #tpu.memory_space<vmem>>[vector<16xi32>, vector<16xi32>], vector<16xf32>,
      %add3A_1257 = arith.constant 5 : i32
      %add3A_1258 = arith.addi %add3A_1084, %add3A_1257 : i32
      %swap3A_1259 = arith.index_cast %add3A_1258 : i32 to index
      %swap3A_1260 = arith.constant 0 : index
      %swap3A_1261 = tpu.vector_load %arg10[%swap3A_1259, %swap3A_1260] {strides = array<i32>} : memref<448x32xf32, #tpu.memory_space<vmem>>, vector<16xf32>,
      tpu.vector_store %arg10[%swap3A_1259, %swap3A_1260], %gather3A_1256 {strides = array<i32>} : memref<448x32xf32, #tpu.memory_space<vmem>>, vector<16xf32>,
      %add3A_1262 = arith.constant 16 : i32
      %add3A_1263 = vector.broadcast %add3A_1262 : i32 to vector<16xi32>
      %add3A_1264 = arith.addi %iota3A, %add3A_1263 : vector<16xi32>
      %gather3A_1265 = arith.constant 5 : i32
      %gather3A_1266 = arith.constant 0 : i32
      %gather3A_1267 = arith.constant 0 : i32
      %gather3A_1268 = tpu.memref_slice %arg9[%gather3A_1265, %gather3A_1266, %gather3A_1267] : memref<8x32x128xf32, #tpu.memory_space<vmem>> -> memref<1x32x128xf32, #tpu.memory_space<vmem>>
      %gather3A_1269 = tpu.memref_squeeze %gather3A_1268 : memref<1x32x128xf32, #tpu.memory_space<vmem>> -> memref<32x128xf32, #tpu.memory_space<vmem>>
      %gather3A_1270 = tpu.vector_load_idx %gather3A_1269[%add3A_1264, %broadcast_in_dim3A_1247] : memref<32x128xf32, #tpu.memory_space<vmem>>[vector<16xi32>, vector<16xi32>], vector<16xf32>,
      %add3A_1271 = arith.constant 5 : i32
      %add3A_1272 = arith.addi %add3A_1084, %add3A_1271 : i32
      %swap3A_1273 = arith.index_cast %add3A_1272 : i32 to index
      %swap3A_1274 = arith.constant 16 : index
      %swap3A_1275 = tpu.vector_load %arg10[%swap3A_1273, %swap3A_1274] {strides = array<i32>} : memref<448x32xf32, #tpu.memory_space<vmem>>, vector<16xf32>,
      tpu.vector_store %arg10[%swap3A_1273, %swap3A_1274], %gather3A_1270 {strides = array<i32>} : memref<448x32xf32, #tpu.memory_space<vmem>>, vector<16xf32>,
      %slice3A_1276 = vector.extract_strided_slice %and3A_1089 {offsets = [6], sizes = [1], strides = [1]} : vector<16xi32> to vector<1xi32>
      %squeeze3A_1277 = vector.extract %slice3A_1276[0] : i32 from vector<1xi32>
      %broadcast_in_dim3A_1278 = vector.broadcast %squeeze3A_1277 : i32 to vector<16xi32>
      %add3A_1279 = arith.constant 0 : i32
      %add3A_1280 = vector.broadcast %add3A_1279 : i32 to vector<16xi32>
      %add3A_1281 = arith.addi %iota3A, %add3A_1280 : vector<16xi32>
      %gather3A_1282 = arith.constant 6 : i32
      %gather3A_1283 = arith.constant 0 : i32
      %gather3A_1284 = arith.constant 0 : i32
      %gather3A_1285 = tpu.memref_slice %arg9[%gather3A_1282, %gather3A_1283, %gather3A_1284] : memref<8x32x128xf32, #tpu.memory_space<vmem>> -> memref<1x32x128xf32, #tpu.memory_space<vmem>>
      %gather3A_1286 = tpu.memref_squeeze %gather3A_1285 : memref<1x32x128xf32, #tpu.memory_space<vmem>> -> memref<32x128xf32, #tpu.memory_space<vmem>>
      %gather3A_1287 = tpu.vector_load_idx %gather3A_1286[%add3A_1281, %broadcast_in_dim3A_1278] : memref<32x128xf32, #tpu.memory_space<vmem>>[vector<16xi32>, vector<16xi32>], vector<16xf32>,
      %add3A_1288 = arith.constant 6 : i32
      %add3A_1289 = arith.addi %add3A_1084, %add3A_1288 : i32
      %swap3A_1290 = arith.index_cast %add3A_1289 : i32 to index
      %swap3A_1291 = arith.constant 0 : index
      %swap3A_1292 = tpu.vector_load %arg10[%swap3A_1290, %swap3A_1291] {strides = array<i32>} : memref<448x32xf32, #tpu.memory_space<vmem>>, vector<16xf32>,
      tpu.vector_store %arg10[%swap3A_1290, %swap3A_1291], %gather3A_1287 {strides = array<i32>} : memref<448x32xf32, #tpu.memory_space<vmem>>, vector<16xf32>,
      %add3A_1293 = arith.constant 16 : i32
      %add3A_1294 = vector.broadcast %add3A_1293 : i32 to vector<16xi32>
      %add3A_1295 = arith.addi %iota3A, %add3A_1294 : vector<16xi32>
      %gather3A_1296 = arith.constant 6 : i32
      %gather3A_1297 = arith.constant 0 : i32
      %gather3A_1298 = arith.constant 0 : i32
      %gather3A_1299 = tpu.memref_slice %arg9[%gather3A_1296, %gather3A_1297, %gather3A_1298] : memref<8x32x128xf32, #tpu.memory_space<vmem>> -> memref<1x32x128xf32, #tpu.memory_space<vmem>>
      %gather3A_1300 = tpu.memref_squeeze %gather3A_1299 : memref<1x32x128xf32, #tpu.memory_space<vmem>> -> memref<32x128xf32, #tpu.memory_space<vmem>>
      %gather3A_1301 = tpu.vector_load_idx %gather3A_1300[%add3A_1295, %broadcast_in_dim3A_1278] : memref<32x128xf32, #tpu.memory_space<vmem>>[vector<16xi32>, vector<16xi32>], vector<16xf32>,
      %add3A_1302 = arith.constant 6 : i32
      %add3A_1303 = arith.addi %add3A_1084, %add3A_1302 : i32
      %swap3A_1304 = arith.index_cast %add3A_1303 : i32 to index
      %swap3A_1305 = arith.constant 16 : index
      %swap3A_1306 = tpu.vector_load %arg10[%swap3A_1304, %swap3A_1305] {strides = array<i32>} : memref<448x32xf32, #tpu.memory_space<vmem>>, vector<16xf32>,
      tpu.vector_store %arg10[%swap3A_1304, %swap3A_1305], %gather3A_1301 {strides = array<i32>} : memref<448x32xf32, #tpu.memory_space<vmem>>, vector<16xf32>,
      %slice3A_1307 = vector.extract_strided_slice %and3A_1089 {offsets = [7], sizes = [1], strides = [1]} : vector<16xi32> to vector<1xi32>
      %squeeze3A_1308 = vector.extract %slice3A_1307[0] : i32 from vector<1xi32>
      %broadcast_in_dim3A_1309 = vector.broadcast %squeeze3A_1308 : i32 to vector<16xi32>
      %add3A_1310 = arith.constant 0 : i32
      %add3A_1311 = vector.broadcast %add3A_1310 : i32 to vector<16xi32>
      %add3A_1312 = arith.addi %iota3A, %add3A_1311 : vector<16xi32>
      %gather3A_1313 = arith.constant 7 : i32
      %gather3A_1314 = arith.constant 0 : i32
      %gather3A_1315 = arith.constant 0 : i32
      %gather3A_1316 = tpu.memref_slice %arg9[%gather3A_1313, %gather3A_1314, %gather3A_1315] : memref<8x32x128xf32, #tpu.memory_space<vmem>> -> memref<1x32x128xf32, #tpu.memory_space<vmem>>
      %gather3A_1317 = tpu.memref_squeeze %gather3A_1316 : memref<1x32x128xf32, #tpu.memory_space<vmem>> -> memref<32x128xf32, #tpu.memory_space<vmem>>
      %gather3A_1318 = tpu.vector_load_idx %gather3A_1317[%add3A_1312, %broadcast_in_dim3A_1309] : memref<32x128xf32, #tpu.memory_space<vmem>>[vector<16xi32>, vector<16xi32>], vector<16xf32>,
      %add3A_1319 = arith.constant 7 : i32
      %add3A_1320 = arith.addi %add3A_1084, %add3A_1319 : i32
      %swap3A_1321 = arith.index_cast %add3A_1320 : i32 to index
      %swap3A_1322 = arith.constant 0 : index
      %swap3A_1323 = tpu.vector_load %arg10[%swap3A_1321, %swap3A_1322] {strides = array<i32>} : memref<448x32xf32, #tpu.memory_space<vmem>>, vector<16xf32>,
      tpu.vector_store %arg10[%swap3A_1321, %swap3A_1322], %gather3A_1318 {strides = array<i32>} : memref<448x32xf32, #tpu.memory_space<vmem>>, vector<16xf32>,
      %add3A_1324 = arith.constant 16 : i32
      %add3A_1325 = vector.broadcast %add3A_1324 : i32 to vector<16xi32>
      %add3A_1326 = arith.addi %iota3A, %add3A_1325 : vector<16xi32>
      %gather3A_1327 = arith.constant 7 : i32
      %gather3A_1328 = arith.constant 0 : i32
      %gather3A_1329 = arith.constant 0 : i32
      %gather3A_1330 = tpu.memref_slice %arg9[%gather3A_1327, %gather3A_1328, %gather3A_1329] : memref<8x32x128xf32, #tpu.memory_space<vmem>> -> memref<1x32x128xf32, #tpu.memory_space<vmem>>
      %gather3A_1331 = tpu.memref_squeeze %gather3A_1330 : memref<1x32x128xf32, #tpu.memory_space<vmem>> -> memref<32x128xf32, #tpu.memory_space<vmem>>
      %gather3A_1332 = tpu.vector_load_idx %gather3A_1331[%add3A_1326, %broadcast_in_dim3A_1309] : memref<32x128xf32, #tpu.memory_space<vmem>>[vector<16xi32>, vector<16xi32>], vector<16xf32>,
      %add3A_1333 = arith.constant 7 : i32
      %add3A_1334 = arith.addi %add3A_1084, %add3A_1333 : i32
      %swap3A_1335 = arith.index_cast %add3A_1334 : i32 to index
      %swap3A_1336 = arith.constant 16 : index
      %swap3A_1337 = tpu.vector_load %arg10[%swap3A_1335, %swap3A_1336] {strides = array<i32>} : memref<448x32xf32, #tpu.memory_space<vmem>>, vector<16xf32>,
      tpu.vector_store %arg10[%swap3A_1335, %swap3A_1336], %gather3A_1332 {strides = array<i32>} : memref<448x32xf32, #tpu.memory_space<vmem>>, vector<16xf32>,
      %scan3A_1338 = arith.constant 0 : i32
      scf.yield %scan3A_1338 : i32
    }
    %scan3A_171 = arith.constant 28 : i32
    %dma_wait3A_172 = arith.constant 0 : i32
    %dma_wait3A_173 = arith.constant 0 : i32
    %dma_wait3A_174 = arith.constant 0 : i32
    %dma_wait3A_175 = tpu.memref_slice %arg8[%dma_wait3A_172, %dma_wait3A_173, %dma_wait3A_174] : memref<8x32x128xf32, #tpu.memory_space<vmem>> -> memref<1x32x128xf32, #tpu.memory_space<vmem>>
    %dma_wait3A_176 = tpu.memref_squeeze %dma_wait3A_175 : memref<1x32x128xf32, #tpu.memory_space<vmem>> -> memref<32x128xf32, #tpu.memory_space<vmem>>
    %dma_wait3A_177 = arith.constant 0 : i32
    %dma_wait3A_178 = arith.constant 0 : i32
    %dma_wait3A_179 = tpu.memref_slice %arg4[%dma_wait3A_177, %dma_wait3A_178] : memref<640x100000xf32, #tpu.memory_space<hbm>> -> memref<32x128xf32, #tpu.memory_space<hbm>>
    %dma_wait3A_180 = arith.constant 0 : i32
    %dma_wait3A_181 = arith.constant 0 : i32
    %dma_wait3A_182 = tpu.memref_slice %arg8[%dma_wait3A_172, %dma_wait3A_180, %dma_wait3A_181] : memref<8x32x128xf32, #tpu.memory_space<vmem>> -> memref<1x32x128xf32, #tpu.memory_space<vmem>>
    %dma_wait3A_183 = tpu.memref_squeeze %dma_wait3A_182 : memref<1x32x128xf32, #tpu.memory_space<vmem>> -> memref<32x128xf32, #tpu.memory_space<vmem>>
    %dma_wait3A_184 = arith.constant 0 : i32
    %dma_wait3A_185 = arith.constant 0 : i32
    %dma_wait3A_186 = tpu.memref_slice %arg4[%dma_wait3A_184, %dma_wait3A_185] : memref<640x100000xf32, #tpu.memory_space<hbm>> -> memref<32x128xf32, #tpu.memory_space<hbm>>
    tpu.wait_dma2 semaphore(%arg11 : memref<!tpu.dma_semaphore, #tpu.memory_space<semaphore_mem>>) src(%dma_wait3A_186 : memref<32x128xf32, #tpu.memory_space<hbm>>) dst(%dma_wait3A_183 : memref<32x128xf32, #tpu.memory_space<vmem>>)
    %dma_wait3A_187 = arith.constant 1 : i32
    %dma_wait3A_188 = arith.constant 0 : i32
    %dma_wait3A_189 = arith.constant 0 : i32
    %dma_wait3A_190 = tpu.memref_slice %arg8[%dma_wait3A_187, %dma_wait3A_188, %dma_wait3A_189] : memref<8x32x128xf32, #tpu.memory_space<vmem>> -> memref<1x32x128xf32, #tpu.memory_space<vmem>>
    %dma_wait3A_191 = tpu.memref_squeeze %dma_wait3A_190 : memref<1x32x128xf32, #tpu.memory_space<vmem>> -> memref<32x128xf32, #tpu.memory_space<vmem>>
    %dma_wait3A_192 = arith.constant 0 : i32
    %dma_wait3A_193 = arith.constant 0 : i32
    %dma_wait3A_194 = tpu.memref_slice %arg4[%dma_wait3A_192, %dma_wait3A_193] : memref<640x100000xf32, #tpu.memory_space<hbm>> -> memref<32x128xf32, #tpu.memory_space<hbm>>
    %dma_wait3A_195 = arith.constant 0 : i32
    %dma_wait3A_196 = arith.constant 0 : i32
    %dma_wait3A_197 = tpu.memref_slice %arg8[%dma_wait3A_187, %dma_wait3A_195, %dma_wait3A_196] : memref<8x32x128xf32, #tpu.memory_space<vmem>> -> memref<1x32x128xf32, #tpu.memory_space<vmem>>
    %dma_wait3A_198 = tpu.memref_squeeze %dma_wait3A_197 : memref<1x32x128xf32, #tpu.memory_space<vmem>> -> memref<32x128xf32, #tpu.memory_space<vmem>>
    %dma_wait3A_199 = arith.constant 0 : i32
    %dma_wait3A_200 = arith.constant 0 : i32
    %dma_wait3A_201 = tpu.memref_slice %arg4[%dma_wait3A_199, %dma_wait3A_200] : memref<640x100000xf32, #tpu.memory_space<hbm>> -> memref<32x128xf32, #tpu.memory_space<hbm>>
    tpu.wait_dma2 semaphore(%arg11 : memref<!tpu.dma_semaphore, #tpu.memory_space<semaphore_mem>>) src(%dma_wait3A_201 : memref<32x128xf32, #tpu.memory_space<hbm>>) dst(%dma_wait3A_198 : memref<32x128xf32, #tpu.memory_space<vmem>>)
    %dma_wait3A_202 = arith.constant 2 : i32
    %dma_wait3A_203 = arith.constant 0 : i32
    %dma_wait3A_204 = arith.constant 0 : i32
    %dma_wait3A_205 = tpu.memref_slice %arg8[%dma_wait3A_202, %dma_wait3A_203, %dma_wait3A_204] : memref<8x32x128xf32, #tpu.memory_space<vmem>> -> memref<1x32x128xf32, #tpu.memory_space<vmem>>
    %dma_wait3A_206 = tpu.memref_squeeze %dma_wait3A_205 : memref<1x32x128xf32, #tpu.memory_space<vmem>> -> memref<32x128xf32, #tpu.memory_space<vmem>>
    %dma_wait3A_207 = arith.constant 0 : i32
    %dma_wait3A_208 = arith.constant 0 : i32
    %dma_wait3A_209 = tpu.memref_slice %arg4[%dma_wait3A_207, %dma_wait3A_208] : memref<640x100000xf32, #tpu.memory_space<hbm>> -> memref<32x128xf32, #tpu.memory_space<hbm>>
    %dma_wait3A_210 = arith.constant 0 : i32
    %dma_wait3A_211 = arith.constant 0 : i32
    %dma_wait3A_212 = tpu.memref_slice %arg8[%dma_wait3A_202, %dma_wait3A_210, %dma_wait3A_211] : memref<8x32x128xf32, #tpu.memory_space<vmem>> -> memref<1x32x128xf32, #tpu.memory_space<vmem>>
    %dma_wait3A_213 = tpu.memref_squeeze %dma_wait3A_212 : memref<1x32x128xf32, #tpu.memory_space<vmem>> -> memref<32x128xf32, #tpu.memory_space<vmem>>
    %dma_wait3A_214 = arith.constant 0 : i32
    %dma_wait3A_215 = arith.constant 0 : i32
    %dma_wait3A_216 = tpu.memref_slice %arg4[%dma_wait3A_214, %dma_wait3A_215] : memref<640x100000xf32, #tpu.memory_space<hbm>> -> memref<32x128xf32, #tpu.memory_space<hbm>>
    tpu.wait_dma2 semaphore(%arg11 : memref<!tpu.dma_semaphore, #tpu.memory_space<semaphore_mem>>) src(%dma_wait3A_216 : memref<32x128xf32, #tpu.memory_space<hbm>>) dst(%dma_wait3A_213 : memref<32x128xf32, #tpu.memory_space<vmem>>)
    %dma_wait3A_217 = arith.constant 3 : i32
    %dma_wait3A_218 = arith.constant 0 : i32
    %dma_wait3A_219 = arith.constant 0 : i32
    %dma_wait3A_220 = tpu.memref_slice %arg8[%dma_wait3A_217, %dma_wait3A_218, %dma_wait3A_219] : memref<8x32x128xf32, #tpu.memory_space<vmem>> -> memref<1x32x128xf32, #tpu.memory_space<vmem>>
    %dma_wait3A_221 = tpu.memref_squeeze %dma_wait3A_220 : memref<1x32x128xf32, #tpu.memory_space<vmem>> -> memref<32x128xf32, #tpu.memory_space<vmem>>
    %dma_wait3A_222 = arith.constant 0 : i32
    %dma_wait3A_223 = arith.constant 0 : i32
    %dma_wait3A_224 = tpu.memref_slice %arg4[%dma_wait3A_222, %dma_wait3A_223] : memref<640x100000xf32, #tpu.memory_space<hbm>> -> memref<32x128xf32, #tpu.memory_space<hbm>>
    %dma_wait3A_225 = arith.constant 0 : i32
    %dma_wait3A_226 = arith.constant 0 : i32
    %dma_wait3A_227 = tpu.memref_slice %arg8[%dma_wait3A_217, %dma_wait3A_225, %dma_wait3A_226] : memref<8x32x128xf32, #tpu.memory_space<vmem>> -> memref<1x32x128xf32, #tpu.memory_space<vmem>>
    %dma_wait3A_228 = tpu.memref_squeeze %dma_wait3A_227 : memref<1x32x128xf32, #tpu.memory_space<vmem>> -> memref<32x128xf32, #tpu.memory_space<vmem>>
    %dma_wait3A_229 = arith.constant 0 : i32
    %dma_wait3A_230 = arith.constant 0 : i32
    %dma_wait3A_231 = tpu.memref_slice %arg4[%dma_wait3A_229, %dma_wait3A_230] : memref<640x100000xf32, #tpu.memory_space<hbm>> -> memref<32x128xf32, #tpu.memory_space<hbm>>
    tpu.wait_dma2 semaphore(%arg11 : memref<!tpu.dma_semaphore, #tpu.memory_space<semaphore_mem>>) src(%dma_wait3A_231 : memref<32x128xf32, #tpu.memory_space<hbm>>) dst(%dma_wait3A_228 : memref<32x128xf32, #tpu.memory_space<vmem>>)
    %dma_wait3A_232 = arith.constant 4 : i32
    %dma_wait3A_233 = arith.constant 0 : i32
    %dma_wait3A_234 = arith.constant 0 : i32
    %dma_wait3A_235 = tpu.memref_slice %arg8[%dma_wait3A_232, %dma_wait3A_233, %dma_wait3A_234] : memref<8x32x128xf32, #tpu.memory_space<vmem>> -> memref<1x32x128xf32, #tpu.memory_space<vmem>>
    %dma_wait3A_236 = tpu.memref_squeeze %dma_wait3A_235 : memref<1x32x128xf32, #tpu.memory_space<vmem>> -> memref<32x128xf32, #tpu.memory_space<vmem>>
    %dma_wait3A_237 = arith.constant 0 : i32
    %dma_wait3A_238 = arith.constant 0 : i32
    %dma_wait3A_239 = tpu.memref_slice %arg4[%dma_wait3A_237, %dma_wait3A_238] : memref<640x100000xf32, #tpu.memory_space<hbm>> -> memref<32x128xf32, #tpu.memory_space<hbm>>
    %dma_wait3A_240 = arith.constant 0 : i32
    %dma_wait3A_241 = arith.constant 0 : i32
    %dma_wait3A_242 = tpu.memref_slice %arg8[%dma_wait3A_232, %dma_wait3A_240, %dma_wait3A_241] : memref<8x32x128xf32, #tpu.memory_space<vmem>> -> memref<1x32x128xf32, #tpu.memory_space<vmem>>
    %dma_wait3A_243 = tpu.memref_squeeze %dma_wait3A_242 : memref<1x32x128xf32, #tpu.memory_space<vmem>> -> memref<32x128xf32, #tpu.memory_space<vmem>>
    %dma_wait3A_244 = arith.constant 0 : i32
    %dma_wait3A_245 = arith.constant 0 : i32
    %dma_wait3A_246 = tpu.memref_slice %arg4[%dma_wait3A_244, %dma_wait3A_245] : memref<640x100000xf32, #tpu.memory_space<hbm>> -> memref<32x128xf32, #tpu.memory_space<hbm>>
    tpu.wait_dma2 semaphore(%arg11 : memref<!tpu.dma_semaphore, #tpu.memory_space<semaphore_mem>>) src(%dma_wait3A_246 : memref<32x128xf32, #tpu.memory_space<hbm>>) dst(%dma_wait3A_243 : memref<32x128xf32, #tpu.memory_space<vmem>>)
    %dma_wait3A_247 = arith.constant 5 : i32
    %dma_wait3A_248 = arith.constant 0 : i32
    %dma_wait3A_249 = arith.constant 0 : i32
    %dma_wait3A_250 = tpu.memref_slice %arg8[%dma_wait3A_247, %dma_wait3A_248, %dma_wait3A_249] : memref<8x32x128xf32, #tpu.memory_space<vmem>> -> memref<1x32x128xf32, #tpu.memory_space<vmem>>
    %dma_wait3A_251 = tpu.memref_squeeze %dma_wait3A_250 : memref<1x32x128xf32, #tpu.memory_space<vmem>> -> memref<32x128xf32, #tpu.memory_space<vmem>>
    %dma_wait3A_252 = arith.constant 0 : i32
    %dma_wait3A_253 = arith.constant 0 : i32
    %dma_wait3A_254 = tpu.memref_slice %arg4[%dma_wait3A_252, %dma_wait3A_253] : memref<640x100000xf32, #tpu.memory_space<hbm>> -> memref<32x128xf32, #tpu.memory_space<hbm>>
    %dma_wait3A_255 = arith.constant 0 : i32
    %dma_wait3A_256 = arith.constant 0 : i32
    %dma_wait3A_257 = tpu.memref_slice %arg8[%dma_wait3A_247, %dma_wait3A_255, %dma_wait3A_256] : memref<8x32x128xf32, #tpu.memory_space<vmem>> -> memref<1x32x128xf32, #tpu.memory_space<vmem>>
    %dma_wait3A_258 = tpu.memref_squeeze %dma_wait3A_257 : memref<1x32x128xf32, #tpu.memory_space<vmem>> -> memref<32x128xf32, #tpu.memory_space<vmem>>
    %dma_wait3A_259 = arith.constant 0 : i32
    %dma_wait3A_260 = arith.constant 0 : i32
    %dma_wait3A_261 = tpu.memref_slice %arg4[%dma_wait3A_259, %dma_wait3A_260] : memref<640x100000xf32, #tpu.memory_space<hbm>> -> memref<32x128xf32, #tpu.memory_space<hbm>>
    tpu.wait_dma2 semaphore(%arg11 : memref<!tpu.dma_semaphore, #tpu.memory_space<semaphore_mem>>) src(%dma_wait3A_261 : memref<32x128xf32, #tpu.memory_space<hbm>>) dst(%dma_wait3A_258 : memref<32x128xf32, #tpu.memory_space<vmem>>)
    %dma_wait3A_262 = arith.constant 6 : i32
    %dma_wait3A_263 = arith.constant 0 : i32
    %dma_wait3A_264 = arith.constant 0 : i32
    %dma_wait3A_265 = tpu.memref_slice %arg8[%dma_wait3A_262, %dma_wait3A_263, %dma_wait3A_264] : memref<8x32x128xf32, #tpu.memory_space<vmem>> -> memref<1x32x128xf32, #tpu.memory_space<vmem>>
    %dma_wait3A_266 = tpu.memref_squeeze %dma_wait3A_265 : memref<1x32x128xf32, #tpu.memory_space<vmem>> -> memref<32x128xf32, #tpu.memory_space<vmem>>
    %dma_wait3A_267 = arith.constant 0 : i32
    %dma_wait3A_268 = arith.constant 0 : i32
    %dma_wait3A_269 = tpu.memref_slice %arg4[%dma_wait3A_267, %dma_wait3A_268] : memref<640x100000xf32, #tpu.memory_space<hbm>> -> memref<32x128xf32, #tpu.memory_space<hbm>>
    %dma_wait3A_270 = arith.constant 0 : i32
    %dma_wait3A_271 = arith.constant 0 : i32
    %dma_wait3A_272 = tpu.memref_slice %arg8[%dma_wait3A_262, %dma_wait3A_270, %dma_wait3A_271] : memref<8x32x128xf32, #tpu.memory_space<vmem>> -> memref<1x32x128xf32, #tpu.memory_space<vmem>>
    %dma_wait3A_273 = tpu.memref_squeeze %dma_wait3A_272 : memref<1x32x128xf32, #tpu.memory_space<vmem>> -> memref<32x128xf32, #tpu.memory_space<vmem>>
    %dma_wait3A_274 = arith.constant 0 : i32
    %dma_wait3A_275 = arith.constant 0 : i32
    %dma_wait3A_276 = tpu.memref_slice %arg4[%dma_wait3A_274, %dma_wait3A_275] : memref<640x100000xf32, #tpu.memory_space<hbm>> -> memref<32x128xf32, #tpu.memory_space<hbm>>
    tpu.wait_dma2 semaphore(%arg11 : memref<!tpu.dma_semaphore, #tpu.memory_space<semaphore_mem>>) src(%dma_wait3A_276 : memref<32x128xf32, #tpu.memory_space<hbm>>) dst(%dma_wait3A_273 : memref<32x128xf32, #tpu.memory_space<vmem>>)
    %dma_wait3A_277 = arith.constant 7 : i32
    %dma_wait3A_278 = arith.constant 0 : i32
    %dma_wait3A_279 = arith.constant 0 : i32
    %dma_wait3A_280 = tpu.memref_slice %arg8[%dma_wait3A_277, %dma_wait3A_278, %dma_wait3A_279] : memref<8x32x128xf32, #tpu.memory_space<vmem>> -> memref<1x32x128xf32, #tpu.memory_space<vmem>>
    %dma_wait3A_281 = tpu.memref_squeeze %dma_wait3A_280 : memref<1x32x128xf32, #tpu.memory_space<vmem>> -> memref<32x128xf32, #tpu.memory_space<vmem>>
    %dma_wait3A_282 = arith.constant 0 : i32
    %dma_wait3A_283 = arith.constant 0 : i32
    %dma_wait3A_284 = tpu.memref_slice %arg4[%dma_wait3A_282, %dma_wait3A_283] : memref<640x100000xf32, #tpu.memory_space<hbm>> -> memref<32x128xf32, #tpu.memory_space<hbm>>
    %dma_wait3A_285 = arith.constant 0 : i32
    %dma_wait3A_286 = arith.constant 0 : i32
    %dma_wait3A_287 = tpu.memref_slice %arg8[%dma_wait3A_277, %dma_wait3A_285, %dma_wait3A_286] : memref<8x32x128xf32, #tpu.memory_space<vmem>> -> memref<1x32x128xf32, #tpu.memory_space<vmem>>
    %dma_wait3A_288 = tpu.memref_squeeze %dma_wait3A_287 : memref<1x32x128xf32, #tpu.memory_space<vmem>> -> memref<32x128xf32, #tpu.memory_space<vmem>>
    %dma_wait3A_289 = arith.constant 0 : i32
    %dma_wait3A_290 = arith.constant 0 : i32
    %dma_wait3A_291 = tpu.memref_slice %arg4[%dma_wait3A_289, %dma_wait3A_290] : memref<640x100000xf32, #tpu.memory_space<hbm>> -> memref<32x128xf32, #tpu.memory_space<hbm>>
    tpu.wait_dma2 semaphore(%arg11 : memref<!tpu.dma_semaphore, #tpu.memory_space<semaphore_mem>>) src(%dma_wait3A_291 : memref<32x128xf32, #tpu.memory_space<hbm>>) dst(%dma_wait3A_288 : memref<32x128xf32, #tpu.memory_space<vmem>>)
    "tpu.region"() ({
      %run_scoped3A = tpu.sem_alloc : memref<!tpu.dma_semaphore, #tpu.memory_space<semaphore_mem>>
      %dma_start3A_292 = arith.constant 0 : i32
      %dma_start3A_293 = tpu.memref_slice %arg5[%mul3A_2, %dma_start3A_292] : memref<14336x32xf32, #tpu.memory_space<hbm>> -> memref<448x32xf32, #tpu.memory_space<hbm>>
      %dma_start3A_294 = arith.constant 0 : i32
      %dma_start3A_295 = tpu.memref_slice %arg5[%mul3A_2, %dma_start3A_294] : memref<14336x32xf32, #tpu.memory_space<hbm>> -> memref<448x32xf32, #tpu.memory_space<hbm>>
      tpu.enqueue_dma source(%arg10 : memref<448x32xf32, #tpu.memory_space<vmem>>) target(%dma_start3A_295 : memref<448x32xf32, #tpu.memory_space<hbm>>) target_semaphore(%run_scoped3A : memref<!tpu.dma_semaphore, #tpu.memory_space<semaphore_mem>>)
      %dma_wait3A_296 = arith.constant 0 : i32
      %dma_wait3A_297 = tpu.memref_slice %arg5[%mul3A_2, %dma_wait3A_296] : memref<14336x32xf32, #tpu.memory_space<hbm>> -> memref<448x32xf32, #tpu.memory_space<hbm>>
      %dma_wait3A_298 = arith.constant 0 : i32
      %dma_wait3A_299 = tpu.memref_slice %arg5[%mul3A_2, %dma_wait3A_298] : memref<14336x32xf32, #tpu.memory_space<hbm>> -> memref<448x32xf32, #tpu.memory_space<hbm>>
      tpu.wait_dma2 semaphore(%run_scoped3A : memref<!tpu.dma_semaphore, #tpu.memory_space<semaphore_mem>>) src(%arg10 : memref<448x32xf32, #tpu.memory_space<vmem>>) dst(%dma_wait3A_299 : memref<448x32xf32, #tpu.memory_space<hbm>>)
      tpu.yield
    }) : () -> ()
    return
  }
}

#map = affine_map<(d0, d1) -> (0)>
#map1 = affine_map<(d0, d1) -> (0, 0)>
module attributes {stable_mosaic.version = 14 : i64} {
  func.func @sc_gather(%arg0: i32, %arg1: i32, %arg2: memref<2048xi32, #tpu.memory_space<hbm>>, %arg3: memref<2048xi32, #tpu.memory_space<hbm>>, %arg4: memref<640x100000xf32, #tpu.memory_space<hbm>>, %arg5: memref<2048x32xf32, #tpu.memory_space<hbm>>, %arg6: memref<80xi32, #tpu.memory_space<vmem>>, %arg7: memref<80xi32, #tpu.memory_space<vmem>>, %arg8: memref<8x32x128xf32, #tpu.memory_space<vmem>>, %arg9: memref<8x32x128xf32, #tpu.memory_space<vmem>>, %arg10: memref<64x32xf32, #tpu.memory_space<vmem>>, %arg11: memref<!tpu.dma_semaphore, #tpu.memory_space<semaphore_mem>>, %arg12: memref<!tpu.dma_semaphore, #tpu.memory_space<semaphore_mem>>) attributes {dimension_semantics = [#tpu.dimension_semantics<core_parallel>, #tpu.dimension_semantics<subcore_parallel>], iteration_bounds = array<i64: 2, 16>, scalar_prefetch = 0 : i64, scratch_operands = 7 : i64, tpu.core_type = #tpu.core_type<sc_vector_subcore>, window_params = [{transform_indices = #map}, {transform_indices = #map}, {transform_indices = #map1}, {transform_indices = #map1}]} {
    %mul3A = arith.constant 2 : i32
    %mul3A_0 = arith.muli %arg1, %mul3A : i32
    %add3A = arith.addi %mul3A_0, %arg0 : i32
    %mul3A_1 = arith.constant 64 : i32
    %mul3A_2 = arith.muli %add3A, %mul3A_1 : i32
    %dma_start3A = arith.constant 0 : i32
    %dma_start3A_3 = tpu.memref_slice %arg6[%dma_start3A] : memref<80xi32, #tpu.memory_space<vmem>> -> memref<64xi32, #tpu.memory_space<vmem>>
    %dma_start3A_4 = tpu.memref_slice %arg2[%mul3A_2] : memref<2048xi32, #tpu.memory_space<hbm>> -> memref<64xi32, #tpu.memory_space<hbm>>
    %dma_start3A_5 = arith.constant 0 : i32
    %dma_start3A_6 = tpu.memref_slice %arg6[%dma_start3A_5] : memref<80xi32, #tpu.memory_space<vmem>> -> memref<64xi32, #tpu.memory_space<vmem>>
    %dma_start3A_7 = tpu.memref_slice %arg2[%mul3A_2] : memref<2048xi32, #tpu.memory_space<hbm>> -> memref<64xi32, #tpu.memory_space<hbm>>
    tpu.enqueue_dma source(%dma_start3A_7 : memref<64xi32, #tpu.memory_space<hbm>>) target(%dma_start3A_6 : memref<64xi32, #tpu.memory_space<vmem>>) target_semaphore(%arg11 : memref<!tpu.dma_semaphore, #tpu.memory_space<semaphore_mem>>)
    %dma_start3A_8 = arith.constant 0 : i32
    %dma_start3A_9 = tpu.memref_slice %arg7[%dma_start3A_8] : memref<80xi32, #tpu.memory_space<vmem>> -> memref<64xi32, #tpu.memory_space<vmem>>
    %dma_start3A_10 = tpu.memref_slice %arg3[%mul3A_2] : memref<2048xi32, #tpu.memory_space<hbm>> -> memref<64xi32, #tpu.memory_space<hbm>>
    %dma_start3A_11 = arith.constant 0 : i32
    %dma_start3A_12 = tpu.memref_slice %arg7[%dma_start3A_11] : memref<80xi32, #tpu.memory_space<vmem>> -> memref<64xi32, #tpu.memory_space<vmem>>
    %dma_start3A_13 = tpu.memref_slice %arg3[%mul3A_2] : memref<2048xi32, #tpu.memory_space<hbm>> -> memref<64xi32, #tpu.memory_space<hbm>>
    tpu.enqueue_dma source(%dma_start3A_13 : memref<64xi32, #tpu.memory_space<hbm>>) target(%dma_start3A_12 : memref<64xi32, #tpu.memory_space<vmem>>) target_semaphore(%arg12 : memref<!tpu.dma_semaphore, #tpu.memory_space<semaphore_mem>>)
    %dma_wait3A = arith.constant 0 : i32
    %dma_wait3A_14 = tpu.memref_slice %arg6[%dma_wait3A] : memref<80xi32, #tpu.memory_space<vmem>> -> memref<64xi32, #tpu.memory_space<vmem>>
    %dma_wait3A_15 = tpu.memref_slice %arg2[%mul3A_2] : memref<2048xi32, #tpu.memory_space<hbm>> -> memref<64xi32, #tpu.memory_space<hbm>>
    %dma_wait3A_16 = arith.constant 0 : i32
    %dma_wait3A_17 = tpu.memref_slice %arg6[%dma_wait3A_16] : memref<80xi32, #tpu.memory_space<vmem>> -> memref<64xi32, #tpu.memory_space<vmem>>
    %dma_wait3A_18 = tpu.memref_slice %arg2[%mul3A_2] : memref<2048xi32, #tpu.memory_space<hbm>> -> memref<64xi32, #tpu.memory_space<hbm>>
    tpu.wait_dma2 semaphore(%arg11 : memref<!tpu.dma_semaphore, #tpu.memory_space<semaphore_mem>>) src(%dma_wait3A_18 : memref<64xi32, #tpu.memory_space<hbm>>) dst(%dma_wait3A_17 : memref<64xi32, #tpu.memory_space<vmem>>)
    %dma_wait3A_19 = arith.constant 0 : i32
    %dma_wait3A_20 = tpu.memref_slice %arg7[%dma_wait3A_19] : memref<80xi32, #tpu.memory_space<vmem>> -> memref<64xi32, #tpu.memory_space<vmem>>
    %dma_wait3A_21 = tpu.memref_slice %arg3[%mul3A_2] : memref<2048xi32, #tpu.memory_space<hbm>> -> memref<64xi32, #tpu.memory_space<hbm>>
    %dma_wait3A_22 = arith.constant 0 : i32
    %dma_wait3A_23 = tpu.memref_slice %arg7[%dma_wait3A_22] : memref<80xi32, #tpu.memory_space<vmem>> -> memref<64xi32, #tpu.memory_space<vmem>>
    %dma_wait3A_24 = tpu.memref_slice %arg3[%mul3A_2] : memref<2048xi32, #tpu.memory_space<hbm>> -> memref<64xi32, #tpu.memory_space<hbm>>
    tpu.wait_dma2 semaphore(%arg12 : memref<!tpu.dma_semaphore, #tpu.memory_space<semaphore_mem>>) src(%dma_wait3A_24 : memref<64xi32, #tpu.memory_space<hbm>>) dst(%dma_wait3A_23 : memref<64xi32, #tpu.memory_space<vmem>>)
    %iota3A = tpu.iota {dimensions = array<i32: 0>} : vector<16xi32>
    %get3A = arith.constant 0 : index
    %get3A_25 = tpu.vector_load %arg6[%get3A] {strides = array<i32>} : memref<80xi32, #tpu.memory_space<vmem>>, vector<16xi32>,
    %and3A = arith.constant -128 : i32
    %and3A_26 = vector.broadcast %and3A : i32 to vector<16xi32>
    %and3A_27 = arith.andi %get3A_25, %and3A_26 : vector<16xi32>
    %get3A_28 = arith.constant 0 : index
    %get3A_29 = tpu.vector_load %arg7[%get3A_28] {strides = array<i32>} : memref<80xi32, #tpu.memory_space<vmem>>, vector<16xi32>,
    %mul3A_30 = arith.constant 32 : i32
    %mul3A_31 = vector.broadcast %mul3A_30 : i32 to vector<16xi32>
    %mul3A_32 = arith.muli %get3A_29, %mul3A_31 : vector<16xi32>
    %slice3A = vector.extract_strided_slice %mul3A_32 {offsets = [0], sizes = [1], strides = [1]} : vector<16xi32> to vector<1xi32>
    %squeeze3A = vector.extract %slice3A[0] : i32 from vector<1xi32>
    %multiple_of3A = tpu.assume_multiple %squeeze3A, 8 : i32
    %slice3A_33 = vector.extract_strided_slice %and3A_27 {offsets = [0], sizes = [1], strides = [1]} : vector<16xi32> to vector<1xi32>
    %squeeze3A_34 = vector.extract %slice3A_33[0] : i32 from vector<1xi32>
    %multiple_of3A_35 = tpu.assume_multiple %squeeze3A_34, 128 : i32
    %dma_start3A_36 = arith.constant 0 : i32
    %dma_start3A_37 = arith.constant 0 : i32
    %dma_start3A_38 = arith.constant 0 : i32
    %dma_start3A_39 = tpu.memref_slice %arg8[%dma_start3A_36, %dma_start3A_37, %dma_start3A_38] : memref<8x32x128xf32, #tpu.memory_space<vmem>> -> memref<1x32x128xf32, #tpu.memory_space<vmem>>
    %dma_start3A_40 = tpu.memref_squeeze %dma_start3A_39 : memref<1x32x128xf32, #tpu.memory_space<vmem>> -> memref<32x128xf32, #tpu.memory_space<vmem>>
    %dma_start3A_41 = tpu.memref_slice %arg4[%multiple_of3A, %multiple_of3A_35] : memref<640x100000xf32, #tpu.memory_space<hbm>> -> memref<32x128xf32, #tpu.memory_space<hbm>>
    %dma_start3A_42 = arith.constant 0 : i32
    %dma_start3A_43 = arith.constant 0 : i32
    %dma_start3A_44 = tpu.memref_slice %arg8[%dma_start3A_36, %dma_start3A_42, %dma_start3A_43] : memref<8x32x128xf32, #tpu.memory_space<vmem>> -> memref<1x32x128xf32, #tpu.memory_space<vmem>>
    %dma_start3A_45 = tpu.memref_squeeze %dma_start3A_44 : memref<1x32x128xf32, #tpu.memory_space<vmem>> -> memref<32x128xf32, #tpu.memory_space<vmem>>
    %dma_start3A_46 = tpu.memref_slice %arg4[%multiple_of3A, %multiple_of3A_35] : memref<640x100000xf32, #tpu.memory_space<hbm>> -> memref<32x128xf32, #tpu.memory_space<hbm>>
    tpu.enqueue_dma source(%dma_start3A_46 : memref<32x128xf32, #tpu.memory_space<hbm>>) target(%dma_start3A_45 : memref<32x128xf32, #tpu.memory_space<vmem>>) target_semaphore(%arg11 : memref<!tpu.dma_semaphore, #tpu.memory_space<semaphore_mem>>)
    %slice3A_47 = vector.extract_strided_slice %mul3A_32 {offsets = [1], sizes = [1], strides = [1]} : vector<16xi32> to vector<1xi32>
    %squeeze3A_48 = vector.extract %slice3A_47[0] : i32 from vector<1xi32>
    %multiple_of3A_49 = tpu.assume_multiple %squeeze3A_48, 8 : i32
    %slice3A_50 = vector.extract_strided_slice %and3A_27 {offsets = [1], sizes = [1], strides = [1]} : vector<16xi32> to vector<1xi32>
    %squeeze3A_51 = vector.extract %slice3A_50[0] : i32 from vector<1xi32>
    %multiple_of3A_52 = tpu.assume_multiple %squeeze3A_51, 128 : i32
    %dma_start3A_53 = arith.constant 1 : i32
    %dma_start3A_54 = arith.constant 0 : i32
    %dma_start3A_55 = arith.constant 0 : i32
    %dma_start3A_56 = tpu.memref_slice %arg8[%dma_start3A_53, %dma_start3A_54, %dma_start3A_55] : memref<8x32x128xf32, #tpu.memory_space<vmem>> -> memref<1x32x128xf32, #tpu.memory_space<vmem>>
    %dma_start3A_57 = tpu.memref_squeeze %dma_start3A_56 : memref<1x32x128xf32, #tpu.memory_space<vmem>> -> memref<32x128xf32, #tpu.memory_space<vmem>>
    %dma_start3A_58 = tpu.memref_slice %arg4[%multiple_of3A_49, %multiple_of3A_52] : memref<640x100000xf32, #tpu.memory_space<hbm>> -> memref<32x128xf32, #tpu.memory_space<hbm>>
    %dma_start3A_59 = arith.constant 0 : i32
    %dma_start3A_60 = arith.constant 0 : i32
    %dma_start3A_61 = tpu.memref_slice %arg8[%dma_start3A_53, %dma_start3A_59, %dma_start3A_60] : memref<8x32x128xf32, #tpu.memory_space<vmem>> -> memref<1x32x128xf32, #tpu.memory_space<vmem>>
    %dma_start3A_62 = tpu.memref_squeeze %dma_start3A_61 : memref<1x32x128xf32, #tpu.memory_space<vmem>> -> memref<32x128xf32, #tpu.memory_space<vmem>>
    %dma_start3A_63 = tpu.memref_slice %arg4[%multiple_of3A_49, %multiple_of3A_52] : memref<640x100000xf32, #tpu.memory_space<hbm>> -> memref<32x128xf32, #tpu.memory_space<hbm>>
    tpu.enqueue_dma source(%dma_start3A_63 : memref<32x128xf32, #tpu.memory_space<hbm>>) target(%dma_start3A_62 : memref<32x128xf32, #tpu.memory_space<vmem>>) target_semaphore(%arg11 : memref<!tpu.dma_semaphore, #tpu.memory_space<semaphore_mem>>)
    %slice3A_64 = vector.extract_strided_slice %mul3A_32 {offsets = [2], sizes = [1], strides = [1]} : vector<16xi32> to vector<1xi32>
    %squeeze3A_65 = vector.extract %slice3A_64[0] : i32 from vector<1xi32>
    %multiple_of3A_66 = tpu.assume_multiple %squeeze3A_65, 8 : i32
    %slice3A_67 = vector.extract_strided_slice %and3A_27 {offsets = [2], sizes = [1], strides = [1]} : vector<16xi32> to vector<1xi32>
    %squeeze3A_68 = vector.extract %slice3A_67[0] : i32 from vector<1xi32>
    %multiple_of3A_69 = tpu.assume_multiple %squeeze3A_68, 128 : i32
    %dma_start3A_70 = arith.constant 2 : i32
    %dma_start3A_71 = arith.constant 0 : i32
    %dma_start3A_72 = arith.constant 0 : i32
    %dma_start3A_73 = tpu.memref_slice %arg8[%dma_start3A_70, %dma_start3A_71, %dma_start3A_72] : memref<8x32x128xf32, #tpu.memory_space<vmem>> -> memref<1x32x128xf32, #tpu.memory_space<vmem>>
    %dma_start3A_74 = tpu.memref_squeeze %dma_start3A_73 : memref<1x32x128xf32, #tpu.memory_space<vmem>> -> memref<32x128xf32, #tpu.memory_space<vmem>>
    %dma_start3A_75 = tpu.memref_slice %arg4[%multiple_of3A_66, %multiple_of3A_69] : memref<640x100000xf32, #tpu.memory_space<hbm>> -> memref<32x128xf32, #tpu.memory_space<hbm>>
    %dma_start3A_76 = arith.constant 0 : i32
    %dma_start3A_77 = arith.constant 0 : i32
    %dma_start3A_78 = tpu.memref_slice %arg8[%dma_start3A_70, %dma_start3A_76, %dma_start3A_77] : memref<8x32x128xf32, #tpu.memory_space<vmem>> -> memref<1x32x128xf32, #tpu.memory_space<vmem>>
    %dma_start3A_79 = tpu.memref_squeeze %dma_start3A_78 : memref<1x32x128xf32, #tpu.memory_space<vmem>> -> memref<32x128xf32, #tpu.memory_space<vmem>>
    %dma_start3A_80 = tpu.memref_slice %arg4[%multiple_of3A_66, %multiple_of3A_69] : memref<640x100000xf32, #tpu.memory_space<hbm>> -> memref<32x128xf32, #tpu.memory_space<hbm>>
    tpu.enqueue_dma source(%dma_start3A_80 : memref<32x128xf32, #tpu.memory_space<hbm>>) target(%dma_start3A_79 : memref<32x128xf32, #tpu.memory_space<vmem>>) target_semaphore(%arg11 : memref<!tpu.dma_semaphore, #tpu.memory_space<semaphore_mem>>)
    %slice3A_81 = vector.extract_strided_slice %mul3A_32 {offsets = [3], sizes = [1], strides = [1]} : vector<16xi32> to vector<1xi32>
    %squeeze3A_82 = vector.extract %slice3A_81[0] : i32 from vector<1xi32>
    %multiple_of3A_83 = tpu.assume_multiple %squeeze3A_82, 8 : i32
    %slice3A_84 = vector.extract_strided_slice %and3A_27 {offsets = [3], sizes = [1], strides = [1]} : vector<16xi32> to vector<1xi32>
    %squeeze3A_85 = vector.extract %slice3A_84[0] : i32 from vector<1xi32>
    %multiple_of3A_86 = tpu.assume_multiple %squeeze3A_85, 128 : i32
    %dma_start3A_87 = arith.constant 3 : i32
    %dma_start3A_88 = arith.constant 0 : i32
    %dma_start3A_89 = arith.constant 0 : i32
    %dma_start3A_90 = tpu.memref_slice %arg8[%dma_start3A_87, %dma_start3A_88, %dma_start3A_89] : memref<8x32x128xf32, #tpu.memory_space<vmem>> -> memref<1x32x128xf32, #tpu.memory_space<vmem>>
    %dma_start3A_91 = tpu.memref_squeeze %dma_start3A_90 : memref<1x32x128xf32, #tpu.memory_space<vmem>> -> memref<32x128xf32, #tpu.memory_space<vmem>>
    %dma_start3A_92 = tpu.memref_slice %arg4[%multiple_of3A_83, %multiple_of3A_86] : memref<640x100000xf32, #tpu.memory_space<hbm>> -> memref<32x128xf32, #tpu.memory_space<hbm>>
    %dma_start3A_93 = arith.constant 0 : i32
    %dma_start3A_94 = arith.constant 0 : i32
    %dma_start3A_95 = tpu.memref_slice %arg8[%dma_start3A_87, %dma_start3A_93, %dma_start3A_94] : memref<8x32x128xf32, #tpu.memory_space<vmem>> -> memref<1x32x128xf32, #tpu.memory_space<vmem>>
    %dma_start3A_96 = tpu.memref_squeeze %dma_start3A_95 : memref<1x32x128xf32, #tpu.memory_space<vmem>> -> memref<32x128xf32, #tpu.memory_space<vmem>>
    %dma_start3A_97 = tpu.memref_slice %arg4[%multiple_of3A_83, %multiple_of3A_86] : memref<640x100000xf32, #tpu.memory_space<hbm>> -> memref<32x128xf32, #tpu.memory_space<hbm>>
    tpu.enqueue_dma source(%dma_start3A_97 : memref<32x128xf32, #tpu.memory_space<hbm>>) target(%dma_start3A_96 : memref<32x128xf32, #tpu.memory_space<vmem>>) target_semaphore(%arg11 : memref<!tpu.dma_semaphore, #tpu.memory_space<semaphore_mem>>)
    %slice3A_98 = vector.extract_strided_slice %mul3A_32 {offsets = [4], sizes = [1], strides = [1]} : vector<16xi32> to vector<1xi32>
    %squeeze3A_99 = vector.extract %slice3A_98[0] : i32 from vector<1xi32>
    %multiple_of3A_100 = tpu.assume_multiple %squeeze3A_99, 8 : i32
    %slice3A_101 = vector.extract_strided_slice %and3A_27 {offsets = [4], sizes = [1], strides = [1]} : vector<16xi32> to vector<1xi32>
    %squeeze3A_102 = vector.extract %slice3A_101[0] : i32 from vector<1xi32>
    %multiple_of3A_103 = tpu.assume_multiple %squeeze3A_102, 128 : i32
    %dma_start3A_104 = arith.constant 4 : i32
    %dma_start3A_105 = arith.constant 0 : i32
    %dma_start3A_106 = arith.constant 0 : i32
    %dma_start3A_107 = tpu.memref_slice %arg8[%dma_start3A_104, %dma_start3A_105, %dma_start3A_106] : memref<8x32x128xf32, #tpu.memory_space<vmem>> -> memref<1x32x128xf32, #tpu.memory_space<vmem>>
    %dma_start3A_108 = tpu.memref_squeeze %dma_start3A_107 : memref<1x32x128xf32, #tpu.memory_space<vmem>> -> memref<32x128xf32, #tpu.memory_space<vmem>>
    %dma_start3A_109 = tpu.memref_slice %arg4[%multiple_of3A_100, %multiple_of3A_103] : memref<640x100000xf32, #tpu.memory_space<hbm>> -> memref<32x128xf32, #tpu.memory_space<hbm>>
    %dma_start3A_110 = arith.constant 0 : i32
    %dma_start3A_111 = arith.constant 0 : i32
    %dma_start3A_112 = tpu.memref_slice %arg8[%dma_start3A_104, %dma_start3A_110, %dma_start3A_111] : memref<8x32x128xf32, #tpu.memory_space<vmem>> -> memref<1x32x128xf32, #tpu.memory_space<vmem>>
    %dma_start3A_113 = tpu.memref_squeeze %dma_start3A_112 : memref<1x32x128xf32, #tpu.memory_space<vmem>> -> memref<32x128xf32, #tpu.memory_space<vmem>>
    %dma_start3A_114 = tpu.memref_slice %arg4[%multiple_of3A_100, %multiple_of3A_103] : memref<640x100000xf32, #tpu.memory_space<hbm>> -> memref<32x128xf32, #tpu.memory_space<hbm>>
    tpu.enqueue_dma source(%dma_start3A_114 : memref<32x128xf32, #tpu.memory_space<hbm>>) target(%dma_start3A_113 : memref<32x128xf32, #tpu.memory_space<vmem>>) target_semaphore(%arg11 : memref<!tpu.dma_semaphore, #tpu.memory_space<semaphore_mem>>)
    %slice3A_115 = vector.extract_strided_slice %mul3A_32 {offsets = [5], sizes = [1], strides = [1]} : vector<16xi32> to vector<1xi32>
    %squeeze3A_116 = vector.extract %slice3A_115[0] : i32 from vector<1xi32>
    %multiple_of3A_117 = tpu.assume_multiple %squeeze3A_116, 8 : i32
    %slice3A_118 = vector.extract_strided_slice %and3A_27 {offsets = [5], sizes = [1], strides = [1]} : vector<16xi32> to vector<1xi32>
    %squeeze3A_119 = vector.extract %slice3A_118[0] : i32 from vector<1xi32>
    %multiple_of3A_120 = tpu.assume_multiple %squeeze3A_119, 128 : i32
    %dma_start3A_121 = arith.constant 5 : i32
    %dma_start3A_122 = arith.constant 0 : i32
    %dma_start3A_123 = arith.constant 0 : i32
    %dma_start3A_124 = tpu.memref_slice %arg8[%dma_start3A_121, %dma_start3A_122, %dma_start3A_123] : memref<8x32x128xf32, #tpu.memory_space<vmem>> -> memref<1x32x128xf32, #tpu.memory_space<vmem>>
    %dma_start3A_125 = tpu.memref_squeeze %dma_start3A_124 : memref<1x32x128xf32, #tpu.memory_space<vmem>> -> memref<32x128xf32, #tpu.memory_space<vmem>>
    %dma_start3A_126 = tpu.memref_slice %arg4[%multiple_of3A_117, %multiple_of3A_120] : memref<640x100000xf32, #tpu.memory_space<hbm>> -> memref<32x128xf32, #tpu.memory_space<hbm>>
    %dma_start3A_127 = arith.constant 0 : i32
    %dma_start3A_128 = arith.constant 0 : i32
    %dma_start3A_129 = tpu.memref_slice %arg8[%dma_start3A_121, %dma_start3A_127, %dma_start3A_128] : memref<8x32x128xf32, #tpu.memory_space<vmem>> -> memref<1x32x128xf32, #tpu.memory_space<vmem>>
    %dma_start3A_130 = tpu.memref_squeeze %dma_start3A_129 : memref<1x32x128xf32, #tpu.memory_space<vmem>> -> memref<32x128xf32, #tpu.memory_space<vmem>>
    %dma_start3A_131 = tpu.memref_slice %arg4[%multiple_of3A_117, %multiple_of3A_120] : memref<640x100000xf32, #tpu.memory_space<hbm>> -> memref<32x128xf32, #tpu.memory_space<hbm>>
    tpu.enqueue_dma source(%dma_start3A_131 : memref<32x128xf32, #tpu.memory_space<hbm>>) target(%dma_start3A_130 : memref<32x128xf32, #tpu.memory_space<vmem>>) target_semaphore(%arg11 : memref<!tpu.dma_semaphore, #tpu.memory_space<semaphore_mem>>)
    %slice3A_132 = vector.extract_strided_slice %mul3A_32 {offsets = [6], sizes = [1], strides = [1]} : vector<16xi32> to vector<1xi32>
    %squeeze3A_133 = vector.extract %slice3A_132[0] : i32 from vector<1xi32>
    %multiple_of3A_134 = tpu.assume_multiple %squeeze3A_133, 8 : i32
    %slice3A_135 = vector.extract_strided_slice %and3A_27 {offsets = [6], sizes = [1], strides = [1]} : vector<16xi32> to vector<1xi32>
    %squeeze3A_136 = vector.extract %slice3A_135[0] : i32 from vector<1xi32>
    %multiple_of3A_137 = tpu.assume_multiple %squeeze3A_136, 128 : i32
    %dma_start3A_138 = arith.constant 6 : i32
    %dma_start3A_139 = arith.constant 0 : i32
    %dma_start3A_140 = arith.constant 0 : i32
    %dma_start3A_141 = tpu.memref_slice %arg8[%dma_start3A_138, %dma_start3A_139, %dma_start3A_140] : memref<8x32x128xf32, #tpu.memory_space<vmem>> -> memref<1x32x128xf32, #tpu.memory_space<vmem>>
    %dma_start3A_142 = tpu.memref_squeeze %dma_start3A_141 : memref<1x32x128xf32, #tpu.memory_space<vmem>> -> memref<32x128xf32, #tpu.memory_space<vmem>>
    %dma_start3A_143 = tpu.memref_slice %arg4[%multiple_of3A_134, %multiple_of3A_137] : memref<640x100000xf32, #tpu.memory_space<hbm>> -> memref<32x128xf32, #tpu.memory_space<hbm>>
    %dma_start3A_144 = arith.constant 0 : i32
    %dma_start3A_145 = arith.constant 0 : i32
    %dma_start3A_146 = tpu.memref_slice %arg8[%dma_start3A_138, %dma_start3A_144, %dma_start3A_145] : memref<8x32x128xf32, #tpu.memory_space<vmem>> -> memref<1x32x128xf32, #tpu.memory_space<vmem>>
    %dma_start3A_147 = tpu.memref_squeeze %dma_start3A_146 : memref<1x32x128xf32, #tpu.memory_space<vmem>> -> memref<32x128xf32, #tpu.memory_space<vmem>>
    %dma_start3A_148 = tpu.memref_slice %arg4[%multiple_of3A_134, %multiple_of3A_137] : memref<640x100000xf32, #tpu.memory_space<hbm>> -> memref<32x128xf32, #tpu.memory_space<hbm>>
    tpu.enqueue_dma source(%dma_start3A_148 : memref<32x128xf32, #tpu.memory_space<hbm>>) target(%dma_start3A_147 : memref<32x128xf32, #tpu.memory_space<vmem>>) target_semaphore(%arg11 : memref<!tpu.dma_semaphore, #tpu.memory_space<semaphore_mem>>)
    %slice3A_149 = vector.extract_strided_slice %mul3A_32 {offsets = [7], sizes = [1], strides = [1]} : vector<16xi32> to vector<1xi32>
    %squeeze3A_150 = vector.extract %slice3A_149[0] : i32 from vector<1xi32>
    %multiple_of3A_151 = tpu.assume_multiple %squeeze3A_150, 8 : i32
    %slice3A_152 = vector.extract_strided_slice %and3A_27 {offsets = [7], sizes = [1], strides = [1]} : vector<16xi32> to vector<1xi32>
    %squeeze3A_153 = vector.extract %slice3A_152[0] : i32 from vector<1xi32>
    %multiple_of3A_154 = tpu.assume_multiple %squeeze3A_153, 128 : i32
    %dma_start3A_155 = arith.constant 7 : i32
    %dma_start3A_156 = arith.constant 0 : i32
    %dma_start3A_157 = arith.constant 0 : i32
    %dma_start3A_158 = tpu.memref_slice %arg8[%dma_start3A_155, %dma_start3A_156, %dma_start3A_157] : memref<8x32x128xf32, #tpu.memory_space<vmem>> -> memref<1x32x128xf32, #tpu.memory_space<vmem>>
    %dma_start3A_159 = tpu.memref_squeeze %dma_start3A_158 : memref<1x32x128xf32, #tpu.memory_space<vmem>> -> memref<32x128xf32, #tpu.memory_space<vmem>>
    %dma_start3A_160 = tpu.memref_slice %arg4[%multiple_of3A_151, %multiple_of3A_154] : memref<640x100000xf32, #tpu.memory_space<hbm>> -> memref<32x128xf32, #tpu.memory_space<hbm>>
    %dma_start3A_161 = arith.constant 0 : i32
    %dma_start3A_162 = arith.constant 0 : i32
    %dma_start3A_163 = tpu.memref_slice %arg8[%dma_start3A_155, %dma_start3A_161, %dma_start3A_162] : memref<8x32x128xf32, #tpu.memory_space<vmem>> -> memref<1x32x128xf32, #tpu.memory_space<vmem>>
    %dma_start3A_164 = tpu.memref_squeeze %dma_start3A_163 : memref<1x32x128xf32, #tpu.memory_space<vmem>> -> memref<32x128xf32, #tpu.memory_space<vmem>>
    %dma_start3A_165 = tpu.memref_slice %arg4[%multiple_of3A_151, %multiple_of3A_154] : memref<640x100000xf32, #tpu.memory_space<hbm>> -> memref<32x128xf32, #tpu.memory_space<hbm>>
    tpu.enqueue_dma source(%dma_start3A_165 : memref<32x128xf32, #tpu.memory_space<hbm>>) target(%dma_start3A_164 : memref<32x128xf32, #tpu.memory_space<vmem>>) target_semaphore(%arg11 : memref<!tpu.dma_semaphore, #tpu.memory_space<semaphore_mem>>)
    %scan3A = arith.constant 0 : i32
    %scan3A_166 = arith.constant 0 : i32
    %scan3A_167 = arith.constant 4 : i32
    %scan3A_168 = arith.addi %scan3A_166, %scan3A_167 : i32
    %scan3A_169 = arith.constant 1 : i32
    %scan3A_170 = scf.for %scan3A_292 = %scan3A_166 to %scan3A_168 step %scan3A_169 iter_args(%scan3A_293 = %scan3A) -> (i32)  : i32 {
      %mul3A_294 = arith.constant 16 : i32
      %mul3A_295 = arith.muli %scan3A_292, %mul3A_294 : i32
      %add3A_296 = arith.constant 8 : i32
      %add3A_297 = arith.addi %mul3A_295, %add3A_296 : i32
      %get3A_298 = arith.index_cast %add3A_297 : i32 to index
      %get3A_299 = tpu.vector_load %arg6[%get3A_298] {strides = array<i32>} : memref<80xi32, #tpu.memory_space<vmem>>, vector<16xi32>,
      %and3A_300 = arith.constant -128 : i32
      %and3A_301 = vector.broadcast %and3A_300 : i32 to vector<16xi32>
      %and3A_302 = arith.andi %get3A_299, %and3A_301 : vector<16xi32>
      %get3A_303 = arith.index_cast %add3A_297 : i32 to index
      %get3A_304 = tpu.vector_load %arg7[%get3A_303] {strides = array<i32>} : memref<80xi32, #tpu.memory_space<vmem>>, vector<16xi32>,
      %mul3A_305 = arith.constant 32 : i32
      %mul3A_306 = vector.broadcast %mul3A_305 : i32 to vector<16xi32>
      %mul3A_307 = arith.muli %get3A_304, %mul3A_306 : vector<16xi32>
      %slice3A_308 = vector.extract_strided_slice %mul3A_307 {offsets = [0], sizes = [1], strides = [1]} : vector<16xi32> to vector<1xi32>
      %squeeze3A_309 = vector.extract %slice3A_308[0] : i32 from vector<1xi32>
      %multiple_of3A_310 = tpu.assume_multiple %squeeze3A_309, 8 : i32
      %slice3A_311 = vector.extract_strided_slice %and3A_302 {offsets = [0], sizes = [1], strides = [1]} : vector<16xi32> to vector<1xi32>
      %squeeze3A_312 = vector.extract %slice3A_311[0] : i32 from vector<1xi32>
      %multiple_of3A_313 = tpu.assume_multiple %squeeze3A_312, 128 : i32
      %dma_start3A_314 = arith.constant 0 : i32
      %dma_start3A_315 = arith.constant 0 : i32
      %dma_start3A_316 = arith.constant 0 : i32
      %dma_start3A_317 = tpu.memref_slice %arg9[%dma_start3A_314, %dma_start3A_315, %dma_start3A_316] : memref<8x32x128xf32, #tpu.memory_space<vmem>> -> memref<1x32x128xf32, #tpu.memory_space<vmem>>
      %dma_start3A_318 = tpu.memref_squeeze %dma_start3A_317 : memref<1x32x128xf32, #tpu.memory_space<vmem>> -> memref<32x128xf32, #tpu.memory_space<vmem>>
      %dma_start3A_319 = tpu.memref_slice %arg4[%multiple_of3A_310, %multiple_of3A_313] : memref<640x100000xf32, #tpu.memory_space<hbm>> -> memref<32x128xf32, #tpu.memory_space<hbm>>
      %dma_start3A_320 = arith.constant 0 : i32
      %dma_start3A_321 = arith.constant 0 : i32
      %dma_start3A_322 = tpu.memref_slice %arg9[%dma_start3A_314, %dma_start3A_320, %dma_start3A_321] : memref<8x32x128xf32, #tpu.memory_space<vmem>> -> memref<1x32x128xf32, #tpu.memory_space<vmem>>
      %dma_start3A_323 = tpu.memref_squeeze %dma_start3A_322 : memref<1x32x128xf32, #tpu.memory_space<vmem>> -> memref<32x128xf32, #tpu.memory_space<vmem>>
      %dma_start3A_324 = tpu.memref_slice %arg4[%multiple_of3A_310, %multiple_of3A_313] : memref<640x100000xf32, #tpu.memory_space<hbm>> -> memref<32x128xf32, #tpu.memory_space<hbm>>
      tpu.enqueue_dma source(%dma_start3A_324 : memref<32x128xf32, #tpu.memory_space<hbm>>) target(%dma_start3A_323 : memref<32x128xf32, #tpu.memory_space<vmem>>) target_semaphore(%arg12 : memref<!tpu.dma_semaphore, #tpu.memory_space<semaphore_mem>>)
      %slice3A_325 = vector.extract_strided_slice %mul3A_307 {offsets = [1], sizes = [1], strides = [1]} : vector<16xi32> to vector<1xi32>
      %squeeze3A_326 = vector.extract %slice3A_325[0] : i32 from vector<1xi32>
      %multiple_of3A_327 = tpu.assume_multiple %squeeze3A_326, 8 : i32
      %slice3A_328 = vector.extract_strided_slice %and3A_302 {offsets = [1], sizes = [1], strides = [1]} : vector<16xi32> to vector<1xi32>
      %squeeze3A_329 = vector.extract %slice3A_328[0] : i32 from vector<1xi32>
      %multiple_of3A_330 = tpu.assume_multiple %squeeze3A_329, 128 : i32
      %dma_start3A_331 = arith.constant 1 : i32
      %dma_start3A_332 = arith.constant 0 : i32
      %dma_start3A_333 = arith.constant 0 : i32
      %dma_start3A_334 = tpu.memref_slice %arg9[%dma_start3A_331, %dma_start3A_332, %dma_start3A_333] : memref<8x32x128xf32, #tpu.memory_space<vmem>> -> memref<1x32x128xf32, #tpu.memory_space<vmem>>
      %dma_start3A_335 = tpu.memref_squeeze %dma_start3A_334 : memref<1x32x128xf32, #tpu.memory_space<vmem>> -> memref<32x128xf32, #tpu.memory_space<vmem>>
      %dma_start3A_336 = tpu.memref_slice %arg4[%multiple_of3A_327, %multiple_of3A_330] : memref<640x100000xf32, #tpu.memory_space<hbm>> -> memref<32x128xf32, #tpu.memory_space<hbm>>
      %dma_start3A_337 = arith.constant 0 : i32
      %dma_start3A_338 = arith.constant 0 : i32
      %dma_start3A_339 = tpu.memref_slice %arg9[%dma_start3A_331, %dma_start3A_337, %dma_start3A_338] : memref<8x32x128xf32, #tpu.memory_space<vmem>> -> memref<1x32x128xf32, #tpu.memory_space<vmem>>
      %dma_start3A_340 = tpu.memref_squeeze %dma_start3A_339 : memref<1x32x128xf32, #tpu.memory_space<vmem>> -> memref<32x128xf32, #tpu.memory_space<vmem>>
      %dma_start3A_341 = tpu.memref_slice %arg4[%multiple_of3A_327, %multiple_of3A_330] : memref<640x100000xf32, #tpu.memory_space<hbm>> -> memref<32x128xf32, #tpu.memory_space<hbm>>
      tpu.enqueue_dma source(%dma_start3A_341 : memref<32x128xf32, #tpu.memory_space<hbm>>) target(%dma_start3A_340 : memref<32x128xf32, #tpu.memory_space<vmem>>) target_semaphore(%arg12 : memref<!tpu.dma_semaphore, #tpu.memory_space<semaphore_mem>>)
      %slice3A_342 = vector.extract_strided_slice %mul3A_307 {offsets = [2], sizes = [1], strides = [1]} : vector<16xi32> to vector<1xi32>
      %squeeze3A_343 = vector.extract %slice3A_342[0] : i32 from vector<1xi32>
      %multiple_of3A_344 = tpu.assume_multiple %squeeze3A_343, 8 : i32
      %slice3A_345 = vector.extract_strided_slice %and3A_302 {offsets = [2], sizes = [1], strides = [1]} : vector<16xi32> to vector<1xi32>
      %squeeze3A_346 = vector.extract %slice3A_345[0] : i32 from vector<1xi32>
      %multiple_of3A_347 = tpu.assume_multiple %squeeze3A_346, 128 : i32
      %dma_start3A_348 = arith.constant 2 : i32
      %dma_start3A_349 = arith.constant 0 : i32
      %dma_start3A_350 = arith.constant 0 : i32
      %dma_start3A_351 = tpu.memref_slice %arg9[%dma_start3A_348, %dma_start3A_349, %dma_start3A_350] : memref<8x32x128xf32, #tpu.memory_space<vmem>> -> memref<1x32x128xf32, #tpu.memory_space<vmem>>
      %dma_start3A_352 = tpu.memref_squeeze %dma_start3A_351 : memref<1x32x128xf32, #tpu.memory_space<vmem>> -> memref<32x128xf32, #tpu.memory_space<vmem>>
      %dma_start3A_353 = tpu.memref_slice %arg4[%multiple_of3A_344, %multiple_of3A_347] : memref<640x100000xf32, #tpu.memory_space<hbm>> -> memref<32x128xf32, #tpu.memory_space<hbm>>
      %dma_start3A_354 = arith.constant 0 : i32
      %dma_start3A_355 = arith.constant 0 : i32
      %dma_start3A_356 = tpu.memref_slice %arg9[%dma_start3A_348, %dma_start3A_354, %dma_start3A_355] : memref<8x32x128xf32, #tpu.memory_space<vmem>> -> memref<1x32x128xf32, #tpu.memory_space<vmem>>
      %dma_start3A_357 = tpu.memref_squeeze %dma_start3A_356 : memref<1x32x128xf32, #tpu.memory_space<vmem>> -> memref<32x128xf32, #tpu.memory_space<vmem>>
      %dma_start3A_358 = tpu.memref_slice %arg4[%multiple_of3A_344, %multiple_of3A_347] : memref<640x100000xf32, #tpu.memory_space<hbm>> -> memref<32x128xf32, #tpu.memory_space<hbm>>
      tpu.enqueue_dma source(%dma_start3A_358 : memref<32x128xf32, #tpu.memory_space<hbm>>) target(%dma_start3A_357 : memref<32x128xf32, #tpu.memory_space<vmem>>) target_semaphore(%arg12 : memref<!tpu.dma_semaphore, #tpu.memory_space<semaphore_mem>>)
      %slice3A_359 = vector.extract_strided_slice %mul3A_307 {offsets = [3], sizes = [1], strides = [1]} : vector<16xi32> to vector<1xi32>
      %squeeze3A_360 = vector.extract %slice3A_359[0] : i32 from vector<1xi32>
      %multiple_of3A_361 = tpu.assume_multiple %squeeze3A_360, 8 : i32
      %slice3A_362 = vector.extract_strided_slice %and3A_302 {offsets = [3], sizes = [1], strides = [1]} : vector<16xi32> to vector<1xi32>
      %squeeze3A_363 = vector.extract %slice3A_362[0] : i32 from vector<1xi32>
      %multiple_of3A_364 = tpu.assume_multiple %squeeze3A_363, 128 : i32
      %dma_start3A_365 = arith.constant 3 : i32
      %dma_start3A_366 = arith.constant 0 : i32
      %dma_start3A_367 = arith.constant 0 : i32
      %dma_start3A_368 = tpu.memref_slice %arg9[%dma_start3A_365, %dma_start3A_366, %dma_start3A_367] : memref<8x32x128xf32, #tpu.memory_space<vmem>> -> memref<1x32x128xf32, #tpu.memory_space<vmem>>
      %dma_start3A_369 = tpu.memref_squeeze %dma_start3A_368 : memref<1x32x128xf32, #tpu.memory_space<vmem>> -> memref<32x128xf32, #tpu.memory_space<vmem>>
      %dma_start3A_370 = tpu.memref_slice %arg4[%multiple_of3A_361, %multiple_of3A_364] : memref<640x100000xf32, #tpu.memory_space<hbm>> -> memref<32x128xf32, #tpu.memory_space<hbm>>
      %dma_start3A_371 = arith.constant 0 : i32
      %dma_start3A_372 = arith.constant 0 : i32
      %dma_start3A_373 = tpu.memref_slice %arg9[%dma_start3A_365, %dma_start3A_371, %dma_start3A_372] : memref<8x32x128xf32, #tpu.memory_space<vmem>> -> memref<1x32x128xf32, #tpu.memory_space<vmem>>
      %dma_start3A_374 = tpu.memref_squeeze %dma_start3A_373 : memref<1x32x128xf32, #tpu.memory_space<vmem>> -> memref<32x128xf32, #tpu.memory_space<vmem>>
      %dma_start3A_375 = tpu.memref_slice %arg4[%multiple_of3A_361, %multiple_of3A_364] : memref<640x100000xf32, #tpu.memory_space<hbm>> -> memref<32x128xf32, #tpu.memory_space<hbm>>
      tpu.enqueue_dma source(%dma_start3A_375 : memref<32x128xf32, #tpu.memory_space<hbm>>) target(%dma_start3A_374 : memref<32x128xf32, #tpu.memory_space<vmem>>) target_semaphore(%arg12 : memref<!tpu.dma_semaphore, #tpu.memory_space<semaphore_mem>>)
      %slice3A_376 = vector.extract_strided_slice %mul3A_307 {offsets = [4], sizes = [1], strides = [1]} : vector<16xi32> to vector<1xi32>
      %squeeze3A_377 = vector.extract %slice3A_376[0] : i32 from vector<1xi32>
      %multiple_of3A_378 = tpu.assume_multiple %squeeze3A_377, 8 : i32
      %slice3A_379 = vector.extract_strided_slice %and3A_302 {offsets = [4], sizes = [1], strides = [1]} : vector<16xi32> to vector<1xi32>
      %squeeze3A_380 = vector.extract %slice3A_379[0] : i32 from vector<1xi32>
      %multiple_of3A_381 = tpu.assume_multiple %squeeze3A_380, 128 : i32
      %dma_start3A_382 = arith.constant 4 : i32
      %dma_start3A_383 = arith.constant 0 : i32
      %dma_start3A_384 = arith.constant 0 : i32
      %dma_start3A_385 = tpu.memref_slice %arg9[%dma_start3A_382, %dma_start3A_383, %dma_start3A_384] : memref<8x32x128xf32, #tpu.memory_space<vmem>> -> memref<1x32x128xf32, #tpu.memory_space<vmem>>
      %dma_start3A_386 = tpu.memref_squeeze %dma_start3A_385 : memref<1x32x128xf32, #tpu.memory_space<vmem>> -> memref<32x128xf32, #tpu.memory_space<vmem>>
      %dma_start3A_387 = tpu.memref_slice %arg4[%multiple_of3A_378, %multiple_of3A_381] : memref<640x100000xf32, #tpu.memory_space<hbm>> -> memref<32x128xf32, #tpu.memory_space<hbm>>
      %dma_start3A_388 = arith.constant 0 : i32
      %dma_start3A_389 = arith.constant 0 : i32
      %dma_start3A_390 = tpu.memref_slice %arg9[%dma_start3A_382, %dma_start3A_388, %dma_start3A_389] : memref<8x32x128xf32, #tpu.memory_space<vmem>> -> memref<1x32x128xf32, #tpu.memory_space<vmem>>
      %dma_start3A_391 = tpu.memref_squeeze %dma_start3A_390 : memref<1x32x128xf32, #tpu.memory_space<vmem>> -> memref<32x128xf32, #tpu.memory_space<vmem>>
      %dma_start3A_392 = tpu.memref_slice %arg4[%multiple_of3A_378, %multiple_of3A_381] : memref<640x100000xf32, #tpu.memory_space<hbm>> -> memref<32x128xf32, #tpu.memory_space<hbm>>
      tpu.enqueue_dma source(%dma_start3A_392 : memref<32x128xf32, #tpu.memory_space<hbm>>) target(%dma_start3A_391 : memref<32x128xf32, #tpu.memory_space<vmem>>) target_semaphore(%arg12 : memref<!tpu.dma_semaphore, #tpu.memory_space<semaphore_mem>>)
      %slice3A_393 = vector.extract_strided_slice %mul3A_307 {offsets = [5], sizes = [1], strides = [1]} : vector<16xi32> to vector<1xi32>
      %squeeze3A_394 = vector.extract %slice3A_393[0] : i32 from vector<1xi32>
      %multiple_of3A_395 = tpu.assume_multiple %squeeze3A_394, 8 : i32
      %slice3A_396 = vector.extract_strided_slice %and3A_302 {offsets = [5], sizes = [1], strides = [1]} : vector<16xi32> to vector<1xi32>
      %squeeze3A_397 = vector.extract %slice3A_396[0] : i32 from vector<1xi32>
      %multiple_of3A_398 = tpu.assume_multiple %squeeze3A_397, 128 : i32
      %dma_start3A_399 = arith.constant 5 : i32
      %dma_start3A_400 = arith.constant 0 : i32
      %dma_start3A_401 = arith.constant 0 : i32
      %dma_start3A_402 = tpu.memref_slice %arg9[%dma_start3A_399, %dma_start3A_400, %dma_start3A_401] : memref<8x32x128xf32, #tpu.memory_space<vmem>> -> memref<1x32x128xf32, #tpu.memory_space<vmem>>
      %dma_start3A_403 = tpu.memref_squeeze %dma_start3A_402 : memref<1x32x128xf32, #tpu.memory_space<vmem>> -> memref<32x128xf32, #tpu.memory_space<vmem>>
      %dma_start3A_404 = tpu.memref_slice %arg4[%multiple_of3A_395, %multiple_of3A_398] : memref<640x100000xf32, #tpu.memory_space<hbm>> -> memref<32x128xf32, #tpu.memory_space<hbm>>
      %dma_start3A_405 = arith.constant 0 : i32
      %dma_start3A_406 = arith.constant 0 : i32
      %dma_start3A_407 = tpu.memref_slice %arg9[%dma_start3A_399, %dma_start3A_405, %dma_start3A_406] : memref<8x32x128xf32, #tpu.memory_space<vmem>> -> memref<1x32x128xf32, #tpu.memory_space<vmem>>
      %dma_start3A_408 = tpu.memref_squeeze %dma_start3A_407 : memref<1x32x128xf32, #tpu.memory_space<vmem>> -> memref<32x128xf32, #tpu.memory_space<vmem>>
      %dma_start3A_409 = tpu.memref_slice %arg4[%multiple_of3A_395, %multiple_of3A_398] : memref<640x100000xf32, #tpu.memory_space<hbm>> -> memref<32x128xf32, #tpu.memory_space<hbm>>
      tpu.enqueue_dma source(%dma_start3A_409 : memref<32x128xf32, #tpu.memory_space<hbm>>) target(%dma_start3A_408 : memref<32x128xf32, #tpu.memory_space<vmem>>) target_semaphore(%arg12 : memref<!tpu.dma_semaphore, #tpu.memory_space<semaphore_mem>>)
      %slice3A_410 = vector.extract_strided_slice %mul3A_307 {offsets = [6], sizes = [1], strides = [1]} : vector<16xi32> to vector<1xi32>
      %squeeze3A_411 = vector.extract %slice3A_410[0] : i32 from vector<1xi32>
      %multiple_of3A_412 = tpu.assume_multiple %squeeze3A_411, 8 : i32
      %slice3A_413 = vector.extract_strided_slice %and3A_302 {offsets = [6], sizes = [1], strides = [1]} : vector<16xi32> to vector<1xi32>
      %squeeze3A_414 = vector.extract %slice3A_413[0] : i32 from vector<1xi32>
      %multiple_of3A_415 = tpu.assume_multiple %squeeze3A_414, 128 : i32
      %dma_start3A_416 = arith.constant 6 : i32
      %dma_start3A_417 = arith.constant 0 : i32
      %dma_start3A_418 = arith.constant 0 : i32
      %dma_start3A_419 = tpu.memref_slice %arg9[%dma_start3A_416, %dma_start3A_417, %dma_start3A_418] : memref<8x32x128xf32, #tpu.memory_space<vmem>> -> memref<1x32x128xf32, #tpu.memory_space<vmem>>
      %dma_start3A_420 = tpu.memref_squeeze %dma_start3A_419 : memref<1x32x128xf32, #tpu.memory_space<vmem>> -> memref<32x128xf32, #tpu.memory_space<vmem>>
      %dma_start3A_421 = tpu.memref_slice %arg4[%multiple_of3A_412, %multiple_of3A_415] : memref<640x100000xf32, #tpu.memory_space<hbm>> -> memref<32x128xf32, #tpu.memory_space<hbm>>
      %dma_start3A_422 = arith.constant 0 : i32
      %dma_start3A_423 = arith.constant 0 : i32
      %dma_start3A_424 = tpu.memref_slice %arg9[%dma_start3A_416, %dma_start3A_422, %dma_start3A_423] : memref<8x32x128xf32, #tpu.memory_space<vmem>> -> memref<1x32x128xf32, #tpu.memory_space<vmem>>
      %dma_start3A_425 = tpu.memref_squeeze %dma_start3A_424 : memref<1x32x128xf32, #tpu.memory_space<vmem>> -> memref<32x128xf32, #tpu.memory_space<vmem>>
      %dma_start3A_426 = tpu.memref_slice %arg4[%multiple_of3A_412, %multiple_of3A_415] : memref<640x100000xf32, #tpu.memory_space<hbm>> -> memref<32x128xf32, #tpu.memory_space<hbm>>
      tpu.enqueue_dma source(%dma_start3A_426 : memref<32x128xf32, #tpu.memory_space<hbm>>) target(%dma_start3A_425 : memref<32x128xf32, #tpu.memory_space<vmem>>) target_semaphore(%arg12 : memref<!tpu.dma_semaphore, #tpu.memory_space<semaphore_mem>>)
      %slice3A_427 = vector.extract_strided_slice %mul3A_307 {offsets = [7], sizes = [1], strides = [1]} : vector<16xi32> to vector<1xi32>
      %squeeze3A_428 = vector.extract %slice3A_427[0] : i32 from vector<1xi32>
      %multiple_of3A_429 = tpu.assume_multiple %squeeze3A_428, 8 : i32
      %slice3A_430 = vector.extract_strided_slice %and3A_302 {offsets = [7], sizes = [1], strides = [1]} : vector<16xi32> to vector<1xi32>
      %squeeze3A_431 = vector.extract %slice3A_430[0] : i32 from vector<1xi32>
      %multiple_of3A_432 = tpu.assume_multiple %squeeze3A_431, 128 : i32
      %dma_start3A_433 = arith.constant 7 : i32
      %dma_start3A_434 = arith.constant 0 : i32
      %dma_start3A_435 = arith.constant 0 : i32
      %dma_start3A_436 = tpu.memref_slice %arg9[%dma_start3A_433, %dma_start3A_434, %dma_start3A_435] : memref<8x32x128xf32, #tpu.memory_space<vmem>> -> memref<1x32x128xf32, #tpu.memory_space<vmem>>
      %dma_start3A_437 = tpu.memref_squeeze %dma_start3A_436 : memref<1x32x128xf32, #tpu.memory_space<vmem>> -> memref<32x128xf32, #tpu.memory_space<vmem>>
      %dma_start3A_438 = tpu.memref_slice %arg4[%multiple_of3A_429, %multiple_of3A_432] : memref<640x100000xf32, #tpu.memory_space<hbm>> -> memref<32x128xf32, #tpu.memory_space<hbm>>
      %dma_start3A_439 = arith.constant 0 : i32
      %dma_start3A_440 = arith.constant 0 : i32
      %dma_start3A_441 = tpu.memref_slice %arg9[%dma_start3A_433, %dma_start3A_439, %dma_start3A_440] : memref<8x32x128xf32, #tpu.memory_space<vmem>> -> memref<1x32x128xf32, #tpu.memory_space<vmem>>
      %dma_start3A_442 = tpu.memref_squeeze %dma_start3A_441 : memref<1x32x128xf32, #tpu.memory_space<vmem>> -> memref<32x128xf32, #tpu.memory_space<vmem>>
      %dma_start3A_443 = tpu.memref_slice %arg4[%multiple_of3A_429, %multiple_of3A_432] : memref<640x100000xf32, #tpu.memory_space<hbm>> -> memref<32x128xf32, #tpu.memory_space<hbm>>
      tpu.enqueue_dma source(%dma_start3A_443 : memref<32x128xf32, #tpu.memory_space<hbm>>) target(%dma_start3A_442 : memref<32x128xf32, #tpu.memory_space<vmem>>) target_semaphore(%arg12 : memref<!tpu.dma_semaphore, #tpu.memory_space<semaphore_mem>>)
      %dma_wait3A_444 = arith.constant 0 : i32
      %dma_wait3A_445 = arith.constant 0 : i32
      %dma_wait3A_446 = arith.constant 0 : i32
      %dma_wait3A_447 = tpu.memref_slice %arg8[%dma_wait3A_444, %dma_wait3A_445, %dma_wait3A_446] : memref<8x32x128xf32, #tpu.memory_space<vmem>> -> memref<1x32x128xf32, #tpu.memory_space<vmem>>
      %dma_wait3A_448 = tpu.memref_squeeze %dma_wait3A_447 : memref<1x32x128xf32, #tpu.memory_space<vmem>> -> memref<32x128xf32, #tpu.memory_space<vmem>>
      %dma_wait3A_449 = arith.constant 0 : i32
      %dma_wait3A_450 = arith.constant 0 : i32
      %dma_wait3A_451 = tpu.memref_slice %arg4[%dma_wait3A_449, %dma_wait3A_450] : memref<640x100000xf32, #tpu.memory_space<hbm>> -> memref<32x128xf32, #tpu.memory_space<hbm>>
      %dma_wait3A_452 = arith.constant 0 : i32
      %dma_wait3A_453 = arith.constant 0 : i32
      %dma_wait3A_454 = tpu.memref_slice %arg8[%dma_wait3A_444, %dma_wait3A_452, %dma_wait3A_453] : memref<8x32x128xf32, #tpu.memory_space<vmem>> -> memref<1x32x128xf32, #tpu.memory_space<vmem>>
      %dma_wait3A_455 = tpu.memref_squeeze %dma_wait3A_454 : memref<1x32x128xf32, #tpu.memory_space<vmem>> -> memref<32x128xf32, #tpu.memory_space<vmem>>
      %dma_wait3A_456 = arith.constant 0 : i32
      %dma_wait3A_457 = arith.constant 0 : i32
      %dma_wait3A_458 = tpu.memref_slice %arg4[%dma_wait3A_456, %dma_wait3A_457] : memref<640x100000xf32, #tpu.memory_space<hbm>> -> memref<32x128xf32, #tpu.memory_space<hbm>>
      tpu.wait_dma2 semaphore(%arg11 : memref<!tpu.dma_semaphore, #tpu.memory_space<semaphore_mem>>) src(%dma_wait3A_458 : memref<32x128xf32, #tpu.memory_space<hbm>>) dst(%dma_wait3A_455 : memref<32x128xf32, #tpu.memory_space<vmem>>)
      %dma_wait3A_459 = arith.constant 1 : i32
      %dma_wait3A_460 = arith.constant 0 : i32
      %dma_wait3A_461 = arith.constant 0 : i32
      %dma_wait3A_462 = tpu.memref_slice %arg8[%dma_wait3A_459, %dma_wait3A_460, %dma_wait3A_461] : memref<8x32x128xf32, #tpu.memory_space<vmem>> -> memref<1x32x128xf32, #tpu.memory_space<vmem>>
      %dma_wait3A_463 = tpu.memref_squeeze %dma_wait3A_462 : memref<1x32x128xf32, #tpu.memory_space<vmem>> -> memref<32x128xf32, #tpu.memory_space<vmem>>
      %dma_wait3A_464 = arith.constant 0 : i32
      %dma_wait3A_465 = arith.constant 0 : i32
      %dma_wait3A_466 = tpu.memref_slice %arg4[%dma_wait3A_464, %dma_wait3A_465] : memref<640x100000xf32, #tpu.memory_space<hbm>> -> memref<32x128xf32, #tpu.memory_space<hbm>>
      %dma_wait3A_467 = arith.constant 0 : i32
      %dma_wait3A_468 = arith.constant 0 : i32
      %dma_wait3A_469 = tpu.memref_slice %arg8[%dma_wait3A_459, %dma_wait3A_467, %dma_wait3A_468] : memref<8x32x128xf32, #tpu.memory_space<vmem>> -> memref<1x32x128xf32, #tpu.memory_space<vmem>>
      %dma_wait3A_470 = tpu.memref_squeeze %dma_wait3A_469 : memref<1x32x128xf32, #tpu.memory_space<vmem>> -> memref<32x128xf32, #tpu.memory_space<vmem>>
      %dma_wait3A_471 = arith.constant 0 : i32
      %dma_wait3A_472 = arith.constant 0 : i32
      %dma_wait3A_473 = tpu.memref_slice %arg4[%dma_wait3A_471, %dma_wait3A_472] : memref<640x100000xf32, #tpu.memory_space<hbm>> -> memref<32x128xf32, #tpu.memory_space<hbm>>
      tpu.wait_dma2 semaphore(%arg11 : memref<!tpu.dma_semaphore, #tpu.memory_space<semaphore_mem>>) src(%dma_wait3A_473 : memref<32x128xf32, #tpu.memory_space<hbm>>) dst(%dma_wait3A_470 : memref<32x128xf32, #tpu.memory_space<vmem>>)
      %dma_wait3A_474 = arith.constant 2 : i32
      %dma_wait3A_475 = arith.constant 0 : i32
      %dma_wait3A_476 = arith.constant 0 : i32
      %dma_wait3A_477 = tpu.memref_slice %arg8[%dma_wait3A_474, %dma_wait3A_475, %dma_wait3A_476] : memref<8x32x128xf32, #tpu.memory_space<vmem>> -> memref<1x32x128xf32, #tpu.memory_space<vmem>>
      %dma_wait3A_478 = tpu.memref_squeeze %dma_wait3A_477 : memref<1x32x128xf32, #tpu.memory_space<vmem>> -> memref<32x128xf32, #tpu.memory_space<vmem>>
      %dma_wait3A_479 = arith.constant 0 : i32
      %dma_wait3A_480 = arith.constant 0 : i32
      %dma_wait3A_481 = tpu.memref_slice %arg4[%dma_wait3A_479, %dma_wait3A_480] : memref<640x100000xf32, #tpu.memory_space<hbm>> -> memref<32x128xf32, #tpu.memory_space<hbm>>
      %dma_wait3A_482 = arith.constant 0 : i32
      %dma_wait3A_483 = arith.constant 0 : i32
      %dma_wait3A_484 = tpu.memref_slice %arg8[%dma_wait3A_474, %dma_wait3A_482, %dma_wait3A_483] : memref<8x32x128xf32, #tpu.memory_space<vmem>> -> memref<1x32x128xf32, #tpu.memory_space<vmem>>
      %dma_wait3A_485 = tpu.memref_squeeze %dma_wait3A_484 : memref<1x32x128xf32, #tpu.memory_space<vmem>> -> memref<32x128xf32, #tpu.memory_space<vmem>>
      %dma_wait3A_486 = arith.constant 0 : i32
      %dma_wait3A_487 = arith.constant 0 : i32
      %dma_wait3A_488 = tpu.memref_slice %arg4[%dma_wait3A_486, %dma_wait3A_487] : memref<640x100000xf32, #tpu.memory_space<hbm>> -> memref<32x128xf32, #tpu.memory_space<hbm>>
      tpu.wait_dma2 semaphore(%arg11 : memref<!tpu.dma_semaphore, #tpu.memory_space<semaphore_mem>>) src(%dma_wait3A_488 : memref<32x128xf32, #tpu.memory_space<hbm>>) dst(%dma_wait3A_485 : memref<32x128xf32, #tpu.memory_space<vmem>>)
      %dma_wait3A_489 = arith.constant 3 : i32
      %dma_wait3A_490 = arith.constant 0 : i32
      %dma_wait3A_491 = arith.constant 0 : i32
      %dma_wait3A_492 = tpu.memref_slice %arg8[%dma_wait3A_489, %dma_wait3A_490, %dma_wait3A_491] : memref<8x32x128xf32, #tpu.memory_space<vmem>> -> memref<1x32x128xf32, #tpu.memory_space<vmem>>
      %dma_wait3A_493 = tpu.memref_squeeze %dma_wait3A_492 : memref<1x32x128xf32, #tpu.memory_space<vmem>> -> memref<32x128xf32, #tpu.memory_space<vmem>>
      %dma_wait3A_494 = arith.constant 0 : i32
      %dma_wait3A_495 = arith.constant 0 : i32
      %dma_wait3A_496 = tpu.memref_slice %arg4[%dma_wait3A_494, %dma_wait3A_495] : memref<640x100000xf32, #tpu.memory_space<hbm>> -> memref<32x128xf32, #tpu.memory_space<hbm>>
      %dma_wait3A_497 = arith.constant 0 : i32
      %dma_wait3A_498 = arith.constant 0 : i32
      %dma_wait3A_499 = tpu.memref_slice %arg8[%dma_wait3A_489, %dma_wait3A_497, %dma_wait3A_498] : memref<8x32x128xf32, #tpu.memory_space<vmem>> -> memref<1x32x128xf32, #tpu.memory_space<vmem>>
      %dma_wait3A_500 = tpu.memref_squeeze %dma_wait3A_499 : memref<1x32x128xf32, #tpu.memory_space<vmem>> -> memref<32x128xf32, #tpu.memory_space<vmem>>
      %dma_wait3A_501 = arith.constant 0 : i32
      %dma_wait3A_502 = arith.constant 0 : i32
      %dma_wait3A_503 = tpu.memref_slice %arg4[%dma_wait3A_501, %dma_wait3A_502] : memref<640x100000xf32, #tpu.memory_space<hbm>> -> memref<32x128xf32, #tpu.memory_space<hbm>>
      tpu.wait_dma2 semaphore(%arg11 : memref<!tpu.dma_semaphore, #tpu.memory_space<semaphore_mem>>) src(%dma_wait3A_503 : memref<32x128xf32, #tpu.memory_space<hbm>>) dst(%dma_wait3A_500 : memref<32x128xf32, #tpu.memory_space<vmem>>)
      %dma_wait3A_504 = arith.constant 4 : i32
      %dma_wait3A_505 = arith.constant 0 : i32
      %dma_wait3A_506 = arith.constant 0 : i32
      %dma_wait3A_507 = tpu.memref_slice %arg8[%dma_wait3A_504, %dma_wait3A_505, %dma_wait3A_506] : memref<8x32x128xf32, #tpu.memory_space<vmem>> -> memref<1x32x128xf32, #tpu.memory_space<vmem>>
      %dma_wait3A_508 = tpu.memref_squeeze %dma_wait3A_507 : memref<1x32x128xf32, #tpu.memory_space<vmem>> -> memref<32x128xf32, #tpu.memory_space<vmem>>
      %dma_wait3A_509 = arith.constant 0 : i32
      %dma_wait3A_510 = arith.constant 0 : i32
      %dma_wait3A_511 = tpu.memref_slice %arg4[%dma_wait3A_509, %dma_wait3A_510] : memref<640x100000xf32, #tpu.memory_space<hbm>> -> memref<32x128xf32, #tpu.memory_space<hbm>>
      %dma_wait3A_512 = arith.constant 0 : i32
      %dma_wait3A_513 = arith.constant 0 : i32
      %dma_wait3A_514 = tpu.memref_slice %arg8[%dma_wait3A_504, %dma_wait3A_512, %dma_wait3A_513] : memref<8x32x128xf32, #tpu.memory_space<vmem>> -> memref<1x32x128xf32, #tpu.memory_space<vmem>>
      %dma_wait3A_515 = tpu.memref_squeeze %dma_wait3A_514 : memref<1x32x128xf32, #tpu.memory_space<vmem>> -> memref<32x128xf32, #tpu.memory_space<vmem>>
      %dma_wait3A_516 = arith.constant 0 : i32
      %dma_wait3A_517 = arith.constant 0 : i32
      %dma_wait3A_518 = tpu.memref_slice %arg4[%dma_wait3A_516, %dma_wait3A_517] : memref<640x100000xf32, #tpu.memory_space<hbm>> -> memref<32x128xf32, #tpu.memory_space<hbm>>
      tpu.wait_dma2 semaphore(%arg11 : memref<!tpu.dma_semaphore, #tpu.memory_space<semaphore_mem>>) src(%dma_wait3A_518 : memref<32x128xf32, #tpu.memory_space<hbm>>) dst(%dma_wait3A_515 : memref<32x128xf32, #tpu.memory_space<vmem>>)
      %dma_wait3A_519 = arith.constant 5 : i32
      %dma_wait3A_520 = arith.constant 0 : i32
      %dma_wait3A_521 = arith.constant 0 : i32
      %dma_wait3A_522 = tpu.memref_slice %arg8[%dma_wait3A_519, %dma_wait3A_520, %dma_wait3A_521] : memref<8x32x128xf32, #tpu.memory_space<vmem>> -> memref<1x32x128xf32, #tpu.memory_space<vmem>>
      %dma_wait3A_523 = tpu.memref_squeeze %dma_wait3A_522 : memref<1x32x128xf32, #tpu.memory_space<vmem>> -> memref<32x128xf32, #tpu.memory_space<vmem>>
      %dma_wait3A_524 = arith.constant 0 : i32
      %dma_wait3A_525 = arith.constant 0 : i32
      %dma_wait3A_526 = tpu.memref_slice %arg4[%dma_wait3A_524, %dma_wait3A_525] : memref<640x100000xf32, #tpu.memory_space<hbm>> -> memref<32x128xf32, #tpu.memory_space<hbm>>
      %dma_wait3A_527 = arith.constant 0 : i32
      %dma_wait3A_528 = arith.constant 0 : i32
      %dma_wait3A_529 = tpu.memref_slice %arg8[%dma_wait3A_519, %dma_wait3A_527, %dma_wait3A_528] : memref<8x32x128xf32, #tpu.memory_space<vmem>> -> memref<1x32x128xf32, #tpu.memory_space<vmem>>
      %dma_wait3A_530 = tpu.memref_squeeze %dma_wait3A_529 : memref<1x32x128xf32, #tpu.memory_space<vmem>> -> memref<32x128xf32, #tpu.memory_space<vmem>>
      %dma_wait3A_531 = arith.constant 0 : i32
      %dma_wait3A_532 = arith.constant 0 : i32
      %dma_wait3A_533 = tpu.memref_slice %arg4[%dma_wait3A_531, %dma_wait3A_532] : memref<640x100000xf32, #tpu.memory_space<hbm>> -> memref<32x128xf32, #tpu.memory_space<hbm>>
      tpu.wait_dma2 semaphore(%arg11 : memref<!tpu.dma_semaphore, #tpu.memory_space<semaphore_mem>>) src(%dma_wait3A_533 : memref<32x128xf32, #tpu.memory_space<hbm>>) dst(%dma_wait3A_530 : memref<32x128xf32, #tpu.memory_space<vmem>>)
      %dma_wait3A_534 = arith.constant 6 : i32
      %dma_wait3A_535 = arith.constant 0 : i32
      %dma_wait3A_536 = arith.constant 0 : i32
      %dma_wait3A_537 = tpu.memref_slice %arg8[%dma_wait3A_534, %dma_wait3A_535, %dma_wait3A_536] : memref<8x32x128xf32, #tpu.memory_space<vmem>> -> memref<1x32x128xf32, #tpu.memory_space<vmem>>
      %dma_wait3A_538 = tpu.memref_squeeze %dma_wait3A_537 : memref<1x32x128xf32, #tpu.memory_space<vmem>> -> memref<32x128xf32, #tpu.memory_space<vmem>>
      %dma_wait3A_539 = arith.constant 0 : i32
      %dma_wait3A_540 = arith.constant 0 : i32
      %dma_wait3A_541 = tpu.memref_slice %arg4[%dma_wait3A_539, %dma_wait3A_540] : memref<640x100000xf32, #tpu.memory_space<hbm>> -> memref<32x128xf32, #tpu.memory_space<hbm>>
      %dma_wait3A_542 = arith.constant 0 : i32
      %dma_wait3A_543 = arith.constant 0 : i32
      %dma_wait3A_544 = tpu.memref_slice %arg8[%dma_wait3A_534, %dma_wait3A_542, %dma_wait3A_543] : memref<8x32x128xf32, #tpu.memory_space<vmem>> -> memref<1x32x128xf32, #tpu.memory_space<vmem>>
      %dma_wait3A_545 = tpu.memref_squeeze %dma_wait3A_544 : memref<1x32x128xf32, #tpu.memory_space<vmem>> -> memref<32x128xf32, #tpu.memory_space<vmem>>
      %dma_wait3A_546 = arith.constant 0 : i32
      %dma_wait3A_547 = arith.constant 0 : i32
      %dma_wait3A_548 = tpu.memref_slice %arg4[%dma_wait3A_546, %dma_wait3A_547] : memref<640x100000xf32, #tpu.memory_space<hbm>> -> memref<32x128xf32, #tpu.memory_space<hbm>>
      tpu.wait_dma2 semaphore(%arg11 : memref<!tpu.dma_semaphore, #tpu.memory_space<semaphore_mem>>) src(%dma_wait3A_548 : memref<32x128xf32, #tpu.memory_space<hbm>>) dst(%dma_wait3A_545 : memref<32x128xf32, #tpu.memory_space<vmem>>)
      %dma_wait3A_549 = arith.constant 7 : i32
      %dma_wait3A_550 = arith.constant 0 : i32
      %dma_wait3A_551 = arith.constant 0 : i32
      %dma_wait3A_552 = tpu.memref_slice %arg8[%dma_wait3A_549, %dma_wait3A_550, %dma_wait3A_551] : memref<8x32x128xf32, #tpu.memory_space<vmem>> -> memref<1x32x128xf32, #tpu.memory_space<vmem>>
      %dma_wait3A_553 = tpu.memref_squeeze %dma_wait3A_552 : memref<1x32x128xf32, #tpu.memory_space<vmem>> -> memref<32x128xf32, #tpu.memory_space<vmem>>
      %dma_wait3A_554 = arith.constant 0 : i32
      %dma_wait3A_555 = arith.constant 0 : i32
      %dma_wait3A_556 = tpu.memref_slice %arg4[%dma_wait3A_554, %dma_wait3A_555] : memref<640x100000xf32, #tpu.memory_space<hbm>> -> memref<32x128xf32, #tpu.memory_space<hbm>>
      %dma_wait3A_557 = arith.constant 0 : i32
      %dma_wait3A_558 = arith.constant 0 : i32
      %dma_wait3A_559 = tpu.memref_slice %arg8[%dma_wait3A_549, %dma_wait3A_557, %dma_wait3A_558] : memref<8x32x128xf32, #tpu.memory_space<vmem>> -> memref<1x32x128xf32, #tpu.memory_space<vmem>>
      %dma_wait3A_560 = tpu.memref_squeeze %dma_wait3A_559 : memref<1x32x128xf32, #tpu.memory_space<vmem>> -> memref<32x128xf32, #tpu.memory_space<vmem>>
      %dma_wait3A_561 = arith.constant 0 : i32
      %dma_wait3A_562 = arith.constant 0 : i32
      %dma_wait3A_563 = tpu.memref_slice %arg4[%dma_wait3A_561, %dma_wait3A_562] : memref<640x100000xf32, #tpu.memory_space<hbm>> -> memref<32x128xf32, #tpu.memory_space<hbm>>
      tpu.wait_dma2 semaphore(%arg11 : memref<!tpu.dma_semaphore, #tpu.memory_space<semaphore_mem>>) src(%dma_wait3A_563 : memref<32x128xf32, #tpu.memory_space<hbm>>) dst(%dma_wait3A_560 : memref<32x128xf32, #tpu.memory_space<vmem>>)
      %get3A_564 = arith.index_cast %mul3A_295 : i32 to index
      %get3A_565 = tpu.vector_load %arg6[%get3A_564] {strides = array<i32>} : memref<80xi32, #tpu.memory_space<vmem>>, vector<16xi32>,
      %and3A_566 = arith.constant 127 : i32
      %and3A_567 = vector.broadcast %and3A_566 : i32 to vector<16xi32>
      %and3A_568 = arith.andi %get3A_565, %and3A_567 : vector<16xi32>
      %slice3A_569 = vector.extract_strided_slice %and3A_568 {offsets = [0], sizes = [1], strides = [1]} : vector<16xi32> to vector<1xi32>
      %squeeze3A_570 = vector.extract %slice3A_569[0] : i32 from vector<1xi32>
      %broadcast_in_dim3A = vector.broadcast %squeeze3A_570 : i32 to vector<16xi32>
      %add3A_571 = arith.constant 0 : i32
      %add3A_572 = vector.broadcast %add3A_571 : i32 to vector<16xi32>
      %add3A_573 = arith.addi %iota3A, %add3A_572 : vector<16xi32>
      %gather3A = arith.constant 0 : i32
      %gather3A_574 = arith.constant 0 : i32
      %gather3A_575 = arith.constant 0 : i32
      %gather3A_576 = tpu.memref_slice %arg8[%gather3A, %gather3A_574, %gather3A_575] : memref<8x32x128xf32, #tpu.memory_space<vmem>> -> memref<1x32x128xf32, #tpu.memory_space<vmem>>
      %gather3A_577 = tpu.memref_squeeze %gather3A_576 : memref<1x32x128xf32, #tpu.memory_space<vmem>> -> memref<32x128xf32, #tpu.memory_space<vmem>>
      %gather3A_578 = tpu.vector_load_idx %gather3A_577[%add3A_573, %broadcast_in_dim3A] : memref<32x128xf32, #tpu.memory_space<vmem>>[vector<16xi32>, vector<16xi32>], vector<16xf32>,
      %add3A_579 = arith.constant 0 : i32
      %add3A_580 = arith.addi %mul3A_295, %add3A_579 : i32
      %swap3A = arith.index_cast %add3A_580 : i32 to index
      %swap3A_581 = arith.constant 0 : index
      %swap3A_582 = tpu.vector_load %arg10[%swap3A, %swap3A_581] {strides = array<i32>} : memref<64x32xf32, #tpu.memory_space<vmem>>, vector<16xf32>,
      tpu.vector_store %arg10[%swap3A, %swap3A_581], %gather3A_578 {strides = array<i32>} : memref<64x32xf32, #tpu.memory_space<vmem>>, vector<16xf32>,
      %add3A_583 = arith.constant 16 : i32
      %add3A_584 = vector.broadcast %add3A_583 : i32 to vector<16xi32>
      %add3A_585 = arith.addi %iota3A, %add3A_584 : vector<16xi32>
      %gather3A_586 = arith.constant 0 : i32
      %gather3A_587 = arith.constant 0 : i32
      %gather3A_588 = arith.constant 0 : i32
      %gather3A_589 = tpu.memref_slice %arg8[%gather3A_586, %gather3A_587, %gather3A_588] : memref<8x32x128xf32, #tpu.memory_space<vmem>> -> memref<1x32x128xf32, #tpu.memory_space<vmem>>
      %gather3A_590 = tpu.memref_squeeze %gather3A_589 : memref<1x32x128xf32, #tpu.memory_space<vmem>> -> memref<32x128xf32, #tpu.memory_space<vmem>>
      %gather3A_591 = tpu.vector_load_idx %gather3A_590[%add3A_585, %broadcast_in_dim3A] : memref<32x128xf32, #tpu.memory_space<vmem>>[vector<16xi32>, vector<16xi32>], vector<16xf32>,
      %add3A_592 = arith.constant 0 : i32
      %add3A_593 = arith.addi %mul3A_295, %add3A_592 : i32
      %swap3A_594 = arith.index_cast %add3A_593 : i32 to index
      %swap3A_595 = arith.constant 16 : index
      %swap3A_596 = tpu.vector_load %arg10[%swap3A_594, %swap3A_595] {strides = array<i32>} : memref<64x32xf32, #tpu.memory_space<vmem>>, vector<16xf32>,
      tpu.vector_store %arg10[%swap3A_594, %swap3A_595], %gather3A_591 {strides = array<i32>} : memref<64x32xf32, #tpu.memory_space<vmem>>, vector<16xf32>,
      %slice3A_597 = vector.extract_strided_slice %and3A_568 {offsets = [1], sizes = [1], strides = [1]} : vector<16xi32> to vector<1xi32>
      %squeeze3A_598 = vector.extract %slice3A_597[0] : i32 from vector<1xi32>
      %broadcast_in_dim3A_599 = vector.broadcast %squeeze3A_598 : i32 to vector<16xi32>
      %add3A_600 = arith.constant 0 : i32
      %add3A_601 = vector.broadcast %add3A_600 : i32 to vector<16xi32>
      %add3A_602 = arith.addi %iota3A, %add3A_601 : vector<16xi32>
      %gather3A_603 = arith.constant 1 : i32
      %gather3A_604 = arith.constant 0 : i32
      %gather3A_605 = arith.constant 0 : i32
      %gather3A_606 = tpu.memref_slice %arg8[%gather3A_603, %gather3A_604, %gather3A_605] : memref<8x32x128xf32, #tpu.memory_space<vmem>> -> memref<1x32x128xf32, #tpu.memory_space<vmem>>
      %gather3A_607 = tpu.memref_squeeze %gather3A_606 : memref<1x32x128xf32, #tpu.memory_space<vmem>> -> memref<32x128xf32, #tpu.memory_space<vmem>>
      %gather3A_608 = tpu.vector_load_idx %gather3A_607[%add3A_602, %broadcast_in_dim3A_599] : memref<32x128xf32, #tpu.memory_space<vmem>>[vector<16xi32>, vector<16xi32>], vector<16xf32>,
      %add3A_609 = arith.constant 1 : i32
      %add3A_610 = arith.addi %mul3A_295, %add3A_609 : i32
      %swap3A_611 = arith.index_cast %add3A_610 : i32 to index
      %swap3A_612 = arith.constant 0 : index
      %swap3A_613 = tpu.vector_load %arg10[%swap3A_611, %swap3A_612] {strides = array<i32>} : memref<64x32xf32, #tpu.memory_space<vmem>>, vector<16xf32>,
      tpu.vector_store %arg10[%swap3A_611, %swap3A_612], %gather3A_608 {strides = array<i32>} : memref<64x32xf32, #tpu.memory_space<vmem>>, vector<16xf32>,
      %add3A_614 = arith.constant 16 : i32
      %add3A_615 = vector.broadcast %add3A_614 : i32 to vector<16xi32>
      %add3A_616 = arith.addi %iota3A, %add3A_615 : vector<16xi32>
      %gather3A_617 = arith.constant 1 : i32
      %gather3A_618 = arith.constant 0 : i32
      %gather3A_619 = arith.constant 0 : i32
      %gather3A_620 = tpu.memref_slice %arg8[%gather3A_617, %gather3A_618, %gather3A_619] : memref<8x32x128xf32, #tpu.memory_space<vmem>> -> memref<1x32x128xf32, #tpu.memory_space<vmem>>
      %gather3A_621 = tpu.memref_squeeze %gather3A_620 : memref<1x32x128xf32, #tpu.memory_space<vmem>> -> memref<32x128xf32, #tpu.memory_space<vmem>>
      %gather3A_622 = tpu.vector_load_idx %gather3A_621[%add3A_616, %broadcast_in_dim3A_599] : memref<32x128xf32, #tpu.memory_space<vmem>>[vector<16xi32>, vector<16xi32>], vector<16xf32>,
      %add3A_623 = arith.constant 1 : i32
      %add3A_624 = arith.addi %mul3A_295, %add3A_623 : i32
      %swap3A_625 = arith.index_cast %add3A_624 : i32 to index
      %swap3A_626 = arith.constant 16 : index
      %swap3A_627 = tpu.vector_load %arg10[%swap3A_625, %swap3A_626] {strides = array<i32>} : memref<64x32xf32, #tpu.memory_space<vmem>>, vector<16xf32>,
      tpu.vector_store %arg10[%swap3A_625, %swap3A_626], %gather3A_622 {strides = array<i32>} : memref<64x32xf32, #tpu.memory_space<vmem>>, vector<16xf32>,
      %slice3A_628 = vector.extract_strided_slice %and3A_568 {offsets = [2], sizes = [1], strides = [1]} : vector<16xi32> to vector<1xi32>
      %squeeze3A_629 = vector.extract %slice3A_628[0] : i32 from vector<1xi32>
      %broadcast_in_dim3A_630 = vector.broadcast %squeeze3A_629 : i32 to vector<16xi32>
      %add3A_631 = arith.constant 0 : i32
      %add3A_632 = vector.broadcast %add3A_631 : i32 to vector<16xi32>
      %add3A_633 = arith.addi %iota3A, %add3A_632 : vector<16xi32>
      %gather3A_634 = arith.constant 2 : i32
      %gather3A_635 = arith.constant 0 : i32
      %gather3A_636 = arith.constant 0 : i32
      %gather3A_637 = tpu.memref_slice %arg8[%gather3A_634, %gather3A_635, %gather3A_636] : memref<8x32x128xf32, #tpu.memory_space<vmem>> -> memref<1x32x128xf32, #tpu.memory_space<vmem>>
      %gather3A_638 = tpu.memref_squeeze %gather3A_637 : memref<1x32x128xf32, #tpu.memory_space<vmem>> -> memref<32x128xf32, #tpu.memory_space<vmem>>
      %gather3A_639 = tpu.vector_load_idx %gather3A_638[%add3A_633, %broadcast_in_dim3A_630] : memref<32x128xf32, #tpu.memory_space<vmem>>[vector<16xi32>, vector<16xi32>], vector<16xf32>,
      %add3A_640 = arith.constant 2 : i32
      %add3A_641 = arith.addi %mul3A_295, %add3A_640 : i32
      %swap3A_642 = arith.index_cast %add3A_641 : i32 to index
      %swap3A_643 = arith.constant 0 : index
      %swap3A_644 = tpu.vector_load %arg10[%swap3A_642, %swap3A_643] {strides = array<i32>} : memref<64x32xf32, #tpu.memory_space<vmem>>, vector<16xf32>,
      tpu.vector_store %arg10[%swap3A_642, %swap3A_643], %gather3A_639 {strides = array<i32>} : memref<64x32xf32, #tpu.memory_space<vmem>>, vector<16xf32>,
      %add3A_645 = arith.constant 16 : i32
      %add3A_646 = vector.broadcast %add3A_645 : i32 to vector<16xi32>
      %add3A_647 = arith.addi %iota3A, %add3A_646 : vector<16xi32>
      %gather3A_648 = arith.constant 2 : i32
      %gather3A_649 = arith.constant 0 : i32
      %gather3A_650 = arith.constant 0 : i32
      %gather3A_651 = tpu.memref_slice %arg8[%gather3A_648, %gather3A_649, %gather3A_650] : memref<8x32x128xf32, #tpu.memory_space<vmem>> -> memref<1x32x128xf32, #tpu.memory_space<vmem>>
      %gather3A_652 = tpu.memref_squeeze %gather3A_651 : memref<1x32x128xf32, #tpu.memory_space<vmem>> -> memref<32x128xf32, #tpu.memory_space<vmem>>
      %gather3A_653 = tpu.vector_load_idx %gather3A_652[%add3A_647, %broadcast_in_dim3A_630] : memref<32x128xf32, #tpu.memory_space<vmem>>[vector<16xi32>, vector<16xi32>], vector<16xf32>,
      %add3A_654 = arith.constant 2 : i32
      %add3A_655 = arith.addi %mul3A_295, %add3A_654 : i32
      %swap3A_656 = arith.index_cast %add3A_655 : i32 to index
      %swap3A_657 = arith.constant 16 : index
      %swap3A_658 = tpu.vector_load %arg10[%swap3A_656, %swap3A_657] {strides = array<i32>} : memref<64x32xf32, #tpu.memory_space<vmem>>, vector<16xf32>,
      tpu.vector_store %arg10[%swap3A_656, %swap3A_657], %gather3A_653 {strides = array<i32>} : memref<64x32xf32, #tpu.memory_space<vmem>>, vector<16xf32>,
      %slice3A_659 = vector.extract_strided_slice %and3A_568 {offsets = [3], sizes = [1], strides = [1]} : vector<16xi32> to vector<1xi32>
      %squeeze3A_660 = vector.extract %slice3A_659[0] : i32 from vector<1xi32>
      %broadcast_in_dim3A_661 = vector.broadcast %squeeze3A_660 : i32 to vector<16xi32>
      %add3A_662 = arith.constant 0 : i32
      %add3A_663 = vector.broadcast %add3A_662 : i32 to vector<16xi32>
      %add3A_664 = arith.addi %iota3A, %add3A_663 : vector<16xi32>
      %gather3A_665 = arith.constant 3 : i32
      %gather3A_666 = arith.constant 0 : i32
      %gather3A_667 = arith.constant 0 : i32
      %gather3A_668 = tpu.memref_slice %arg8[%gather3A_665, %gather3A_666, %gather3A_667] : memref<8x32x128xf32, #tpu.memory_space<vmem>> -> memref<1x32x128xf32, #tpu.memory_space<vmem>>
      %gather3A_669 = tpu.memref_squeeze %gather3A_668 : memref<1x32x128xf32, #tpu.memory_space<vmem>> -> memref<32x128xf32, #tpu.memory_space<vmem>>
      %gather3A_670 = tpu.vector_load_idx %gather3A_669[%add3A_664, %broadcast_in_dim3A_661] : memref<32x128xf32, #tpu.memory_space<vmem>>[vector<16xi32>, vector<16xi32>], vector<16xf32>,
      %add3A_671 = arith.constant 3 : i32
      %add3A_672 = arith.addi %mul3A_295, %add3A_671 : i32
      %swap3A_673 = arith.index_cast %add3A_672 : i32 to index
      %swap3A_674 = arith.constant 0 : index
      %swap3A_675 = tpu.vector_load %arg10[%swap3A_673, %swap3A_674] {strides = array<i32>} : memref<64x32xf32, #tpu.memory_space<vmem>>, vector<16xf32>,
      tpu.vector_store %arg10[%swap3A_673, %swap3A_674], %gather3A_670 {strides = array<i32>} : memref<64x32xf32, #tpu.memory_space<vmem>>, vector<16xf32>,
      %add3A_676 = arith.constant 16 : i32
      %add3A_677 = vector.broadcast %add3A_676 : i32 to vector<16xi32>
      %add3A_678 = arith.addi %iota3A, %add3A_677 : vector<16xi32>
      %gather3A_679 = arith.constant 3 : i32
      %gather3A_680 = arith.constant 0 : i32
      %gather3A_681 = arith.constant 0 : i32
      %gather3A_682 = tpu.memref_slice %arg8[%gather3A_679, %gather3A_680, %gather3A_681] : memref<8x32x128xf32, #tpu.memory_space<vmem>> -> memref<1x32x128xf32, #tpu.memory_space<vmem>>
      %gather3A_683 = tpu.memref_squeeze %gather3A_682 : memref<1x32x128xf32, #tpu.memory_space<vmem>> -> memref<32x128xf32, #tpu.memory_space<vmem>>
      %gather3A_684 = tpu.vector_load_idx %gather3A_683[%add3A_678, %broadcast_in_dim3A_661] : memref<32x128xf32, #tpu.memory_space<vmem>>[vector<16xi32>, vector<16xi32>], vector<16xf32>,
      %add3A_685 = arith.constant 3 : i32
      %add3A_686 = arith.addi %mul3A_295, %add3A_685 : i32
      %swap3A_687 = arith.index_cast %add3A_686 : i32 to index
      %swap3A_688 = arith.constant 16 : index
      %swap3A_689 = tpu.vector_load %arg10[%swap3A_687, %swap3A_688] {strides = array<i32>} : memref<64x32xf32, #tpu.memory_space<vmem>>, vector<16xf32>,
      tpu.vector_store %arg10[%swap3A_687, %swap3A_688], %gather3A_684 {strides = array<i32>} : memref<64x32xf32, #tpu.memory_space<vmem>>, vector<16xf32>,
      %slice3A_690 = vector.extract_strided_slice %and3A_568 {offsets = [4], sizes = [1], strides = [1]} : vector<16xi32> to vector<1xi32>
      %squeeze3A_691 = vector.extract %slice3A_690[0] : i32 from vector<1xi32>
      %broadcast_in_dim3A_692 = vector.broadcast %squeeze3A_691 : i32 to vector<16xi32>
      %add3A_693 = arith.constant 0 : i32
      %add3A_694 = vector.broadcast %add3A_693 : i32 to vector<16xi32>
      %add3A_695 = arith.addi %iota3A, %add3A_694 : vector<16xi32>
      %gather3A_696 = arith.constant 4 : i32
      %gather3A_697 = arith.constant 0 : i32
      %gather3A_698 = arith.constant 0 : i32
      %gather3A_699 = tpu.memref_slice %arg8[%gather3A_696, %gather3A_697, %gather3A_698] : memref<8x32x128xf32, #tpu.memory_space<vmem>> -> memref<1x32x128xf32, #tpu.memory_space<vmem>>
      %gather3A_700 = tpu.memref_squeeze %gather3A_699 : memref<1x32x128xf32, #tpu.memory_space<vmem>> -> memref<32x128xf32, #tpu.memory_space<vmem>>
      %gather3A_701 = tpu.vector_load_idx %gather3A_700[%add3A_695, %broadcast_in_dim3A_692] : memref<32x128xf32, #tpu.memory_space<vmem>>[vector<16xi32>, vector<16xi32>], vector<16xf32>,
      %add3A_702 = arith.constant 4 : i32
      %add3A_703 = arith.addi %mul3A_295, %add3A_702 : i32
      %swap3A_704 = arith.index_cast %add3A_703 : i32 to index
      %swap3A_705 = arith.constant 0 : index
      %swap3A_706 = tpu.vector_load %arg10[%swap3A_704, %swap3A_705] {strides = array<i32>} : memref<64x32xf32, #tpu.memory_space<vmem>>, vector<16xf32>,
      tpu.vector_store %arg10[%swap3A_704, %swap3A_705], %gather3A_701 {strides = array<i32>} : memref<64x32xf32, #tpu.memory_space<vmem>>, vector<16xf32>,
      %add3A_707 = arith.constant 16 : i32
      %add3A_708 = vector.broadcast %add3A_707 : i32 to vector<16xi32>
      %add3A_709 = arith.addi %iota3A, %add3A_708 : vector<16xi32>
      %gather3A_710 = arith.constant 4 : i32
      %gather3A_711 = arith.constant 0 : i32
      %gather3A_712 = arith.constant 0 : i32
      %gather3A_713 = tpu.memref_slice %arg8[%gather3A_710, %gather3A_711, %gather3A_712] : memref<8x32x128xf32, #tpu.memory_space<vmem>> -> memref<1x32x128xf32, #tpu.memory_space<vmem>>
      %gather3A_714 = tpu.memref_squeeze %gather3A_713 : memref<1x32x128xf32, #tpu.memory_space<vmem>> -> memref<32x128xf32, #tpu.memory_space<vmem>>
      %gather3A_715 = tpu.vector_load_idx %gather3A_714[%add3A_709, %broadcast_in_dim3A_692] : memref<32x128xf32, #tpu.memory_space<vmem>>[vector<16xi32>, vector<16xi32>], vector<16xf32>,
      %add3A_716 = arith.constant 4 : i32
      %add3A_717 = arith.addi %mul3A_295, %add3A_716 : i32
      %swap3A_718 = arith.index_cast %add3A_717 : i32 to index
      %swap3A_719 = arith.constant 16 : index
      %swap3A_720 = tpu.vector_load %arg10[%swap3A_718, %swap3A_719] {strides = array<i32>} : memref<64x32xf32, #tpu.memory_space<vmem>>, vector<16xf32>,
      tpu.vector_store %arg10[%swap3A_718, %swap3A_719], %gather3A_715 {strides = array<i32>} : memref<64x32xf32, #tpu.memory_space<vmem>>, vector<16xf32>,
      %slice3A_721 = vector.extract_strided_slice %and3A_568 {offsets = [5], sizes = [1], strides = [1]} : vector<16xi32> to vector<1xi32>
      %squeeze3A_722 = vector.extract %slice3A_721[0] : i32 from vector<1xi32>
      %broadcast_in_dim3A_723 = vector.broadcast %squeeze3A_722 : i32 to vector<16xi32>
      %add3A_724 = arith.constant 0 : i32
      %add3A_725 = vector.broadcast %add3A_724 : i32 to vector<16xi32>
      %add3A_726 = arith.addi %iota3A, %add3A_725 : vector<16xi32>
      %gather3A_727 = arith.constant 5 : i32
      %gather3A_728 = arith.constant 0 : i32
      %gather3A_729 = arith.constant 0 : i32
      %gather3A_730 = tpu.memref_slice %arg8[%gather3A_727, %gather3A_728, %gather3A_729] : memref<8x32x128xf32, #tpu.memory_space<vmem>> -> memref<1x32x128xf32, #tpu.memory_space<vmem>>
      %gather3A_731 = tpu.memref_squeeze %gather3A_730 : memref<1x32x128xf32, #tpu.memory_space<vmem>> -> memref<32x128xf32, #tpu.memory_space<vmem>>
      %gather3A_732 = tpu.vector_load_idx %gather3A_731[%add3A_726, %broadcast_in_dim3A_723] : memref<32x128xf32, #tpu.memory_space<vmem>>[vector<16xi32>, vector<16xi32>], vector<16xf32>,
      %add3A_733 = arith.constant 5 : i32
      %add3A_734 = arith.addi %mul3A_295, %add3A_733 : i32
      %swap3A_735 = arith.index_cast %add3A_734 : i32 to index
      %swap3A_736 = arith.constant 0 : index
      %swap3A_737 = tpu.vector_load %arg10[%swap3A_735, %swap3A_736] {strides = array<i32>} : memref<64x32xf32, #tpu.memory_space<vmem>>, vector<16xf32>,
      tpu.vector_store %arg10[%swap3A_735, %swap3A_736], %gather3A_732 {strides = array<i32>} : memref<64x32xf32, #tpu.memory_space<vmem>>, vector<16xf32>,
      %add3A_738 = arith.constant 16 : i32
      %add3A_739 = vector.broadcast %add3A_738 : i32 to vector<16xi32>
      %add3A_740 = arith.addi %iota3A, %add3A_739 : vector<16xi32>
      %gather3A_741 = arith.constant 5 : i32
      %gather3A_742 = arith.constant 0 : i32
      %gather3A_743 = arith.constant 0 : i32
      %gather3A_744 = tpu.memref_slice %arg8[%gather3A_741, %gather3A_742, %gather3A_743] : memref<8x32x128xf32, #tpu.memory_space<vmem>> -> memref<1x32x128xf32, #tpu.memory_space<vmem>>
      %gather3A_745 = tpu.memref_squeeze %gather3A_744 : memref<1x32x128xf32, #tpu.memory_space<vmem>> -> memref<32x128xf32, #tpu.memory_space<vmem>>
      %gather3A_746 = tpu.vector_load_idx %gather3A_745[%add3A_740, %broadcast_in_dim3A_723] : memref<32x128xf32, #tpu.memory_space<vmem>>[vector<16xi32>, vector<16xi32>], vector<16xf32>,
      %add3A_747 = arith.constant 5 : i32
      %add3A_748 = arith.addi %mul3A_295, %add3A_747 : i32
      %swap3A_749 = arith.index_cast %add3A_748 : i32 to index
      %swap3A_750 = arith.constant 16 : index
      %swap3A_751 = tpu.vector_load %arg10[%swap3A_749, %swap3A_750] {strides = array<i32>} : memref<64x32xf32, #tpu.memory_space<vmem>>, vector<16xf32>,
      tpu.vector_store %arg10[%swap3A_749, %swap3A_750], %gather3A_746 {strides = array<i32>} : memref<64x32xf32, #tpu.memory_space<vmem>>, vector<16xf32>,
      %slice3A_752 = vector.extract_strided_slice %and3A_568 {offsets = [6], sizes = [1], strides = [1]} : vector<16xi32> to vector<1xi32>
      %squeeze3A_753 = vector.extract %slice3A_752[0] : i32 from vector<1xi32>
      %broadcast_in_dim3A_754 = vector.broadcast %squeeze3A_753 : i32 to vector<16xi32>
      %add3A_755 = arith.constant 0 : i32
      %add3A_756 = vector.broadcast %add3A_755 : i32 to vector<16xi32>
      %add3A_757 = arith.addi %iota3A, %add3A_756 : vector<16xi32>
      %gather3A_758 = arith.constant 6 : i32
      %gather3A_759 = arith.constant 0 : i32
      %gather3A_760 = arith.constant 0 : i32
      %gather3A_761 = tpu.memref_slice %arg8[%gather3A_758, %gather3A_759, %gather3A_760] : memref<8x32x128xf32, #tpu.memory_space<vmem>> -> memref<1x32x128xf32, #tpu.memory_space<vmem>>
      %gather3A_762 = tpu.memref_squeeze %gather3A_761 : memref<1x32x128xf32, #tpu.memory_space<vmem>> -> memref<32x128xf32, #tpu.memory_space<vmem>>
      %gather3A_763 = tpu.vector_load_idx %gather3A_762[%add3A_757, %broadcast_in_dim3A_754] : memref<32x128xf32, #tpu.memory_space<vmem>>[vector<16xi32>, vector<16xi32>], vector<16xf32>,
      %add3A_764 = arith.constant 6 : i32
      %add3A_765 = arith.addi %mul3A_295, %add3A_764 : i32
      %swap3A_766 = arith.index_cast %add3A_765 : i32 to index
      %swap3A_767 = arith.constant 0 : index
      %swap3A_768 = tpu.vector_load %arg10[%swap3A_766, %swap3A_767] {strides = array<i32>} : memref<64x32xf32, #tpu.memory_space<vmem>>, vector<16xf32>,
      tpu.vector_store %arg10[%swap3A_766, %swap3A_767], %gather3A_763 {strides = array<i32>} : memref<64x32xf32, #tpu.memory_space<vmem>>, vector<16xf32>,
      %add3A_769 = arith.constant 16 : i32
      %add3A_770 = vector.broadcast %add3A_769 : i32 to vector<16xi32>
      %add3A_771 = arith.addi %iota3A, %add3A_770 : vector<16xi32>
      %gather3A_772 = arith.constant 6 : i32
      %gather3A_773 = arith.constant 0 : i32
      %gather3A_774 = arith.constant 0 : i32
      %gather3A_775 = tpu.memref_slice %arg8[%gather3A_772, %gather3A_773, %gather3A_774] : memref<8x32x128xf32, #tpu.memory_space<vmem>> -> memref<1x32x128xf32, #tpu.memory_space<vmem>>
      %gather3A_776 = tpu.memref_squeeze %gather3A_775 : memref<1x32x128xf32, #tpu.memory_space<vmem>> -> memref<32x128xf32, #tpu.memory_space<vmem>>
      %gather3A_777 = tpu.vector_load_idx %gather3A_776[%add3A_771, %broadcast_in_dim3A_754] : memref<32x128xf32, #tpu.memory_space<vmem>>[vector<16xi32>, vector<16xi32>], vector<16xf32>,
      %add3A_778 = arith.constant 6 : i32
      %add3A_779 = arith.addi %mul3A_295, %add3A_778 : i32
      %swap3A_780 = arith.index_cast %add3A_779 : i32 to index
      %swap3A_781 = arith.constant 16 : index
      %swap3A_782 = tpu.vector_load %arg10[%swap3A_780, %swap3A_781] {strides = array<i32>} : memref<64x32xf32, #tpu.memory_space<vmem>>, vector<16xf32>,
      tpu.vector_store %arg10[%swap3A_780, %swap3A_781], %gather3A_777 {strides = array<i32>} : memref<64x32xf32, #tpu.memory_space<vmem>>, vector<16xf32>,
      %slice3A_783 = vector.extract_strided_slice %and3A_568 {offsets = [7], sizes = [1], strides = [1]} : vector<16xi32> to vector<1xi32>
      %squeeze3A_784 = vector.extract %slice3A_783[0] : i32 from vector<1xi32>
      %broadcast_in_dim3A_785 = vector.broadcast %squeeze3A_784 : i32 to vector<16xi32>
      %add3A_786 = arith.constant 0 : i32
      %add3A_787 = vector.broadcast %add3A_786 : i32 to vector<16xi32>
      %add3A_788 = arith.addi %iota3A, %add3A_787 : vector<16xi32>
      %gather3A_789 = arith.constant 7 : i32
      %gather3A_790 = arith.constant 0 : i32
      %gather3A_791 = arith.constant 0 : i32
      %gather3A_792 = tpu.memref_slice %arg8[%gather3A_789, %gather3A_790, %gather3A_791] : memref<8x32x128xf32, #tpu.memory_space<vmem>> -> memref<1x32x128xf32, #tpu.memory_space<vmem>>
      %gather3A_793 = tpu.memref_squeeze %gather3A_792 : memref<1x32x128xf32, #tpu.memory_space<vmem>> -> memref<32x128xf32, #tpu.memory_space<vmem>>
      %gather3A_794 = tpu.vector_load_idx %gather3A_793[%add3A_788, %broadcast_in_dim3A_785] : memref<32x128xf32, #tpu.memory_space<vmem>>[vector<16xi32>, vector<16xi32>], vector<16xf32>,
      %add3A_795 = arith.constant 7 : i32
      %add3A_796 = arith.addi %mul3A_295, %add3A_795 : i32
      %swap3A_797 = arith.index_cast %add3A_796 : i32 to index
      %swap3A_798 = arith.constant 0 : index
      %swap3A_799 = tpu.vector_load %arg10[%swap3A_797, %swap3A_798] {strides = array<i32>} : memref<64x32xf32, #tpu.memory_space<vmem>>, vector<16xf32>,
      tpu.vector_store %arg10[%swap3A_797, %swap3A_798], %gather3A_794 {strides = array<i32>} : memref<64x32xf32, #tpu.memory_space<vmem>>, vector<16xf32>,
      %add3A_800 = arith.constant 16 : i32
      %add3A_801 = vector.broadcast %add3A_800 : i32 to vector<16xi32>
      %add3A_802 = arith.addi %iota3A, %add3A_801 : vector<16xi32>
      %gather3A_803 = arith.constant 7 : i32
      %gather3A_804 = arith.constant 0 : i32
      %gather3A_805 = arith.constant 0 : i32
      %gather3A_806 = tpu.memref_slice %arg8[%gather3A_803, %gather3A_804, %gather3A_805] : memref<8x32x128xf32, #tpu.memory_space<vmem>> -> memref<1x32x128xf32, #tpu.memory_space<vmem>>
      %gather3A_807 = tpu.memref_squeeze %gather3A_806 : memref<1x32x128xf32, #tpu.memory_space<vmem>> -> memref<32x128xf32, #tpu.memory_space<vmem>>
      %gather3A_808 = tpu.vector_load_idx %gather3A_807[%add3A_802, %broadcast_in_dim3A_785] : memref<32x128xf32, #tpu.memory_space<vmem>>[vector<16xi32>, vector<16xi32>], vector<16xf32>,
      %add3A_809 = arith.constant 7 : i32
      %add3A_810 = arith.addi %mul3A_295, %add3A_809 : i32
      %swap3A_811 = arith.index_cast %add3A_810 : i32 to index
      %swap3A_812 = arith.constant 16 : index
      %swap3A_813 = tpu.vector_load %arg10[%swap3A_811, %swap3A_812] {strides = array<i32>} : memref<64x32xf32, #tpu.memory_space<vmem>>, vector<16xf32>,
      tpu.vector_store %arg10[%swap3A_811, %swap3A_812], %gather3A_808 {strides = array<i32>} : memref<64x32xf32, #tpu.memory_space<vmem>>, vector<16xf32>,
      %add3A_814 = arith.constant 16 : i32
      %add3A_815 = arith.addi %mul3A_295, %add3A_814 : i32
      %min3A = arith.constant 56 : i32
      %min3A_816 = arith.minsi %add3A_815, %min3A : i32
      %get3A_817 = arith.index_cast %min3A_816 : i32 to index
      %get3A_818 = tpu.vector_load %arg6[%get3A_817] {strides = array<i32>} : memref<80xi32, #tpu.memory_space<vmem>>, vector<16xi32>,
      %and3A_819 = arith.constant -128 : i32
      %and3A_820 = vector.broadcast %and3A_819 : i32 to vector<16xi32>
      %and3A_821 = arith.andi %get3A_818, %and3A_820 : vector<16xi32>
      %get3A_822 = arith.index_cast %min3A_816 : i32 to index
      %get3A_823 = tpu.vector_load %arg7[%get3A_822] {strides = array<i32>} : memref<80xi32, #tpu.memory_space<vmem>>, vector<16xi32>,
      %mul3A_824 = arith.constant 32 : i32
      %mul3A_825 = vector.broadcast %mul3A_824 : i32 to vector<16xi32>
      %mul3A_826 = arith.muli %get3A_823, %mul3A_825 : vector<16xi32>
      %slice3A_827 = vector.extract_strided_slice %mul3A_826 {offsets = [0], sizes = [1], strides = [1]} : vector<16xi32> to vector<1xi32>
      %squeeze3A_828 = vector.extract %slice3A_827[0] : i32 from vector<1xi32>
      %multiple_of3A_829 = tpu.assume_multiple %squeeze3A_828, 8 : i32
      %slice3A_830 = vector.extract_strided_slice %and3A_821 {offsets = [0], sizes = [1], strides = [1]} : vector<16xi32> to vector<1xi32>
      %squeeze3A_831 = vector.extract %slice3A_830[0] : i32 from vector<1xi32>
      %multiple_of3A_832 = tpu.assume_multiple %squeeze3A_831, 128 : i32
      %dma_start3A_833 = arith.constant 0 : i32
      %dma_start3A_834 = arith.constant 0 : i32
      %dma_start3A_835 = arith.constant 0 : i32
      %dma_start3A_836 = tpu.memref_slice %arg8[%dma_start3A_833, %dma_start3A_834, %dma_start3A_835] : memref<8x32x128xf32, #tpu.memory_space<vmem>> -> memref<1x32x128xf32, #tpu.memory_space<vmem>>
      %dma_start3A_837 = tpu.memref_squeeze %dma_start3A_836 : memref<1x32x128xf32, #tpu.memory_space<vmem>> -> memref<32x128xf32, #tpu.memory_space<vmem>>
      %dma_start3A_838 = tpu.memref_slice %arg4[%multiple_of3A_829, %multiple_of3A_832] : memref<640x100000xf32, #tpu.memory_space<hbm>> -> memref<32x128xf32, #tpu.memory_space<hbm>>
      %dma_start3A_839 = arith.constant 0 : i32
      %dma_start3A_840 = arith.constant 0 : i32
      %dma_start3A_841 = tpu.memref_slice %arg8[%dma_start3A_833, %dma_start3A_839, %dma_start3A_840] : memref<8x32x128xf32, #tpu.memory_space<vmem>> -> memref<1x32x128xf32, #tpu.memory_space<vmem>>
      %dma_start3A_842 = tpu.memref_squeeze %dma_start3A_841 : memref<1x32x128xf32, #tpu.memory_space<vmem>> -> memref<32x128xf32, #tpu.memory_space<vmem>>
      %dma_start3A_843 = tpu.memref_slice %arg4[%multiple_of3A_829, %multiple_of3A_832] : memref<640x100000xf32, #tpu.memory_space<hbm>> -> memref<32x128xf32, #tpu.memory_space<hbm>>
      tpu.enqueue_dma source(%dma_start3A_843 : memref<32x128xf32, #tpu.memory_space<hbm>>) target(%dma_start3A_842 : memref<32x128xf32, #tpu.memory_space<vmem>>) target_semaphore(%arg11 : memref<!tpu.dma_semaphore, #tpu.memory_space<semaphore_mem>>)
      %slice3A_844 = vector.extract_strided_slice %mul3A_826 {offsets = [1], sizes = [1], strides = [1]} : vector<16xi32> to vector<1xi32>
      %squeeze3A_845 = vector.extract %slice3A_844[0] : i32 from vector<1xi32>
      %multiple_of3A_846 = tpu.assume_multiple %squeeze3A_845, 8 : i32
      %slice3A_847 = vector.extract_strided_slice %and3A_821 {offsets = [1], sizes = [1], strides = [1]} : vector<16xi32> to vector<1xi32>
      %squeeze3A_848 = vector.extract %slice3A_847[0] : i32 from vector<1xi32>
      %multiple_of3A_849 = tpu.assume_multiple %squeeze3A_848, 128 : i32
      %dma_start3A_850 = arith.constant 1 : i32
      %dma_start3A_851 = arith.constant 0 : i32
      %dma_start3A_852 = arith.constant 0 : i32
      %dma_start3A_853 = tpu.memref_slice %arg8[%dma_start3A_850, %dma_start3A_851, %dma_start3A_852] : memref<8x32x128xf32, #tpu.memory_space<vmem>> -> memref<1x32x128xf32, #tpu.memory_space<vmem>>
      %dma_start3A_854 = tpu.memref_squeeze %dma_start3A_853 : memref<1x32x128xf32, #tpu.memory_space<vmem>> -> memref<32x128xf32, #tpu.memory_space<vmem>>
      %dma_start3A_855 = tpu.memref_slice %arg4[%multiple_of3A_846, %multiple_of3A_849] : memref<640x100000xf32, #tpu.memory_space<hbm>> -> memref<32x128xf32, #tpu.memory_space<hbm>>
      %dma_start3A_856 = arith.constant 0 : i32
      %dma_start3A_857 = arith.constant 0 : i32
      %dma_start3A_858 = tpu.memref_slice %arg8[%dma_start3A_850, %dma_start3A_856, %dma_start3A_857] : memref<8x32x128xf32, #tpu.memory_space<vmem>> -> memref<1x32x128xf32, #tpu.memory_space<vmem>>
      %dma_start3A_859 = tpu.memref_squeeze %dma_start3A_858 : memref<1x32x128xf32, #tpu.memory_space<vmem>> -> memref<32x128xf32, #tpu.memory_space<vmem>>
      %dma_start3A_860 = tpu.memref_slice %arg4[%multiple_of3A_846, %multiple_of3A_849] : memref<640x100000xf32, #tpu.memory_space<hbm>> -> memref<32x128xf32, #tpu.memory_space<hbm>>
      tpu.enqueue_dma source(%dma_start3A_860 : memref<32x128xf32, #tpu.memory_space<hbm>>) target(%dma_start3A_859 : memref<32x128xf32, #tpu.memory_space<vmem>>) target_semaphore(%arg11 : memref<!tpu.dma_semaphore, #tpu.memory_space<semaphore_mem>>)
      %slice3A_861 = vector.extract_strided_slice %mul3A_826 {offsets = [2], sizes = [1], strides = [1]} : vector<16xi32> to vector<1xi32>
      %squeeze3A_862 = vector.extract %slice3A_861[0] : i32 from vector<1xi32>
      %multiple_of3A_863 = tpu.assume_multiple %squeeze3A_862, 8 : i32
      %slice3A_864 = vector.extract_strided_slice %and3A_821 {offsets = [2], sizes = [1], strides = [1]} : vector<16xi32> to vector<1xi32>
      %squeeze3A_865 = vector.extract %slice3A_864[0] : i32 from vector<1xi32>
      %multiple_of3A_866 = tpu.assume_multiple %squeeze3A_865, 128 : i32
      %dma_start3A_867 = arith.constant 2 : i32
      %dma_start3A_868 = arith.constant 0 : i32
      %dma_start3A_869 = arith.constant 0 : i32
      %dma_start3A_870 = tpu.memref_slice %arg8[%dma_start3A_867, %dma_start3A_868, %dma_start3A_869] : memref<8x32x128xf32, #tpu.memory_space<vmem>> -> memref<1x32x128xf32, #tpu.memory_space<vmem>>
      %dma_start3A_871 = tpu.memref_squeeze %dma_start3A_870 : memref<1x32x128xf32, #tpu.memory_space<vmem>> -> memref<32x128xf32, #tpu.memory_space<vmem>>
      %dma_start3A_872 = tpu.memref_slice %arg4[%multiple_of3A_863, %multiple_of3A_866] : memref<640x100000xf32, #tpu.memory_space<hbm>> -> memref<32x128xf32, #tpu.memory_space<hbm>>
      %dma_start3A_873 = arith.constant 0 : i32
      %dma_start3A_874 = arith.constant 0 : i32
      %dma_start3A_875 = tpu.memref_slice %arg8[%dma_start3A_867, %dma_start3A_873, %dma_start3A_874] : memref<8x32x128xf32, #tpu.memory_space<vmem>> -> memref<1x32x128xf32, #tpu.memory_space<vmem>>
      %dma_start3A_876 = tpu.memref_squeeze %dma_start3A_875 : memref<1x32x128xf32, #tpu.memory_space<vmem>> -> memref<32x128xf32, #tpu.memory_space<vmem>>
      %dma_start3A_877 = tpu.memref_slice %arg4[%multiple_of3A_863, %multiple_of3A_866] : memref<640x100000xf32, #tpu.memory_space<hbm>> -> memref<32x128xf32, #tpu.memory_space<hbm>>
      tpu.enqueue_dma source(%dma_start3A_877 : memref<32x128xf32, #tpu.memory_space<hbm>>) target(%dma_start3A_876 : memref<32x128xf32, #tpu.memory_space<vmem>>) target_semaphore(%arg11 : memref<!tpu.dma_semaphore, #tpu.memory_space<semaphore_mem>>)
      %slice3A_878 = vector.extract_strided_slice %mul3A_826 {offsets = [3], sizes = [1], strides = [1]} : vector<16xi32> to vector<1xi32>
      %squeeze3A_879 = vector.extract %slice3A_878[0] : i32 from vector<1xi32>
      %multiple_of3A_880 = tpu.assume_multiple %squeeze3A_879, 8 : i32
      %slice3A_881 = vector.extract_strided_slice %and3A_821 {offsets = [3], sizes = [1], strides = [1]} : vector<16xi32> to vector<1xi32>
      %squeeze3A_882 = vector.extract %slice3A_881[0] : i32 from vector<1xi32>
      %multiple_of3A_883 = tpu.assume_multiple %squeeze3A_882, 128 : i32
      %dma_start3A_884 = arith.constant 3 : i32
      %dma_start3A_885 = arith.constant 0 : i32
      %dma_start3A_886 = arith.constant 0 : i32
      %dma_start3A_887 = tpu.memref_slice %arg8[%dma_start3A_884, %dma_start3A_885, %dma_start3A_886] : memref<8x32x128xf32, #tpu.memory_space<vmem>> -> memref<1x32x128xf32, #tpu.memory_space<vmem>>
      %dma_start3A_888 = tpu.memref_squeeze %dma_start3A_887 : memref<1x32x128xf32, #tpu.memory_space<vmem>> -> memref<32x128xf32, #tpu.memory_space<vmem>>
      %dma_start3A_889 = tpu.memref_slice %arg4[%multiple_of3A_880, %multiple_of3A_883] : memref<640x100000xf32, #tpu.memory_space<hbm>> -> memref<32x128xf32, #tpu.memory_space<hbm>>
      %dma_start3A_890 = arith.constant 0 : i32
      %dma_start3A_891 = arith.constant 0 : i32
      %dma_start3A_892 = tpu.memref_slice %arg8[%dma_start3A_884, %dma_start3A_890, %dma_start3A_891] : memref<8x32x128xf32, #tpu.memory_space<vmem>> -> memref<1x32x128xf32, #tpu.memory_space<vmem>>
      %dma_start3A_893 = tpu.memref_squeeze %dma_start3A_892 : memref<1x32x128xf32, #tpu.memory_space<vmem>> -> memref<32x128xf32, #tpu.memory_space<vmem>>
      %dma_start3A_894 = tpu.memref_slice %arg4[%multiple_of3A_880, %multiple_of3A_883] : memref<640x100000xf32, #tpu.memory_space<hbm>> -> memref<32x128xf32, #tpu.memory_space<hbm>>
      tpu.enqueue_dma source(%dma_start3A_894 : memref<32x128xf32, #tpu.memory_space<hbm>>) target(%dma_start3A_893 : memref<32x128xf32, #tpu.memory_space<vmem>>) target_semaphore(%arg11 : memref<!tpu.dma_semaphore, #tpu.memory_space<semaphore_mem>>)
      %slice3A_895 = vector.extract_strided_slice %mul3A_826 {offsets = [4], sizes = [1], strides = [1]} : vector<16xi32> to vector<1xi32>
      %squeeze3A_896 = vector.extract %slice3A_895[0] : i32 from vector<1xi32>
      %multiple_of3A_897 = tpu.assume_multiple %squeeze3A_896, 8 : i32
      %slice3A_898 = vector.extract_strided_slice %and3A_821 {offsets = [4], sizes = [1], strides = [1]} : vector<16xi32> to vector<1xi32>
      %squeeze3A_899 = vector.extract %slice3A_898[0] : i32 from vector<1xi32>
      %multiple_of3A_900 = tpu.assume_multiple %squeeze3A_899, 128 : i32
      %dma_start3A_901 = arith.constant 4 : i32
      %dma_start3A_902 = arith.constant 0 : i32
      %dma_start3A_903 = arith.constant 0 : i32
      %dma_start3A_904 = tpu.memref_slice %arg8[%dma_start3A_901, %dma_start3A_902, %dma_start3A_903] : memref<8x32x128xf32, #tpu.memory_space<vmem>> -> memref<1x32x128xf32, #tpu.memory_space<vmem>>
      %dma_start3A_905 = tpu.memref_squeeze %dma_start3A_904 : memref<1x32x128xf32, #tpu.memory_space<vmem>> -> memref<32x128xf32, #tpu.memory_space<vmem>>
      %dma_start3A_906 = tpu.memref_slice %arg4[%multiple_of3A_897, %multiple_of3A_900] : memref<640x100000xf32, #tpu.memory_space<hbm>> -> memref<32x128xf32, #tpu.memory_space<hbm>>
      %dma_start3A_907 = arith.constant 0 : i32
      %dma_start3A_908 = arith.constant 0 : i32
      %dma_start3A_909 = tpu.memref_slice %arg8[%dma_start3A_901, %dma_start3A_907, %dma_start3A_908] : memref<8x32x128xf32, #tpu.memory_space<vmem>> -> memref<1x32x128xf32, #tpu.memory_space<vmem>>
      %dma_start3A_910 = tpu.memref_squeeze %dma_start3A_909 : memref<1x32x128xf32, #tpu.memory_space<vmem>> -> memref<32x128xf32, #tpu.memory_space<vmem>>
      %dma_start3A_911 = tpu.memref_slice %arg4[%multiple_of3A_897, %multiple_of3A_900] : memref<640x100000xf32, #tpu.memory_space<hbm>> -> memref<32x128xf32, #tpu.memory_space<hbm>>
      tpu.enqueue_dma source(%dma_start3A_911 : memref<32x128xf32, #tpu.memory_space<hbm>>) target(%dma_start3A_910 : memref<32x128xf32, #tpu.memory_space<vmem>>) target_semaphore(%arg11 : memref<!tpu.dma_semaphore, #tpu.memory_space<semaphore_mem>>)
      %slice3A_912 = vector.extract_strided_slice %mul3A_826 {offsets = [5], sizes = [1], strides = [1]} : vector<16xi32> to vector<1xi32>
      %squeeze3A_913 = vector.extract %slice3A_912[0] : i32 from vector<1xi32>
      %multiple_of3A_914 = tpu.assume_multiple %squeeze3A_913, 8 : i32
      %slice3A_915 = vector.extract_strided_slice %and3A_821 {offsets = [5], sizes = [1], strides = [1]} : vector<16xi32> to vector<1xi32>
      %squeeze3A_916 = vector.extract %slice3A_915[0] : i32 from vector<1xi32>
      %multiple_of3A_917 = tpu.assume_multiple %squeeze3A_916, 128 : i32
      %dma_start3A_918 = arith.constant 5 : i32
      %dma_start3A_919 = arith.constant 0 : i32
      %dma_start3A_920 = arith.constant 0 : i32
      %dma_start3A_921 = tpu.memref_slice %arg8[%dma_start3A_918, %dma_start3A_919, %dma_start3A_920] : memref<8x32x128xf32, #tpu.memory_space<vmem>> -> memref<1x32x128xf32, #tpu.memory_space<vmem>>
      %dma_start3A_922 = tpu.memref_squeeze %dma_start3A_921 : memref<1x32x128xf32, #tpu.memory_space<vmem>> -> memref<32x128xf32, #tpu.memory_space<vmem>>
      %dma_start3A_923 = tpu.memref_slice %arg4[%multiple_of3A_914, %multiple_of3A_917] : memref<640x100000xf32, #tpu.memory_space<hbm>> -> memref<32x128xf32, #tpu.memory_space<hbm>>
      %dma_start3A_924 = arith.constant 0 : i32
      %dma_start3A_925 = arith.constant 0 : i32
      %dma_start3A_926 = tpu.memref_slice %arg8[%dma_start3A_918, %dma_start3A_924, %dma_start3A_925] : memref<8x32x128xf32, #tpu.memory_space<vmem>> -> memref<1x32x128xf32, #tpu.memory_space<vmem>>
      %dma_start3A_927 = tpu.memref_squeeze %dma_start3A_926 : memref<1x32x128xf32, #tpu.memory_space<vmem>> -> memref<32x128xf32, #tpu.memory_space<vmem>>
      %dma_start3A_928 = tpu.memref_slice %arg4[%multiple_of3A_914, %multiple_of3A_917] : memref<640x100000xf32, #tpu.memory_space<hbm>> -> memref<32x128xf32, #tpu.memory_space<hbm>>
      tpu.enqueue_dma source(%dma_start3A_928 : memref<32x128xf32, #tpu.memory_space<hbm>>) target(%dma_start3A_927 : memref<32x128xf32, #tpu.memory_space<vmem>>) target_semaphore(%arg11 : memref<!tpu.dma_semaphore, #tpu.memory_space<semaphore_mem>>)
      %slice3A_929 = vector.extract_strided_slice %mul3A_826 {offsets = [6], sizes = [1], strides = [1]} : vector<16xi32> to vector<1xi32>
      %squeeze3A_930 = vector.extract %slice3A_929[0] : i32 from vector<1xi32>
      %multiple_of3A_931 = tpu.assume_multiple %squeeze3A_930, 8 : i32
      %slice3A_932 = vector.extract_strided_slice %and3A_821 {offsets = [6], sizes = [1], strides = [1]} : vector<16xi32> to vector<1xi32>
      %squeeze3A_933 = vector.extract %slice3A_932[0] : i32 from vector<1xi32>
      %multiple_of3A_934 = tpu.assume_multiple %squeeze3A_933, 128 : i32
      %dma_start3A_935 = arith.constant 6 : i32
      %dma_start3A_936 = arith.constant 0 : i32
      %dma_start3A_937 = arith.constant 0 : i32
      %dma_start3A_938 = tpu.memref_slice %arg8[%dma_start3A_935, %dma_start3A_936, %dma_start3A_937] : memref<8x32x128xf32, #tpu.memory_space<vmem>> -> memref<1x32x128xf32, #tpu.memory_space<vmem>>
      %dma_start3A_939 = tpu.memref_squeeze %dma_start3A_938 : memref<1x32x128xf32, #tpu.memory_space<vmem>> -> memref<32x128xf32, #tpu.memory_space<vmem>>
      %dma_start3A_940 = tpu.memref_slice %arg4[%multiple_of3A_931, %multiple_of3A_934] : memref<640x100000xf32, #tpu.memory_space<hbm>> -> memref<32x128xf32, #tpu.memory_space<hbm>>
      %dma_start3A_941 = arith.constant 0 : i32
      %dma_start3A_942 = arith.constant 0 : i32
      %dma_start3A_943 = tpu.memref_slice %arg8[%dma_start3A_935, %dma_start3A_941, %dma_start3A_942] : memref<8x32x128xf32, #tpu.memory_space<vmem>> -> memref<1x32x128xf32, #tpu.memory_space<vmem>>
      %dma_start3A_944 = tpu.memref_squeeze %dma_start3A_943 : memref<1x32x128xf32, #tpu.memory_space<vmem>> -> memref<32x128xf32, #tpu.memory_space<vmem>>
      %dma_start3A_945 = tpu.memref_slice %arg4[%multiple_of3A_931, %multiple_of3A_934] : memref<640x100000xf32, #tpu.memory_space<hbm>> -> memref<32x128xf32, #tpu.memory_space<hbm>>
      tpu.enqueue_dma source(%dma_start3A_945 : memref<32x128xf32, #tpu.memory_space<hbm>>) target(%dma_start3A_944 : memref<32x128xf32, #tpu.memory_space<vmem>>) target_semaphore(%arg11 : memref<!tpu.dma_semaphore, #tpu.memory_space<semaphore_mem>>)
      %slice3A_946 = vector.extract_strided_slice %mul3A_826 {offsets = [7], sizes = [1], strides = [1]} : vector<16xi32> to vector<1xi32>
      %squeeze3A_947 = vector.extract %slice3A_946[0] : i32 from vector<1xi32>
      %multiple_of3A_948 = tpu.assume_multiple %squeeze3A_947, 8 : i32
      %slice3A_949 = vector.extract_strided_slice %and3A_821 {offsets = [7], sizes = [1], strides = [1]} : vector<16xi32> to vector<1xi32>
      %squeeze3A_950 = vector.extract %slice3A_949[0] : i32 from vector<1xi32>
      %multiple_of3A_951 = tpu.assume_multiple %squeeze3A_950, 128 : i32
      %dma_start3A_952 = arith.constant 7 : i32
      %dma_start3A_953 = arith.constant 0 : i32
      %dma_start3A_954 = arith.constant 0 : i32
      %dma_start3A_955 = tpu.memref_slice %arg8[%dma_start3A_952, %dma_start3A_953, %dma_start3A_954] : memref<8x32x128xf32, #tpu.memory_space<vmem>> -> memref<1x32x128xf32, #tpu.memory_space<vmem>>
      %dma_start3A_956 = tpu.memref_squeeze %dma_start3A_955 : memref<1x32x128xf32, #tpu.memory_space<vmem>> -> memref<32x128xf32, #tpu.memory_space<vmem>>
      %dma_start3A_957 = tpu.memref_slice %arg4[%multiple_of3A_948, %multiple_of3A_951] : memref<640x100000xf32, #tpu.memory_space<hbm>> -> memref<32x128xf32, #tpu.memory_space<hbm>>
      %dma_start3A_958 = arith.constant 0 : i32
      %dma_start3A_959 = arith.constant 0 : i32
      %dma_start3A_960 = tpu.memref_slice %arg8[%dma_start3A_952, %dma_start3A_958, %dma_start3A_959] : memref<8x32x128xf32, #tpu.memory_space<vmem>> -> memref<1x32x128xf32, #tpu.memory_space<vmem>>
      %dma_start3A_961 = tpu.memref_squeeze %dma_start3A_960 : memref<1x32x128xf32, #tpu.memory_space<vmem>> -> memref<32x128xf32, #tpu.memory_space<vmem>>
      %dma_start3A_962 = tpu.memref_slice %arg4[%multiple_of3A_948, %multiple_of3A_951] : memref<640x100000xf32, #tpu.memory_space<hbm>> -> memref<32x128xf32, #tpu.memory_space<hbm>>
      tpu.enqueue_dma source(%dma_start3A_962 : memref<32x128xf32, #tpu.memory_space<hbm>>) target(%dma_start3A_961 : memref<32x128xf32, #tpu.memory_space<vmem>>) target_semaphore(%arg11 : memref<!tpu.dma_semaphore, #tpu.memory_space<semaphore_mem>>)
      %dma_wait3A_963 = arith.constant 0 : i32
      %dma_wait3A_964 = arith.constant 0 : i32
      %dma_wait3A_965 = arith.constant 0 : i32
      %dma_wait3A_966 = tpu.memref_slice %arg9[%dma_wait3A_963, %dma_wait3A_964, %dma_wait3A_965] : memref<8x32x128xf32, #tpu.memory_space<vmem>> -> memref<1x32x128xf32, #tpu.memory_space<vmem>>
      %dma_wait3A_967 = tpu.memref_squeeze %dma_wait3A_966 : memref<1x32x128xf32, #tpu.memory_space<vmem>> -> memref<32x128xf32, #tpu.memory_space<vmem>>
      %dma_wait3A_968 = arith.constant 0 : i32
      %dma_wait3A_969 = arith.constant 0 : i32
      %dma_wait3A_970 = tpu.memref_slice %arg4[%dma_wait3A_968, %dma_wait3A_969] : memref<640x100000xf32, #tpu.memory_space<hbm>> -> memref<32x128xf32, #tpu.memory_space<hbm>>
      %dma_wait3A_971 = arith.constant 0 : i32
      %dma_wait3A_972 = arith.constant 0 : i32
      %dma_wait3A_973 = tpu.memref_slice %arg9[%dma_wait3A_963, %dma_wait3A_971, %dma_wait3A_972] : memref<8x32x128xf32, #tpu.memory_space<vmem>> -> memref<1x32x128xf32, #tpu.memory_space<vmem>>
      %dma_wait3A_974 = tpu.memref_squeeze %dma_wait3A_973 : memref<1x32x128xf32, #tpu.memory_space<vmem>> -> memref<32x128xf32, #tpu.memory_space<vmem>>
      %dma_wait3A_975 = arith.constant 0 : i32
      %dma_wait3A_976 = arith.constant 0 : i32
      %dma_wait3A_977 = tpu.memref_slice %arg4[%dma_wait3A_975, %dma_wait3A_976] : memref<640x100000xf32, #tpu.memory_space<hbm>> -> memref<32x128xf32, #tpu.memory_space<hbm>>
      tpu.wait_dma2 semaphore(%arg12 : memref<!tpu.dma_semaphore, #tpu.memory_space<semaphore_mem>>) src(%dma_wait3A_977 : memref<32x128xf32, #tpu.memory_space<hbm>>) dst(%dma_wait3A_974 : memref<32x128xf32, #tpu.memory_space<vmem>>)
      %dma_wait3A_978 = arith.constant 1 : i32
      %dma_wait3A_979 = arith.constant 0 : i32
      %dma_wait3A_980 = arith.constant 0 : i32
      %dma_wait3A_981 = tpu.memref_slice %arg9[%dma_wait3A_978, %dma_wait3A_979, %dma_wait3A_980] : memref<8x32x128xf32, #tpu.memory_space<vmem>> -> memref<1x32x128xf32, #tpu.memory_space<vmem>>
      %dma_wait3A_982 = tpu.memref_squeeze %dma_wait3A_981 : memref<1x32x128xf32, #tpu.memory_space<vmem>> -> memref<32x128xf32, #tpu.memory_space<vmem>>
      %dma_wait3A_983 = arith.constant 0 : i32
      %dma_wait3A_984 = arith.constant 0 : i32
      %dma_wait3A_985 = tpu.memref_slice %arg4[%dma_wait3A_983, %dma_wait3A_984] : memref<640x100000xf32, #tpu.memory_space<hbm>> -> memref<32x128xf32, #tpu.memory_space<hbm>>
      %dma_wait3A_986 = arith.constant 0 : i32
      %dma_wait3A_987 = arith.constant 0 : i32
      %dma_wait3A_988 = tpu.memref_slice %arg9[%dma_wait3A_978, %dma_wait3A_986, %dma_wait3A_987] : memref<8x32x128xf32, #tpu.memory_space<vmem>> -> memref<1x32x128xf32, #tpu.memory_space<vmem>>
      %dma_wait3A_989 = tpu.memref_squeeze %dma_wait3A_988 : memref<1x32x128xf32, #tpu.memory_space<vmem>> -> memref<32x128xf32, #tpu.memory_space<vmem>>
      %dma_wait3A_990 = arith.constant 0 : i32
      %dma_wait3A_991 = arith.constant 0 : i32
      %dma_wait3A_992 = tpu.memref_slice %arg4[%dma_wait3A_990, %dma_wait3A_991] : memref<640x100000xf32, #tpu.memory_space<hbm>> -> memref<32x128xf32, #tpu.memory_space<hbm>>
      tpu.wait_dma2 semaphore(%arg12 : memref<!tpu.dma_semaphore, #tpu.memory_space<semaphore_mem>>) src(%dma_wait3A_992 : memref<32x128xf32, #tpu.memory_space<hbm>>) dst(%dma_wait3A_989 : memref<32x128xf32, #tpu.memory_space<vmem>>)
      %dma_wait3A_993 = arith.constant 2 : i32
      %dma_wait3A_994 = arith.constant 0 : i32
      %dma_wait3A_995 = arith.constant 0 : i32
      %dma_wait3A_996 = tpu.memref_slice %arg9[%dma_wait3A_993, %dma_wait3A_994, %dma_wait3A_995] : memref<8x32x128xf32, #tpu.memory_space<vmem>> -> memref<1x32x128xf32, #tpu.memory_space<vmem>>
      %dma_wait3A_997 = tpu.memref_squeeze %dma_wait3A_996 : memref<1x32x128xf32, #tpu.memory_space<vmem>> -> memref<32x128xf32, #tpu.memory_space<vmem>>
      %dma_wait3A_998 = arith.constant 0 : i32
      %dma_wait3A_999 = arith.constant 0 : i32
      %dma_wait3A_1000 = tpu.memref_slice %arg4[%dma_wait3A_998, %dma_wait3A_999] : memref<640x100000xf32, #tpu.memory_space<hbm>> -> memref<32x128xf32, #tpu.memory_space<hbm>>
      %dma_wait3A_1001 = arith.constant 0 : i32
      %dma_wait3A_1002 = arith.constant 0 : i32
      %dma_wait3A_1003 = tpu.memref_slice %arg9[%dma_wait3A_993, %dma_wait3A_1001, %dma_wait3A_1002] : memref<8x32x128xf32, #tpu.memory_space<vmem>> -> memref<1x32x128xf32, #tpu.memory_space<vmem>>
      %dma_wait3A_1004 = tpu.memref_squeeze %dma_wait3A_1003 : memref<1x32x128xf32, #tpu.memory_space<vmem>> -> memref<32x128xf32, #tpu.memory_space<vmem>>
      %dma_wait3A_1005 = arith.constant 0 : i32
      %dma_wait3A_1006 = arith.constant 0 : i32
      %dma_wait3A_1007 = tpu.memref_slice %arg4[%dma_wait3A_1005, %dma_wait3A_1006] : memref<640x100000xf32, #tpu.memory_space<hbm>> -> memref<32x128xf32, #tpu.memory_space<hbm>>
      tpu.wait_dma2 semaphore(%arg12 : memref<!tpu.dma_semaphore, #tpu.memory_space<semaphore_mem>>) src(%dma_wait3A_1007 : memref<32x128xf32, #tpu.memory_space<hbm>>) dst(%dma_wait3A_1004 : memref<32x128xf32, #tpu.memory_space<vmem>>)
      %dma_wait3A_1008 = arith.constant 3 : i32
      %dma_wait3A_1009 = arith.constant 0 : i32
      %dma_wait3A_1010 = arith.constant 0 : i32
      %dma_wait3A_1011 = tpu.memref_slice %arg9[%dma_wait3A_1008, %dma_wait3A_1009, %dma_wait3A_1010] : memref<8x32x128xf32, #tpu.memory_space<vmem>> -> memref<1x32x128xf32, #tpu.memory_space<vmem>>
      %dma_wait3A_1012 = tpu.memref_squeeze %dma_wait3A_1011 : memref<1x32x128xf32, #tpu.memory_space<vmem>> -> memref<32x128xf32, #tpu.memory_space<vmem>>
      %dma_wait3A_1013 = arith.constant 0 : i32
      %dma_wait3A_1014 = arith.constant 0 : i32
      %dma_wait3A_1015 = tpu.memref_slice %arg4[%dma_wait3A_1013, %dma_wait3A_1014] : memref<640x100000xf32, #tpu.memory_space<hbm>> -> memref<32x128xf32, #tpu.memory_space<hbm>>
      %dma_wait3A_1016 = arith.constant 0 : i32
      %dma_wait3A_1017 = arith.constant 0 : i32
      %dma_wait3A_1018 = tpu.memref_slice %arg9[%dma_wait3A_1008, %dma_wait3A_1016, %dma_wait3A_1017] : memref<8x32x128xf32, #tpu.memory_space<vmem>> -> memref<1x32x128xf32, #tpu.memory_space<vmem>>
      %dma_wait3A_1019 = tpu.memref_squeeze %dma_wait3A_1018 : memref<1x32x128xf32, #tpu.memory_space<vmem>> -> memref<32x128xf32, #tpu.memory_space<vmem>>
      %dma_wait3A_1020 = arith.constant 0 : i32
      %dma_wait3A_1021 = arith.constant 0 : i32
      %dma_wait3A_1022 = tpu.memref_slice %arg4[%dma_wait3A_1020, %dma_wait3A_1021] : memref<640x100000xf32, #tpu.memory_space<hbm>> -> memref<32x128xf32, #tpu.memory_space<hbm>>
      tpu.wait_dma2 semaphore(%arg12 : memref<!tpu.dma_semaphore, #tpu.memory_space<semaphore_mem>>) src(%dma_wait3A_1022 : memref<32x128xf32, #tpu.memory_space<hbm>>) dst(%dma_wait3A_1019 : memref<32x128xf32, #tpu.memory_space<vmem>>)
      %dma_wait3A_1023 = arith.constant 4 : i32
      %dma_wait3A_1024 = arith.constant 0 : i32
      %dma_wait3A_1025 = arith.constant 0 : i32
      %dma_wait3A_1026 = tpu.memref_slice %arg9[%dma_wait3A_1023, %dma_wait3A_1024, %dma_wait3A_1025] : memref<8x32x128xf32, #tpu.memory_space<vmem>> -> memref<1x32x128xf32, #tpu.memory_space<vmem>>
      %dma_wait3A_1027 = tpu.memref_squeeze %dma_wait3A_1026 : memref<1x32x128xf32, #tpu.memory_space<vmem>> -> memref<32x128xf32, #tpu.memory_space<vmem>>
      %dma_wait3A_1028 = arith.constant 0 : i32
      %dma_wait3A_1029 = arith.constant 0 : i32
      %dma_wait3A_1030 = tpu.memref_slice %arg4[%dma_wait3A_1028, %dma_wait3A_1029] : memref<640x100000xf32, #tpu.memory_space<hbm>> -> memref<32x128xf32, #tpu.memory_space<hbm>>
      %dma_wait3A_1031 = arith.constant 0 : i32
      %dma_wait3A_1032 = arith.constant 0 : i32
      %dma_wait3A_1033 = tpu.memref_slice %arg9[%dma_wait3A_1023, %dma_wait3A_1031, %dma_wait3A_1032] : memref<8x32x128xf32, #tpu.memory_space<vmem>> -> memref<1x32x128xf32, #tpu.memory_space<vmem>>
      %dma_wait3A_1034 = tpu.memref_squeeze %dma_wait3A_1033 : memref<1x32x128xf32, #tpu.memory_space<vmem>> -> memref<32x128xf32, #tpu.memory_space<vmem>>
      %dma_wait3A_1035 = arith.constant 0 : i32
      %dma_wait3A_1036 = arith.constant 0 : i32
      %dma_wait3A_1037 = tpu.memref_slice %arg4[%dma_wait3A_1035, %dma_wait3A_1036] : memref<640x100000xf32, #tpu.memory_space<hbm>> -> memref<32x128xf32, #tpu.memory_space<hbm>>
      tpu.wait_dma2 semaphore(%arg12 : memref<!tpu.dma_semaphore, #tpu.memory_space<semaphore_mem>>) src(%dma_wait3A_1037 : memref<32x128xf32, #tpu.memory_space<hbm>>) dst(%dma_wait3A_1034 : memref<32x128xf32, #tpu.memory_space<vmem>>)
      %dma_wait3A_1038 = arith.constant 5 : i32
      %dma_wait3A_1039 = arith.constant 0 : i32
      %dma_wait3A_1040 = arith.constant 0 : i32
      %dma_wait3A_1041 = tpu.memref_slice %arg9[%dma_wait3A_1038, %dma_wait3A_1039, %dma_wait3A_1040] : memref<8x32x128xf32, #tpu.memory_space<vmem>> -> memref<1x32x128xf32, #tpu.memory_space<vmem>>
      %dma_wait3A_1042 = tpu.memref_squeeze %dma_wait3A_1041 : memref<1x32x128xf32, #tpu.memory_space<vmem>> -> memref<32x128xf32, #tpu.memory_space<vmem>>
      %dma_wait3A_1043 = arith.constant 0 : i32
      %dma_wait3A_1044 = arith.constant 0 : i32
      %dma_wait3A_1045 = tpu.memref_slice %arg4[%dma_wait3A_1043, %dma_wait3A_1044] : memref<640x100000xf32, #tpu.memory_space<hbm>> -> memref<32x128xf32, #tpu.memory_space<hbm>>
      %dma_wait3A_1046 = arith.constant 0 : i32
      %dma_wait3A_1047 = arith.constant 0 : i32
      %dma_wait3A_1048 = tpu.memref_slice %arg9[%dma_wait3A_1038, %dma_wait3A_1046, %dma_wait3A_1047] : memref<8x32x128xf32, #tpu.memory_space<vmem>> -> memref<1x32x128xf32, #tpu.memory_space<vmem>>
      %dma_wait3A_1049 = tpu.memref_squeeze %dma_wait3A_1048 : memref<1x32x128xf32, #tpu.memory_space<vmem>> -> memref<32x128xf32, #tpu.memory_space<vmem>>
      %dma_wait3A_1050 = arith.constant 0 : i32
      %dma_wait3A_1051 = arith.constant 0 : i32
      %dma_wait3A_1052 = tpu.memref_slice %arg4[%dma_wait3A_1050, %dma_wait3A_1051] : memref<640x100000xf32, #tpu.memory_space<hbm>> -> memref<32x128xf32, #tpu.memory_space<hbm>>
      tpu.wait_dma2 semaphore(%arg12 : memref<!tpu.dma_semaphore, #tpu.memory_space<semaphore_mem>>) src(%dma_wait3A_1052 : memref<32x128xf32, #tpu.memory_space<hbm>>) dst(%dma_wait3A_1049 : memref<32x128xf32, #tpu.memory_space<vmem>>)
      %dma_wait3A_1053 = arith.constant 6 : i32
      %dma_wait3A_1054 = arith.constant 0 : i32
      %dma_wait3A_1055 = arith.constant 0 : i32
      %dma_wait3A_1056 = tpu.memref_slice %arg9[%dma_wait3A_1053, %dma_wait3A_1054, %dma_wait3A_1055] : memref<8x32x128xf32, #tpu.memory_space<vmem>> -> memref<1x32x128xf32, #tpu.memory_space<vmem>>
      %dma_wait3A_1057 = tpu.memref_squeeze %dma_wait3A_1056 : memref<1x32x128xf32, #tpu.memory_space<vmem>> -> memref<32x128xf32, #tpu.memory_space<vmem>>
      %dma_wait3A_1058 = arith.constant 0 : i32
      %dma_wait3A_1059 = arith.constant 0 : i32
      %dma_wait3A_1060 = tpu.memref_slice %arg4[%dma_wait3A_1058, %dma_wait3A_1059] : memref<640x100000xf32, #tpu.memory_space<hbm>> -> memref<32x128xf32, #tpu.memory_space<hbm>>
      %dma_wait3A_1061 = arith.constant 0 : i32
      %dma_wait3A_1062 = arith.constant 0 : i32
      %dma_wait3A_1063 = tpu.memref_slice %arg9[%dma_wait3A_1053, %dma_wait3A_1061, %dma_wait3A_1062] : memref<8x32x128xf32, #tpu.memory_space<vmem>> -> memref<1x32x128xf32, #tpu.memory_space<vmem>>
      %dma_wait3A_1064 = tpu.memref_squeeze %dma_wait3A_1063 : memref<1x32x128xf32, #tpu.memory_space<vmem>> -> memref<32x128xf32, #tpu.memory_space<vmem>>
      %dma_wait3A_1065 = arith.constant 0 : i32
      %dma_wait3A_1066 = arith.constant 0 : i32
      %dma_wait3A_1067 = tpu.memref_slice %arg4[%dma_wait3A_1065, %dma_wait3A_1066] : memref<640x100000xf32, #tpu.memory_space<hbm>> -> memref<32x128xf32, #tpu.memory_space<hbm>>
      tpu.wait_dma2 semaphore(%arg12 : memref<!tpu.dma_semaphore, #tpu.memory_space<semaphore_mem>>) src(%dma_wait3A_1067 : memref<32x128xf32, #tpu.memory_space<hbm>>) dst(%dma_wait3A_1064 : memref<32x128xf32, #tpu.memory_space<vmem>>)
      %dma_wait3A_1068 = arith.constant 7 : i32
      %dma_wait3A_1069 = arith.constant 0 : i32
      %dma_wait3A_1070 = arith.constant 0 : i32
      %dma_wait3A_1071 = tpu.memref_slice %arg9[%dma_wait3A_1068, %dma_wait3A_1069, %dma_wait3A_1070] : memref<8x32x128xf32, #tpu.memory_space<vmem>> -> memref<1x32x128xf32, #tpu.memory_space<vmem>>
      %dma_wait3A_1072 = tpu.memref_squeeze %dma_wait3A_1071 : memref<1x32x128xf32, #tpu.memory_space<vmem>> -> memref<32x128xf32, #tpu.memory_space<vmem>>
      %dma_wait3A_1073 = arith.constant 0 : i32
      %dma_wait3A_1074 = arith.constant 0 : i32
      %dma_wait3A_1075 = tpu.memref_slice %arg4[%dma_wait3A_1073, %dma_wait3A_1074] : memref<640x100000xf32, #tpu.memory_space<hbm>> -> memref<32x128xf32, #tpu.memory_space<hbm>>
      %dma_wait3A_1076 = arith.constant 0 : i32
      %dma_wait3A_1077 = arith.constant 0 : i32
      %dma_wait3A_1078 = tpu.memref_slice %arg9[%dma_wait3A_1068, %dma_wait3A_1076, %dma_wait3A_1077] : memref<8x32x128xf32, #tpu.memory_space<vmem>> -> memref<1x32x128xf32, #tpu.memory_space<vmem>>
      %dma_wait3A_1079 = tpu.memref_squeeze %dma_wait3A_1078 : memref<1x32x128xf32, #tpu.memory_space<vmem>> -> memref<32x128xf32, #tpu.memory_space<vmem>>
      %dma_wait3A_1080 = arith.constant 0 : i32
      %dma_wait3A_1081 = arith.constant 0 : i32
      %dma_wait3A_1082 = tpu.memref_slice %arg4[%dma_wait3A_1080, %dma_wait3A_1081] : memref<640x100000xf32, #tpu.memory_space<hbm>> -> memref<32x128xf32, #tpu.memory_space<hbm>>
      tpu.wait_dma2 semaphore(%arg12 : memref<!tpu.dma_semaphore, #tpu.memory_space<semaphore_mem>>) src(%dma_wait3A_1082 : memref<32x128xf32, #tpu.memory_space<hbm>>) dst(%dma_wait3A_1079 : memref<32x128xf32, #tpu.memory_space<vmem>>)
      %add3A_1083 = arith.constant 8 : i32
      %add3A_1084 = arith.addi %mul3A_295, %add3A_1083 : i32
      %get3A_1085 = arith.index_cast %add3A_1084 : i32 to index
      %get3A_1086 = tpu.vector_load %arg6[%get3A_1085] {strides = array<i32>} : memref<80xi32, #tpu.memory_space<vmem>>, vector<16xi32>,
      %and3A_1087 = arith.constant 127 : i32
      %and3A_1088 = vector.broadcast %and3A_1087 : i32 to vector<16xi32>
      %and3A_1089 = arith.andi %get3A_1086, %and3A_1088 : vector<16xi32>
      %slice3A_1090 = vector.extract_strided_slice %and3A_1089 {offsets = [0], sizes = [1], strides = [1]} : vector<16xi32> to vector<1xi32>
      %squeeze3A_1091 = vector.extract %slice3A_1090[0] : i32 from vector<1xi32>
      %broadcast_in_dim3A_1092 = vector.broadcast %squeeze3A_1091 : i32 to vector<16xi32>
      %add3A_1093 = arith.constant 0 : i32
      %add3A_1094 = vector.broadcast %add3A_1093 : i32 to vector<16xi32>
      %add3A_1095 = arith.addi %iota3A, %add3A_1094 : vector<16xi32>
      %gather3A_1096 = arith.constant 0 : i32
      %gather3A_1097 = arith.constant 0 : i32
      %gather3A_1098 = arith.constant 0 : i32
      %gather3A_1099 = tpu.memref_slice %arg9[%gather3A_1096, %gather3A_1097, %gather3A_1098] : memref<8x32x128xf32, #tpu.memory_space<vmem>> -> memref<1x32x128xf32, #tpu.memory_space<vmem>>
      %gather3A_1100 = tpu.memref_squeeze %gather3A_1099 : memref<1x32x128xf32, #tpu.memory_space<vmem>> -> memref<32x128xf32, #tpu.memory_space<vmem>>
      %gather3A_1101 = tpu.vector_load_idx %gather3A_1100[%add3A_1095, %broadcast_in_dim3A_1092] : memref<32x128xf32, #tpu.memory_space<vmem>>[vector<16xi32>, vector<16xi32>], vector<16xf32>,
      %add3A_1102 = arith.constant 0 : i32
      %add3A_1103 = arith.addi %add3A_1084, %add3A_1102 : i32
      %swap3A_1104 = arith.index_cast %add3A_1103 : i32 to index
      %swap3A_1105 = arith.constant 0 : index
      %swap3A_1106 = tpu.vector_load %arg10[%swap3A_1104, %swap3A_1105] {strides = array<i32>} : memref<64x32xf32, #tpu.memory_space<vmem>>, vector<16xf32>,
      tpu.vector_store %arg10[%swap3A_1104, %swap3A_1105], %gather3A_1101 {strides = array<i32>} : memref<64x32xf32, #tpu.memory_space<vmem>>, vector<16xf32>,
      %add3A_1107 = arith.constant 16 : i32
      %add3A_1108 = vector.broadcast %add3A_1107 : i32 to vector<16xi32>
      %add3A_1109 = arith.addi %iota3A, %add3A_1108 : vector<16xi32>
      %gather3A_1110 = arith.constant 0 : i32
      %gather3A_1111 = arith.constant 0 : i32
      %gather3A_1112 = arith.constant 0 : i32
      %gather3A_1113 = tpu.memref_slice %arg9[%gather3A_1110, %gather3A_1111, %gather3A_1112] : memref<8x32x128xf32, #tpu.memory_space<vmem>> -> memref<1x32x128xf32, #tpu.memory_space<vmem>>
      %gather3A_1114 = tpu.memref_squeeze %gather3A_1113 : memref<1x32x128xf32, #tpu.memory_space<vmem>> -> memref<32x128xf32, #tpu.memory_space<vmem>>
      %gather3A_1115 = tpu.vector_load_idx %gather3A_1114[%add3A_1109, %broadcast_in_dim3A_1092] : memref<32x128xf32, #tpu.memory_space<vmem>>[vector<16xi32>, vector<16xi32>], vector<16xf32>,
      %add3A_1116 = arith.constant 0 : i32
      %add3A_1117 = arith.addi %add3A_1084, %add3A_1116 : i32
      %swap3A_1118 = arith.index_cast %add3A_1117 : i32 to index
      %swap3A_1119 = arith.constant 16 : index
      %swap3A_1120 = tpu.vector_load %arg10[%swap3A_1118, %swap3A_1119] {strides = array<i32>} : memref<64x32xf32, #tpu.memory_space<vmem>>, vector<16xf32>,
      tpu.vector_store %arg10[%swap3A_1118, %swap3A_1119], %gather3A_1115 {strides = array<i32>} : memref<64x32xf32, #tpu.memory_space<vmem>>, vector<16xf32>,
      %slice3A_1121 = vector.extract_strided_slice %and3A_1089 {offsets = [1], sizes = [1], strides = [1]} : vector<16xi32> to vector<1xi32>
      %squeeze3A_1122 = vector.extract %slice3A_1121[0] : i32 from vector<1xi32>
      %broadcast_in_dim3A_1123 = vector.broadcast %squeeze3A_1122 : i32 to vector<16xi32>
      %add3A_1124 = arith.constant 0 : i32
      %add3A_1125 = vector.broadcast %add3A_1124 : i32 to vector<16xi32>
      %add3A_1126 = arith.addi %iota3A, %add3A_1125 : vector<16xi32>
      %gather3A_1127 = arith.constant 1 : i32
      %gather3A_1128 = arith.constant 0 : i32
      %gather3A_1129 = arith.constant 0 : i32
      %gather3A_1130 = tpu.memref_slice %arg9[%gather3A_1127, %gather3A_1128, %gather3A_1129] : memref<8x32x128xf32, #tpu.memory_space<vmem>> -> memref<1x32x128xf32, #tpu.memory_space<vmem>>
      %gather3A_1131 = tpu.memref_squeeze %gather3A_1130 : memref<1x32x128xf32, #tpu.memory_space<vmem>> -> memref<32x128xf32, #tpu.memory_space<vmem>>
      %gather3A_1132 = tpu.vector_load_idx %gather3A_1131[%add3A_1126, %broadcast_in_dim3A_1123] : memref<32x128xf32, #tpu.memory_space<vmem>>[vector<16xi32>, vector<16xi32>], vector<16xf32>,
      %add3A_1133 = arith.constant 1 : i32
      %add3A_1134 = arith.addi %add3A_1084, %add3A_1133 : i32
      %swap3A_1135 = arith.index_cast %add3A_1134 : i32 to index
      %swap3A_1136 = arith.constant 0 : index
      %swap3A_1137 = tpu.vector_load %arg10[%swap3A_1135, %swap3A_1136] {strides = array<i32>} : memref<64x32xf32, #tpu.memory_space<vmem>>, vector<16xf32>,
      tpu.vector_store %arg10[%swap3A_1135, %swap3A_1136], %gather3A_1132 {strides = array<i32>} : memref<64x32xf32, #tpu.memory_space<vmem>>, vector<16xf32>,
      %add3A_1138 = arith.constant 16 : i32
      %add3A_1139 = vector.broadcast %add3A_1138 : i32 to vector<16xi32>
      %add3A_1140 = arith.addi %iota3A, %add3A_1139 : vector<16xi32>
      %gather3A_1141 = arith.constant 1 : i32
      %gather3A_1142 = arith.constant 0 : i32
      %gather3A_1143 = arith.constant 0 : i32
      %gather3A_1144 = tpu.memref_slice %arg9[%gather3A_1141, %gather3A_1142, %gather3A_1143] : memref<8x32x128xf32, #tpu.memory_space<vmem>> -> memref<1x32x128xf32, #tpu.memory_space<vmem>>
      %gather3A_1145 = tpu.memref_squeeze %gather3A_1144 : memref<1x32x128xf32, #tpu.memory_space<vmem>> -> memref<32x128xf32, #tpu.memory_space<vmem>>
      %gather3A_1146 = tpu.vector_load_idx %gather3A_1145[%add3A_1140, %broadcast_in_dim3A_1123] : memref<32x128xf32, #tpu.memory_space<vmem>>[vector<16xi32>, vector<16xi32>], vector<16xf32>,
      %add3A_1147 = arith.constant 1 : i32
      %add3A_1148 = arith.addi %add3A_1084, %add3A_1147 : i32
      %swap3A_1149 = arith.index_cast %add3A_1148 : i32 to index
      %swap3A_1150 = arith.constant 16 : index
      %swap3A_1151 = tpu.vector_load %arg10[%swap3A_1149, %swap3A_1150] {strides = array<i32>} : memref<64x32xf32, #tpu.memory_space<vmem>>, vector<16xf32>,
      tpu.vector_store %arg10[%swap3A_1149, %swap3A_1150], %gather3A_1146 {strides = array<i32>} : memref<64x32xf32, #tpu.memory_space<vmem>>, vector<16xf32>,
      %slice3A_1152 = vector.extract_strided_slice %and3A_1089 {offsets = [2], sizes = [1], strides = [1]} : vector<16xi32> to vector<1xi32>
      %squeeze3A_1153 = vector.extract %slice3A_1152[0] : i32 from vector<1xi32>
      %broadcast_in_dim3A_1154 = vector.broadcast %squeeze3A_1153 : i32 to vector<16xi32>
      %add3A_1155 = arith.constant 0 : i32
      %add3A_1156 = vector.broadcast %add3A_1155 : i32 to vector<16xi32>
      %add3A_1157 = arith.addi %iota3A, %add3A_1156 : vector<16xi32>
      %gather3A_1158 = arith.constant 2 : i32
      %gather3A_1159 = arith.constant 0 : i32
      %gather3A_1160 = arith.constant 0 : i32
      %gather3A_1161 = tpu.memref_slice %arg9[%gather3A_1158, %gather3A_1159, %gather3A_1160] : memref<8x32x128xf32, #tpu.memory_space<vmem>> -> memref<1x32x128xf32, #tpu.memory_space<vmem>>
      %gather3A_1162 = tpu.memref_squeeze %gather3A_1161 : memref<1x32x128xf32, #tpu.memory_space<vmem>> -> memref<32x128xf32, #tpu.memory_space<vmem>>
      %gather3A_1163 = tpu.vector_load_idx %gather3A_1162[%add3A_1157, %broadcast_in_dim3A_1154] : memref<32x128xf32, #tpu.memory_space<vmem>>[vector<16xi32>, vector<16xi32>], vector<16xf32>,
      %add3A_1164 = arith.constant 2 : i32
      %add3A_1165 = arith.addi %add3A_1084, %add3A_1164 : i32
      %swap3A_1166 = arith.index_cast %add3A_1165 : i32 to index
      %swap3A_1167 = arith.constant 0 : index
      %swap3A_1168 = tpu.vector_load %arg10[%swap3A_1166, %swap3A_1167] {strides = array<i32>} : memref<64x32xf32, #tpu.memory_space<vmem>>, vector<16xf32>,
      tpu.vector_store %arg10[%swap3A_1166, %swap3A_1167], %gather3A_1163 {strides = array<i32>} : memref<64x32xf32, #tpu.memory_space<vmem>>, vector<16xf32>,
      %add3A_1169 = arith.constant 16 : i32
      %add3A_1170 = vector.broadcast %add3A_1169 : i32 to vector<16xi32>
      %add3A_1171 = arith.addi %iota3A, %add3A_1170 : vector<16xi32>
      %gather3A_1172 = arith.constant 2 : i32
      %gather3A_1173 = arith.constant 0 : i32
      %gather3A_1174 = arith.constant 0 : i32
      %gather3A_1175 = tpu.memref_slice %arg9[%gather3A_1172, %gather3A_1173, %gather3A_1174] : memref<8x32x128xf32, #tpu.memory_space<vmem>> -> memref<1x32x128xf32, #tpu.memory_space<vmem>>
      %gather3A_1176 = tpu.memref_squeeze %gather3A_1175 : memref<1x32x128xf32, #tpu.memory_space<vmem>> -> memref<32x128xf32, #tpu.memory_space<vmem>>
      %gather3A_1177 = tpu.vector_load_idx %gather3A_1176[%add3A_1171, %broadcast_in_dim3A_1154] : memref<32x128xf32, #tpu.memory_space<vmem>>[vector<16xi32>, vector<16xi32>], vector<16xf32>,
      %add3A_1178 = arith.constant 2 : i32
      %add3A_1179 = arith.addi %add3A_1084, %add3A_1178 : i32
      %swap3A_1180 = arith.index_cast %add3A_1179 : i32 to index
      %swap3A_1181 = arith.constant 16 : index
      %swap3A_1182 = tpu.vector_load %arg10[%swap3A_1180, %swap3A_1181] {strides = array<i32>} : memref<64x32xf32, #tpu.memory_space<vmem>>, vector<16xf32>,
      tpu.vector_store %arg10[%swap3A_1180, %swap3A_1181], %gather3A_1177 {strides = array<i32>} : memref<64x32xf32, #tpu.memory_space<vmem>>, vector<16xf32>,
      %slice3A_1183 = vector.extract_strided_slice %and3A_1089 {offsets = [3], sizes = [1], strides = [1]} : vector<16xi32> to vector<1xi32>
      %squeeze3A_1184 = vector.extract %slice3A_1183[0] : i32 from vector<1xi32>
      %broadcast_in_dim3A_1185 = vector.broadcast %squeeze3A_1184 : i32 to vector<16xi32>
      %add3A_1186 = arith.constant 0 : i32
      %add3A_1187 = vector.broadcast %add3A_1186 : i32 to vector<16xi32>
      %add3A_1188 = arith.addi %iota3A, %add3A_1187 : vector<16xi32>
      %gather3A_1189 = arith.constant 3 : i32
      %gather3A_1190 = arith.constant 0 : i32
      %gather3A_1191 = arith.constant 0 : i32
      %gather3A_1192 = tpu.memref_slice %arg9[%gather3A_1189, %gather3A_1190, %gather3A_1191] : memref<8x32x128xf32, #tpu.memory_space<vmem>> -> memref<1x32x128xf32, #tpu.memory_space<vmem>>
      %gather3A_1193 = tpu.memref_squeeze %gather3A_1192 : memref<1x32x128xf32, #tpu.memory_space<vmem>> -> memref<32x128xf32, #tpu.memory_space<vmem>>
      %gather3A_1194 = tpu.vector_load_idx %gather3A_1193[%add3A_1188, %broadcast_in_dim3A_1185] : memref<32x128xf32, #tpu.memory_space<vmem>>[vector<16xi32>, vector<16xi32>], vector<16xf32>,
      %add3A_1195 = arith.constant 3 : i32
      %add3A_1196 = arith.addi %add3A_1084, %add3A_1195 : i32
      %swap3A_1197 = arith.index_cast %add3A_1196 : i32 to index
      %swap3A_1198 = arith.constant 0 : index
      %swap3A_1199 = tpu.vector_load %arg10[%swap3A_1197, %swap3A_1198] {strides = array<i32>} : memref<64x32xf32, #tpu.memory_space<vmem>>, vector<16xf32>,
      tpu.vector_store %arg10[%swap3A_1197, %swap3A_1198], %gather3A_1194 {strides = array<i32>} : memref<64x32xf32, #tpu.memory_space<vmem>>, vector<16xf32>,
      %add3A_1200 = arith.constant 16 : i32
      %add3A_1201 = vector.broadcast %add3A_1200 : i32 to vector<16xi32>
      %add3A_1202 = arith.addi %iota3A, %add3A_1201 : vector<16xi32>
      %gather3A_1203 = arith.constant 3 : i32
      %gather3A_1204 = arith.constant 0 : i32
      %gather3A_1205 = arith.constant 0 : i32
      %gather3A_1206 = tpu.memref_slice %arg9[%gather3A_1203, %gather3A_1204, %gather3A_1205] : memref<8x32x128xf32, #tpu.memory_space<vmem>> -> memref<1x32x128xf32, #tpu.memory_space<vmem>>
      %gather3A_1207 = tpu.memref_squeeze %gather3A_1206 : memref<1x32x128xf32, #tpu.memory_space<vmem>> -> memref<32x128xf32, #tpu.memory_space<vmem>>
      %gather3A_1208 = tpu.vector_load_idx %gather3A_1207[%add3A_1202, %broadcast_in_dim3A_1185] : memref<32x128xf32, #tpu.memory_space<vmem>>[vector<16xi32>, vector<16xi32>], vector<16xf32>,
      %add3A_1209 = arith.constant 3 : i32
      %add3A_1210 = arith.addi %add3A_1084, %add3A_1209 : i32
      %swap3A_1211 = arith.index_cast %add3A_1210 : i32 to index
      %swap3A_1212 = arith.constant 16 : index
      %swap3A_1213 = tpu.vector_load %arg10[%swap3A_1211, %swap3A_1212] {strides = array<i32>} : memref<64x32xf32, #tpu.memory_space<vmem>>, vector<16xf32>,
      tpu.vector_store %arg10[%swap3A_1211, %swap3A_1212], %gather3A_1208 {strides = array<i32>} : memref<64x32xf32, #tpu.memory_space<vmem>>, vector<16xf32>,
      %slice3A_1214 = vector.extract_strided_slice %and3A_1089 {offsets = [4], sizes = [1], strides = [1]} : vector<16xi32> to vector<1xi32>
      %squeeze3A_1215 = vector.extract %slice3A_1214[0] : i32 from vector<1xi32>
      %broadcast_in_dim3A_1216 = vector.broadcast %squeeze3A_1215 : i32 to vector<16xi32>
      %add3A_1217 = arith.constant 0 : i32
      %add3A_1218 = vector.broadcast %add3A_1217 : i32 to vector<16xi32>
      %add3A_1219 = arith.addi %iota3A, %add3A_1218 : vector<16xi32>
      %gather3A_1220 = arith.constant 4 : i32
      %gather3A_1221 = arith.constant 0 : i32
      %gather3A_1222 = arith.constant 0 : i32
      %gather3A_1223 = tpu.memref_slice %arg9[%gather3A_1220, %gather3A_1221, %gather3A_1222] : memref<8x32x128xf32, #tpu.memory_space<vmem>> -> memref<1x32x128xf32, #tpu.memory_space<vmem>>
      %gather3A_1224 = tpu.memref_squeeze %gather3A_1223 : memref<1x32x128xf32, #tpu.memory_space<vmem>> -> memref<32x128xf32, #tpu.memory_space<vmem>>
      %gather3A_1225 = tpu.vector_load_idx %gather3A_1224[%add3A_1219, %broadcast_in_dim3A_1216] : memref<32x128xf32, #tpu.memory_space<vmem>>[vector<16xi32>, vector<16xi32>], vector<16xf32>,
      %add3A_1226 = arith.constant 4 : i32
      %add3A_1227 = arith.addi %add3A_1084, %add3A_1226 : i32
      %swap3A_1228 = arith.index_cast %add3A_1227 : i32 to index
      %swap3A_1229 = arith.constant 0 : index
      %swap3A_1230 = tpu.vector_load %arg10[%swap3A_1228, %swap3A_1229] {strides = array<i32>} : memref<64x32xf32, #tpu.memory_space<vmem>>, vector<16xf32>,
      tpu.vector_store %arg10[%swap3A_1228, %swap3A_1229], %gather3A_1225 {strides = array<i32>} : memref<64x32xf32, #tpu.memory_space<vmem>>, vector<16xf32>,
      %add3A_1231 = arith.constant 16 : i32
      %add3A_1232 = vector.broadcast %add3A_1231 : i32 to vector<16xi32>
      %add3A_1233 = arith.addi %iota3A, %add3A_1232 : vector<16xi32>
      %gather3A_1234 = arith.constant 4 : i32
      %gather3A_1235 = arith.constant 0 : i32
      %gather3A_1236 = arith.constant 0 : i32
      %gather3A_1237 = tpu.memref_slice %arg9[%gather3A_1234, %gather3A_1235, %gather3A_1236] : memref<8x32x128xf32, #tpu.memory_space<vmem>> -> memref<1x32x128xf32, #tpu.memory_space<vmem>>
      %gather3A_1238 = tpu.memref_squeeze %gather3A_1237 : memref<1x32x128xf32, #tpu.memory_space<vmem>> -> memref<32x128xf32, #tpu.memory_space<vmem>>
      %gather3A_1239 = tpu.vector_load_idx %gather3A_1238[%add3A_1233, %broadcast_in_dim3A_1216] : memref<32x128xf32, #tpu.memory_space<vmem>>[vector<16xi32>, vector<16xi32>], vector<16xf32>,
      %add3A_1240 = arith.constant 4 : i32
      %add3A_1241 = arith.addi %add3A_1084, %add3A_1240 : i32
      %swap3A_1242 = arith.index_cast %add3A_1241 : i32 to index
      %swap3A_1243 = arith.constant 16 : index
      %swap3A_1244 = tpu.vector_load %arg10[%swap3A_1242, %swap3A_1243] {strides = array<i32>} : memref<64x32xf32, #tpu.memory_space<vmem>>, vector<16xf32>,
      tpu.vector_store %arg10[%swap3A_1242, %swap3A_1243], %gather3A_1239 {strides = array<i32>} : memref<64x32xf32, #tpu.memory_space<vmem>>, vector<16xf32>,
      %slice3A_1245 = vector.extract_strided_slice %and3A_1089 {offsets = [5], sizes = [1], strides = [1]} : vector<16xi32> to vector<1xi32>
      %squeeze3A_1246 = vector.extract %slice3A_1245[0] : i32 from vector<1xi32>
      %broadcast_in_dim3A_1247 = vector.broadcast %squeeze3A_1246 : i32 to vector<16xi32>
      %add3A_1248 = arith.constant 0 : i32
      %add3A_1249 = vector.broadcast %add3A_1248 : i32 to vector<16xi32>
      %add3A_1250 = arith.addi %iota3A, %add3A_1249 : vector<16xi32>
      %gather3A_1251 = arith.constant 5 : i32
      %gather3A_1252 = arith.constant 0 : i32
      %gather3A_1253 = arith.constant 0 : i32
      %gather3A_1254 = tpu.memref_slice %arg9[%gather3A_1251, %gather3A_1252, %gather3A_1253] : memref<8x32x128xf32, #tpu.memory_space<vmem>> -> memref<1x32x128xf32, #tpu.memory_space<vmem>>
      %gather3A_1255 = tpu.memref_squeeze %gather3A_1254 : memref<1x32x128xf32, #tpu.memory_space<vmem>> -> memref<32x128xf32, #tpu.memory_space<vmem>>
      %gather3A_1256 = tpu.vector_load_idx %gather3A_1255[%add3A_1250, %broadcast_in_dim3A_1247] : memref<32x128xf32, #tpu.memory_space<vmem>>[vector<16xi32>, vector<16xi32>], vector<16xf32>,
      %add3A_1257 = arith.constant 5 : i32
      %add3A_1258 = arith.addi %add3A_1084, %add3A_1257 : i32
      %swap3A_1259 = arith.index_cast %add3A_1258 : i32 to index
      %swap3A_1260 = arith.constant 0 : index
      %swap3A_1261 = tpu.vector_load %arg10[%swap3A_1259, %swap3A_1260] {strides = array<i32>} : memref<64x32xf32, #tpu.memory_space<vmem>>, vector<16xf32>,
      tpu.vector_store %arg10[%swap3A_1259, %swap3A_1260], %gather3A_1256 {strides = array<i32>} : memref<64x32xf32, #tpu.memory_space<vmem>>, vector<16xf32>,
      %add3A_1262 = arith.constant 16 : i32
      %add3A_1263 = vector.broadcast %add3A_1262 : i32 to vector<16xi32>
      %add3A_1264 = arith.addi %iota3A, %add3A_1263 : vector<16xi32>
      %gather3A_1265 = arith.constant 5 : i32
      %gather3A_1266 = arith.constant 0 : i32
      %gather3A_1267 = arith.constant 0 : i32
      %gather3A_1268 = tpu.memref_slice %arg9[%gather3A_1265, %gather3A_1266, %gather3A_1267] : memref<8x32x128xf32, #tpu.memory_space<vmem>> -> memref<1x32x128xf32, #tpu.memory_space<vmem>>
      %gather3A_1269 = tpu.memref_squeeze %gather3A_1268 : memref<1x32x128xf32, #tpu.memory_space<vmem>> -> memref<32x128xf32, #tpu.memory_space<vmem>>
      %gather3A_1270 = tpu.vector_load_idx %gather3A_1269[%add3A_1264, %broadcast_in_dim3A_1247] : memref<32x128xf32, #tpu.memory_space<vmem>>[vector<16xi32>, vector<16xi32>], vector<16xf32>,
      %add3A_1271 = arith.constant 5 : i32
      %add3A_1272 = arith.addi %add3A_1084, %add3A_1271 : i32
      %swap3A_1273 = arith.index_cast %add3A_1272 : i32 to index
      %swap3A_1274 = arith.constant 16 : index
      %swap3A_1275 = tpu.vector_load %arg10[%swap3A_1273, %swap3A_1274] {strides = array<i32>} : memref<64x32xf32, #tpu.memory_space<vmem>>, vector<16xf32>,
      tpu.vector_store %arg10[%swap3A_1273, %swap3A_1274], %gather3A_1270 {strides = array<i32>} : memref<64x32xf32, #tpu.memory_space<vmem>>, vector<16xf32>,
      %slice3A_1276 = vector.extract_strided_slice %and3A_1089 {offsets = [6], sizes = [1], strides = [1]} : vector<16xi32> to vector<1xi32>
      %squeeze3A_1277 = vector.extract %slice3A_1276[0] : i32 from vector<1xi32>
      %broadcast_in_dim3A_1278 = vector.broadcast %squeeze3A_1277 : i32 to vector<16xi32>
      %add3A_1279 = arith.constant 0 : i32
      %add3A_1280 = vector.broadcast %add3A_1279 : i32 to vector<16xi32>
      %add3A_1281 = arith.addi %iota3A, %add3A_1280 : vector<16xi32>
      %gather3A_1282 = arith.constant 6 : i32
      %gather3A_1283 = arith.constant 0 : i32
      %gather3A_1284 = arith.constant 0 : i32
      %gather3A_1285 = tpu.memref_slice %arg9[%gather3A_1282, %gather3A_1283, %gather3A_1284] : memref<8x32x128xf32, #tpu.memory_space<vmem>> -> memref<1x32x128xf32, #tpu.memory_space<vmem>>
      %gather3A_1286 = tpu.memref_squeeze %gather3A_1285 : memref<1x32x128xf32, #tpu.memory_space<vmem>> -> memref<32x128xf32, #tpu.memory_space<vmem>>
      %gather3A_1287 = tpu.vector_load_idx %gather3A_1286[%add3A_1281, %broadcast_in_dim3A_1278] : memref<32x128xf32, #tpu.memory_space<vmem>>[vector<16xi32>, vector<16xi32>], vector<16xf32>,
      %add3A_1288 = arith.constant 6 : i32
      %add3A_1289 = arith.addi %add3A_1084, %add3A_1288 : i32
      %swap3A_1290 = arith.index_cast %add3A_1289 : i32 to index
      %swap3A_1291 = arith.constant 0 : index
      %swap3A_1292 = tpu.vector_load %arg10[%swap3A_1290, %swap3A_1291] {strides = array<i32>} : memref<64x32xf32, #tpu.memory_space<vmem>>, vector<16xf32>,
      tpu.vector_store %arg10[%swap3A_1290, %swap3A_1291], %gather3A_1287 {strides = array<i32>} : memref<64x32xf32, #tpu.memory_space<vmem>>, vector<16xf32>,
      %add3A_1293 = arith.constant 16 : i32
      %add3A_1294 = vector.broadcast %add3A_1293 : i32 to vector<16xi32>
      %add3A_1295 = arith.addi %iota3A, %add3A_1294 : vector<16xi32>
      %gather3A_1296 = arith.constant 6 : i32
      %gather3A_1297 = arith.constant 0 : i32
      %gather3A_1298 = arith.constant 0 : i32
      %gather3A_1299 = tpu.memref_slice %arg9[%gather3A_1296, %gather3A_1297, %gather3A_1298] : memref<8x32x128xf32, #tpu.memory_space<vmem>> -> memref<1x32x128xf32, #tpu.memory_space<vmem>>
      %gather3A_1300 = tpu.memref_squeeze %gather3A_1299 : memref<1x32x128xf32, #tpu.memory_space<vmem>> -> memref<32x128xf32, #tpu.memory_space<vmem>>
      %gather3A_1301 = tpu.vector_load_idx %gather3A_1300[%add3A_1295, %broadcast_in_dim3A_1278] : memref<32x128xf32, #tpu.memory_space<vmem>>[vector<16xi32>, vector<16xi32>], vector<16xf32>,
      %add3A_1302 = arith.constant 6 : i32
      %add3A_1303 = arith.addi %add3A_1084, %add3A_1302 : i32
      %swap3A_1304 = arith.index_cast %add3A_1303 : i32 to index
      %swap3A_1305 = arith.constant 16 : index
      %swap3A_1306 = tpu.vector_load %arg10[%swap3A_1304, %swap3A_1305] {strides = array<i32>} : memref<64x32xf32, #tpu.memory_space<vmem>>, vector<16xf32>,
      tpu.vector_store %arg10[%swap3A_1304, %swap3A_1305], %gather3A_1301 {strides = array<i32>} : memref<64x32xf32, #tpu.memory_space<vmem>>, vector<16xf32>,
      %slice3A_1307 = vector.extract_strided_slice %and3A_1089 {offsets = [7], sizes = [1], strides = [1]} : vector<16xi32> to vector<1xi32>
      %squeeze3A_1308 = vector.extract %slice3A_1307[0] : i32 from vector<1xi32>
      %broadcast_in_dim3A_1309 = vector.broadcast %squeeze3A_1308 : i32 to vector<16xi32>
      %add3A_1310 = arith.constant 0 : i32
      %add3A_1311 = vector.broadcast %add3A_1310 : i32 to vector<16xi32>
      %add3A_1312 = arith.addi %iota3A, %add3A_1311 : vector<16xi32>
      %gather3A_1313 = arith.constant 7 : i32
      %gather3A_1314 = arith.constant 0 : i32
      %gather3A_1315 = arith.constant 0 : i32
      %gather3A_1316 = tpu.memref_slice %arg9[%gather3A_1313, %gather3A_1314, %gather3A_1315] : memref<8x32x128xf32, #tpu.memory_space<vmem>> -> memref<1x32x128xf32, #tpu.memory_space<vmem>>
      %gather3A_1317 = tpu.memref_squeeze %gather3A_1316 : memref<1x32x128xf32, #tpu.memory_space<vmem>> -> memref<32x128xf32, #tpu.memory_space<vmem>>
      %gather3A_1318 = tpu.vector_load_idx %gather3A_1317[%add3A_1312, %broadcast_in_dim3A_1309] : memref<32x128xf32, #tpu.memory_space<vmem>>[vector<16xi32>, vector<16xi32>], vector<16xf32>,
      %add3A_1319 = arith.constant 7 : i32
      %add3A_1320 = arith.addi %add3A_1084, %add3A_1319 : i32
      %swap3A_1321 = arith.index_cast %add3A_1320 : i32 to index
      %swap3A_1322 = arith.constant 0 : index
      %swap3A_1323 = tpu.vector_load %arg10[%swap3A_1321, %swap3A_1322] {strides = array<i32>} : memref<64x32xf32, #tpu.memory_space<vmem>>, vector<16xf32>,
      tpu.vector_store %arg10[%swap3A_1321, %swap3A_1322], %gather3A_1318 {strides = array<i32>} : memref<64x32xf32, #tpu.memory_space<vmem>>, vector<16xf32>,
      %add3A_1324 = arith.constant 16 : i32
      %add3A_1325 = vector.broadcast %add3A_1324 : i32 to vector<16xi32>
      %add3A_1326 = arith.addi %iota3A, %add3A_1325 : vector<16xi32>
      %gather3A_1327 = arith.constant 7 : i32
      %gather3A_1328 = arith.constant 0 : i32
      %gather3A_1329 = arith.constant 0 : i32
      %gather3A_1330 = tpu.memref_slice %arg9[%gather3A_1327, %gather3A_1328, %gather3A_1329] : memref<8x32x128xf32, #tpu.memory_space<vmem>> -> memref<1x32x128xf32, #tpu.memory_space<vmem>>
      %gather3A_1331 = tpu.memref_squeeze %gather3A_1330 : memref<1x32x128xf32, #tpu.memory_space<vmem>> -> memref<32x128xf32, #tpu.memory_space<vmem>>
      %gather3A_1332 = tpu.vector_load_idx %gather3A_1331[%add3A_1326, %broadcast_in_dim3A_1309] : memref<32x128xf32, #tpu.memory_space<vmem>>[vector<16xi32>, vector<16xi32>], vector<16xf32>,
      %add3A_1333 = arith.constant 7 : i32
      %add3A_1334 = arith.addi %add3A_1084, %add3A_1333 : i32
      %swap3A_1335 = arith.index_cast %add3A_1334 : i32 to index
      %swap3A_1336 = arith.constant 16 : index
      %swap3A_1337 = tpu.vector_load %arg10[%swap3A_1335, %swap3A_1336] {strides = array<i32>} : memref<64x32xf32, #tpu.memory_space<vmem>>, vector<16xf32>,
      tpu.vector_store %arg10[%swap3A_1335, %swap3A_1336], %gather3A_1332 {strides = array<i32>} : memref<64x32xf32, #tpu.memory_space<vmem>>, vector<16xf32>,
      %scan3A_1338 = arith.constant 0 : i32
      scf.yield %scan3A_1338 : i32
    }
    %scan3A_171 = arith.constant 4 : i32
    %dma_wait3A_172 = arith.constant 0 : i32
    %dma_wait3A_173 = arith.constant 0 : i32
    %dma_wait3A_174 = arith.constant 0 : i32
    %dma_wait3A_175 = tpu.memref_slice %arg8[%dma_wait3A_172, %dma_wait3A_173, %dma_wait3A_174] : memref<8x32x128xf32, #tpu.memory_space<vmem>> -> memref<1x32x128xf32, #tpu.memory_space<vmem>>
    %dma_wait3A_176 = tpu.memref_squeeze %dma_wait3A_175 : memref<1x32x128xf32, #tpu.memory_space<vmem>> -> memref<32x128xf32, #tpu.memory_space<vmem>>
    %dma_wait3A_177 = arith.constant 0 : i32
    %dma_wait3A_178 = arith.constant 0 : i32
    %dma_wait3A_179 = tpu.memref_slice %arg4[%dma_wait3A_177, %dma_wait3A_178] : memref<640x100000xf32, #tpu.memory_space<hbm>> -> memref<32x128xf32, #tpu.memory_space<hbm>>
    %dma_wait3A_180 = arith.constant 0 : i32
    %dma_wait3A_181 = arith.constant 0 : i32
    %dma_wait3A_182 = tpu.memref_slice %arg8[%dma_wait3A_172, %dma_wait3A_180, %dma_wait3A_181] : memref<8x32x128xf32, #tpu.memory_space<vmem>> -> memref<1x32x128xf32, #tpu.memory_space<vmem>>
    %dma_wait3A_183 = tpu.memref_squeeze %dma_wait3A_182 : memref<1x32x128xf32, #tpu.memory_space<vmem>> -> memref<32x128xf32, #tpu.memory_space<vmem>>
    %dma_wait3A_184 = arith.constant 0 : i32
    %dma_wait3A_185 = arith.constant 0 : i32
    %dma_wait3A_186 = tpu.memref_slice %arg4[%dma_wait3A_184, %dma_wait3A_185] : memref<640x100000xf32, #tpu.memory_space<hbm>> -> memref<32x128xf32, #tpu.memory_space<hbm>>
    tpu.wait_dma2 semaphore(%arg11 : memref<!tpu.dma_semaphore, #tpu.memory_space<semaphore_mem>>) src(%dma_wait3A_186 : memref<32x128xf32, #tpu.memory_space<hbm>>) dst(%dma_wait3A_183 : memref<32x128xf32, #tpu.memory_space<vmem>>)
    %dma_wait3A_187 = arith.constant 1 : i32
    %dma_wait3A_188 = arith.constant 0 : i32
    %dma_wait3A_189 = arith.constant 0 : i32
    %dma_wait3A_190 = tpu.memref_slice %arg8[%dma_wait3A_187, %dma_wait3A_188, %dma_wait3A_189] : memref<8x32x128xf32, #tpu.memory_space<vmem>> -> memref<1x32x128xf32, #tpu.memory_space<vmem>>
    %dma_wait3A_191 = tpu.memref_squeeze %dma_wait3A_190 : memref<1x32x128xf32, #tpu.memory_space<vmem>> -> memref<32x128xf32, #tpu.memory_space<vmem>>
    %dma_wait3A_192 = arith.constant 0 : i32
    %dma_wait3A_193 = arith.constant 0 : i32
    %dma_wait3A_194 = tpu.memref_slice %arg4[%dma_wait3A_192, %dma_wait3A_193] : memref<640x100000xf32, #tpu.memory_space<hbm>> -> memref<32x128xf32, #tpu.memory_space<hbm>>
    %dma_wait3A_195 = arith.constant 0 : i32
    %dma_wait3A_196 = arith.constant 0 : i32
    %dma_wait3A_197 = tpu.memref_slice %arg8[%dma_wait3A_187, %dma_wait3A_195, %dma_wait3A_196] : memref<8x32x128xf32, #tpu.memory_space<vmem>> -> memref<1x32x128xf32, #tpu.memory_space<vmem>>
    %dma_wait3A_198 = tpu.memref_squeeze %dma_wait3A_197 : memref<1x32x128xf32, #tpu.memory_space<vmem>> -> memref<32x128xf32, #tpu.memory_space<vmem>>
    %dma_wait3A_199 = arith.constant 0 : i32
    %dma_wait3A_200 = arith.constant 0 : i32
    %dma_wait3A_201 = tpu.memref_slice %arg4[%dma_wait3A_199, %dma_wait3A_200] : memref<640x100000xf32, #tpu.memory_space<hbm>> -> memref<32x128xf32, #tpu.memory_space<hbm>>
    tpu.wait_dma2 semaphore(%arg11 : memref<!tpu.dma_semaphore, #tpu.memory_space<semaphore_mem>>) src(%dma_wait3A_201 : memref<32x128xf32, #tpu.memory_space<hbm>>) dst(%dma_wait3A_198 : memref<32x128xf32, #tpu.memory_space<vmem>>)
    %dma_wait3A_202 = arith.constant 2 : i32
    %dma_wait3A_203 = arith.constant 0 : i32
    %dma_wait3A_204 = arith.constant 0 : i32
    %dma_wait3A_205 = tpu.memref_slice %arg8[%dma_wait3A_202, %dma_wait3A_203, %dma_wait3A_204] : memref<8x32x128xf32, #tpu.memory_space<vmem>> -> memref<1x32x128xf32, #tpu.memory_space<vmem>>
    %dma_wait3A_206 = tpu.memref_squeeze %dma_wait3A_205 : memref<1x32x128xf32, #tpu.memory_space<vmem>> -> memref<32x128xf32, #tpu.memory_space<vmem>>
    %dma_wait3A_207 = arith.constant 0 : i32
    %dma_wait3A_208 = arith.constant 0 : i32
    %dma_wait3A_209 = tpu.memref_slice %arg4[%dma_wait3A_207, %dma_wait3A_208] : memref<640x100000xf32, #tpu.memory_space<hbm>> -> memref<32x128xf32, #tpu.memory_space<hbm>>
    %dma_wait3A_210 = arith.constant 0 : i32
    %dma_wait3A_211 = arith.constant 0 : i32
    %dma_wait3A_212 = tpu.memref_slice %arg8[%dma_wait3A_202, %dma_wait3A_210, %dma_wait3A_211] : memref<8x32x128xf32, #tpu.memory_space<vmem>> -> memref<1x32x128xf32, #tpu.memory_space<vmem>>
    %dma_wait3A_213 = tpu.memref_squeeze %dma_wait3A_212 : memref<1x32x128xf32, #tpu.memory_space<vmem>> -> memref<32x128xf32, #tpu.memory_space<vmem>>
    %dma_wait3A_214 = arith.constant 0 : i32
    %dma_wait3A_215 = arith.constant 0 : i32
    %dma_wait3A_216 = tpu.memref_slice %arg4[%dma_wait3A_214, %dma_wait3A_215] : memref<640x100000xf32, #tpu.memory_space<hbm>> -> memref<32x128xf32, #tpu.memory_space<hbm>>
    tpu.wait_dma2 semaphore(%arg11 : memref<!tpu.dma_semaphore, #tpu.memory_space<semaphore_mem>>) src(%dma_wait3A_216 : memref<32x128xf32, #tpu.memory_space<hbm>>) dst(%dma_wait3A_213 : memref<32x128xf32, #tpu.memory_space<vmem>>)
    %dma_wait3A_217 = arith.constant 3 : i32
    %dma_wait3A_218 = arith.constant 0 : i32
    %dma_wait3A_219 = arith.constant 0 : i32
    %dma_wait3A_220 = tpu.memref_slice %arg8[%dma_wait3A_217, %dma_wait3A_218, %dma_wait3A_219] : memref<8x32x128xf32, #tpu.memory_space<vmem>> -> memref<1x32x128xf32, #tpu.memory_space<vmem>>
    %dma_wait3A_221 = tpu.memref_squeeze %dma_wait3A_220 : memref<1x32x128xf32, #tpu.memory_space<vmem>> -> memref<32x128xf32, #tpu.memory_space<vmem>>
    %dma_wait3A_222 = arith.constant 0 : i32
    %dma_wait3A_223 = arith.constant 0 : i32
    %dma_wait3A_224 = tpu.memref_slice %arg4[%dma_wait3A_222, %dma_wait3A_223] : memref<640x100000xf32, #tpu.memory_space<hbm>> -> memref<32x128xf32, #tpu.memory_space<hbm>>
    %dma_wait3A_225 = arith.constant 0 : i32
    %dma_wait3A_226 = arith.constant 0 : i32
    %dma_wait3A_227 = tpu.memref_slice %arg8[%dma_wait3A_217, %dma_wait3A_225, %dma_wait3A_226] : memref<8x32x128xf32, #tpu.memory_space<vmem>> -> memref<1x32x128xf32, #tpu.memory_space<vmem>>
    %dma_wait3A_228 = tpu.memref_squeeze %dma_wait3A_227 : memref<1x32x128xf32, #tpu.memory_space<vmem>> -> memref<32x128xf32, #tpu.memory_space<vmem>>
    %dma_wait3A_229 = arith.constant 0 : i32
    %dma_wait3A_230 = arith.constant 0 : i32
    %dma_wait3A_231 = tpu.memref_slice %arg4[%dma_wait3A_229, %dma_wait3A_230] : memref<640x100000xf32, #tpu.memory_space<hbm>> -> memref<32x128xf32, #tpu.memory_space<hbm>>
    tpu.wait_dma2 semaphore(%arg11 : memref<!tpu.dma_semaphore, #tpu.memory_space<semaphore_mem>>) src(%dma_wait3A_231 : memref<32x128xf32, #tpu.memory_space<hbm>>) dst(%dma_wait3A_228 : memref<32x128xf32, #tpu.memory_space<vmem>>)
    %dma_wait3A_232 = arith.constant 4 : i32
    %dma_wait3A_233 = arith.constant 0 : i32
    %dma_wait3A_234 = arith.constant 0 : i32
    %dma_wait3A_235 = tpu.memref_slice %arg8[%dma_wait3A_232, %dma_wait3A_233, %dma_wait3A_234] : memref<8x32x128xf32, #tpu.memory_space<vmem>> -> memref<1x32x128xf32, #tpu.memory_space<vmem>>
    %dma_wait3A_236 = tpu.memref_squeeze %dma_wait3A_235 : memref<1x32x128xf32, #tpu.memory_space<vmem>> -> memref<32x128xf32, #tpu.memory_space<vmem>>
    %dma_wait3A_237 = arith.constant 0 : i32
    %dma_wait3A_238 = arith.constant 0 : i32
    %dma_wait3A_239 = tpu.memref_slice %arg4[%dma_wait3A_237, %dma_wait3A_238] : memref<640x100000xf32, #tpu.memory_space<hbm>> -> memref<32x128xf32, #tpu.memory_space<hbm>>
    %dma_wait3A_240 = arith.constant 0 : i32
    %dma_wait3A_241 = arith.constant 0 : i32
    %dma_wait3A_242 = tpu.memref_slice %arg8[%dma_wait3A_232, %dma_wait3A_240, %dma_wait3A_241] : memref<8x32x128xf32, #tpu.memory_space<vmem>> -> memref<1x32x128xf32, #tpu.memory_space<vmem>>
    %dma_wait3A_243 = tpu.memref_squeeze %dma_wait3A_242 : memref<1x32x128xf32, #tpu.memory_space<vmem>> -> memref<32x128xf32, #tpu.memory_space<vmem>>
    %dma_wait3A_244 = arith.constant 0 : i32
    %dma_wait3A_245 = arith.constant 0 : i32
    %dma_wait3A_246 = tpu.memref_slice %arg4[%dma_wait3A_244, %dma_wait3A_245] : memref<640x100000xf32, #tpu.memory_space<hbm>> -> memref<32x128xf32, #tpu.memory_space<hbm>>
    tpu.wait_dma2 semaphore(%arg11 : memref<!tpu.dma_semaphore, #tpu.memory_space<semaphore_mem>>) src(%dma_wait3A_246 : memref<32x128xf32, #tpu.memory_space<hbm>>) dst(%dma_wait3A_243 : memref<32x128xf32, #tpu.memory_space<vmem>>)
    %dma_wait3A_247 = arith.constant 5 : i32
    %dma_wait3A_248 = arith.constant 0 : i32
    %dma_wait3A_249 = arith.constant 0 : i32
    %dma_wait3A_250 = tpu.memref_slice %arg8[%dma_wait3A_247, %dma_wait3A_248, %dma_wait3A_249] : memref<8x32x128xf32, #tpu.memory_space<vmem>> -> memref<1x32x128xf32, #tpu.memory_space<vmem>>
    %dma_wait3A_251 = tpu.memref_squeeze %dma_wait3A_250 : memref<1x32x128xf32, #tpu.memory_space<vmem>> -> memref<32x128xf32, #tpu.memory_space<vmem>>
    %dma_wait3A_252 = arith.constant 0 : i32
    %dma_wait3A_253 = arith.constant 0 : i32
    %dma_wait3A_254 = tpu.memref_slice %arg4[%dma_wait3A_252, %dma_wait3A_253] : memref<640x100000xf32, #tpu.memory_space<hbm>> -> memref<32x128xf32, #tpu.memory_space<hbm>>
    %dma_wait3A_255 = arith.constant 0 : i32
    %dma_wait3A_256 = arith.constant 0 : i32
    %dma_wait3A_257 = tpu.memref_slice %arg8[%dma_wait3A_247, %dma_wait3A_255, %dma_wait3A_256] : memref<8x32x128xf32, #tpu.memory_space<vmem>> -> memref<1x32x128xf32, #tpu.memory_space<vmem>>
    %dma_wait3A_258 = tpu.memref_squeeze %dma_wait3A_257 : memref<1x32x128xf32, #tpu.memory_space<vmem>> -> memref<32x128xf32, #tpu.memory_space<vmem>>
    %dma_wait3A_259 = arith.constant 0 : i32
    %dma_wait3A_260 = arith.constant 0 : i32
    %dma_wait3A_261 = tpu.memref_slice %arg4[%dma_wait3A_259, %dma_wait3A_260] : memref<640x100000xf32, #tpu.memory_space<hbm>> -> memref<32x128xf32, #tpu.memory_space<hbm>>
    tpu.wait_dma2 semaphore(%arg11 : memref<!tpu.dma_semaphore, #tpu.memory_space<semaphore_mem>>) src(%dma_wait3A_261 : memref<32x128xf32, #tpu.memory_space<hbm>>) dst(%dma_wait3A_258 : memref<32x128xf32, #tpu.memory_space<vmem>>)
    %dma_wait3A_262 = arith.constant 6 : i32
    %dma_wait3A_263 = arith.constant 0 : i32
    %dma_wait3A_264 = arith.constant 0 : i32
    %dma_wait3A_265 = tpu.memref_slice %arg8[%dma_wait3A_262, %dma_wait3A_263, %dma_wait3A_264] : memref<8x32x128xf32, #tpu.memory_space<vmem>> -> memref<1x32x128xf32, #tpu.memory_space<vmem>>
    %dma_wait3A_266 = tpu.memref_squeeze %dma_wait3A_265 : memref<1x32x128xf32, #tpu.memory_space<vmem>> -> memref<32x128xf32, #tpu.memory_space<vmem>>
    %dma_wait3A_267 = arith.constant 0 : i32
    %dma_wait3A_268 = arith.constant 0 : i32
    %dma_wait3A_269 = tpu.memref_slice %arg4[%dma_wait3A_267, %dma_wait3A_268] : memref<640x100000xf32, #tpu.memory_space<hbm>> -> memref<32x128xf32, #tpu.memory_space<hbm>>
    %dma_wait3A_270 = arith.constant 0 : i32
    %dma_wait3A_271 = arith.constant 0 : i32
    %dma_wait3A_272 = tpu.memref_slice %arg8[%dma_wait3A_262, %dma_wait3A_270, %dma_wait3A_271] : memref<8x32x128xf32, #tpu.memory_space<vmem>> -> memref<1x32x128xf32, #tpu.memory_space<vmem>>
    %dma_wait3A_273 = tpu.memref_squeeze %dma_wait3A_272 : memref<1x32x128xf32, #tpu.memory_space<vmem>> -> memref<32x128xf32, #tpu.memory_space<vmem>>
    %dma_wait3A_274 = arith.constant 0 : i32
    %dma_wait3A_275 = arith.constant 0 : i32
    %dma_wait3A_276 = tpu.memref_slice %arg4[%dma_wait3A_274, %dma_wait3A_275] : memref<640x100000xf32, #tpu.memory_space<hbm>> -> memref<32x128xf32, #tpu.memory_space<hbm>>
    tpu.wait_dma2 semaphore(%arg11 : memref<!tpu.dma_semaphore, #tpu.memory_space<semaphore_mem>>) src(%dma_wait3A_276 : memref<32x128xf32, #tpu.memory_space<hbm>>) dst(%dma_wait3A_273 : memref<32x128xf32, #tpu.memory_space<vmem>>)
    %dma_wait3A_277 = arith.constant 7 : i32
    %dma_wait3A_278 = arith.constant 0 : i32
    %dma_wait3A_279 = arith.constant 0 : i32
    %dma_wait3A_280 = tpu.memref_slice %arg8[%dma_wait3A_277, %dma_wait3A_278, %dma_wait3A_279] : memref<8x32x128xf32, #tpu.memory_space<vmem>> -> memref<1x32x128xf32, #tpu.memory_space<vmem>>
    %dma_wait3A_281 = tpu.memref_squeeze %dma_wait3A_280 : memref<1x32x128xf32, #tpu.memory_space<vmem>> -> memref<32x128xf32, #tpu.memory_space<vmem>>
    %dma_wait3A_282 = arith.constant 0 : i32
    %dma_wait3A_283 = arith.constant 0 : i32
    %dma_wait3A_284 = tpu.memref_slice %arg4[%dma_wait3A_282, %dma_wait3A_283] : memref<640x100000xf32, #tpu.memory_space<hbm>> -> memref<32x128xf32, #tpu.memory_space<hbm>>
    %dma_wait3A_285 = arith.constant 0 : i32
    %dma_wait3A_286 = arith.constant 0 : i32
    %dma_wait3A_287 = tpu.memref_slice %arg8[%dma_wait3A_277, %dma_wait3A_285, %dma_wait3A_286] : memref<8x32x128xf32, #tpu.memory_space<vmem>> -> memref<1x32x128xf32, #tpu.memory_space<vmem>>
    %dma_wait3A_288 = tpu.memref_squeeze %dma_wait3A_287 : memref<1x32x128xf32, #tpu.memory_space<vmem>> -> memref<32x128xf32, #tpu.memory_space<vmem>>
    %dma_wait3A_289 = arith.constant 0 : i32
    %dma_wait3A_290 = arith.constant 0 : i32
    %dma_wait3A_291 = tpu.memref_slice %arg4[%dma_wait3A_289, %dma_wait3A_290] : memref<640x100000xf32, #tpu.memory_space<hbm>> -> memref<32x128xf32, #tpu.memory_space<hbm>>
    tpu.wait_dma2 semaphore(%arg11 : memref<!tpu.dma_semaphore, #tpu.memory_space<semaphore_mem>>) src(%dma_wait3A_291 : memref<32x128xf32, #tpu.memory_space<hbm>>) dst(%dma_wait3A_288 : memref<32x128xf32, #tpu.memory_space<vmem>>)
    "tpu.region"() ({
      %run_scoped3A = tpu.sem_alloc : memref<!tpu.dma_semaphore, #tpu.memory_space<semaphore_mem>>
      %dma_start3A_292 = arith.constant 0 : i32
      %dma_start3A_293 = tpu.memref_slice %arg5[%mul3A_2, %dma_start3A_292] : memref<2048x32xf32, #tpu.memory_space<hbm>> -> memref<64x32xf32, #tpu.memory_space<hbm>>
      %dma_start3A_294 = arith.constant 0 : i32
      %dma_start3A_295 = tpu.memref_slice %arg5[%mul3A_2, %dma_start3A_294] : memref<2048x32xf32, #tpu.memory_space<hbm>> -> memref<64x32xf32, #tpu.memory_space<hbm>>
      tpu.enqueue_dma source(%arg10 : memref<64x32xf32, #tpu.memory_space<vmem>>) target(%dma_start3A_295 : memref<64x32xf32, #tpu.memory_space<hbm>>) target_semaphore(%run_scoped3A : memref<!tpu.dma_semaphore, #tpu.memory_space<semaphore_mem>>)
      %dma_wait3A_296 = arith.constant 0 : i32
      %dma_wait3A_297 = tpu.memref_slice %arg5[%mul3A_2, %dma_wait3A_296] : memref<2048x32xf32, #tpu.memory_space<hbm>> -> memref<64x32xf32, #tpu.memory_space<hbm>>
      %dma_wait3A_298 = arith.constant 0 : i32
      %dma_wait3A_299 = tpu.memref_slice %arg5[%mul3A_2, %dma_wait3A_298] : memref<2048x32xf32, #tpu.memory_space<hbm>> -> memref<64x32xf32, #tpu.memory_space<hbm>>
      tpu.wait_dma2 semaphore(%run_scoped3A : memref<!tpu.dma_semaphore, #tpu.memory_space<semaphore_mem>>) src(%arg10 : memref<64x32xf32, #tpu.memory_space<vmem>>) dst(%dma_wait3A_299 : memref<64x32xf32, #tpu.memory_space<hbm>>)
      tpu.yield
    }) : () -> ()
    return
  }
}

module attributes {stable_mosaic.version = 14 : i64} {
  func.func @_decode_acc_body(%arg0: i32, %arg1: memref<2048x32xf32, #tpu.memory_space<vmem>>, %arg2: memref<128x32xf32, #tpu.memory_space<vmem>>, %arg3: memref<16384x128xf32, #tpu.memory_space<any>>, %arg4: memref<2048x128xf32, #tpu.memory_space<vmem>>) attributes {dimension_semantics = [#tpu.dimension_semantics<arbitrary>], iteration_bounds = array<i64: 1>, scalar_prefetch = 0 : i64, scratch_operands = 0 : i64, tpu.core_type = #tpu.core_type<tc>, window_params = [{transform_indices = @transform_0, window_bounds = array<i64: 2048, 32>}, {pipeline_mode = #tpu.pipeline_mode<synchronous>, transform_indices = @transform_1, window_bounds = array<i64: 128, 32>}, {}, {transform_indices = @transform_3, window_bounds = array<i64: 2048, 128>}]} {
    %get3A = arith.constant 0 : index
    %get3A_0 = arith.constant 0 : index
    %get3A_1 = vector.load %arg1[%get3A, %get3A_0] : memref<2048x32xf32, #tpu.memory_space<vmem>>, vector<2048x32xf32>
    %max3A = arith.constant 0.000000e+00 : f32
    %max3A_2 = vector.broadcast %max3A : f32 to vector<2048x32xf32>
    %max3A_3 = arith.maximumf %get3A_1, %max3A_2 : vector<2048x32xf32>
    %get3A_4 = arith.constant 0 : index
    %get3A_5 = arith.constant 0 : index
    %get3A_6 = vector.load %arg2[%get3A_4, %get3A_5] : memref<128x32xf32, #tpu.memory_space<vmem>>, vector<128x32xf32>
    %dot_general3A = arith.constant dense<0.000000e+00> : vector<2048x128xf32>
    %dot_general3A_7 = tpu.matmul %max3A_3, %get3A_6, %dot_general3A {dimension_numbers = #tpu.dot_dimension_numbers<[1], [1], [0], [0], [0, 0, 1, 0], [], []>, transpose_lhs_hint = false} : vector<2048x32xf32>, vector<128x32xf32>, vector<2048x128xf32> -> vector<2048x128xf32>
    %swap3A = arith.constant 0 : index
    %swap3A_8 = arith.constant 0 : index
    %swap3A_9 = vector.load %arg4[%swap3A, %swap3A_8] : memref<2048x128xf32, #tpu.memory_space<vmem>>, vector<2048x128xf32>
    tpu.vector_store %arg4[%swap3A, %swap3A_8], %dot_general3A_7 {strides = array<i32>} : memref<2048x128xf32, #tpu.memory_space<vmem>>, vector<2048x128xf32>,
    return
  }
  func.func @transform_0(%arg0: i32) -> (i32, i32) {
    %c0_i32 = arith.constant 0 : i32
    %c0_i32_0 = arith.constant 0 : i32
    return %arg0, %c0_i32 : i32, i32
  }
  func.func @transform_1(%arg0: i32) -> (i32, i32) {
    %c0_i32 = arith.constant 0 : i32
    %c0_i32_0 = arith.constant 0 : i32
    %c0_i32_1 = arith.constant 0 : i32
    return %c0_i32, %c0_i32_0 : i32, i32
  }
  func.func @transform_3(%arg0: i32) -> (i32, i32) {
    %add3A = arith.constant 7 : i32
    %add3A_0 = arith.addi %arg0, %add3A : i32
    %c0_i32 = arith.constant 0 : i32
    %c0_i32_1 = arith.constant 0 : i32
    return %add3A_0, %c0_i32 : i32, i32
  }
}

module attributes {stable_mosaic.version = 14 : i64} {
  func.func @_decode_body(%arg0: i32, %arg1: memref<2048x32xf32, #tpu.memory_space<vmem>>, %arg2: memref<128x32xf32, #tpu.memory_space<vmem>>, %arg3: memref<2048x128xf32, #tpu.memory_space<vmem>>) attributes {dimension_semantics = [#tpu.dimension_semantics<arbitrary>], iteration_bounds = array<i64: 7>, scalar_prefetch = 0 : i64, scratch_operands = 0 : i64, tpu.core_type = #tpu.core_type<tc>, window_params = [{transform_indices = @transform_0, window_bounds = array<i64: 2048, 32>}, {pipeline_mode = #tpu.pipeline_mode<synchronous>, transform_indices = @transform_1, window_bounds = array<i64: 128, 32>}, {transform_indices = @transform_2, window_bounds = array<i64: 2048, 128>}]} {
    %get3A = arith.constant 0 : index
    %get3A_0 = arith.constant 0 : index
    %get3A_1 = vector.load %arg1[%get3A, %get3A_0] : memref<2048x32xf32, #tpu.memory_space<vmem>>, vector<2048x32xf32>
    %max3A = arith.constant 0.000000e+00 : f32
    %max3A_2 = vector.broadcast %max3A : f32 to vector<2048x32xf32>
    %max3A_3 = arith.maximumf %get3A_1, %max3A_2 : vector<2048x32xf32>
    %get3A_4 = arith.constant 0 : index
    %get3A_5 = arith.constant 0 : index
    %get3A_6 = vector.load %arg2[%get3A_4, %get3A_5] : memref<128x32xf32, #tpu.memory_space<vmem>>, vector<128x32xf32>
    %dot_general3A = arith.constant dense<0.000000e+00> : vector<2048x128xf32>
    %dot_general3A_7 = tpu.matmul %max3A_3, %get3A_6, %dot_general3A {dimension_numbers = #tpu.dot_dimension_numbers<[1], [1], [0], [0], [0, 0, 1, 0], [], []>, transpose_lhs_hint = false} : vector<2048x32xf32>, vector<128x32xf32>, vector<2048x128xf32> -> vector<2048x128xf32>
    %swap3A = arith.constant 0 : index
    %swap3A_8 = arith.constant 0 : index
    %swap3A_9 = vector.load %arg3[%swap3A, %swap3A_8] : memref<2048x128xf32, #tpu.memory_space<vmem>>, vector<2048x128xf32>
    tpu.vector_store %arg3[%swap3A, %swap3A_8], %dot_general3A_7 {strides = array<i32>} : memref<2048x128xf32, #tpu.memory_space<vmem>>, vector<2048x128xf32>,
    return
  }
  func.func @transform_0(%arg0: i32) -> (i32, i32) {
    %c0_i32 = arith.constant 0 : i32
    %c0_i32_0 = arith.constant 0 : i32
    return %arg0, %c0_i32 : i32, i32
  }
  func.func @transform_1(%arg0: i32) -> (i32, i32) {
    %c0_i32 = arith.constant 0 : i32
    %c0_i32_0 = arith.constant 0 : i32
    %c0_i32_1 = arith.constant 0 : i32
    return %c0_i32, %c0_i32_0 : i32, i32
  }
  func.func @transform_2(%arg0: i32) -> (i32, i32) {
    %add3A = arith.constant 0 : i32
    %add3A_0 = arith.addi %arg0, %add3A : i32
    %c0_i32 = arith.constant 0 : i32
    %c0_i32_1 = arith.constant 0 : i32
    return %add3A_0, %c0_i32 : i32, i32
  }
}

</mosaic_0001>

<sc_bundles>
// kernel: kernel.6.cloned.1.call-start
scs
__scs_entry_jumppad:
0x0: {  	(pc) =	sbr.rel $0x88, $3  }
0x1: {  	(tag) =	ssettag $0x0;
	lr =	simm.s32 $0x1  }
0x2: {  	[smem:$0x3F9D] =	sst lr;
	_ =	strace $0xD0000000  }
0x3: {  	_ = 	snop  }
0x4: {  	_ = 	snop  }
0x5: {  	_ = 	snop  }
0x6: {  	_ = 	snop  }
0x7: {  	_ = 	snop  }
__scs_overlays_trampoline_lowered:
0x8: {  	[smem:$0x3FAC] =	sst s0  }
0x9: {  	[smem:$0x3FAD] =	sst s1  }
0xa: {  	[smem:$0x3FAE] =	sst s2  }
0xb: {  	[smem:$0x3FAF] =	sst s3  }
0xc: {  	[smem:$0x3FB0] =	sst s4  }
0xd: {  	[smem:$0x3FB1] =	sst s5  }
0xe: {  	[smem:$0x3FB2] =	sst s6  }
0xf: {  	[smem:$0x3FB3] =	sst s7  }
0x10: {  	[smem:$0x3FB4] =	sst s8  }
0x11: {  	[smem:$0x3FB5] =	sst s9;
	s0 =	simm.s32 @!p0 $0x0  }
0x12: {  	s1 =	sld [smem:$0x3F9B];
	s0 =	simm.s32 @p0 $0x1  }
0x13: {  	[smem:$0x3FB6] =	sst s0;
	s0 =	simm.s32 @!p1 $0x0  }
0x14: {  	s2 =	sld [smem:$0x3F9A];
	s0 =	simm.s32 @p1 $0x1  }
0x15: {  	[smem:$0x3FB7] =	sst s0;
	s0 =	simm.s32 @!p2 $0x0  }
0x16: {  	s3 =	sld [smem:$0x3FDB];
	s0 =	simm.s32 @p2 $0x1  }
0x17: {  	s4 =	simm.s32 $0x1BF5;
	[smem:$0x3FB9] =	sst s0  }
0x18: {  	s0 =	sld [smem:$0x3F9C];
	_ =	swait.ge [sflag:s4], $0x0  }
0x19: {  	s7 =	sld [smem:$0x3F9D]  }
0x1a: {  	s8 =	sadd.s32 $0xFFFFE003, lr  }
0x1b: {  	s9 =	sadd.s32 $0xFFFFFEF7, lr;
	s5 =	simm.s32 $0xFFFFFFFF;
	p2 =	slt.u32 s8, $0xFFFFF086  }
0x1c: {  	p1 =	slt.u32 s9, $0xF7A;
	s5 =	simm.s32 @!p2 $0x0  }
0x1d: {  	s5 =	simm.s32 @p1 $0x1;
	p0 =	seq.s32 s7, s2  }
0x1e: {  	s7 =	smul.u32 @!p0 $0xF7A, s2;
	p2 =	seq.s32 @!p0 s5, $0x0  }
0x1f: {  	s9 =	smul.u32 $0xF7A, s1;
	s8 =	simm.s32 @!p0 $0x1BF5;
	p2 =	por !p2, p0  }
0x20: {  	[sflag:s8] =	ssyncset.s32 @!p0 $0xFFFFF086;
	s6 =	sadd.s32 @!p0 s3, s7;
	s7 =	simm.s32 @!p0 $0x108  }
0x21: {  	s3 =	sadd.s32 s3, s9;
	s6 =	sadd.s32 @!p0 $0x88, s6;
	s7 =	simm.s32 @p2 $0x1082  }
0x22: {  	[simem:s7], [sflag:s8] =	dma.local @!p0 [hbm:s6], $0xF7A  }
0x23: {  	s9 =	sor.u32 $0xD0000000, s2;
	s6 =	simm.s32 $0x108;
	_ =	swait.ge @!p0 [sflag:s8], $0x0  }
0x24: {  	s3 =	sadd.s32 $0x88, s3;
	s6 =	simm.s32 @!p1 $0x1082;
	[sflag:s4] =	ssyncset.s32 $0xFFFFF086  }
0x25: {  	[simem:s6], [sflag:s4] =	dma.local [hbm:s3], $0xF7A  }
0x26: {  	[smem:$0x3F9D] =	sst s1;
	(tag) =	ssettag s2;
	_ =	strace s9  }
0x27: {  	s1 =	sld [smem:$0x3FAD]  }
0x28: {  	s2 =	sld [smem:$0x3FAE]  }
0x29: {  	s4 =	sld [smem:$0x3FB0]  }
0x2a: {  	p0 =	seq.s32 s5, $0x0;
	s5 =	sld [smem:$0x3FB1]  }
0x2b: {  	s6 =	sld [smem:$0x3FB2]  }
0x2c: {  	s7 =	sld [smem:$0x3FB3]  }
0x2d: {  	s3 =	simm.s32 $0x108;
	s8 =	sld [smem:$0x3FB4]  }
0x2e: {  	s3 =	simm.s32 @!p0 $0x1082;
	s9 =	sld [smem:$0x3FB5]  }
0x2f: {  	lr =	sadd.s32 s0, s3;
	s0 =	sld [smem:$0x3FAC]  }
0x30: {  	s3 =	sld [smem:$0x3FAF]  }
0x31: {  	[smem:$0x3FB8] =	sst s10  }
0x32: {  	s10 =	sld [smem:$0x3FB6];
	_ =	sdelay $0x3  }
0x33: {  	p0 =	seq.s32 s10, $0x1;
	s10 =	sld [smem:$0x3FB8];
	_ =	sdelay $0x3  }
0x34: {  	[smem:$0x3FB8] =	sst s10  }
0x35: {  	s10 =	sld [smem:$0x3FB7];
	_ =	sdelay $0x3  }
0x36: {  	p1 =	seq.s32 s10, $0x1;
	s10 =	sld [smem:$0x3FB8];
	_ =	sdelay $0x3  }
0x37: {  	[smem:$0x3FB8] =	sst s10  }
0x38: {  	s10 =	sld [smem:$0x3FB9]  }
0x39: {  	_ = 	snop;
	(pc) =	sbr.ind lr, $3  }
0x3a: {  	_ = 	snop  }
0x3b: {  	_ = 	snop  }
0x3c: {  	p2 =	seq.s32 s10, $0x1;
	s10 =	sld [smem:$0x3FB8]  }
0x3d: {  	_ =	shalt  }
0x3e: {  	_ =	shalt  }
0x3f: {  	_ =	shalt  }
0x40: {  	_ =	shalt  }
0x41: {  	_ =	shalt  }
0x42: {  	_ =	shalt  }
0x43: {  	_ =	shalt  }
0x44: {  	_ =	shalt  }
0x45: {  	_ =	shalt  }
0x46: {  	_ =	shalt  }
0x47: {  	_ =	shalt  }
0x48: {  	_ =	shalt  }
0x49: {  	_ =	shalt  }
0x4a: {  	_ =	shalt  }
0x4b: {  	_ =	shalt  }
0x4c: {  	_ =	shalt  }
0x4d: {  	_ =	shalt  }
0x4e: {  	_ =	shalt  }
0x4f: {  	_ =	shalt  }
0x50: {  	_ =	shalt  }
0x51: {  	_ =	shalt  }
0x52: {  	_ =	shalt  }
0x53: {  	_ =	shalt  }
0x54: {  	_ =	shalt  }
0x55: {  	_ =	shalt  }
0x56: {  	_ =	shalt  }
0x57: {  	_ =	shalt  }
0x58: {  	_ =	shalt  }
0x59: {  	_ =	shalt  }
0x5a: {  	_ =	shalt  }
0x5b: {  	_ =	shalt  }
0x5c: {  	_ =	shalt  }
0x5d: {  	_ =	shalt  }
0x5e: {  	_ =	shalt  }
0x5f: {  	_ =	shalt  }
0x60: {  	_ =	shalt  }
0x61: {  	_ =	shalt  }
0x62: {  	_ =	shalt  }
0x63: {  	_ =	shalt  }
0x64: {  	_ =	shalt  }
0x65: {  	_ =	shalt  }
0x66: {  	_ =	shalt  }
0x67: {  	_ =	shalt  }
0x68: {  	_ =	shalt  }
0x69: {  	_ =	shalt  }
0x6a: {  	_ =	shalt  }
0x6b: {  	_ =	shalt  }
0x6c: {  	_ =	shalt  }
0x6d: {  	_ =	shalt  }
0x6e: {  	_ =	shalt  }
0x6f: {  	_ =	shalt  }
0x70: {  	_ =	shalt  }
0x71: {  	_ =	shalt  }
0x72: {  	_ =	shalt  }
0x73: {  	_ =	shalt  }
0x74: {  	_ =	shalt  }
0x75: {  	_ =	shalt  }
0x76: {  	_ =	shalt  }
0x77: {  	_ =	shalt  }
0x78: {  	_ =	shalt  }
0x79: {  	_ =	shalt  }
0x7a: {  	_ =	shalt  }
0x7b: {  	_ =	shalt  }
0x7c: {  	_ =	shalt  }
0x7d: {  	_ =	shalt  }
0x7e: {  	_ =	shalt  }
0x7f: {  	_ =	shalt  }
0x80: {  	_ =	shalt  }
0x81: {  	_ =	shalt  }
0x82: {  	_ =	shalt  }
0x83: {  	_ =	shalt  }
0x84: {  	_ =	shalt  }
0x85: {  	_ =	shalt  }
0x86: {  	_ =	shalt  }
0x87: {  	_ =	shalt  }
.Lfunc_end0:
.L_simem_size_0:
called_computation_lowered:
.L_overlay_start_0:
0x88: {  	s2 =	sld [smem:$0x3FD9]  }
0x89: {  	s3 =	sld [smem:$0x3FFE];
	_ =	sdelay $0x1  }
0x8a: {  	s1 =	srdreg.scid  }
0x8b: {  	s0 =	sand.u32 $0x1, s1  }
0x8c: {  	s17 =	sshll.u32 s0, $0xA;
	s2 =	sadd.s32 s3, s2  }
0x8d: {  	s2 =	sadd.s32 s2, s17  }
0x8e: {  	[smem:$0x3FC4] =	sst s2  }
0x8f: {  	_ = 	snop  }
0x90: {  	s2 =	sld [smem:$0x3FC7]  }
0x91: {  	s18 =	sld [smem:$0x3FD0];
	(tm) =	ssettm $0x1  }
0x92: {  	s4 =	sld [smem:$0x3FFB];
	_ =	sdelay $0x3  }
0x93: {  	_ =	strace s4  }
0x94: {  	s4 =	sld [smem:$0x3FFC];
	_ =	sdelay $0x3  }
0x95: {  	_ =	strace s4  }
0x96: {  	s4 =	sld [smem:$0x3FFD];
	_ =	sdelay $0x3  }
0x97: {  	_ =	strace s4  }
0x98: {  	_ =	strace $0x8FFFFFFF  }
0x99: {  	s19 =	sld [smem:$0x3FDB];
	_ =	sdelay $0x1  }
0x9a: {  	s5 =	simm.s32 $_scs_section_size  }
0x9b: {  	s6 =	simm.s32 $_size__tile_overlayer_lowered;
	s7 =	simm.s32 $_tile_overlayer_lowered  }
0x9c: {  	s22 =	simm.s32 $0x1BFF;
	s21 =	sshll.u32 s7, $0x1;
	s4 =	sadd.s32 s5, s19  }
0x9d: {  	s8 =	simm.s32 $0x0;
	s20 =	sshll.u32 s6, $0x1;
	s6 =	sadd.s32 s21, s4  }
0x9e: {  	[timem:s8], [sflag:s22] =	dma.local [hbm:s6], s20  }
0x9f: {  	_ =	swait.ge [sflag:s22], s20  }
0xa0: {  	s5 =	ssub.s32 $0x0, s20;
	[sflag:s22] =	ssyncset.done $0x0  }
0xa1: {  	[sflag:s22] =	ssyncadd.s32 s5;
	_ =	sdelay $0x1  }
0xa2: {  	s23 =	simm.s32 $0x1B8B  }
0xa3: {  	_ =	swait.ge [sflag:s23], $0x1  }
0xa4: {  	[sflag:s23] =	ssyncset.done $0x0  }
0xa5: {  	s25 =	simm.s32 $0x1B8E;
	s24 =	sld [smem:$0x3FFE];
	[sflag:s23] =	ssyncadd.s32 $0xFFFFFFFF  }
0xa6: {  	s26 =	simm.s32 $execute0_lowered;
	[smem:$0x3FD2] =	sst s25  }
0xa7: {  	s6 =	sshll.u32 s26, $0x1;
	_ =	strace $0x80000046;
	[dreg:$0x1] =	wrdreg $0xFFFFFFFF  }
0xa8: {  	s28 =	simm.s32 $_size_execute0_lowered;
	s4 =	sadd.s32 s4, s6;
	[dreg:$0x0] =	wrdreg $0x0  }
0xa9: {  	s6 =	sshll.u32 s28, $0x1;
	[dreg:$0x2] =	wrdreg s4  }
0xaa: {  	[dreg:$0x3] =	wrdreg s6  }
0xab: {  	[dreg:$0x4] =	wrdreg $0xC0  }
0xac: {  	_ =	task [dreg:s8], $0x5FFFF  }
0xad: {  	[dreg:$0x1] =	wrdreg $0xFFFFFFFF  }
0xae: {  	[dreg:$0x0] =	wrdreg $0x60  }
0xaf: {  	[dreg:$0x2] =	wrdreg s24  }
0xb0: {  	[dreg:$0x3] =	wrdreg s2  }
0xb1: {  	[dreg:$0x4] =	wrdreg s18  }
0xb2: {  	[dreg:$0x5] =	wrdreg $0x9  }
0xb3: {  	_ =	task.clear_ibuf [dreg:s8], $0x6FFFF;
	_ =	strace $0x90000046  }
0xb4: {  	s29 =	simm.s32 $0x9;
	_ =	strace $0x80000048  }
0xb5: {  	_ =	swait.ge [sflag:s29], $0x1  }
0xb6: {  	[sflag:s29] =	ssyncadd.s32 $0xFFFFFFFF  }
0xb7: {  	_ =	strace $0x90000048  }
0xb8: {  	_ =	sfence  }
0xb9: {  	s30 =	sld [smem:$0x0];
	_ =	sdelay $0x2  }
0xba: {  	s31 =	sshll.u32 s1, $0xD;
	s1 =	sshrl.u32 s1, $0x2  }
0xbb: {  	s3 =	sand.u32 $0x4000, s31;
	s1 =	sadd.s32 s1, s30  }
0xbc: {  	s0 =	sor.u32 s3, s0;
	s1 =	sshll.u32 s1, $0x11  }
0xbd: {  	s0 =	sor.u32 s1, s0  }
0xbe: {  	s0 =	sadd.s32 $0x8F2B, s0  }
0xbf: {  	[sflag:s0] =	ssyncadd.remote.s32 $0x1  }
0xc0: {  	_ =	sfence.sel $0xFFFF  }
0xc1: {  	[dreg:$0x0] =	wrdreg $0xFFFFFFFF;
	(pc) =	sbr.abs _section_cstart, $3  }
0xc2: {  	[dreg:$0x1] =	wrdreg $0xFFFFFFFF  }
0xc3: {  	_ =	task.clear_ibuf [dreg:s8], $0x2FFFF;
	_ =	strace $0x9FFFFFFF  }
0xc4: {  	(tm) =	ssettm $0x7FFFFFFF  }
0xc5: {  	_ =	shalt  }
tec
execute0_lowered:
.L_overlay_start_1:
0x0: {  	(tag) =	ssettag $0x1  }
0x1: {  	s0 =	rddreg [dreg:$0x0]  }
0x2: {  	s2 =	rddreg [dreg:$0x1];
	s1 =	srdreg.scid  }
0x3: {  	s3 =	stileid.u32;
	s6 =	rddreg [dreg:$0x2]  }
0x4: {  	s9 =	simm.s32 $0x1;
	s10 =	simm.s32 $0x2;
	s11 =	simm.s32 $0xC3800  }
0x5: {  	s12 =	simm.s32 $0x400;
	s13 =	simm.s32 $0x1400;
	s14 =	simm.s32 $0x2400  }
0x6: {  	s15 =	simm.s32 $0x3400;
	s16 =	simm.s32 $0x4400;
	s17 =	simm.s32 $0x5400  }
0x7: {  	s18 =	simm.s32 $0x6400;
	s19 =	simm.s32 $0x7400;
	s20 =	simm.s32 $0x8400  }
0x8: {  	s21 =	simm.s32 $0x9400;
	s22 =	simm.s32 $0xA400;
	s23 =	simm.s32 $0xB400  }
0x9: {  	s24 =	simm.s32 $0xC400;
	s1 =	sand.u32 $0x1, s1;
	s3 =	sshll.u32 s3, $0x1  }
0xa: {  	s25 =	simm.s32 $0xD400;
	s26 =	simm.s32 $0xE400;
	s4 =	sor.u32 s1, s3  }
0xb: {  	s28 =	simm.s32 $0xF400;
	s30 =	simm.s32 $0x3;
	s5 =	smul.u32 $0x38, s4  }
0xc: {  	s31 =	simm.s32 $0x0;
	s3 =	simm.s32 $0x0;
	s1 =	ssub.s32 $0x2, s1  }
0xd: {  	v0 =	vlaneseq.u32;
	[smem:$0x7FF] =	sst s3;
	s7 =	sshrl.u32 s1, $0x1;
	s0 =	sadd.s32 s5, s0  }
0xe: {  	v0 =	vmul.u32 $0x80, v0;
	s8 =	smul.u32 $0x1C00, s4;
	_ =	strace $0x80000047;
	s29 =	sadd.s32 $0xE00, s0  }
0xf: {  	s1 =	ssub.s32 s1, s7;
	s0 =	sadd.s32 $0x1600, s0;
	[dreg:$0x4] =	wrdreg s29  }
0x10: {  	v1 =	vor.u32 $0x800, v0;
	s6 =	sadd.s32 s6, s8;
	s7 =	smax.u32 s1, $0x1;
	[dreg:$0x5] =	wrdreg s0  }
.LBB2_1:
0x11: {  	s0 =	rddreg [dreg:$0x4]  }
0x12: {  	[tilespmem:s3], [sflag:$0x1] =	stream.linear.gather [hbm4b:s0+s3], $0x1C0, $0x38;
	[tilespmem:$0x1E400] =	vst v63  }
0x13: {  	s8 =	rddreg [dreg:$0x5];
	s1 =	simm.s32 $0x200  }
0x14: {  	[tilespmem:s1], [sflag:$0x2] =	stream.linear.gather [hbm4b:s8+s3], $0x1C0, $0x38;
	[tilespmem:$0x1E400] =	vst v63  }
0x15: {  	_ =	swait.ge [sflag:s9], $0x1C0  }
0x16: {  	[sflag:s9] =	ssyncset.done $0x0  }
0x17: {  	[sflag:s9] =	ssyncadd.s32 $0xFFFFFE40  }
0x18: {  	_ =	swait.ge [sflag:s10], $0x1C0  }
0x19: {  	[sflag:s10] =	ssyncset.done $0x0  }
0x1a: {  	[sflag:s10] =	ssyncadd.s32 $0xFFFFFE40  }
0x1b: {  	v2 =	vld [tilespmem:$0x200];
	_ =	sdelay $0x1  }
0x1c: {  	v3 =	vld [tilespmem:$0x0];
	_ =	sdelay $0x2  }
0x1d: {  	v2 =	vshll.u32 v2, $0x2  }
0x1e: {  	v2 =	vmul.u32 $0x18700, v2  }
0x1f: {  	v3 =	vand.u32 $0xFFFFFF80, v3  }
0x20: {  	v3 =	vadd.s32 s2, v3;
	(v2sf) =	vpush v2, $0x0  }
0x21: {  	(v2sf) =	vpush v3, $0x0  }
0x22: {  	(v2sf) =	vpush v2, $0x1  }
0x23: {  	(v2sf) =	vpush v3, $0x1;
	_ =	sdelay $0x1  }
0x24: {  	(v2sf) =	vpush v2, $0x2  }
0x25: {  	(v2sf) =	vpush v3, $0x2;
	_ =	sdelay $0x1  }
0x26: {  	(v2sf) =	vpush v2, $0x3  }
0x27: {  	(v2sf) =	vpush v3, $0x3;
	_ =	sdelay $0x1  }
0x28: {  	(v2sf) =	vpush v2, $0x4  }
0x29: {  	(v2sf) =	vpush v3, $0x4;
	_ =	sdelay $0x1  }
0x2a: {  	(v2sf) =	vpush v2, $0x5  }
0x2b: {  	s1 =	spop (v2sf)  }
0x2c: {  	(v2sf) =	vpush v3, $0x5;
	s4 =	spop (v2sf)  }
0x2d: {  	(v2sf) =	vpush v2, $0x6;
	s8 =	spop (v2sf)  }
0x2e: {  	s0 =	sadd.s32 s1, s4;
	(v2sf) =	vpush v3, $0x6;
	s5 =	spop (v2sf)  }
0x2f: {  	[tilespmem:s12], [sflag:$0x1] =	stream.strided.gather [hbm4b:s0+s12], $0x1000, s11, s12, $0x38;
	[tilespmem:$0x1E400] =	vst v63  }
0x30: {  	(v2sf) =	vpush v2, $0x7;
	s4 =	spop (v2sf)  }
0x31: {  	s1 =	sadd.s32 s8, s5;
	s29 =	spop (v2sf)  }
0x32: {  	(v2sf) =	vpush v3, $0x7;
	[tilespmem:s13], [sflag:$0x1] =	stream.strided.gather [hbm4b:s1+s12], $0x1000, s11, s12, $0x38;
	[tilespmem:$0x1E400] =	vst v63  }
0x33: {  	s8 =	spop (v2sf)  }
0x34: {  	s0 =	sadd.s32 s4, s29;
	s5 =	spop (v2sf)  }
0x35: {  	[tilespmem:s14], [sflag:$0x1] =	stream.strided.gather [hbm4b:s0+s12], $0x1000, s11, s12, $0x38;
	[tilespmem:$0x1E400] =	vst v63  }
0x36: {  	s29 =	spop (v2sf)  }
0x37: {  	s1 =	sadd.s32 s8, s5;
	s4 =	spop (v2sf)  }
0x38: {  	[tilespmem:s15], [sflag:$0x1] =	stream.strided.gather [hbm4b:s1+s12], $0x1000, s11, s12, $0x38;
	[tilespmem:$0x1E400] =	vst v63  }
0x39: {  	s8 =	spop (v2sf);
	s0 =	sadd.s32 s29, s4  }
0x3a: {  	[tilespmem:s16], [sflag:$0x1] =	stream.strided.gather [hbm4b:s0+s12], $0x1000, s11, s12, $0x38;
	[tilespmem:$0x1E400] =	vst v63  }
0x3b: {  	s5 =	spop (v2sf)  }
0x3c: {  	s29 =	spop (v2sf)  }
0x3d: {  	s1 =	sadd.s32 s8, s5;
	s4 =	spop (v2sf)  }
0x3e: {  	[tilespmem:s17], [sflag:$0x1] =	stream.strided.gather [hbm4b:s1+s12], $0x1000, s11, s12, $0x38;
	[tilespmem:$0x1E400] =	vst v63  }
0x3f: {  	s5 =	spop (v2sf);
	s0 =	sadd.s32 s29, s4  }
0x40: {  	[tilespmem:s18], [sflag:$0x1] =	stream.strided.gather [hbm4b:s0+s12], $0x1000, s11, s12, $0x38;
	[tilespmem:$0x1E400] =	vst v63  }
0x41: {  	s8 =	spop (v2sf)  }
0x42: {  	s1 =	simm.s32 $0x208;
	s0 =	sadd.s32 s5, s8  }
0x43: {  	[tilespmem:s19], [sflag:$0x1] =	stream.strided.gather [hbm4b:s0+s12], $0x1000, s11, s12, $0x38;
	[tilespmem:$0x1E400] =	vst v63  }
0x44: {  	s29 =	simm.s32 $0x0;
	s8 =	simm.s32 $0x8;
	s0 =	simm.s32 $0x10800  }
.LBB2_2:
0x45: {  	v2 =	vld [tilespmem:s1+$0x0];
	_ =	sdelay $0x1  }
0x46: {  	v3 =	vld [tilespmem:s8+$0x0];
	_ =	sdelay $0x2  }
0x47: {  	v2 =	vshll.u32 v2, $0x2  }
0x48: {  	v2 =	vmul.u32 $0x18700, v2  }
0x49: {  	v3 =	vand.u32 $0xFFFFFF80, v3  }
0x4a: {  	v3 =	vadd.s32 s2, v3;
	(v2sf) =	vpush v2, $0x0  }
0x4b: {  	(v2sf) =	vpush v3, $0x0;
	_ =	sdelay $0x2  }
0x4c: {  	(v2sf) =	vpush v2, $0x1  }
0x4d: {  	(v2sf) =	vpush v3, $0x1;
	_ =	sdelay $0x2  }
0x4e: {  	(v2sf) =	vpush v2, $0x2  }
0x4f: {  	(v2sf) =	vpush v3, $0x2;
	_ =	sdelay $0x2  }
0x50: {  	(v2sf) =	vpush v2, $0x3  }
0x51: {  	(v2sf) =	vpush v3, $0x3;
	_ =	sdelay $0x1  }
0x52: {  	s4 =	spop (v2sf)  }
0x53: {  	(v2sf) =	vpush v2, $0x4;
	s5 =	spop (v2sf)  }
0x54: {  	(v2sf) =	vpush v3, $0x4;
	s4 =	sadd.s32 s4, s5  }
0x55: {  	[tilespmem:s20], [sflag:$0x2] =	stream.strided.gather [hbm4b:s4+s12], $0x1000, s11, s12, $0x38;
	[tilespmem:$0x1E400] =	vst v63  }
0x56: {  	s4 =	spop (v2sf)  }
0x57: {  	(v2sf) =	vpush v2, $0x5;
	s5 =	spop (v2sf)  }
0x58: {  	(v2sf) =	vpush v3, $0x5;
	s4 =	sadd.s32 s4, s5  }
0x59: {  	[tilespmem:s21], [sflag:$0x2] =	stream.strided.gather [hbm4b:s4+s12], $0x1000, s11, s12, $0x38;
	[tilespmem:$0x1E400] =	vst v63  }
0x5a: {  	s4 =	spop (v2sf)  }
0x5b: {  	s5 =	spop (v2sf);
	(v2sf) =	vpush v2, $0x6  }
0x5c: {  	s4 =	sadd.s32 s4, s5;
	(v2sf) =	vpush v3, $0x6  }
0x5d: {  	[tilespmem:s22], [sflag:$0x2] =	stream.strided.gather [hbm4b:s4+s12], $0x1000, s11, s12, $0x38;
	[tilespmem:$0x1E400] =	vst v63  }
0x5e: {  	s4 =	spop (v2sf)  }
0x5f: {  	(v2sf) =	vpush v2, $0x7;
	s5 =	spop (v2sf)  }
0x60: {  	(v2sf) =	vpush v3, $0x7;
	s4 =	sadd.s32 s4, s5  }
0x61: {  	[tilespmem:s23], [sflag:$0x2] =	stream.strided.gather [hbm4b:s4+s12], $0x1000, s11, s12, $0x38;
	[tilespmem:$0x1E400] =	vst v63  }
0x62: {  	s4 =	spop (v2sf)  }
0x63: {  	s5 =	spop (v2sf)  }
0x64: {  	s4 =	sadd.s32 s4, s5  }
0x65: {  	[tilespmem:s24], [sflag:$0x2] =	stream.strided.gather [hbm4b:s4+s12], $0x1000, s11, s12, $0x38;
	[tilespmem:$0x1E400] =	vst v63  }
0x66: {  	s4 =	spop (v2sf)  }
0x67: {  	s5 =	spop (v2sf)  }
0x68: {  	s4 =	sadd.s32 s4, s5  }
0x69: {  	[tilespmem:s25], [sflag:$0x2] =	stream.strided.gather [hbm4b:s4+s12], $0x1000, s11, s12, $0x38;
	[tilespmem:$0x1E400] =	vst v63  }
0x6a: {  	s4 =	spop (v2sf)  }
0x6b: {  	s5 =	spop (v2sf)  }
0x6c: {  	s4 =	sadd.s32 s4, s5  }
0x6d: {  	[tilespmem:s26], [sflag:$0x2] =	stream.strided.gather [hbm4b:s4+s12], $0x1000, s11, s12, $0x38;
	[tilespmem:$0x1E400] =	vst v63  }
0x6e: {  	s4 =	spop (v2sf)  }
0x6f: {  	s5 =	spop (v2sf)  }
0x70: {  	s4 =	sadd.s32 s4, s5  }
0x71: {  	[tilespmem:s28], [sflag:$0x2] =	stream.strided.gather [hbm4b:s4+s12], $0x1000, s11, s12, $0x38;
	[tilespmem:$0x1E400] =	vst v63  }
0x72: {  	_ =	swait.ge [sflag:s9], $0x1000  }
0x73: {  	[sflag:s9] =	ssyncset.done $0x0  }
0x74: {  	[sflag:s9] =	ssyncadd.s32 $0xFFFFF000  }
0x75: {  	_ =	swait.ge [sflag:s9], $0x1000  }
0x76: {  	[sflag:s9] =	ssyncset.done $0x0  }
0x77: {  	[sflag:s9] =	ssyncadd.s32 $0xFFFFF000  }
0x78: {  	_ =	swait.ge [sflag:s9], $0x1000  }
0x79: {  	[sflag:s9] =	ssyncset.done $0x0  }
0x7a: {  	[sflag:s9] =	ssyncadd.s32 $0xFFFFF000  }
0x7b: {  	_ =	swait.ge [sflag:s9], $0x1000  }
0x7c: {  	[sflag:s9] =	ssyncset.done $0x0  }
0x7d: {  	[sflag:s9] =	ssyncadd.s32 $0xFFFFF000  }
0x7e: {  	_ =	swait.ge [sflag:s9], $0x1000  }
0x7f: {  	[sflag:s9] =	ssyncset.done $0x0  }
0x80: {  	[sflag:s9] =	ssyncadd.s32 $0xFFFFF000  }
0x81: {  	_ =	swait.ge [sflag:s9], $0x1000  }
0x82: {  	[sflag:s9] =	ssyncset.done $0x0  }
0x83: {  	[sflag:s9] =	ssyncadd.s32 $0xFFFFF000  }
0x84: {  	_ =	swait.ge [sflag:s9], $0x1000  }
0x85: {  	[sflag:s9] =	ssyncset.done $0x0  }
0x86: {  	[sflag:s9] =	ssyncadd.s32 $0xFFFFF000  }
0x87: {  	_ =	swait.ge [sflag:s9], $0x1000  }
0x88: {  	[sflag:s9] =	ssyncset.done $0x0  }
0x89: {  	[sflag:s9] =	ssyncadd.s32 $0xFFFFF000  }
0x8a: {  	v2 =	vld [tilespmem:s8+$0xFFFFFFF8];
	_ =	sdelay $0x4  }
0x8b: {  	v2 =	vand.u32 $0x7F, v2  }
0x8c: {  	v3 =	vbroadcast v2, $0x0;
	_ =	sdelay $0x1  }
0x8d: {  	v4 =	vor.u32 v0, v3;
	_ =	sdelay $0x4  }
0x8e: {  	v4 =	vld.idx.msk [tilespmem:v4+s12+$0x0], $0xffff  }
0x8f: {  	v3 =	vor.u32 v1, v3;
	_ =	sdelay $0x3  }
0x90: {  	v44 =	vbroadcast v2, $0x1;
	[tilespmem:s0+$0xFFFFFC00] =	vst v4  }
0x91: {  	v3 =	vld.idx.msk [tilespmem:v3+s12+$0x0], $0xffff  }
0x92: {  	v5 =	vor.u32 v0, v44;
	_ =	sdelay $0x3  }
0x93: {  	[tilespmem:s0+$0xFFFFFC10] =	vst v3  }
0x94: {  	v3 =	vld.idx.msk [tilespmem:v5+s13+$0x0], $0xffff  }
0x95: {  	v4 =	vor.u32 v1, v44;
	_ =	sdelay $0x3  }
0x96: {  	[tilespmem:s0+$0xFFFFFC80] =	vst v3;
	v3 =	vbroadcast v2, $0x2  }
0x97: {  	v4 =	vld.idx.msk [tilespmem:v4+s13+$0x0], $0xffff  }
0x98: {  	v45 =	vor.u32 v0, v3;
	_ =	sdelay $0x3  }
0x99: {  	[tilespmem:s0+$0xFFFFFC90] =	vst v4  }
0x9a: {  	v4 =	vld.idx.msk [tilespmem:v45+s14+$0x0], $0xffff  }
0x9b: {  	v3 =	vor.u32 v1, v3;
	_ =	sdelay $0x3  }
0x9c: {  	v46 =	vbroadcast v2, $0x3;
	[tilespmem:s0+$0xFFFFFD00] =	vst v4  }
0x9d: {  	v3 =	vld.idx.msk [tilespmem:v3+s14+$0x0], $0xffff  }
0x9e: {  	v47 =	vor.u32 v0, v46;
	_ =	sdelay $0x3  }
0x9f: {  	[tilespmem:s0+$0xFFFFFD10] =	vst v3  }
0xa0: {  	v3 =	vld.idx.msk [tilespmem:v47+s15+$0x0], $0xffff  }
0xa1: {  	v4 =	vor.u32 v1, v46;
	_ =	sdelay $0x3  }
0xa2: {  	[tilespmem:s0+$0xFFFFFD80] =	vst v3;
	v3 =	vbroadcast v2, $0x4  }
0xa3: {  	v4 =	vld.idx.msk [tilespmem:v4+s15+$0x0], $0xffff  }
0xa4: {  	v48 =	vor.u32 v0, v3;
	_ =	sdelay $0x3  }
0xa5: {  	[tilespmem:s0+$0xFFFFFD90] =	vst v4  }
0xa6: {  	v4 =	vld.idx.msk [tilespmem:v48+s16+$0x0], $0xffff  }
0xa7: {  	v3 =	vor.u32 v1, v3;
	_ =	sdelay $0x3  }
0xa8: {  	v49 =	vbroadcast v2, $0x5;
	[tilespmem:s0+$0xFFFFFE00] =	vst v4  }
0xa9: {  	v3 =	vld.idx.msk [tilespmem:v3+s16+$0x0], $0xffff  }
0xaa: {  	v50 =	vor.u32 v0, v49;
	_ =	sdelay $0x3  }
0xab: {  	[tilespmem:s0+$0xFFFFFE10] =	vst v3  }
0xac: {  	v3 =	vld.idx.msk [tilespmem:v50+s17+$0x0], $0xffff  }
0xad: {  	v4 =	vor.u32 v1, v49;
	_ =	sdelay $0x3  }
0xae: {  	[tilespmem:s0+$0xFFFFFE80] =	vst v3;
	v3 =	vbroadcast v2, $0x6  }
0xaf: {  	v4 =	vld.idx.msk [tilespmem:v4+s17+$0x0], $0xffff  }
0xb0: {  	v51 =	vor.u32 v0, v3;
	_ =	sdelay $0x3  }
0xb1: {  	[tilespmem:s0+$0xFFFFFE90] =	vst v4  }
0xb2: {  	v4 =	vld.idx.msk [tilespmem:v51+s18+$0x0], $0xffff  }
0xb3: {  	v3 =	vor.u32 v1, v3;
	_ =	sdelay $0x3  }
0xb4: {  	v2 =	vbroadcast v2, $0x7;
	[tilespmem:s0+$0xFFFFFF00] =	vst v4  }
0xb5: {  	v3 =	vld.idx.msk [tilespmem:v3+s18+$0x0], $0xffff  }
0xb6: {  	v52 =	vor.u32 v0, v2;
	_ =	sdelay $0x3  }
0xb7: {  	[tilespmem:s0+$0xFFFFFF10] =	vst v3  }
0xb8: {  	v3 =	vld.idx.msk [tilespmem:v52+s19+$0x0], $0xffff  }
0xb9: {  	v2 =	vor.u32 v1, v2;
	_ =	sdelay $0x3  }
0xba: {  	[tilespmem:s0+$0xFFFFFF80] =	vst v3  }
0xbb: {  	v2 =	vld.idx.msk [tilespmem:v2+s19+$0x0], $0xffff;
	_ =	sdelay $0x4  }
0xbc: {  	s5 =	smin.u32 s29, $0x1A8;
	[tilespmem:s0+$0xFFFFFF90] =	vst v2  }
0xbd: {  	v2 =	vld [tilespmem:s5+$0x210];
	_ =	sdelay $0x1  }
0xbe: {  	v3 =	vld [tilespmem:s5+$0x10];
	_ =	sdelay $0x2  }
0xbf: {  	v2 =	vshll.u32 v2, $0x2  }
0xc0: {  	v2 =	vmul.u32 $0x18700, v2  }
0xc1: {  	v3 =	vand.u32 $0xFFFFFF80, v3  }
0xc2: {  	v3 =	vadd.s32 s2, v3;
	(v2sf) =	vpush v2, $0x0  }
0xc3: {  	(v2sf) =	vpush v3, $0x0  }
0xc4: {  	(v2sf) =	vpush v2, $0x1;
	_ =	sdelay $0x1  }
0xc5: {  	(v2sf) =	vpush v3, $0x1  }
0xc6: {  	(v2sf) =	vpush v2, $0x2;
	_ =	sdelay $0x1  }
0xc7: {  	(v2sf) =	vpush v3, $0x2  }
0xc8: {  	(v2sf) =	vpush v2, $0x3;
	_ =	sdelay $0x1  }
0xc9: {  	(v2sf) =	vpush v3, $0x3  }
0xca: {  	(v2sf) =	vpush v2, $0x4;
	_ =	sdelay $0x1  }
0xcb: {  	(v2sf) =	vpush v3, $0x4  }
0xcc: {  	(v2sf) =	vpush v2, $0x5  }
0xcd: {  	s4 =	spop (v2sf)  }
0xce: {  	(v2sf) =	vpush v3, $0x5;
	s5 =	spop (v2sf)  }
0xcf: {  	(v2sf) =	vpush v2, $0x6;
	s4 =	sadd.s32 s4, s5;
	s5 =	spop (v2sf)  }
0xd0: {  	[tilespmem:s12], [sflag:$0x1] =	stream.strided.gather [hbm4b:s4+s12], $0x1000, s11, s12, $0x38;
	[tilespmem:$0x1E400] =	vst v63  }
0xd1: {  	(v2sf) =	vpush v3, $0x6;
	s4 =	spop (v2sf)  }
0xd2: {  	(v2sf) =	vpush v2, $0x7;
	s4 =	sadd.s32 s5, s4;
	s5 =	spop (v2sf)  }
0xd3: {  	[tilespmem:s13], [sflag:$0x1] =	stream.strided.gather [hbm4b:s4+s12], $0x1000, s11, s12, $0x38;
	[tilespmem:$0x1E400] =	vst v63  }
0xd4: {  	(v2sf) =	vpush v3, $0x7;
	s4 =	spop (v2sf)  }
0xd5: {  	s4 =	sadd.s32 s5, s4;
	s5 =	spop (v2sf)  }
0xd6: {  	[tilespmem:s14], [sflag:$0x1] =	stream.strided.gather [hbm4b:s4+s12], $0x1000, s11, s12, $0x38;
	[tilespmem:$0x1E400] =	vst v63  }
0xd7: {  	s4 =	spop (v2sf)  }
0xd8: {  	s4 =	sadd.s32 s5, s4;
	s5 =	spop (v2sf)  }
0xd9: {  	[tilespmem:s15], [sflag:$0x1] =	stream.strided.gather [hbm4b:s4+s12], $0x1000, s11, s12, $0x38;
	[tilespmem:$0x1E400] =	vst v63  }
0xda: {  	s4 =	spop (v2sf)  }
0xdb: {  	s4 =	sadd.s32 s5, s4;
	s5 =	spop (v2sf)  }
0xdc: {  	[tilespmem:s16], [sflag:$0x1] =	stream.strided.gather [hbm4b:s4+s12], $0x1000, s11, s12, $0x38;
	[tilespmem:$0x1E400] =	vst v63  }
0xdd: {  	s4 =	spop (v2sf)  }
0xde: {  	s4 =	sadd.s32 s5, s4;
	s5 =	spop (v2sf)  }
0xdf: {  	[tilespmem:s17], [sflag:$0x1] =	stream.strided.gather [hbm4b:s4+s12], $0x1000, s11, s12, $0x38;
	[tilespmem:$0x1E400] =	vst v63  }
0xe0: {  	s4 =	spop (v2sf)  }
0xe1: {  	s4 =	sadd.s32 s5, s4;
	s5 =	spop (v2sf)  }
0xe2: {  	[tilespmem:s18], [sflag:$0x1] =	stream.strided.gather [hbm4b:s4+s12], $0x1000, s11, s12, $0x38;
	[tilespmem:$0x1E400] =	vst v63  }
0xe3: {  	s4 =	spop (v2sf)  }
0xe4: {  	s4 =	sadd.s32 s5, s4  }
0xe5: {  	[tilespmem:s19], [sflag:$0x1] =	stream.strided.gather [hbm4b:s4+s12], $0x1000, s11, s12, $0x38;
	[tilespmem:$0x1E400] =	vst v63  }
0xe6: {  	_ =	swait.ge [sflag:s10], $0x1000  }
0xe7: {  	[sflag:s10] =	ssyncset.done $0x0  }
0xe8: {  	[sflag:s10] =	ssyncadd.s32 $0xFFFFF000  }
0xe9: {  	_ =	swait.ge [sflag:s10], $0x1000  }
0xea: {  	[sflag:s10] =	ssyncset.done $0x0  }
0xeb: {  	[sflag:s10] =	ssyncadd.s32 $0xFFFFF000  }
0xec: {  	_ =	swait.ge [sflag:s10], $0x1000  }
0xed: {  	[sflag:s10] =	ssyncset.done $0x0  }
0xee: {  	[sflag:s10] =	ssyncadd.s32 $0xFFFFF000  }
0xef: {  	_ =	swait.ge [sflag:s10], $0x1000  }
0xf0: {  	[sflag:s10] =	ssyncset.done $0x0  }
0xf1: {  	[sflag:s10] =	ssyncadd.s32 $0xFFFFF000  }
0xf2: {  	_ =	swait.ge [sflag:s10], $0x1000  }
0xf3: {  	[sflag:s10] =	ssyncset.done $0x0  }
0xf4: {  	[sflag:s10] =	ssyncadd.s32 $0xFFFFF000  }
0xf5: {  	_ =	swait.ge [sflag:s10], $0x1000  }
0xf6: {  	[sflag:s10] =	ssyncset.done $0x0  }
0xf7: {  	[sflag:s10] =	ssyncadd.s32 $0xFFFFF000  }
0xf8: {  	_ =	swait.ge [sflag:s10], $0x1000  }
0xf9: {  	[sflag:s10] =	ssyncset.done $0x0  }
0xfa: {  	[sflag:s10] =	ssyncadd.s32 $0xFFFFF000  }
0xfb: {  	_ =	swait.ge [sflag:s10], $0x1000  }
0xfc: {  	[sflag:s10] =	ssyncset.done $0x0  }
0xfd: {  	[sflag:s10] =	ssyncadd.s32 $0xFFFFF000  }
0xfe: {  	v2 =	vld [tilespmem:s8+$0x0];
	_ =	sdelay $0x4  }
0xff: {  	v2 =	vand.u32 $0x7F, v2  }
0x100: {  	v3 =	vbroadcast v2, $0x0;
	_ =	sdelay $0x1  }
0x101: {  	v53 =	vor.u32 v0, v3;
	_ =	sdelay $0x4  }
0x102: {  	v4 =	vld.idx.msk [tilespmem:v53+s20+$0x0], $0xffff  }
0x103: {  	v3 =	vor.u32 v1, v3;
	_ =	sdelay $0x3  }
0x104: {  	v54 =	vbroadcast v2, $0x1;
	[tilespmem:s0+$0x0] =	vst v4  }
0x105: {  	v3 =	vld.idx.msk [tilespmem:v3+s20+$0x0], $0xffff  }
0x106: {  	v55 =	vor.u32 v0, v54;
	_ =	sdelay $0x3  }
0x107: {  	[tilespmem:s0+$0x10] =	vst v3  }
0x108: {  	v3 =	vld.idx.msk [tilespmem:v55+s21+$0x0], $0xffff  }
0x109: {  	v4 =	vor.u32 v1, v54;
	_ =	sdelay $0x3  }
0x10a: {  	[tilespmem:s0+$0x80] =	vst v3;
	v3 =	vbroadcast v2, $0x2  }
0x10b: {  	v4 =	vld.idx.msk [tilespmem:v4+s21+$0x0], $0xffff  }
0x10c: {  	v56 =	vor.u32 v0, v3;
	_ =	sdelay $0x3  }
0x10d: {  	[tilespmem:s0+$0x90] =	vst v4  }
0x10e: {  	v4 =	vld.idx.msk [tilespmem:v56+s22+$0x0], $0xffff  }
0x10f: {  	v3 =	vor.u32 v1, v3;
	_ =	sdelay $0x3  }
0x110: {  	v57 =	vbroadcast v2, $0x3;
	[tilespmem:s0+$0x100] =	vst v4  }
0x111: {  	v3 =	vld.idx.msk [tilespmem:v3+s22+$0x0], $0xffff  }
0x112: {  	v58 =	vor.u32 v0, v57;
	_ =	sdelay $0x3  }
0x113: {  	[tilespmem:s0+$0x110] =	vst v3  }
0x114: {  	v3 =	vld.idx.msk [tilespmem:v58+s23+$0x0], $0xffff  }
0x115: {  	v4 =	vor.u32 v1, v57;
	_ =	sdelay $0x3  }
0x116: {  	[tilespmem:s0+$0x180] =	vst v3;
	v3 =	vbroadcast v2, $0x4  }
0x117: {  	v4 =	vld.idx.msk [tilespmem:v4+s23+$0x0], $0xffff  }
0x118: {  	v59 =	vor.u32 v0, v3;
	_ =	sdelay $0x3  }
0x119: {  	[tilespmem:s0+$0x190] =	vst v4  }
0x11a: {  	v4 =	vld.idx.msk [tilespmem:v59+s24+$0x0], $0xffff  }
0x11b: {  	v3 =	vor.u32 v1, v3;
	_ =	sdelay $0x3  }
0x11c: {  	v60 =	vbroadcast v2, $0x5;
	[tilespmem:s0+$0x200] =	vst v4  }
0x11d: {  	v3 =	vld.idx.msk [tilespmem:v3+s24+$0x0], $0xffff  }
0x11e: {  	v61 =	vor.u32 v0, v60;
	_ =	sdelay $0x3  }
0x11f: {  	[tilespmem:s0+$0x210] =	vst v3  }
0x120: {  	v3 =	vld.idx.msk [tilespmem:v61+s25+$0x0], $0xffff  }
0x121: {  	v4 =	vor.u32 v1, v60;
	_ =	sdelay $0x3  }
0x122: {  	[tilespmem:s0+$0x280] =	vst v3;
	v3 =	vbroadcast v2, $0x6  }
0x123: {  	v4 =	vld.idx.msk [tilespmem:v4+s25+$0x0], $0xffff  }
0x124: {  	v62 =	vor.u32 v0, v3;
	_ =	sdelay $0x3  }
0x125: {  	[tilespmem:s0+$0x290] =	vst v4  }
0x126: {  	v4 =	vld.idx.msk [tilespmem:v62+s26+$0x0], $0xffff  }
0x127: {  	v3 =	vor.u32 v1, v3;
	_ =	sdelay $0x3  }
0x128: {  	v2 =	vbroadcast v2, $0x7;
	[tilespmem:s0+$0x300] =	vst v4  }
0x129: {  	v3 =	vld.idx.msk [tilespmem:v3+s26+$0x0], $0xffff  }
0x12a: {  	v63 =	vor.u32 v0, v2;
	_ =	sdelay $0x3  }
0x12b: {  	[tilespmem:s0+$0x310] =	vst v3  }
0x12c: {  	v3 =	vld.idx.msk [tilespmem:v63+s28+$0x0], $0xffff  }
0x12d: {  	v2 =	vor.u32 v1, v2;
	_ =	sdelay $0x3  }
0x12e: {  	[tilespmem:s0+$0x380] =	vst v3  }
0x12f: {  	p0 =	sne.s32 s29, $0x1B0;
	v2 =	vld.idx.msk [tilespmem:v2+s28+$0x0], $0xffff  }
.Ltmp0:
0x130: {  	_ = 	snop;
	(pc) =	sbr.rel @p0 .LBB2_2-.Ltmp0, $3  }
0x131: {  	_ =	sdelay $0x1  }
0x132: {  	s1 =	sadd.s32 $0x10, s1  }
0x133: {  	s29 =	sadd.s32 $0x10, s29;
	s8 =	sadd.s32 $0x10, s8;
	[tilespmem:s0+$0x390] =	vst v2;
	s0 =	sadd.s32 $0x800, s0  }
0x134: {  	_ =	swait.ge [sflag:s9], $0x1000  }
0x135: {  	[sflag:s9] =	ssyncset.done $0x0  }
0x136: {  	[sflag:s9] =	ssyncadd.s32 $0xFFFFF000  }
0x137: {  	_ =	swait.ge [sflag:s9], $0x1000  }
0x138: {  	[sflag:s9] =	ssyncset.done $0x0  }
0x139: {  	[sflag:s9] =	ssyncadd.s32 $0xFFFFF000  }
0x13a: {  	_ =	swait.ge [sflag:s9], $0x1000  }
0x13b: {  	[sflag:s9] =	ssyncset.done $0x0  }
0x13c: {  	[sflag:s9] =	ssyncadd.s32 $0xFFFFF000  }
0x13d: {  	_ =	swait.ge [sflag:s9], $0x1000  }
0x13e: {  	[sflag:s9] =	ssyncset.done $0x0  }
0x13f: {  	[sflag:s9] =	ssyncadd.s32 $0xFFFFF000  }
0x140: {  	_ =	swait.ge [sflag:s9], $0x1000  }
0x141: {  	[sflag:s9] =	ssyncset.done $0x0  }
0x142: {  	[sflag:s9] =	ssyncadd.s32 $0xFFFFF000  }
0x143: {  	_ =	swait.ge [sflag:s9], $0x1000  }
0x144: {  	[sflag:s9] =	ssyncset.done $0x0  }
0x145: {  	[sflag:s9] =	ssyncadd.s32 $0xFFFFF000  }
0x146: {  	_ =	swait.ge [sflag:s9], $0x1000  }
0x147: {  	[sflag:s9] =	ssyncset.done $0x0  }
0x148: {  	[sflag:s9] =	ssyncadd.s32 $0xFFFFF000  }
0x149: {  	s31 =	sadd.s32 $0x1, s31;
	_ =	swait.ge [sflag:s9], $0x1000  }
0x14a: {  	p0 =	sne.s32 s31, s7;
	[sflag:s9] =	ssyncset.done $0x0  }
.Ltmp1:
0x14b: {  	s0 =	simm.s32 $0x10400;
	[sflag:s9] =	ssyncadd.s32 $0xFFFFF000;
	(pc) =	sbr.rel @p0 .LBB2_1-.Ltmp1, $4  }
0x14c: {  	[hbm4b:s6+s3] =	stream.linear.scatter [tilespmem:s0], [sflag:$0x3], $0xE000, $0x38;
	[tilespmem:$0x1E400] =	vst v63  }
0x14d: {  	_ =	swait.ge [sflag:s30], $0xE000  }
0x14e: {  	[sflag:s30] =	ssyncset.done $0x0  }
0x14f: {  	[sflag:s30] =	ssyncadd.s32 $0xFFFF2000  }
0x150: {  	_ =	sfence.sel $0x180000  }
0x151: {  	[bflag:$0x0] =	sbarrier.arrive $0xFFFF  }
0x152: {  	_ =	strace $0x90000047  }
0x153: {  	s0 =	stileid.u32;
	[bflag:$0x2] =	sbarrier.arrive $0xFFFF  }
0x154: {  	p0 =	sne.s32 s0, $0x0;
	s0 =	rddreg [dreg:$0x3]  }
0x155: {  	s0 =	sadd.s32 @!p0 $0x100000, s0  }
0x156: {  	[sflag:s0] =	ssyncadd.tile.s32 @!p0 $0x1;
	_ =	shalt  }
.Lfunc_end2:
_tile_overlayer_lowered:
.L_overlay_start_2:
0x157: {  	(tag) =	ssettag $0x2  }
0x158: {  	s0 =	rddreg [dreg:$0x0];
	s2 =	stileid.u32  }
0x159: {  	s1 =	rddreg [dreg:$0x1];
	p0 =	sne.s32 s2, $0x0  }
0x15a: {  	s3 =	rddreg [dreg:$0x2];
	[bflag:$0x3] =	sbarrier.arrive $0xFFFF;
	s2 =	simm.s32 @!p0 $0x1C03  }
0x15b: {  	[timem:s3], [sflag:s2] =	dma.local @!p0 [hbm:s0], s1  }
0x15c: {  	s0 =	simm.s32 @!p0 $0x3  }
0x15d: {  	_ =	swait.ge @!p0 [sflag:s0], s1  }
0x15e: {  	s1 =	ssub.s32 @!p0 $0x0, s1;
	[sflag:s0] =	ssyncset.done @!p0 $0x0  }
0x15f: {  	[sflag:s0] =	ssyncadd.s32 @!p0 s1  }
0x160: {  	[bflag:$0x3] =	sbarrier.arrive $0xFFFF  }
0x161: {  	_ =	shalt  }

// kernel: kernel.9.cloned.1.call-start
scs
__scs_entry_jumppad:
0x0: {  	(pc) =	sbr.rel $0x88, $3  }
0x1: {  	(tag) =	ssettag $0x0;
	lr =	simm.s32 $0x1  }
0x2: {  	[smem:$0x3F9D] =	sst lr;
	_ =	strace $0xD0000000  }
0x3: {  	_ = 	snop  }
0x4: {  	_ = 	snop  }
0x5: {  	_ = 	snop  }
0x6: {  	_ = 	snop  }
0x7: {  	_ = 	snop  }
__scs_overlays_trampoline_lowered:
0x8: {  	[smem:$0x3FAC] =	sst s0  }
0x9: {  	[smem:$0x3FAD] =	sst s1  }
0xa: {  	[smem:$0x3FAE] =	sst s2  }
0xb: {  	[smem:$0x3FAF] =	sst s3  }
0xc: {  	[smem:$0x3FB0] =	sst s4  }
0xd: {  	[smem:$0x3FB1] =	sst s5  }
0xe: {  	[smem:$0x3FB2] =	sst s6  }
0xf: {  	[smem:$0x3FB3] =	sst s7  }
0x10: {  	[smem:$0x3FB4] =	sst s8  }
0x11: {  	[smem:$0x3FB5] =	sst s9;
	s0 =	simm.s32 @!p0 $0x0  }
0x12: {  	s1 =	sld [smem:$0x3F9B];
	s0 =	simm.s32 @p0 $0x1  }
0x13: {  	[smem:$0x3FB6] =	sst s0;
	s0 =	simm.s32 @!p1 $0x0  }
0x14: {  	s2 =	sld [smem:$0x3F9A];
	s0 =	simm.s32 @p1 $0x1  }
0x15: {  	[smem:$0x3FB7] =	sst s0;
	s0 =	simm.s32 @!p2 $0x0  }
0x16: {  	s3 =	sld [smem:$0x3FDB];
	s0 =	simm.s32 @p2 $0x1  }
0x17: {  	s4 =	simm.s32 $0x1BF5;
	[smem:$0x3FB9] =	sst s0  }
0x18: {  	s0 =	sld [smem:$0x3F9C];
	_ =	swait.ge [sflag:s4], $0x0  }
0x19: {  	s7 =	sld [smem:$0x3F9D]  }
0x1a: {  	s8 =	sadd.s32 $0xFFFFE003, lr  }
0x1b: {  	s9 =	sadd.s32 $0xFFFFFEF7, lr;
	s5 =	simm.s32 $0xFFFFFFFF;
	p2 =	slt.u32 s8, $0xFFFFF086  }
0x1c: {  	p1 =	slt.u32 s9, $0xF7A;
	s5 =	simm.s32 @!p2 $0x0  }
0x1d: {  	s5 =	simm.s32 @p1 $0x1;
	p0 =	seq.s32 s7, s2  }
0x1e: {  	s7 =	smul.u32 @!p0 $0xF7A, s2;
	p2 =	seq.s32 @!p0 s5, $0x0  }
0x1f: {  	s9 =	smul.u32 $0xF7A, s1;
	s8 =	simm.s32 @!p0 $0x1BF5;
	p2 =	por !p2, p0  }
0x20: {  	[sflag:s8] =	ssyncset.s32 @!p0 $0xFFFFF086;
	s6 =	sadd.s32 @!p0 s3, s7;
	s7 =	simm.s32 @!p0 $0x108  }
0x21: {  	s3 =	sadd.s32 s3, s9;
	s6 =	sadd.s32 @!p0 $0x88, s6;
	s7 =	simm.s32 @p2 $0x1082  }
0x22: {  	[simem:s7], [sflag:s8] =	dma.local @!p0 [hbm:s6], $0xF7A  }
0x23: {  	s9 =	sor.u32 $0xD0000000, s2;
	s6 =	simm.s32 $0x108;
	_ =	swait.ge @!p0 [sflag:s8], $0x0  }
0x24: {  	s3 =	sadd.s32 $0x88, s3;
	s6 =	simm.s32 @!p1 $0x1082;
	[sflag:s4] =	ssyncset.s32 $0xFFFFF086  }
0x25: {  	[simem:s6], [sflag:s4] =	dma.local [hbm:s3], $0xF7A  }
0x26: {  	[smem:$0x3F9D] =	sst s1;
	(tag) =	ssettag s2;
	_ =	strace s9  }
0x27: {  	s1 =	sld [smem:$0x3FAD]  }
0x28: {  	s2 =	sld [smem:$0x3FAE]  }
0x29: {  	s4 =	sld [smem:$0x3FB0]  }
0x2a: {  	p0 =	seq.s32 s5, $0x0;
	s5 =	sld [smem:$0x3FB1]  }
0x2b: {  	s6 =	sld [smem:$0x3FB2]  }
0x2c: {  	s7 =	sld [smem:$0x3FB3]  }
0x2d: {  	s3 =	simm.s32 $0x108;
	s8 =	sld [smem:$0x3FB4]  }
0x2e: {  	s3 =	simm.s32 @!p0 $0x1082;
	s9 =	sld [smem:$0x3FB5]  }
0x2f: {  	lr =	sadd.s32 s0, s3;
	s0 =	sld [smem:$0x3FAC]  }
0x30: {  	s3 =	sld [smem:$0x3FAF]  }
0x31: {  	[smem:$0x3FB8] =	sst s10  }
0x32: {  	s10 =	sld [smem:$0x3FB6];
	_ =	sdelay $0x3  }
0x33: {  	p0 =	seq.s32 s10, $0x1;
	s10 =	sld [smem:$0x3FB8];
	_ =	sdelay $0x3  }
0x34: {  	[smem:$0x3FB8] =	sst s10  }
0x35: {  	s10 =	sld [smem:$0x3FB7];
	_ =	sdelay $0x3  }
0x36: {  	p1 =	seq.s32 s10, $0x1;
	s10 =	sld [smem:$0x3FB8];
	_ =	sdelay $0x3  }
0x37: {  	[smem:$0x3FB8] =	sst s10  }
0x38: {  	s10 =	sld [smem:$0x3FB9]  }
0x39: {  	_ = 	snop;
	(pc) =	sbr.ind lr, $3  }
0x3a: {  	_ = 	snop  }
0x3b: {  	_ = 	snop  }
0x3c: {  	p2 =	seq.s32 s10, $0x1;
	s10 =	sld [smem:$0x3FB8]  }
0x3d: {  	_ =	shalt  }
0x3e: {  	_ =	shalt  }
0x3f: {  	_ =	shalt  }
0x40: {  	_ =	shalt  }
0x41: {  	_ =	shalt  }
0x42: {  	_ =	shalt  }
0x43: {  	_ =	shalt  }
0x44: {  	_ =	shalt  }
0x45: {  	_ =	shalt  }
0x46: {  	_ =	shalt  }
0x47: {  	_ =	shalt  }
0x48: {  	_ =	shalt  }
0x49: {  	_ =	shalt  }
0x4a: {  	_ =	shalt  }
0x4b: {  	_ =	shalt  }
0x4c: {  	_ =	shalt  }
0x4d: {  	_ =	shalt  }
0x4e: {  	_ =	shalt  }
0x4f: {  	_ =	shalt  }
0x50: {  	_ =	shalt  }
0x51: {  	_ =	shalt  }
0x52: {  	_ =	shalt  }
0x53: {  	_ =	shalt  }
0x54: {  	_ =	shalt  }
0x55: {  	_ =	shalt  }
0x56: {  	_ =	shalt  }
0x57: {  	_ =	shalt  }
0x58: {  	_ =	shalt  }
0x59: {  	_ =	shalt  }
0x5a: {  	_ =	shalt  }
0x5b: {  	_ =	shalt  }
0x5c: {  	_ =	shalt  }
0x5d: {  	_ =	shalt  }
0x5e: {  	_ =	shalt  }
0x5f: {  	_ =	shalt  }
0x60: {  	_ =	shalt  }
0x61: {  	_ =	shalt  }
0x62: {  	_ =	shalt  }
0x63: {  	_ =	shalt  }
0x64: {  	_ =	shalt  }
0x65: {  	_ =	shalt  }
0x66: {  	_ =	shalt  }
0x67: {  	_ =	shalt  }
0x68: {  	_ =	shalt  }
0x69: {  	_ =	shalt  }
0x6a: {  	_ =	shalt  }
0x6b: {  	_ =	shalt  }
0x6c: {  	_ =	shalt  }
0x6d: {  	_ =	shalt  }
0x6e: {  	_ =	shalt  }
0x6f: {  	_ =	shalt  }
0x70: {  	_ =	shalt  }
0x71: {  	_ =	shalt  }
0x72: {  	_ =	shalt  }
0x73: {  	_ =	shalt  }
0x74: {  	_ =	shalt  }
0x75: {  	_ =	shalt  }
0x76: {  	_ =	shalt  }
0x77: {  	_ =	shalt  }
0x78: {  	_ =	shalt  }
0x79: {  	_ =	shalt  }
0x7a: {  	_ =	shalt  }
0x7b: {  	_ =	shalt  }
0x7c: {  	_ =	shalt  }
0x7d: {  	_ =	shalt  }
0x7e: {  	_ =	shalt  }
0x7f: {  	_ =	shalt  }
0x80: {  	_ =	shalt  }
0x81: {  	_ =	shalt  }
0x82: {  	_ =	shalt  }
0x83: {  	_ =	shalt  }
0x84: {  	_ =	shalt  }
0x85: {  	_ =	shalt  }
0x86: {  	_ =	shalt  }
0x87: {  	_ =	shalt  }
.Lfunc_end0:
.L_simem_size_0:
called_computation.1_lowered:
.L_overlay_start_0:
0x88: {  	s2 =	sld [smem:$0x3FD9]  }
0x89: {  	s3 =	sld [smem:$0x3FFE];
	_ =	sdelay $0x1  }
0x8a: {  	s1 =	srdreg.scid  }
0x8b: {  	s0 =	sand.u32 $0x1, s1  }
0x8c: {  	s17 =	sshll.u32 s0, $0xA;
	s2 =	sadd.s32 s3, s2  }
0x8d: {  	s2 =	sadd.s32 s2, s17  }
0x8e: {  	[smem:$0x3FC4] =	sst s2  }
0x8f: {  	_ = 	snop  }
0x90: {  	s18 =	sld [smem:$0x3FC7];
	(tm) =	ssettm $0x1  }
0x91: {  	s19 =	sld [smem:$0x3FFB];
	_ =	sdelay $0x3  }
0x92: {  	_ =	strace s19  }
0x93: {  	s2 =	sld [smem:$0x3FFC];
	_ =	sdelay $0x3  }
0x94: {  	_ =	strace s2  }
0x95: {  	s2 =	sld [smem:$0x3FFD];
	_ =	sdelay $0x3  }
0x96: {  	_ =	strace s2  }
0x97: {  	_ =	strace $0x8FFFFFFF  }
0x98: {  	s20 =	sld [smem:$0x3FDB];
	_ =	sdelay $0x1  }
0x99: {  	s4 =	simm.s32 $_scs_section_size  }
0x9a: {  	s5 =	simm.s32 $_size__tile_overlayer_lowered;
	s6 =	simm.s32 $_tile_overlayer_lowered  }
0x9b: {  	s7 =	simm.s32 $0x1BFF;
	s21 =	sshll.u32 s6, $0x1;
	s4 =	sadd.s32 s4, s20  }
0x9c: {  	s22 =	simm.s32 $0x0;
	s5 =	sshll.u32 s5, $0x1;
	s6 =	sadd.s32 s21, s4  }
0x9d: {  	[timem:s22], [sflag:s7] =	dma.local [hbm:s6], s5  }
0x9e: {  	_ =	swait.ge [sflag:s7], s5  }
0x9f: {  	s5 =	ssub.s32 $0x0, s5;
	[sflag:s7] =	ssyncset.done $0x0  }
0xa0: {  	[sflag:s7] =	ssyncadd.s32 s5;
	_ =	sdelay $0x1  }
0xa1: {  	s23 =	simm.s32 $0x1B8B  }
0xa2: {  	_ =	swait.ge [sflag:s23], $0x1  }
0xa3: {  	[sflag:s23] =	ssyncset.done $0x0  }
0xa4: {  	[sflag:s23] =	ssyncadd.s32 $0xFFFFFFFF  }
0xa5: {  	s5 =	sld [smem:$0x0]  }
0xa6: {  	s6 =	sand.u32 $0xFFFFFFFE, s1  }
0xa7: {  	p0 =	sne.s32 s1, s6  }
0xa8: {  	s6 =	sshll.u32 @p0 s6, $0xE  }
0xa9: {  	s6 =	sadd.s32 @p0 $0x11B8D, s6;
	s7 =	sshll.u32 @p0 s5, $0x11  }
0xaa: {  	s6 =	sor.u32 @p0 s7, s6  }
0xab: {  	[sflag:s6] =	ssyncadd.remote.s32 @p0 $0x1;
	_ =	sdelay $0x1  }
0xac: {  	s6 =	simm.s32 @p0 $0x1B8D  }
0xad: {  	_ =	swait.eq @p0 [sflag:s6], $0x1  }
0xae: {  	[sflag:s6] =	ssyncadd.s32 @p0 $0xFFFFFFFF  }
0xaf: {  	s7 =	sshll.u32 @!p0 s1, $0xE  }
0xb0: {  	s7 =	sor.u32 @!p0 $0x4000, s7;
	s6 =	simm.s32 @!p0 $0x1B8D  }
0xb1: {  	s5 =	sshll.u32 @!p0 s5, $0x11;
	s7 =	sadd.s32 @!p0 $0x11B8D, s7;
	_ =	swait.eq @!p0 [sflag:s6], $0x1  }
0xb2: {  	s5 =	sor.u32 @!p0 s5, s7;
	[sflag:s6] =	ssyncadd.s32 @!p0 $0xFFFFFFFF  }
0xb3: {  	s25 =	simm.s32 $0x1B8E;
	s24 =	sld [smem:$0x3FFE];
	[sflag:s5] =	ssyncadd.remote.s32 @!p0 $0x1  }
0xb4: {  	s26 =	simm.s32 $execute0_lowered;
	[smem:$0x3FD2] =	sst s25  }
0xb5: {  	s6 =	sshll.u32 s26, $0x1;
	_ =	strace $0x80000049;
	[dreg:$0x1] =	wrdreg $0xFFFFFFFF  }
0xb6: {  	s28 =	simm.s32 $_size_execute0_lowered;
	s4 =	sadd.s32 s4, s6;
	[dreg:$0x0] =	wrdreg $0x0  }
0xb7: {  	s6 =	sshll.u32 s28, $0x1;
	[dreg:$0x2] =	wrdreg s4  }
0xb8: {  	[dreg:$0x3] =	wrdreg s6  }
0xb9: {  	[dreg:$0x4] =	wrdreg $0xC0  }
0xba: {  	_ =	task [dreg:s22], $0x5FFFF  }
0xbb: {  	[dreg:$0x1] =	wrdreg $0xFFFFFFFF  }
0xbc: {  	[dreg:$0x0] =	wrdreg $0x60  }
0xbd: {  	[dreg:$0x2] =	wrdreg s24  }
0xbe: {  	[dreg:$0x3] =	wrdreg s18  }
0xbf: {  	[dreg:$0x4] =	wrdreg $0xA  }
0xc0: {  	_ =	task.clear_ibuf [dreg:s22], $0x5FFFF;
	_ =	strace $0x90000049  }
0xc1: {  	s29 =	simm.s32 $0xA;
	_ =	strace $0x8000004B  }
0xc2: {  	_ =	swait.ge [sflag:s29], $0x1  }
0xc3: {  	[sflag:s29] =	ssyncadd.s32 $0xFFFFFFFF  }
0xc4: {  	_ =	strace $0x9000004B  }
0xc5: {  	_ =	sfence  }
0xc6: {  	s30 =	sld [smem:$0x0];
	_ =	sdelay $0x2  }
0xc7: {  	s31 =	sshll.u32 s1, $0xD;
	s1 =	sshrl.u32 s1, $0x2  }
0xc8: {  	s4 =	sand.u32 $0x4000, s31;
	s1 =	sadd.s32 s1, s30  }
0xc9: {  	s0 =	sor.u32 s4, s0;
	s1 =	sshll.u32 s1, $0x11  }
0xca: {  	s0 =	sor.u32 s1, s0  }
0xcb: {  	s0 =	sadd.s32 $0x8F2B, s0  }
0xcc: {  	[sflag:s0] =	ssyncadd.remote.s32 $0x1  }
0xcd: {  	_ =	sfence.sel $0xFFFF  }
0xce: {  	[dreg:$0x0] =	wrdreg $0xFFFFFFFF;
	(pc) =	sbr.abs _section_cstart, $3  }
0xcf: {  	[dreg:$0x1] =	wrdreg $0xFFFFFFFF  }
0xd0: {  	_ =	task.clear_ibuf [dreg:s22], $0x2FFFF;
	_ =	strace $0x9FFFFFFF  }
0xd1: {  	(tm) =	ssettm $0x7FFFFFFF  }
tec
execute0_lowered:
.L_overlay_start_1:
0x0: {  	(tag) =	ssettag $0x1  }
0x1: {  	s0 =	rddreg [dreg:$0x0]  }
0x2: {  	s2 =	rddreg [dreg:$0x1]  }
0x3: {  	s1 =	srdreg.scid;
	s4 =	stileid.u32;
	s3 =	simm.s32 $0x0  }
0x4: {  	s9 =	simm.s32 $0x1;
	s10 =	simm.s32 $0x2;
	s11 =	simm.s32 $0x400  }
0x5: {  	s12 =	simm.s32 $0xC3800;
	s13 =	simm.s32 $0x100;
	s14 =	simm.s32 $0x1100  }
0x6: {  	s15 =	simm.s32 $0x2100;
	s16 =	simm.s32 $0x3100;
	s17 =	simm.s32 $0x4100  }
0x7: {  	s18 =	simm.s32 $0x5100;
	s19 =	simm.s32 $0x6100;
	s20 =	simm.s32 $0x7100  }
0x8: {  	s21 =	simm.s32 $0x8100;
	s22 =	simm.s32 $0x9100;
	s23 =	simm.s32 $0xA100  }
0x9: {  	s24 =	simm.s32 $0xB100;
	s25 =	simm.s32 $0xC100;
	s1 =	sand.u32 $0x1, s1  }
0xa: {  	s28 =	simm.s32 $0xE100;
	s4 =	sshll.u32 s4, $0x7;
	s5 =	sshll.u32 s1, $0x6  }
0xb: {  	s29 =	simm.s32 $0xF100;
	s31 =	simm.s32 $0x3;
	s4 =	sor.u32 s5, s4  }
0xc: {  	[smem:$0x7FF] =	sst s3;
	s1 =	ssub.s32 $0x2, s1;
	s5 =	sshrl.u32 s4, $0x3  }
0xd: {  	_ =	strace $0x8000004A;
	s6 =	sshrl.u32 s1, $0x1;
	s5 =	sadd.s32 s5, s0  }
0xe: {  	v0 =	vlaneseq.u32;
	s4 =	sshll.u32 s4, $0x4;
	s1 =	ssub.s32 s1, s6;
	s26 =	sadd.s32 $0x1E00, s5  }
0xf: {  	v0 =	vmul.u32 $0x80, v0;
	s0 =	sadd.s32 s4, s0;
	s30 =	sadd.s32 $0x2000, s5;
	[dreg:$0x3] =	wrdreg s26  }
0x10: {  	s7 =	smax.u32 s1, $0x1;
	s0 =	sadd.s32 $0x2200, s0;
	[dreg:$0x4] =	wrdreg s30  }
0x11: {  	v1 =	vor.u32 $0x800, v0;
	[dreg:$0x5] =	wrdreg s0;
	s26 =	simm.s32 $0xD100;
	s0 =	simm.s32 $0x0  }
.LBB2_1:
0x12: {  	s1 =	rddreg [dreg:$0x3]  }
0x13: {  	[tilespmem:s3], [sflag:$0x1] =	stream.linear.gather [hbm4b:s1+s3], $0x40, $0x38;
	[tilespmem:$0x12100] =	vst v63  }
0x14: {  	s8 =	rddreg [dreg:$0x4];
	s4 =	simm.s32 $0x80  }
0x15: {  	[tilespmem:s4], [sflag:$0x2] =	stream.linear.gather [hbm4b:s8+s3], $0x40, $0x38;
	[tilespmem:$0x12100] =	vst v63  }
0x16: {  	_ =	swait.ge [sflag:s9], $0x40  }
0x17: {  	[sflag:s9] =	ssyncset.done $0x0  }
0x18: {  	[sflag:s9] =	ssyncadd.s32 $0xFFFFFFC0  }
0x19: {  	_ =	swait.ge [sflag:s10], $0x40  }
0x1a: {  	[sflag:s10] =	ssyncset.done $0x0  }
0x1b: {  	[sflag:s10] =	ssyncadd.s32 $0xFFFFFFC0  }
0x1c: {  	v2 =	vld [tilespmem:$0x80];
	_ =	sdelay $0x1  }
0x1d: {  	v3 =	vld [tilespmem:$0x0];
	_ =	sdelay $0x2  }
0x1e: {  	v2 =	vshll.u32 v2, $0x2  }
0x1f: {  	v2 =	vmul.u32 $0x18700, v2  }
0x20: {  	v3 =	vand.u32 $0xFFFFFF80, v3  }
0x21: {  	v3 =	vadd.s32 s2, v3;
	(v2sf) =	vpush v2, $0x0  }
0x22: {  	(v2sf) =	vpush v3, $0x0  }
0x23: {  	(v2sf) =	vpush v2, $0x1  }
0x24: {  	(v2sf) =	vpush v3, $0x1;
	_ =	sdelay $0x1  }
0x25: {  	(v2sf) =	vpush v2, $0x2  }
0x26: {  	(v2sf) =	vpush v3, $0x2;
	_ =	sdelay $0x1  }
0x27: {  	(v2sf) =	vpush v2, $0x3  }
0x28: {  	(v2sf) =	vpush v3, $0x3;
	_ =	sdelay $0x1  }
0x29: {  	(v2sf) =	vpush v2, $0x4  }
0x2a: {  	(v2sf) =	vpush v3, $0x4;
	_ =	sdelay $0x1  }
0x2b: {  	(v2sf) =	vpush v2, $0x5  }
0x2c: {  	s4 =	spop (v2sf)  }
0x2d: {  	(v2sf) =	vpush v3, $0x5;
	s5 =	spop (v2sf)  }
0x2e: {  	(v2sf) =	vpush v2, $0x6;
	s8 =	spop (v2sf)  }
0x2f: {  	s1 =	sadd.s32 s4, s5;
	(v2sf) =	vpush v3, $0x6;
	s6 =	spop (v2sf)  }
0x30: {  	[tilespmem:s13], [sflag:$0x1] =	stream.strided.gather [hbm4b:s1+s11], $0x1000, s12, s11, $0x38;
	[tilespmem:$0x12100] =	vst v63  }
0x31: {  	(v2sf) =	vpush v2, $0x7;
	s5 =	spop (v2sf)  }
0x32: {  	s4 =	sadd.s32 s8, s6;
	s30 =	spop (v2sf)  }
0x33: {  	(v2sf) =	vpush v3, $0x7;
	[tilespmem:s14], [sflag:$0x1] =	stream.strided.gather [hbm4b:s4+s11], $0x1000, s12, s11, $0x38;
	[tilespmem:$0x12100] =	vst v63  }
0x34: {  	s8 =	spop (v2sf)  }
0x35: {  	s1 =	sadd.s32 s5, s30;
	s6 =	spop (v2sf)  }
0x36: {  	[tilespmem:s15], [sflag:$0x1] =	stream.strided.gather [hbm4b:s1+s11], $0x1000, s12, s11, $0x38;
	[tilespmem:$0x12100] =	vst v63  }
0x37: {  	s30 =	spop (v2sf)  }
0x38: {  	s4 =	sadd.s32 s8, s6;
	s5 =	spop (v2sf)  }
0x39: {  	[tilespmem:s16], [sflag:$0x1] =	stream.strided.gather [hbm4b:s4+s11], $0x1000, s12, s11, $0x38;
	[tilespmem:$0x12100] =	vst v63  }
0x3a: {  	s8 =	spop (v2sf);
	s1 =	sadd.s32 s30, s5  }
0x3b: {  	[tilespmem:s17], [sflag:$0x1] =	stream.strided.gather [hbm4b:s1+s11], $0x1000, s12, s11, $0x38;
	[tilespmem:$0x12100] =	vst v63  }
0x3c: {  	s6 =	spop (v2sf)  }
0x3d: {  	s30 =	spop (v2sf)  }
0x3e: {  	s4 =	sadd.s32 s8, s6;
	s5 =	spop (v2sf)  }
0x3f: {  	[tilespmem:s18], [sflag:$0x1] =	stream.strided.gather [hbm4b:s4+s11], $0x1000, s12, s11, $0x38;
	[tilespmem:$0x12100] =	vst v63  }
0x40: {  	s6 =	spop (v2sf);
	s1 =	sadd.s32 s30, s5  }
0x41: {  	[tilespmem:s19], [sflag:$0x1] =	stream.strided.gather [hbm4b:s1+s11], $0x1000, s12, s11, $0x38;
	[tilespmem:$0x12100] =	vst v63  }
0x42: {  	s8 =	spop (v2sf)  }
0x43: {  	s4 =	simm.s32 $0x0;
	s1 =	sadd.s32 s6, s8  }
0x44: {  	[tilespmem:s20], [sflag:$0x1] =	stream.strided.gather [hbm4b:s1+s11], $0x1000, s12, s11, $0x38;
	[tilespmem:$0x12100] =	vst v63  }
0x45: {  	s30 =	simm.s32 $0x8;
	s8 =	simm.s32 $0x10500;
	s1 =	simm.s32 $0x88  }
.LBB2_2:
0x46: {  	v2 =	vld [tilespmem:s1+$0x0];
	_ =	sdelay $0x1  }
0x47: {  	v3 =	vld [tilespmem:s30+$0x0];
	_ =	sdelay $0x2  }
0x48: {  	v2 =	vshll.u32 v2, $0x2  }
0x49: {  	v2 =	vmul.u32 $0x18700, v2  }
0x4a: {  	v3 =	vand.u32 $0xFFFFFF80, v3  }
0x4b: {  	v3 =	vadd.s32 s2, v3;
	(v2sf) =	vpush v2, $0x0  }
0x4c: {  	(v2sf) =	vpush v3, $0x0;
	_ =	sdelay $0x2  }
0x4d: {  	(v2sf) =	vpush v2, $0x1  }
0x4e: {  	(v2sf) =	vpush v3, $0x1;
	_ =	sdelay $0x2  }
0x4f: {  	(v2sf) =	vpush v2, $0x2  }
0x50: {  	(v2sf) =	vpush v3, $0x2;
	_ =	sdelay $0x2  }
0x51: {  	(v2sf) =	vpush v2, $0x3  }
0x52: {  	(v2sf) =	vpush v3, $0x3;
	_ =	sdelay $0x1  }
0x53: {  	s5 =	spop (v2sf)  }
0x54: {  	(v2sf) =	vpush v2, $0x4;
	s6 =	spop (v2sf)  }
0x55: {  	(v2sf) =	vpush v3, $0x4;
	s5 =	sadd.s32 s5, s6  }
0x56: {  	[tilespmem:s21], [sflag:$0x2] =	stream.strided.gather [hbm4b:s5+s11], $0x1000, s12, s11, $0x38;
	[tilespmem:$0x12100] =	vst v63  }
0x57: {  	s5 =	spop (v2sf)  }
0x58: {  	(v2sf) =	vpush v2, $0x5;
	s6 =	spop (v2sf)  }
0x59: {  	(v2sf) =	vpush v3, $0x5;
	s5 =	sadd.s32 s5, s6  }
0x5a: {  	[tilespmem:s22], [sflag:$0x2] =	stream.strided.gather [hbm4b:s5+s11], $0x1000, s12, s11, $0x38;
	[tilespmem:$0x12100] =	vst v63  }
0x5b: {  	s5 =	spop (v2sf)  }
0x5c: {  	s6 =	spop (v2sf);
	(v2sf) =	vpush v2, $0x6  }
0x5d: {  	s5 =	sadd.s32 s5, s6;
	(v2sf) =	vpush v3, $0x6  }
0x5e: {  	[tilespmem:s23], [sflag:$0x2] =	stream.strided.gather [hbm4b:s5+s11], $0x1000, s12, s11, $0x38;
	[tilespmem:$0x12100] =	vst v63  }
0x5f: {  	s5 =	spop (v2sf)  }
0x60: {  	(v2sf) =	vpush v2, $0x7;
	s6 =	spop (v2sf)  }
0x61: {  	(v2sf) =	vpush v3, $0x7;
	s5 =	sadd.s32 s5, s6  }
0x62: {  	[tilespmem:s24], [sflag:$0x2] =	stream.strided.gather [hbm4b:s5+s11], $0x1000, s12, s11, $0x38;
	[tilespmem:$0x12100] =	vst v63  }
0x63: {  	s5 =	spop (v2sf)  }
0x64: {  	s6 =	spop (v2sf)  }
0x65: {  	s5 =	sadd.s32 s5, s6  }
0x66: {  	[tilespmem:s25], [sflag:$0x2] =	stream.strided.gather [hbm4b:s5+s11], $0x1000, s12, s11, $0x38;
	[tilespmem:$0x12100] =	vst v63  }
0x67: {  	s5 =	spop (v2sf)  }
0x68: {  	s6 =	spop (v2sf)  }
0x69: {  	s5 =	sadd.s32 s5, s6  }
0x6a: {  	[tilespmem:s26], [sflag:$0x2] =	stream.strided.gather [hbm4b:s5+s11], $0x1000, s12, s11, $0x38;
	[tilespmem:$0x12100] =	vst v63  }
0x6b: {  	s5 =	spop (v2sf)  }
0x6c: {  	s6 =	spop (v2sf)  }
0x6d: {  	s5 =	sadd.s32 s5, s6  }
0x6e: {  	[tilespmem:s28], [sflag:$0x2] =	stream.strided.gather [hbm4b:s5+s11], $0x1000, s12, s11, $0x38;
	[tilespmem:$0x12100] =	vst v63  }
0x6f: {  	s5 =	spop (v2sf)  }
0x70: {  	s6 =	spop (v2sf)  }
0x71: {  	s5 =	sadd.s32 s5, s6  }
0x72: {  	[tilespmem:s29], [sflag:$0x2] =	stream.strided.gather [hbm4b:s5+s11], $0x1000, s12, s11, $0x38;
	[tilespmem:$0x12100] =	vst v63  }
0x73: {  	_ =	swait.ge [sflag:s9], $0x1000  }
0x74: {  	[sflag:s9] =	ssyncset.done $0x0  }
0x75: {  	[sflag:s9] =	ssyncadd.s32 $0xFFFFF000  }
0x76: {  	_ =	swait.ge [sflag:s9], $0x1000  }
0x77: {  	[sflag:s9] =	ssyncset.done $0x0  }
0x78: {  	[sflag:s9] =	ssyncadd.s32 $0xFFFFF000  }
0x79: {  	_ =	swait.ge [sflag:s9], $0x1000  }
0x7a: {  	[sflag:s9] =	ssyncset.done $0x0  }
0x7b: {  	[sflag:s9] =	ssyncadd.s32 $0xFFFFF000  }
0x7c: {  	_ =	swait.ge [sflag:s9], $0x1000  }
0x7d: {  	[sflag:s9] =	ssyncset.done $0x0  }
0x7e: {  	[sflag:s9] =	ssyncadd.s32 $0xFFFFF000  }
0x7f: {  	_ =	swait.ge [sflag:s9], $0x1000  }
0x80: {  	[sflag:s9] =	ssyncset.done $0x0  }
0x81: {  	[sflag:s9] =	ssyncadd.s32 $0xFFFFF000  }
0x82: {  	_ =	swait.ge [sflag:s9], $0x1000  }
0x83: {  	[sflag:s9] =	ssyncset.done $0x0  }
0x84: {  	[sflag:s9] =	ssyncadd.s32 $0xFFFFF000  }
0x85: {  	_ =	swait.ge [sflag:s9], $0x1000  }
0x86: {  	[sflag:s9] =	ssyncset.done $0x0  }
0x87: {  	[sflag:s9] =	ssyncadd.s32 $0xFFFFF000  }
0x88: {  	_ =	swait.ge [sflag:s9], $0x1000  }
0x89: {  	[sflag:s9] =	ssyncset.done $0x0  }
0x8a: {  	[sflag:s9] =	ssyncadd.s32 $0xFFFFF000  }
0x8b: {  	v2 =	vld [tilespmem:s30+$0xFFFFFFF8];
	_ =	sdelay $0x4  }
0x8c: {  	v2 =	vand.u32 $0x7F, v2  }
0x8d: {  	v3 =	vbroadcast v2, $0x0;
	_ =	sdelay $0x1  }
0x8e: {  	v4 =	vor.u32 v0, v3;
	_ =	sdelay $0x4  }
0x8f: {  	v4 =	vld.idx.msk [tilespmem:v4+s13+$0x0], $0xffff  }
0x90: {  	v3 =	vor.u32 v1, v3;
	_ =	sdelay $0x3  }
0x91: {  	v44 =	vbroadcast v2, $0x1;
	[tilespmem:s8+$0xFFFFFC00] =	vst v4  }
0x92: {  	v3 =	vld.idx.msk [tilespmem:v3+s13+$0x0], $0xffff  }
0x93: {  	v5 =	vor.u32 v0, v44;
	_ =	sdelay $0x3  }
0x94: {  	[tilespmem:s8+$0xFFFFFC10] =	vst v3  }
0x95: {  	v3 =	vld.idx.msk [tilespmem:v5+s14+$0x0], $0xffff  }
0x96: {  	v4 =	vor.u32 v1, v44;
	_ =	sdelay $0x3  }
0x97: {  	[tilespmem:s8+$0xFFFFFC80] =	vst v3;
	v3 =	vbroadcast v2, $0x2  }
0x98: {  	v4 =	vld.idx.msk [tilespmem:v4+s14+$0x0], $0xffff  }
0x99: {  	v45 =	vor.u32 v0, v3;
	_ =	sdelay $0x3  }
0x9a: {  	[tilespmem:s8+$0xFFFFFC90] =	vst v4  }
0x9b: {  	v4 =	vld.idx.msk [tilespmem:v45+s15+$0x0], $0xffff  }
0x9c: {  	v3 =	vor.u32 v1, v3;
	_ =	sdelay $0x3  }
0x9d: {  	v46 =	vbroadcast v2, $0x3;
	[tilespmem:s8+$0xFFFFFD00] =	vst v4  }
0x9e: {  	v3 =	vld.idx.msk [tilespmem:v3+s15+$0x0], $0xffff  }
0x9f: {  	v47 =	vor.u32 v0, v46;
	_ =	sdelay $0x3  }
0xa0: {  	[tilespmem:s8+$0xFFFFFD10] =	vst v3  }
0xa1: {  	v3 =	vld.idx.msk [tilespmem:v47+s16+$0x0], $0xffff  }
0xa2: {  	v4 =	vor.u32 v1, v46;
	_ =	sdelay $0x3  }
0xa3: {  	[tilespmem:s8+$0xFFFFFD80] =	vst v3;
	v3 =	vbroadcast v2, $0x4  }
0xa4: {  	v4 =	vld.idx.msk [tilespmem:v4+s16+$0x0], $0xffff  }
0xa5: {  	v48 =	vor.u32 v0, v3;
	_ =	sdelay $0x3  }
0xa6: {  	[tilespmem:s8+$0xFFFFFD90] =	vst v4  }
0xa7: {  	v4 =	vld.idx.msk [tilespmem:v48+s17+$0x0], $0xffff  }
0xa8: {  	v3 =	vor.u32 v1, v3;
	_ =	sdelay $0x3  }
0xa9: {  	v49 =	vbroadcast v2, $0x5;
	[tilespmem:s8+$0xFFFFFE00] =	vst v4  }
0xaa: {  	v3 =	vld.idx.msk [tilespmem:v3+s17+$0x0], $0xffff  }
0xab: {  	v50 =	vor.u32 v0, v49;
	_ =	sdelay $0x3  }
0xac: {  	[tilespmem:s8+$0xFFFFFE10] =	vst v3  }
0xad: {  	v3 =	vld.idx.msk [tilespmem:v50+s18+$0x0], $0xffff  }
0xae: {  	v4 =	vor.u32 v1, v49;
	_ =	sdelay $0x3  }
0xaf: {  	[tilespmem:s8+$0xFFFFFE80] =	vst v3;
	v3 =	vbroadcast v2, $0x6  }
0xb0: {  	v4 =	vld.idx.msk [tilespmem:v4+s18+$0x0], $0xffff  }
0xb1: {  	v51 =	vor.u32 v0, v3;
	_ =	sdelay $0x3  }
0xb2: {  	[tilespmem:s8+$0xFFFFFE90] =	vst v4  }
0xb3: {  	v4 =	vld.idx.msk [tilespmem:v51+s19+$0x0], $0xffff  }
0xb4: {  	v3 =	vor.u32 v1, v3;
	_ =	sdelay $0x3  }
0xb5: {  	v2 =	vbroadcast v2, $0x7;
	[tilespmem:s8+$0xFFFFFF00] =	vst v4  }
0xb6: {  	v3 =	vld.idx.msk [tilespmem:v3+s19+$0x0], $0xffff  }
0xb7: {  	v52 =	vor.u32 v0, v2;
	_ =	sdelay $0x3  }
0xb8: {  	[tilespmem:s8+$0xFFFFFF10] =	vst v3  }
0xb9: {  	v3 =	vld.idx.msk [tilespmem:v52+s20+$0x0], $0xffff  }
0xba: {  	v2 =	vor.u32 v1, v2;
	_ =	sdelay $0x3  }
0xbb: {  	[tilespmem:s8+$0xFFFFFF80] =	vst v3  }
0xbc: {  	v2 =	vld.idx.msk [tilespmem:v2+s20+$0x0], $0xffff;
	_ =	sdelay $0x4  }
0xbd: {  	s6 =	smin.u32 s4, $0x28;
	[tilespmem:s8+$0xFFFFFF90] =	vst v2  }
0xbe: {  	v2 =	vld [tilespmem:s6+$0x90];
	_ =	sdelay $0x1  }
0xbf: {  	v3 =	vld [tilespmem:s6+$0x10];
	_ =	sdelay $0x2  }
0xc0: {  	v2 =	vshll.u32 v2, $0x2  }
0xc1: {  	v2 =	vmul.u32 $0x18700, v2  }
0xc2: {  	v3 =	vand.u32 $0xFFFFFF80, v3  }
0xc3: {  	v3 =	vadd.s32 s2, v3;
	(v2sf) =	vpush v2, $0x0  }
0xc4: {  	(v2sf) =	vpush v3, $0x0  }
0xc5: {  	(v2sf) =	vpush v2, $0x1;
	_ =	sdelay $0x1  }
0xc6: {  	(v2sf) =	vpush v3, $0x1  }
0xc7: {  	(v2sf) =	vpush v2, $0x2;
	_ =	sdelay $0x1  }
0xc8: {  	(v2sf) =	vpush v3, $0x2  }
0xc9: {  	(v2sf) =	vpush v2, $0x3;
	_ =	sdelay $0x1  }
0xca: {  	(v2sf) =	vpush v3, $0x3  }
0xcb: {  	(v2sf) =	vpush v2, $0x4;
	_ =	sdelay $0x1  }
0xcc: {  	(v2sf) =	vpush v3, $0x4  }
0xcd: {  	(v2sf) =	vpush v2, $0x5  }
0xce: {  	s5 =	spop (v2sf)  }
0xcf: {  	(v2sf) =	vpush v3, $0x5;
	s6 =	spop (v2sf)  }
0xd0: {  	(v2sf) =	vpush v2, $0x6;
	s5 =	sadd.s32 s5, s6;
	s6 =	spop (v2sf)  }
0xd1: {  	[tilespmem:s13], [sflag:$0x1] =	stream.strided.gather [hbm4b:s5+s11], $0x1000, s12, s11, $0x38;
	[tilespmem:$0x12100] =	vst v63  }
0xd2: {  	(v2sf) =	vpush v3, $0x6;
	s5 =	spop (v2sf)  }
0xd3: {  	(v2sf) =	vpush v2, $0x7;
	s5 =	sadd.s32 s6, s5;
	s6 =	spop (v2sf)  }
0xd4: {  	[tilespmem:s14], [sflag:$0x1] =	stream.strided.gather [hbm4b:s5+s11], $0x1000, s12, s11, $0x38;
	[tilespmem:$0x12100] =	vst v63  }
0xd5: {  	(v2sf) =	vpush v3, $0x7;
	s5 =	spop (v2sf)  }
0xd6: {  	s5 =	sadd.s32 s6, s5;
	s6 =	spop (v2sf)  }
0xd7: {  	[tilespmem:s15], [sflag:$0x1] =	stream.strided.gather [hbm4b:s5+s11], $0x1000, s12, s11, $0x38;
	[tilespmem:$0x12100] =	vst v63  }
0xd8: {  	s5 =	spop (v2sf)  }
0xd9: {  	s5 =	sadd.s32 s6, s5;
	s6 =	spop (v2sf)  }
0xda: {  	[tilespmem:s16], [sflag:$0x1] =	stream.strided.gather [hbm4b:s5+s11], $0x1000, s12, s11, $0x38;
	[tilespmem:$0x12100] =	vst v63  }
0xdb: {  	s5 =	spop (v2sf)  }
0xdc: {  	s5 =	sadd.s32 s6, s5;
	s6 =	spop (v2sf)  }
0xdd: {  	[tilespmem:s17], [sflag:$0x1] =	stream.strided.gather [hbm4b:s5+s11], $0x1000, s12, s11, $0x38;
	[tilespmem:$0x12100] =	vst v63  }
0xde: {  	s5 =	spop (v2sf)  }
0xdf: {  	s5 =	sadd.s32 s6, s5;
	s6 =	spop (v2sf)  }
0xe0: {  	[tilespmem:s18], [sflag:$0x1] =	stream.strided.gather [hbm4b:s5+s11], $0x1000, s12, s11, $0x38;
	[tilespmem:$0x12100] =	vst v63  }
0xe1: {  	s5 =	spop (v2sf)  }
0xe2: {  	s5 =	sadd.s32 s6, s5;
	s6 =	spop (v2sf)  }
0xe3: {  	[tilespmem:s19], [sflag:$0x1] =	stream.strided.gather [hbm4b:s5+s11], $0x1000, s12, s11, $0x38;
	[tilespmem:$0x12100] =	vst v63  }
0xe4: {  	s5 =	spop (v2sf)  }
0xe5: {  	s5 =	sadd.s32 s6, s5  }
0xe6: {  	[tilespmem:s20], [sflag:$0x1] =	stream.strided.gather [hbm4b:s5+s11], $0x1000, s12, s11, $0x38;
	[tilespmem:$0x12100] =	vst v63  }
0xe7: {  	_ =	swait.ge [sflag:s10], $0x1000  }
0xe8: {  	[sflag:s10] =	ssyncset.done $0x0  }
0xe9: {  	[sflag:s10] =	ssyncadd.s32 $0xFFFFF000  }
0xea: {  	_ =	swait.ge [sflag:s10], $0x1000  }
0xeb: {  	[sflag:s10] =	ssyncset.done $0x0  }
0xec: {  	[sflag:s10] =	ssyncadd.s32 $0xFFFFF000  }
0xed: {  	_ =	swait.ge [sflag:s10], $0x1000  }
0xee: {  	[sflag:s10] =	ssyncset.done $0x0  }
0xef: {  	[sflag:s10] =	ssyncadd.s32 $0xFFFFF000  }
0xf0: {  	_ =	swait.ge [sflag:s10], $0x1000  }
0xf1: {  	[sflag:s10] =	ssyncset.done $0x0  }
0xf2: {  	[sflag:s10] =	ssyncadd.s32 $0xFFFFF000  }
0xf3: {  	_ =	swait.ge [sflag:s10], $0x1000  }
0xf4: {  	[sflag:s10] =	ssyncset.done $0x0  }
0xf5: {  	[sflag:s10] =	ssyncadd.s32 $0xFFFFF000  }
0xf6: {  	_ =	swait.ge [sflag:s10], $0x1000  }
0xf7: {  	[sflag:s10] =	ssyncset.done $0x0  }
0xf8: {  	[sflag:s10] =	ssyncadd.s32 $0xFFFFF000  }
0xf9: {  	_ =	swait.ge [sflag:s10], $0x1000  }
0xfa: {  	[sflag:s10] =	ssyncset.done $0x0  }
0xfb: {  	[sflag:s10] =	ssyncadd.s32 $0xFFFFF000  }
0xfc: {  	_ =	swait.ge [sflag:s10], $0x1000  }
0xfd: {  	[sflag:s10] =	ssyncset.done $0x0  }
0xfe: {  	[sflag:s10] =	ssyncadd.s32 $0xFFFFF000  }
0xff: {  	v2 =	vld [tilespmem:s30+$0x0];
	_ =	sdelay $0x4  }
0x100: {  	v2 =	vand.u32 $0x7F, v2  }
0x101: {  	v3 =	vbroadcast v2, $0x0;
	_ =	sdelay $0x1  }
0x102: {  	v53 =	vor.u32 v0, v3;
	_ =	sdelay $0x4  }
0x103: {  	v4 =	vld.idx.msk [tilespmem:v53+s21+$0x0], $0xffff  }
0x104: {  	v3 =	vor.u32 v1, v3;
	_ =	sdelay $0x3  }
0x105: {  	v54 =	vbroadcast v2, $0x1;
	[tilespmem:s8+$0x0] =	vst v4  }
0x106: {  	v3 =	vld.idx.msk [tilespmem:v3+s21+$0x0], $0xffff  }
0x107: {  	v55 =	vor.u32 v0, v54;
	_ =	sdelay $0x3  }
0x108: {  	[tilespmem:s8+$0x10] =	vst v3  }
0x109: {  	v3 =	vld.idx.msk [tilespmem:v55+s22+$0x0], $0xffff  }
0x10a: {  	v4 =	vor.u32 v1, v54;
	_ =	sdelay $0x3  }
0x10b: {  	[tilespmem:s8+$0x80] =	vst v3;
	v3 =	vbroadcast v2, $0x2  }
0x10c: {  	v4 =	vld.idx.msk [tilespmem:v4+s22+$0x0], $0xffff  }
0x10d: {  	v56 =	vor.u32 v0, v3;
	_ =	sdelay $0x3  }
0x10e: {  	[tilespmem:s8+$0x90] =	vst v4  }
0x10f: {  	v4 =	vld.idx.msk [tilespmem:v56+s23+$0x0], $0xffff  }
0x110: {  	v3 =	vor.u32 v1, v3;
	_ =	sdelay $0x3  }
0x111: {  	v57 =	vbroadcast v2, $0x3;
	[tilespmem:s8+$0x100] =	vst v4  }
0x112: {  	v3 =	vld.idx.msk [tilespmem:v3+s23+$0x0], $0xffff  }
0x113: {  	v58 =	vor.u32 v0, v57;
	_ =	sdelay $0x3  }
0x114: {  	[tilespmem:s8+$0x110] =	vst v3  }
0x115: {  	v3 =	vld.idx.msk [tilespmem:v58+s24+$0x0], $0xffff  }
0x116: {  	v4 =	vor.u32 v1, v57;
	_ =	sdelay $0x3  }
0x117: {  	[tilespmem:s8+$0x180] =	vst v3;
	v3 =	vbroadcast v2, $0x4  }
0x118: {  	v4 =	vld.idx.msk [tilespmem:v4+s24+$0x0], $0xffff  }
0x119: {  	v59 =	vor.u32 v0, v3;
	_ =	sdelay $0x3  }
0x11a: {  	[tilespmem:s8+$0x190] =	vst v4  }
0x11b: {  	v4 =	vld.idx.msk [tilespmem:v59+s25+$0x0], $0xffff  }
0x11c: {  	v3 =	vor.u32 v1, v3;
	_ =	sdelay $0x3  }
0x11d: {  	v60 =	vbroadcast v2, $0x5;
	[tilespmem:s8+$0x200] =	vst v4  }
0x11e: {  	v3 =	vld.idx.msk [tilespmem:v3+s25+$0x0], $0xffff  }
0x11f: {  	v61 =	vor.u32 v0, v60;
	_ =	sdelay $0x3  }
0x120: {  	[tilespmem:s8+$0x210] =	vst v3  }
0x121: {  	v3 =	vld.idx.msk [tilespmem:v61+s26+$0x0], $0xffff  }
0x122: {  	v4 =	vor.u32 v1, v60;
	_ =	sdelay $0x3  }
0x123: {  	[tilespmem:s8+$0x280] =	vst v3;
	v3 =	vbroadcast v2, $0x6  }
0x124: {  	v4 =	vld.idx.msk [tilespmem:v4+s26+$0x0], $0xffff  }
0x125: {  	v62 =	vor.u32 v0, v3;
	_ =	sdelay $0x3  }
0x126: {  	[tilespmem:s8+$0x290] =	vst v4  }
0x127: {  	v4 =	vld.idx.msk [tilespmem:v62+s28+$0x0], $0xffff  }
0x128: {  	v3 =	vor.u32 v1, v3;
	_ =	sdelay $0x3  }
0x129: {  	v2 =	vbroadcast v2, $0x7;
	[tilespmem:s8+$0x300] =	vst v4  }
0x12a: {  	v3 =	vld.idx.msk [tilespmem:v3+s28+$0x0], $0xffff  }
0x12b: {  	v63 =	vor.u32 v0, v2;
	_ =	sdelay $0x3  }
0x12c: {  	[tilespmem:s8+$0x310] =	vst v3  }
0x12d: {  	v3 =	vld.idx.msk [tilespmem:v63+s29+$0x0], $0xffff  }
0x12e: {  	v2 =	vor.u32 v1, v2;
	_ =	sdelay $0x3  }
0x12f: {  	[tilespmem:s8+$0x380] =	vst v3  }
0x130: {  	p0 =	sne.s32 s4, $0x30;
	v2 =	vld.idx.msk [tilespmem:v2+s29+$0x0], $0xffff  }
.Ltmp0:
0x131: {  	_ = 	snop;
	(pc) =	sbr.rel @p0 .LBB2_2-.Ltmp0, $3  }
0x132: {  	_ =	sdelay $0x1  }
0x133: {  	s1 =	sadd.s32 $0x10, s1  }
0x134: {  	s4 =	sadd.s32 $0x10, s4;
	s30 =	sadd.s32 $0x10, s30;
	[tilespmem:s8+$0x390] =	vst v2;
	s8 =	sadd.s32 $0x800, s8  }
0x135: {  	_ =	swait.ge [sflag:s9], $0x1000  }
0x136: {  	[sflag:s9] =	ssyncset.done $0x0  }
0x137: {  	[sflag:s9] =	ssyncadd.s32 $0xFFFFF000  }
0x138: {  	_ =	swait.ge [sflag:s9], $0x1000  }
0x139: {  	[sflag:s9] =	ssyncset.done $0x0  }
0x13a: {  	[sflag:s9] =	ssyncadd.s32 $0xFFFFF000  }
0x13b: {  	_ =	swait.ge [sflag:s9], $0x1000  }
0x13c: {  	[sflag:s9] =	ssyncset.done $0x0  }
0x13d: {  	[sflag:s9] =	ssyncadd.s32 $0xFFFFF000  }
0x13e: {  	_ =	swait.ge [sflag:s9], $0x1000  }
0x13f: {  	[sflag:s9] =	ssyncset.done $0x0  }
0x140: {  	[sflag:s9] =	ssyncadd.s32 $0xFFFFF000  }
0x141: {  	_ =	swait.ge [sflag:s9], $0x1000  }
0x142: {  	[sflag:s9] =	ssyncset.done $0x0  }
0x143: {  	[sflag:s9] =	ssyncadd.s32 $0xFFFFF000  }
0x144: {  	_ =	swait.ge [sflag:s9], $0x1000  }
0x145: {  	[sflag:s9] =	ssyncset.done $0x0  }
0x146: {  	[sflag:s9] =	ssyncadd.s32 $0xFFFFF000  }
0x147: {  	_ =	swait.ge [sflag:s9], $0x1000  }
0x148: {  	[sflag:s9] =	ssyncset.done $0x0  }
0x149: {  	[sflag:s9] =	ssyncadd.s32 $0xFFFFF000  }
0x14a: {  	s0 =	sadd.s32 $0x1, s0;
	_ =	swait.ge [sflag:s9], $0x1000  }
0x14b: {  	s4 =	simm.s32 $0x10100;
	p0 =	sne.s32 s0, s7;
	[sflag:s9] =	ssyncset.done $0x0  }
.Ltmp1:
0x14c: {  	s1 =	rddreg [dreg:$0x5];
	[sflag:s9] =	ssyncadd.s32 $0xFFFFF000;
	(pc) =	sbr.rel @p0 .LBB2_1-.Ltmp1, $4  }
0x14d: {  	[hbm4b:s1+s3] =	stream.linear.scatter [tilespmem:s4], [sflag:$0x3], $0x2000, $0x38;
	[tilespmem:$0x12100] =	vst v63  }
0x14e: {  	_ =	swait.ge [sflag:s31], $0x2000  }
0x14f: {  	[sflag:s31] =	ssyncset.done $0x0  }
0x150: {  	[sflag:s31] =	ssyncadd.s32 $0xFFFFE000  }
0x151: {  	_ =	sfence.sel $0x180000  }
0x152: {  	[bflag:$0x0] =	sbarrier.arrive $0xFFFF  }
0x153: {  	_ =	strace $0x9000004A  }
0x154: {  	s0 =	stileid.u32;
	[bflag:$0x2] =	sbarrier.arrive $0xFFFF  }
0x155: {  	p0 =	sne.s32 s0, $0x0;
	s0 =	rddreg [dreg:$0x2]  }
0x156: {  	s0 =	sadd.s32 @!p0 $0x100000, s0  }
0x157: {  	[sflag:s0] =	ssyncadd.tile.s32 @!p0 $0x1;
	_ =	shalt  }
.Lfunc_end2:
_tile_overlayer_lowered:
.L_overlay_start_2:
0x158: {  	(tag) =	ssettag $0x2  }
0x159: {  	s0 =	rddreg [dreg:$0x0];
	s2 =	stileid.u32  }
0x15a: {  	s1 =	rddreg [dreg:$0x1];
	p0 =	sne.s32 s2, $0x0  }
0x15b: {  	s3 =	rddreg [dreg:$0x2];
	[bflag:$0x3] =	sbarrier.arrive $0xFFFF;
	s2 =	simm.s32 @!p0 $0x1C03  }
0x15c: {  	[timem:s3], [sflag:s2] =	dma.local @!p0 [hbm:s0], s1  }
0x15d: {  	s0 =	simm.s32 @!p0 $0x3  }
0x15e: {  	_ =	swait.ge @!p0 [sflag:s0], s1  }
0x15f: {  	s1 =	ssub.s32 @!p0 $0x0, s1;
	[sflag:s0] =	ssyncset.done @!p0 $0x0  }
0x160: {  	[sflag:s0] =	ssyncadd.s32 @!p0 s1  }
0x161: {  	[bflag:$0x3] =	sbarrier.arrive $0xFFFF  }
0x162: {  	_ =	shalt  }

</sc_bundles>
